<compile_context>
chip_gen: v7x
topology: tpu7x:2x2x1
jax: 0.10.2.dev20260603
libtpu: 0.0.44.dev20260713+nightly
codegen_flags: <defaults>
</compile_context>

<pallas_src>
import jax
import jax.numpy as jnp
from jax import lax
from jax.experimental import pallas as pl
from jax.experimental.pallas import tpu as pltpu
from jax.experimental.pallas import tpu_sc as plsc

N = 10000
NP = 10240
D = 128
H = 4
DH = 32
G = 64
HW = 144
CH = 64
CPT = 164
NTILES = 32
TOT = CH * CPT * NTILES
CW = 144
AR = 10016
RPT = AR // 16


def _tc_prep_kernel(x_ref, w_ref, ssrc_ref, sdst_ref, h_ref, adst_ref):
    h = jnp.dot(x_ref[...], w_ref[...], preferred_element_type=jnp.float32)
    a16 = jnp.dot(h, ssrc_ref[...], preferred_element_type=jnp.float32,
                  precision=lax.Precision.HIGHEST)
    h_ref[...] = jnp.concatenate([h, a16], axis=1)
    adst_ref[...] = jnp.dot(h, sdst_ref[...],
                            preferred_element_type=jnp.float32,
                            precision=lax.Precision.HIGHEST)


def _sc_edge_kernel(h_hbm, adst_hbm, src_hbm, dst_hbm, out_hbm,
                    accum, sidx, didx, hrows, ea_d, scaled,
                    sem_i0, sem_i1, sem_i2, sem_i3,
                    sem_g0, sem_g1, sem_s0, sem_s1):
    c = lax.axis_index("c")
    s = lax.axis_index("s")
    w = c * 16 + s
    sem_i = (sem_i0, sem_i1, sem_i2, sem_i3)
    sem_g = (sem_g0, sem_g1)
    sem_s = (sem_s0, sem_s1)

    def _exp(v):
        y = v * 1.4426950408889634
        ki = (y + jnp.where(y >= 0.0, 0.5, -0.5)).astype(jnp.int32)
        kf = ki.astype(jnp.float32)
        u = (v - kf * 0.6931471805599453) - kf * 1.9082149292705877e-10
        p = 1.0 / 720.0
        p = p * u + 1.0 / 120.0
        p = p * u + 1.0 / 24.0
        p = p * u + 1.0 / 6.0
        p = p * u + 0.5
        p = p * u + 1.0
        p = p * u + 1.0
        sc2 = lax.bitcast_convert_type((ki + 127) << 23, jnp.float32)
        return p * sc2

    zero16 = jnp.zeros((16,), jnp.float32)

    def _zrow(r, carry):
        for k in range(CW // 16):
            scaled[0, r, pl.ds(k * 16, 16)] = zero16
        return carry

    lax.fori_loop(0, CH, _zrow, 0)
    row0 = s * RPT
    nfull = RPT // CH
    for b in range(nfull):
        pltpu.sync_copy(scaled.at[0], accum.at[pl.ds(row0 + b * CH, CH)])
    rem = RPT - nfull * CH
    if rem:
        pltpu.sync_copy(scaled.at[0, pl.ds(0, rem)],
                        accum.at[pl.ds(row0 + nfull * CH, rem)])
    plsc.subcore_barrier()

    base = w * CPT

    def _issue_idx(j, q):
        pltpu.async_copy(src_hbm.at[base + j], sidx.at[q], sem_i[q])
        pltpu.async_copy(dst_hbm.at[base + j], didx.at[q], sem_i[q])

    def _wait_idx(j, q):
        pltpu.make_async_copy(src_hbm.at[base + j], sidx.at[q],
                              sem_i[q]).wait()
        pltpu.make_async_copy(dst_hbm.at[base + j], didx.at[q],
                              sem_i[q]).wait()

    def _issue_gather(q, b):
        pltpu.async_copy(h_hbm.at[sidx.at[q]], hrows.at[b], sem_g[b])
        pltpu.async_copy(adst_hbm.at[didx.at[q]], ea_d.at[b], sem_g[b])

    def _wait_gather(q, b):
        pltpu.make_async_copy(h_hbm.at[sidx.at[q]], hrows.at[b],
                              sem_g[b]).wait()
        pltpu.make_async_copy(adst_hbm.at[didx.at[q]], ea_d.at[b],
                              sem_g[b]).wait()

    _issue_idx(0, 0)
    _issue_idx(1, 1)
    _wait_idx(0, 0)
    _issue_gather(0, 0)

    def _outer(g, carry):
        for q in range(4):
            j = g * 4 + q
            b = q & 1
            _wait_gather(q, b)

            @pl.when(j >= 2)
            def _wait_scatter():
                pltpu.make_async_copy(
                    scaled.at[b], accum.at[didx.at[(q + 2) & 3]],
                    sem_s[b]).wait()

            @pl.when(j + 2 < CPT)
            def _prefetch_idx():
                _issue_idx(j + 2, (q + 2) & 3)

            @pl.when(j + 1 < CPT)
            def _prefetch_gather():
                _wait_idx(j + 1, (q + 1) & 3)
                _issue_gather((q + 1) & 3, 1 - b)

            @plsc.parallel_loop(0, CH, 1, unroll=4)
            def _edge(r):
                e = hrows[b, r, pl.ds(D, 16)] + ea_d[b, r]
                lk = jnp.where(e < 0.0, e * 0.2, e)
                ee = jnp.exp(lk)
                scaled[b, r, pl.ds(D, 16)] = ee
                for hh in range(H):
                    eb = jnp.broadcast_to(
                        lax.slice(ee, (hh,), (hh + 1,)), (16,))
                    for t2 in range(2):
                        c0 = hh * DH + t2 * 16
                        scaled[b, r, pl.ds(c0, 16)] = (
                            hrows[b, r, pl.ds(c0, 16)] * eb)
            pltpu.async_copy(scaled.at[b], accum.at[didx.at[q]],
                             sem_s[b], add=True)
        return carry

    lax.fori_loop(0, CPT // 4, _outer, 0)

    for q in range(2):
        pltpu.make_async_copy(scaled.at[q],
                              accum.at[didx.at[(CPT - 2 + q) & 3]],
                              sem_s[q]).wait()
    plsc.subcore_barrier()
    pltpu.sync_copy(accum.at[pl.ds(row0, RPT)],
                    out_hbm.at[c, pl.ds(row0, RPT)])


def _tc_final_kernel(eo_ref, bias_ref, batch_ref, wg_ref, bg_ref, w1_ref,
                     b1_ref, w2_ref, b2_ref, out_ref):
    acc = eo_ref[0] + eo_ref[1]
    num = acc[:, 0:D]
    divs = []
    for hh in range(H):
        d = acc[:, D + hh:D + hh + 1]
        divs.append(jnp.broadcast_to(d, (AR, DH)))
    divisor = jnp.concatenate(divs, axis=1)
    divisor = jnp.where(divisor == 0.0, 1.0, divisor)
    outv = num / divisor + bias_ref[...]
    xg = jnp.where(outv > 0.0, outv, jnp.exp(outv) - 1.0)
    gate = jnp.dot(xg, wg_ref[...],
                   preferred_element_type=jnp.float32) + bg_ref[...]
    gexp = jnp.exp(gate)
    bi = batch_ref[...]
    gv = lax.broadcasted_iota(jnp.int32, (G, AR), 0)
    m = (gv == bi).astype(jnp.float32)
    gden = jnp.dot(m, gexp, preferred_element_type=jnp.float32,
                   precision=lax.Precision.HIGHEST)
    pooled = jnp.dot(m, xg * gexp, preferred_element_type=jnp.float32,
                     precision=lax.Precision.HIGHEST)
    patt = pooled / jnp.where(gden == 0.0, 1.0, gden)
    hid = jnp.maximum(
        jnp.dot(patt, w1_ref[...], preferred_element_type=jnp.float32)
        + b1_ref[...], 0.0)
    out_ref[...] = (jnp.dot(hid, w2_ref[...],
                            preferred_element_type=jnp.float32)
                    + b2_ref[...])


def kernel(x, edge_index, batch, W, att_src, att_dst, bias, Wg, bg, W1, b1,
           W2, b2):
    E = edge_index.shape[1]
    EN = E + N

    xp = jnp.zeros((NP, D), jnp.float32).at[:N].set(x)
    rows = jnp.arange(D, dtype=jnp.int32)
    cols = rows // DH
    ssrc = jnp.zeros((D, 16), jnp.float32).at[rows, cols].set(
        att_src.reshape(D))
    sdst = jnp.zeros((D, 16), jnp.float32).at[rows, cols].set(
        att_dst.reshape(D))

    hp, adst_a = pl.pallas_call(
        _tc_prep_kernel,
        grid=(NP // 256,),
        in_specs=[pl.BlockSpec((256, D), lambda i: (i, 0)),
                  pl.BlockSpec((D, D), lambda i: (0, 0)),
                  pl.BlockSpec((D, 16), lambda i: (0, 0)),
                  pl.BlockSpec((D, 16), lambda i: (0, 0))],
        out_specs=[pl.BlockSpec((256, HW), lambda i: (i, 0)),
                   pl.BlockSpec((256, 16), lambda i: (i, 0))],
        out_shape=[jax.ShapeDtypeStruct((NP, HW), jnp.float32),
                   jax.ShapeDtypeStruct((NP, 16), jnp.float32)],
    )(xp, W, ssrc, sdst)

    loops = jnp.arange(N, dtype=jnp.int32)
    padv = N + (jnp.arange(TOT - EN, dtype=jnp.int32) % 16)
    src_all = jnp.concatenate([edge_index[0], loops, padv]).reshape(
        NTILES * CPT, CH)
    dst_all = jnp.concatenate([edge_index[1], loops, padv]).reshape(
        NTILES * CPT, CH)

    edge_call = pl.kernel(
        _sc_edge_kernel,
        out_type=jax.ShapeDtypeStruct((2, AR, CW), jnp.float32),
        mesh=plsc.VectorSubcoreMesh(core_axis_name="c",
                                    subcore_axis_name="s"),
        compiler_params=pltpu.CompilerParams(use_tc_tiling_on_sc=False),
        scratch_types=[
            pltpu.VMEM_SHARED((AR, CW), jnp.float32),
            pltpu.VMEM((4, CH), jnp.int32),
            pltpu.VMEM((4, CH), jnp.int32),
            pltpu.VMEM((2, CH, HW), jnp.float32),
            pltpu.VMEM((2, CH, 16), jnp.float32),
            pltpu.VMEM((2, CH, CW), jnp.float32),
            pltpu.SemaphoreType.DMA,
            pltpu.SemaphoreType.DMA,
            pltpu.SemaphoreType.DMA,
            pltpu.SemaphoreType.DMA,
            pltpu.SemaphoreType.DMA,
            pltpu.SemaphoreType.DMA,
            pltpu.SemaphoreType.DMA,
            pltpu.SemaphoreType.DMA,
        ],
    )
    eo = edge_call(hp, adst_a, src_all, dst_all)

    batch_pad = jnp.concatenate(
        [batch, jnp.full((AR - N,), G, jnp.int32)]).reshape(1, AR)

    res = pl.pallas_call(
        _tc_final_kernel,
        out_shape=jax.ShapeDtypeStruct((G, 1), jnp.float32),
    )(eo, bias.reshape(1, D), batch_pad, Wg,
      bg.reshape(1, 1), W1, b1.reshape(1, 50), W2, b2.reshape(1, 1))
    return res

# --- scband reference (transcript-rebuilt; emitter-appended) ---
"""Pipeline reference for scband-net-13091060318414 (READ-ONLY COPY).

The authoritative reference and input builder live on the scoring server;
editing this copy changes nothing except your own understanding.
"""

import jax, jax.numpy as jnp
import numpy as np

N, D, H, DH, G, E = 10000, 128, 4, 32, 64, 320000

def setup_inputs(seed: int = 0) -> dict:
    key = jax.random.key(seed)
    ks = jax.random.split(key, 13)
    x = jax.random.normal(ks[0], (N, D), dtype=jnp.float32)
    edge_index = jax.random.randint(ks[1], (2, E), 0, N, dtype=jnp.int32)
    batch = jnp.sort(jax.random.randint(ks[2], (N,), 0, G, dtype=jnp.int32))
    W = jax.random.normal(ks[3], (D, H * DH), dtype=jnp.float32) * 0.1
    att_src = jax.random.normal(ks[4], (H, DH), dtype=jnp.float32) * 0.1
    att_dst = jax.random.normal(ks[5], (H, DH), dtype=jnp.float32) * 0.1
    bias = jax.random.normal(ks[6], (H * DH,), dtype=jnp.float32) * 0.01
    Wg = jax.random.normal(ks[7], (D, 1), dtype=jnp.float32) * 0.1
    bg = jnp.zeros((1,), dtype=jnp.float32)
    W1 = jax.random.normal(ks[8], (D, 50), dtype=jnp.float32) * 0.1
    b1 = jnp.zeros((50,), dtype=jnp.float32)
    W2 = jax.random.normal(ks[9], (50, 1), dtype=jnp.float32) * 0.1
    b2 = jnp.zeros((1,), dtype=jnp.float32)
    return {"x": x, "edge_index": edge_index, "batch": batch, "W": W, "att_src": att_src, "att_dst": att_dst, "bias": bias, "Wg": Wg, "bg": bg, "W1": W1, "b1": b1, "W2": W2, "b2": b2}

def reference(x, edge_index, batch, W, att_src, att_dst, bias, Wg, bg, W1, b1, W2, b2):
    n = x.shape[0]
    loops = jnp.arange(n, dtype=edge_index.dtype)
    src = jnp.concatenate([edge_index[0], loops])
    dst = jnp.concatenate([edge_index[1], loops])
    # GATConv (heads=4, concat): linear projection per head
    h = (x @ W).reshape(n, H, DH)
    a_src = (h * att_src[None, :, :]).sum(-1)  # [N, H]
    a_dst = (h * att_dst[None, :, :]).sum(-1)  # [N, H]
    e = jax.nn.leaky_relu(a_src[src] + a_dst[dst], 0.2)  # [E+N, H]
    emax = jax.ops.segment_max(e, dst, num_segments=n)
    ee = jnp.exp(e - emax[dst])
    den = jax.ops.segment_sum(ee, dst, num_segments=n)
    alpha = ee / (den[dst] + 1e-16)
    out = jax.ops.segment_sum(h[src] * alpha[:, :, None], dst, num_segments=n).reshape(n, H * DH) + bias
    xg = jax.nn.elu(out)
    # GlobalAttention pooling: gate = Linear(x) -> softmax over graphs
    gate = xg @ Wg + bg  # [N, 1]
    gmax = jax.ops.segment_max(gate, batch, num_segments=G)
    gexp = jnp.exp(gate - gmax[batch])
    gden = jax.ops.segment_sum(gexp, batch, num_segments=G)
    att = gexp / (gden[batch] + 1e-16)
    pooled = jax.ops.segment_sum(att * xg, batch, num_segments=G)  # [G, D]
    # classifier
    hid = jax.nn.relu(pooled @ W1 + b1)
    return hid @ W2 + b2

if __name__ == "__main__":
    import jax
    _d = setup_inputs()
    print(jax.jit(kernel)(*tuple(_d.values())))

</pallas_src>

<mosaic_0001>
#map = affine_map<(d0, d1) -> (0, 0)>
#map1 = affine_map<(d0, d1) -> (0, 0, 0)>
module attributes {stable_mosaic.version = 14 : i64} {
  func.func @_sc_edge_kernel(%arg0: i32, %arg1: i32, %arg2: memref<10240x144xf32, #tpu.memory_space<hbm>>, %arg3: memref<10240x16xf32, #tpu.memory_space<hbm>>, %arg4: memref<5248x64xi32, #tpu.memory_space<hbm>>, %arg5: memref<5248x64xi32, #tpu.memory_space<hbm>>, %arg6: memref<2x10016x144xf32, #tpu.memory_space<hbm>>, %arg7: memref<10016x144xf32, #tpu.memory_space<vmem_shared>>, %arg8: memref<4x64xi32, #tpu.memory_space<vmem>>, %arg9: memref<4x64xi32, #tpu.memory_space<vmem>>, %arg10: memref<2x64x144xf32, #tpu.memory_space<vmem>>, %arg11: memref<2x64x16xf32, #tpu.memory_space<vmem>>, %arg12: memref<2x64x144xf32, #tpu.memory_space<vmem>>, %arg13: memref<!tpu.dma_semaphore, #tpu.memory_space<semaphore_mem>>, %arg14: memref<!tpu.dma_semaphore, #tpu.memory_space<semaphore_mem>>, %arg15: memref<!tpu.dma_semaphore, #tpu.memory_space<semaphore_mem>>, %arg16: memref<!tpu.dma_semaphore, #tpu.memory_space<semaphore_mem>>, %arg17: memref<!tpu.dma_semaphore, #tpu.memory_space<semaphore_mem>>, %arg18: memref<!tpu.dma_semaphore, #tpu.memory_space<semaphore_mem>>, %arg19: memref<!tpu.dma_semaphore, #tpu.memory_space<semaphore_mem>>, %arg20: memref<!tpu.dma_semaphore, #tpu.memory_space<semaphore_mem>>) attributes {dimension_semantics = [#tpu.dimension_semantics<core_parallel>, #tpu.dimension_semantics<subcore_parallel>], iteration_bounds = array<i64: 2, 16>, scalar_prefetch = 0 : i64, scratch_operands = 14 : i64, tpu.core_type = #tpu.core_type<sc_vector_subcore>, window_params = [{transform_indices = #map}, {transform_indices = #map}, {transform_indices = #map}, {transform_indices = #map}, {transform_indices = #map1}]} {
    %mul3A = arith.constant 16 : i32
    %mul3A_0 = arith.muli %arg0, %mul3A : i32
    %add3A = arith.addi %mul3A_0, %arg1 : i32
    %broadcast_in_dim3A = arith.constant 0.000000e+00 : f32
    %broadcast_in_dim3A_1 = vector.broadcast %broadcast_in_dim3A : f32 to vector<16xf32>
    %scan3A = arith.constant 0 : i32
    %scan3A_2 = arith.constant 0 : i32
    %scan3A_3 = arith.constant 64 : i32
    %scan3A_4 = arith.addi %scan3A_2, %scan3A_3 : i32
    %scan3A_5 = arith.constant 1 : i32
    scf.for %scan3A_183 = %scan3A_2 to %scan3A_4 step %scan3A_5  : i32 {
      %swap3A = arith.constant 0 : i32
      %swap3A_184 = arith.index_cast %swap3A : i32 to index
      %swap3A_185 = arith.index_cast %scan3A_183 : i32 to index
      %swap3A_186 = arith.constant 0 : index
      %swap3A_187 = tpu.vector_load %arg12[%swap3A_184, %swap3A_185, %swap3A_186] {strides = array<i32>} : memref<2x64x144xf32, #tpu.memory_space<vmem>>, vector<1x1x16xf32>,
      %swap3A_188 = vector.shape_cast %swap3A_187 : vector<1x1x16xf32> to vector<16xf32>
      %swap3A_189 = vector.shape_cast %broadcast_in_dim3A_1 : vector<16xf32> to vector<1x1x16xf32>
      tpu.vector_store %arg12[%swap3A_184, %swap3A_185, %swap3A_186], %swap3A_189 {strides = array<i32>} : memref<2x64x144xf32, #tpu.memory_space<vmem>>, vector<1x1x16xf32>,
      %swap3A_190 = arith.constant 0 : i32
      %swap3A_191 = arith.index_cast %swap3A_190 : i32 to index
      %swap3A_192 = arith.index_cast %scan3A_183 : i32 to index
      %swap3A_193 = arith.constant 16 : index
      %swap3A_194 = tpu.vector_load %arg12[%swap3A_191, %swap3A_192, %swap3A_193] {strides = array<i32>} : memref<2x64x144xf32, #tpu.memory_space<vmem>>, vector<1x1x16xf32>,
      %swap3A_195 = vector.shape_cast %swap3A_194 : vector<1x1x16xf32> to vector<16xf32>
      %swap3A_196 = vector.shape_cast %broadcast_in_dim3A_1 : vector<16xf32> to vector<1x1x16xf32>
      tpu.vector_store %arg12[%swap3A_191, %swap3A_192, %swap3A_193], %swap3A_196 {strides = array<i32>} : memref<2x64x144xf32, #tpu.memory_space<vmem>>, vector<1x1x16xf32>,
      %swap3A_197 = arith.constant 0 : i32
      %swap3A_198 = arith.index_cast %swap3A_197 : i32 to index
      %swap3A_199 = arith.index_cast %scan3A_183 : i32 to index
      %swap3A_200 = arith.constant 32 : index
      %swap3A_201 = tpu.vector_load %arg12[%swap3A_198, %swap3A_199, %swap3A_200] {strides = array<i32>} : memref<2x64x144xf32, #tpu.memory_space<vmem>>, vector<1x1x16xf32>,
      %swap3A_202 = vector.shape_cast %swap3A_201 : vector<1x1x16xf32> to vector<16xf32>
      %swap3A_203 = vector.shape_cast %broadcast_in_dim3A_1 : vector<16xf32> to vector<1x1x16xf32>
      tpu.vector_store %arg12[%swap3A_198, %swap3A_199, %swap3A_200], %swap3A_203 {strides = array<i32>} : memref<2x64x144xf32, #tpu.memory_space<vmem>>, vector<1x1x16xf32>,
      %swap3A_204 = arith.constant 0 : i32
      %swap3A_205 = arith.index_cast %swap3A_204 : i32 to index
      %swap3A_206 = arith.index_cast %scan3A_183 : i32 to index
      %swap3A_207 = arith.constant 48 : index
      %swap3A_208 = tpu.vector_load %arg12[%swap3A_205, %swap3A_206, %swap3A_207] {strides = array<i32>} : memref<2x64x144xf32, #tpu.memory_space<vmem>>, vector<1x1x16xf32>,
      %swap3A_209 = vector.shape_cast %swap3A_208 : vector<1x1x16xf32> to vector<16xf32>
      %swap3A_210 = vector.shape_cast %broadcast_in_dim3A_1 : vector<16xf32> to vector<1x1x16xf32>
      tpu.vector_store %arg12[%swap3A_205, %swap3A_206, %swap3A_207], %swap3A_210 {strides = array<i32>} : memref<2x64x144xf32, #tpu.memory_space<vmem>>, vector<1x1x16xf32>,
      %swap3A_211 = arith.constant 0 : i32
      %swap3A_212 = arith.index_cast %swap3A_211 : i32 to index
      %swap3A_213 = arith.index_cast %scan3A_183 : i32 to index
      %swap3A_214 = arith.constant 64 : index
      %swap3A_215 = tpu.vector_load %arg12[%swap3A_212, %swap3A_213, %swap3A_214] {strides = array<i32>} : memref<2x64x144xf32, #tpu.memory_space<vmem>>, vector<1x1x16xf32>,
      %swap3A_216 = vector.shape_cast %swap3A_215 : vector<1x1x16xf32> to vector<16xf32>
      %swap3A_217 = vector.shape_cast %broadcast_in_dim3A_1 : vector<16xf32> to vector<1x1x16xf32>
      tpu.vector_store %arg12[%swap3A_212, %swap3A_213, %swap3A_214], %swap3A_217 {strides = array<i32>} : memref<2x64x144xf32, #tpu.memory_space<vmem>>, vector<1x1x16xf32>,
      %swap3A_218 = arith.constant 0 : i32
      %swap3A_219 = arith.index_cast %swap3A_218 : i32 to index
      %swap3A_220 = arith.index_cast %scan3A_183 : i32 to index
      %swap3A_221 = arith.constant 80 : index
      %swap3A_222 = tpu.vector_load %arg12[%swap3A_219, %swap3A_220, %swap3A_221] {strides = array<i32>} : memref<2x64x144xf32, #tpu.memory_space<vmem>>, vector<1x1x16xf32>,
      %swap3A_223 = vector.shape_cast %swap3A_222 : vector<1x1x16xf32> to vector<16xf32>
      %swap3A_224 = vector.shape_cast %broadcast_in_dim3A_1 : vector<16xf32> to vector<1x1x16xf32>
      tpu.vector_store %arg12[%swap3A_219, %swap3A_220, %swap3A_221], %swap3A_224 {strides = array<i32>} : memref<2x64x144xf32, #tpu.memory_space<vmem>>, vector<1x1x16xf32>,
      %swap3A_225 = arith.constant 0 : i32
      %swap3A_226 = arith.index_cast %swap3A_225 : i32 to index
      %swap3A_227 = arith.index_cast %scan3A_183 : i32 to index
      %swap3A_228 = arith.constant 96 : index
      %swap3A_229 = tpu.vector_load %arg12[%swap3A_226, %swap3A_227, %swap3A_228] {strides = array<i32>} : memref<2x64x144xf32, #tpu.memory_space<vmem>>, vector<1x1x16xf32>,
      %swap3A_230 = vector.shape_cast %swap3A_229 : vector<1x1x16xf32> to vector<16xf32>
      %swap3A_231 = vector.shape_cast %broadcast_in_dim3A_1 : vector<16xf32> to vector<1x1x16xf32>
      tpu.vector_store %arg12[%swap3A_226, %swap3A_227, %swap3A_228], %swap3A_231 {strides = array<i32>} : memref<2x64x144xf32, #tpu.memory_space<vmem>>, vector<1x1x16xf32>,
      %swap3A_232 = arith.constant 0 : i32
      %swap3A_233 = arith.index_cast %swap3A_232 : i32 to index
      %swap3A_234 = arith.index_cast %scan3A_183 : i32 to index
      %swap3A_235 = arith.constant 112 : index
      %swap3A_236 = tpu.vector_load %arg12[%swap3A_233, %swap3A_234, %swap3A_235] {strides = array<i32>} : memref<2x64x144xf32, #tpu.memory_space<vmem>>, vector<1x1x16xf32>,
      %swap3A_237 = vector.shape_cast %swap3A_236 : vector<1x1x16xf32> to vector<16xf32>
      %swap3A_238 = vector.shape_cast %broadcast_in_dim3A_1 : vector<16xf32> to vector<1x1x16xf32>
      tpu.vector_store %arg12[%swap3A_233, %swap3A_234, %swap3A_235], %swap3A_238 {strides = array<i32>} : memref<2x64x144xf32, #tpu.memory_space<vmem>>, vector<1x1x16xf32>,
      %swap3A_239 = arith.constant 0 : i32
      %swap3A_240 = arith.index_cast %swap3A_239 : i32 to index
      %swap3A_241 = arith.index_cast %scan3A_183 : i32 to index
      %swap3A_242 = arith.constant 128 : index
      %swap3A_243 = tpu.vector_load %arg12[%swap3A_240, %swap3A_241, %swap3A_242] {strides = array<i32>} : memref<2x64x144xf32, #tpu.memory_space<vmem>>, vector<1x1x16xf32>,
      %swap3A_244 = vector.shape_cast %swap3A_243 : vector<1x1x16xf32> to vector<16xf32>
      %swap3A_245 = vector.shape_cast %broadcast_in_dim3A_1 : vector<16xf32> to vector<1x1x16xf32>
      tpu.vector_store %arg12[%swap3A_240, %swap3A_241, %swap3A_242], %swap3A_245 {strides = array<i32>} : memref<2x64x144xf32, #tpu.memory_space<vmem>>, vector<1x1x16xf32>,
    }
    %scan3A_6 = arith.constant 64 : i32
    %mul3A_7 = arith.constant 626 : i32
    %mul3A_8 = arith.muli %arg1, %mul3A_7 : i32
    %add3A_9 = arith.constant 0 : i32
    %add3A_10 = arith.addi %mul3A_8, %add3A_9 : i32
    %run_scoped3A = arith.constant 0 : i32
    "tpu.region"() ({
      %run_scoped3A_183 = tpu.sem_alloc : memref<!tpu.dma_semaphore, #tpu.memory_space<semaphore_mem>>
      %dma_start3A_184 = arith.constant 0 : i32
      %dma_start3A_185 = arith.constant 0 : i32
      %dma_start3A_186 = tpu.memref_slice %arg12[%run_scoped3A, %dma_start3A_184, %dma_start3A_185] : memref<2x64x144xf32, #tpu.memory_space<vmem>> -> memref<1x64x144xf32, #tpu.memory_space<vmem>>
      %dma_start3A_187 = tpu.memref_squeeze %dma_start3A_186 : memref<1x64x144xf32, #tpu.memory_space<vmem>> -> memref<64x144xf32, #tpu.memory_space<vmem>>
      %dma_start3A_188 = arith.constant 0 : i32
      %dma_start3A_189 = tpu.memref_slice %arg7[%add3A_10, %dma_start3A_188] : memref<10016x144xf32, #tpu.memory_space<vmem_shared>> -> memref<64x144xf32, #tpu.memory_space<vmem_shared>>
      %dma_start3A_190 = arith.constant 0 : i32
      %dma_start3A_191 = tpu.memref_slice %arg7[%add3A_10, %dma_start3A_190] : memref<10016x144xf32, #tpu.memory_space<vmem_shared>> -> memref<64x144xf32, #tpu.memory_space<vmem_shared>>
      %dma_start3A_192 = arith.constant 0 : i32
      %dma_start3A_193 = arith.constant 0 : i32
      %dma_start3A_194 = tpu.memref_slice %arg12[%run_scoped3A, %dma_start3A_192, %dma_start3A_193] : memref<2x64x144xf32, #tpu.memory_space<vmem>> -> memref<1x64x144xf32, #tpu.memory_space<vmem>>
      %dma_start3A_195 = tpu.memref_squeeze %dma_start3A_194 : memref<1x64x144xf32, #tpu.memory_space<vmem>> -> memref<64x144xf32, #tpu.memory_space<vmem>>
      tpu.enqueue_dma source(%dma_start3A_195 : memref<64x144xf32, #tpu.memory_space<vmem>>) target(%dma_start3A_191 : memref<64x144xf32, #tpu.memory_space<vmem_shared>>) target_semaphore(%run_scoped3A_183 : memref<!tpu.dma_semaphore, #tpu.memory_space<semaphore_mem>>)
      %dma_wait3A_196 = arith.constant 0 : i32
      %dma_wait3A_197 = arith.constant 0 : i32
      %dma_wait3A_198 = tpu.memref_slice %arg12[%run_scoped3A, %dma_wait3A_196, %dma_wait3A_197] : memref<2x64x144xf32, #tpu.memory_space<vmem>> -> memref<1x64x144xf32, #tpu.memory_space<vmem>>
      %dma_wait3A_199 = tpu.memref_squeeze %dma_wait3A_198 : memref<1x64x144xf32, #tpu.memory_space<vmem>> -> memref<64x144xf32, #tpu.memory_space<vmem>>
      %dma_wait3A_200 = arith.constant 0 : i32
      %dma_wait3A_201 = tpu.memref_slice %arg7[%add3A_10, %dma_wait3A_200] : memref<10016x144xf32, #tpu.memory_space<vmem_shared>> -> memref<64x144xf32, #tpu.memory_space<vmem_shared>>
      %dma_wait3A_202 = arith.constant 0 : i32
      %dma_wait3A_203 = tpu.memref_slice %arg7[%add3A_10, %dma_wait3A_202] : memref<10016x144xf32, #tpu.memory_space<vmem_shared>> -> memref<64x144xf32, #tpu.memory_space<vmem_shared>>
      %dma_wait3A_204 = arith.constant 0 : i32
      %dma_wait3A_205 = arith.constant 0 : i32
      %dma_wait3A_206 = tpu.memref_slice %arg12[%run_scoped3A, %dma_wait3A_204, %dma_wait3A_205] : memref<2x64x144xf32, #tpu.memory_space<vmem>> -> memref<1x64x144xf32, #tpu.memory_space<vmem>>
      %dma_wait3A_207 = tpu.memref_squeeze %dma_wait3A_206 : memref<1x64x144xf32, #tpu.memory_space<vmem>> -> memref<64x144xf32, #tpu.memory_space<vmem>>
      tpu.wait_dma2 semaphore(%run_scoped3A_183 : memref<!tpu.dma_semaphore, #tpu.memory_space<semaphore_mem>>) src(%dma_wait3A_207 : memref<64x144xf32, #tpu.memory_space<vmem>>) dst(%dma_wait3A_203 : memref<64x144xf32, #tpu.memory_space<vmem_shared>>)
      tpu.yield
    }) : () -> ()
    %add3A_11 = arith.constant 64 : i32
    %add3A_12 = arith.addi %mul3A_8, %add3A_11 : i32
    %run_scoped3A_13 = arith.constant 0 : i32
    "tpu.region"() ({
      %run_scoped3A_183 = tpu.sem_alloc : memref<!tpu.dma_semaphore, #tpu.memory_space<semaphore_mem>>
      %dma_start3A_184 = arith.constant 0 : i32
      %dma_start3A_185 = arith.constant 0 : i32
      %dma_start3A_186 = tpu.memref_slice %arg12[%run_scoped3A_13, %dma_start3A_184, %dma_start3A_185] : memref<2x64x144xf32, #tpu.memory_space<vmem>> -> memref<1x64x144xf32, #tpu.memory_space<vmem>>
      %dma_start3A_187 = tpu.memref_squeeze %dma_start3A_186 : memref<1x64x144xf32, #tpu.memory_space<vmem>> -> memref<64x144xf32, #tpu.memory_space<vmem>>
      %dma_start3A_188 = arith.constant 0 : i32
      %dma_start3A_189 = tpu.memref_slice %arg7[%add3A_12, %dma_start3A_188] : memref<10016x144xf32, #tpu.memory_space<vmem_shared>> -> memref<64x144xf32, #tpu.memory_space<vmem_shared>>
      %dma_start3A_190 = arith.constant 0 : i32
      %dma_start3A_191 = tpu.memref_slice %arg7[%add3A_12, %dma_start3A_190] : memref<10016x144xf32, #tpu.memory_space<vmem_shared>> -> memref<64x144xf32, #tpu.memory_space<vmem_shared>>
      %dma_start3A_192 = arith.constant 0 : i32
      %dma_start3A_193 = arith.constant 0 : i32
      %dma_start3A_194 = tpu.memref_slice %arg12[%run_scoped3A_13, %dma_start3A_192, %dma_start3A_193] : memref<2x64x144xf32, #tpu.memory_space<vmem>> -> memref<1x64x144xf32, #tpu.memory_space<vmem>>
      %dma_start3A_195 = tpu.memref_squeeze %dma_start3A_194 : memref<1x64x144xf32, #tpu.memory_space<vmem>> -> memref<64x144xf32, #tpu.memory_space<vmem>>
      tpu.enqueue_dma source(%dma_start3A_195 : memref<64x144xf32, #tpu.memory_space<vmem>>) target(%dma_start3A_191 : memref<64x144xf32, #tpu.memory_space<vmem_shared>>) target_semaphore(%run_scoped3A_183 : memref<!tpu.dma_semaphore, #tpu.memory_space<semaphore_mem>>)
      %dma_wait3A_196 = arith.constant 0 : i32
      %dma_wait3A_197 = arith.constant 0 : i32
      %dma_wait3A_198 = tpu.memref_slice %arg12[%run_scoped3A_13, %dma_wait3A_196, %dma_wait3A_197] : memref<2x64x144xf32, #tpu.memory_space<vmem>> -> memref<1x64x144xf32, #tpu.memory_space<vmem>>
      %dma_wait3A_199 = tpu.memref_squeeze %dma_wait3A_198 : memref<1x64x144xf32, #tpu.memory_space<vmem>> -> memref<64x144xf32, #tpu.memory_space<vmem>>
      %dma_wait3A_200 = arith.constant 0 : i32
      %dma_wait3A_201 = tpu.memref_slice %arg7[%add3A_12, %dma_wait3A_200] : memref<10016x144xf32, #tpu.memory_space<vmem_shared>> -> memref<64x144xf32, #tpu.memory_space<vmem_shared>>
      %dma_wait3A_202 = arith.constant 0 : i32
      %dma_wait3A_203 = tpu.memref_slice %arg7[%add3A_12, %dma_wait3A_202] : memref<10016x144xf32, #tpu.memory_space<vmem_shared>> -> memref<64x144xf32, #tpu.memory_space<vmem_shared>>
      %dma_wait3A_204 = arith.constant 0 : i32
      %dma_wait3A_205 = arith.constant 0 : i32
      %dma_wait3A_206 = tpu.memref_slice %arg12[%run_scoped3A_13, %dma_wait3A_204, %dma_wait3A_205] : memref<2x64x144xf32, #tpu.memory_space<vmem>> -> memref<1x64x144xf32, #tpu.memory_space<vmem>>
      %dma_wait3A_207 = tpu.memref_squeeze %dma_wait3A_206 : memref<1x64x144xf32, #tpu.memory_space<vmem>> -> memref<64x144xf32, #tpu.memory_space<vmem>>
      tpu.wait_dma2 semaphore(%run_scoped3A_183 : memref<!tpu.dma_semaphore, #tpu.memory_space<semaphore_mem>>) src(%dma_wait3A_207 : memref<64x144xf32, #tpu.memory_space<vmem>>) dst(%dma_wait3A_203 : memref<64x144xf32, #tpu.memory_space<vmem_shared>>)
      tpu.yield
    }) : () -> ()
    %add3A_14 = arith.constant 128 : i32
    %add3A_15 = arith.addi %mul3A_8, %add3A_14 : i32
    %run_scoped3A_16 = arith.constant 0 : i32
    "tpu.region"() ({
      %run_scoped3A_183 = tpu.sem_alloc : memref<!tpu.dma_semaphore, #tpu.memory_space<semaphore_mem>>
      %dma_start3A_184 = arith.constant 0 : i32
      %dma_start3A_185 = arith.constant 0 : i32
      %dma_start3A_186 = tpu.memref_slice %arg12[%run_scoped3A_16, %dma_start3A_184, %dma_start3A_185] : memref<2x64x144xf32, #tpu.memory_space<vmem>> -> memref<1x64x144xf32, #tpu.memory_space<vmem>>
      %dma_start3A_187 = tpu.memref_squeeze %dma_start3A_186 : memref<1x64x144xf32, #tpu.memory_space<vmem>> -> memref<64x144xf32, #tpu.memory_space<vmem>>
      %dma_start3A_188 = arith.constant 0 : i32
      %dma_start3A_189 = tpu.memref_slice %arg7[%add3A_15, %dma_start3A_188] : memref<10016x144xf32, #tpu.memory_space<vmem_shared>> -> memref<64x144xf32, #tpu.memory_space<vmem_shared>>
      %dma_start3A_190 = arith.constant 0 : i32
      %dma_start3A_191 = tpu.memref_slice %arg7[%add3A_15, %dma_start3A_190] : memref<10016x144xf32, #tpu.memory_space<vmem_shared>> -> memref<64x144xf32, #tpu.memory_space<vmem_shared>>
      %dma_start3A_192 = arith.constant 0 : i32
      %dma_start3A_193 = arith.constant 0 : i32
      %dma_start3A_194 = tpu.memref_slice %arg12[%run_scoped3A_16, %dma_start3A_192, %dma_start3A_193] : memref<2x64x144xf32, #tpu.memory_space<vmem>> -> memref<1x64x144xf32, #tpu.memory_space<vmem>>
      %dma_start3A_195 = tpu.memref_squeeze %dma_start3A_194 : memref<1x64x144xf32, #tpu.memory_space<vmem>> -> memref<64x144xf32, #tpu.memory_space<vmem>>
      tpu.enqueue_dma source(%dma_start3A_195 : memref<64x144xf32, #tpu.memory_space<vmem>>) target(%dma_start3A_191 : memref<64x144xf32, #tpu.memory_space<vmem_shared>>) target_semaphore(%run_scoped3A_183 : memref<!tpu.dma_semaphore, #tpu.memory_space<semaphore_mem>>)
      %dma_wait3A_196 = arith.constant 0 : i32
      %dma_wait3A_197 = arith.constant 0 : i32
      %dma_wait3A_198 = tpu.memref_slice %arg12[%run_scoped3A_16, %dma_wait3A_196, %dma_wait3A_197] : memref<2x64x144xf32, #tpu.memory_space<vmem>> -> memref<1x64x144xf32, #tpu.memory_space<vmem>>
      %dma_wait3A_199 = tpu.memref_squeeze %dma_wait3A_198 : memref<1x64x144xf32, #tpu.memory_space<vmem>> -> memref<64x144xf32, #tpu.memory_space<vmem>>
      %dma_wait3A_200 = arith.constant 0 : i32
      %dma_wait3A_201 = tpu.memref_slice %arg7[%add3A_15, %dma_wait3A_200] : memref<10016x144xf32, #tpu.memory_space<vmem_shared>> -> memref<64x144xf32, #tpu.memory_space<vmem_shared>>
      %dma_wait3A_202 = arith.constant 0 : i32
      %dma_wait3A_203 = tpu.memref_slice %arg7[%add3A_15, %dma_wait3A_202] : memref<10016x144xf32, #tpu.memory_space<vmem_shared>> -> memref<64x144xf32, #tpu.memory_space<vmem_shared>>
      %dma_wait3A_204 = arith.constant 0 : i32
      %dma_wait3A_205 = arith.constant 0 : i32
      %dma_wait3A_206 = tpu.memref_slice %arg12[%run_scoped3A_16, %dma_wait3A_204, %dma_wait3A_205] : memref<2x64x144xf32, #tpu.memory_space<vmem>> -> memref<1x64x144xf32, #tpu.memory_space<vmem>>
      %dma_wait3A_207 = tpu.memref_squeeze %dma_wait3A_206 : memref<1x64x144xf32, #tpu.memory_space<vmem>> -> memref<64x144xf32, #tpu.memory_space<vmem>>
      tpu.wait_dma2 semaphore(%run_scoped3A_183 : memref<!tpu.dma_semaphore, #tpu.memory_space<semaphore_mem>>) src(%dma_wait3A_207 : memref<64x144xf32, #tpu.memory_space<vmem>>) dst(%dma_wait3A_203 : memref<64x144xf32, #tpu.memory_space<vmem_shared>>)
      tpu.yield
    }) : () -> ()
    %add3A_17 = arith.constant 192 : i32
    %add3A_18 = arith.addi %mul3A_8, %add3A_17 : i32
    %run_scoped3A_19 = arith.constant 0 : i32
    "tpu.region"() ({
      %run_scoped3A_183 = tpu.sem_alloc : memref<!tpu.dma_semaphore, #tpu.memory_space<semaphore_mem>>
      %dma_start3A_184 = arith.constant 0 : i32
      %dma_start3A_185 = arith.constant 0 : i32
      %dma_start3A_186 = tpu.memref_slice %arg12[%run_scoped3A_19, %dma_start3A_184, %dma_start3A_185] : memref<2x64x144xf32, #tpu.memory_space<vmem>> -> memref<1x64x144xf32, #tpu.memory_space<vmem>>
      %dma_start3A_187 = tpu.memref_squeeze %dma_start3A_186 : memref<1x64x144xf32, #tpu.memory_space<vmem>> -> memref<64x144xf32, #tpu.memory_space<vmem>>
      %dma_start3A_188 = arith.constant 0 : i32
      %dma_start3A_189 = tpu.memref_slice %arg7[%add3A_18, %dma_start3A_188] : memref<10016x144xf32, #tpu.memory_space<vmem_shared>> -> memref<64x144xf32, #tpu.memory_space<vmem_shared>>
      %dma_start3A_190 = arith.constant 0 : i32
      %dma_start3A_191 = tpu.memref_slice %arg7[%add3A_18, %dma_start3A_190] : memref<10016x144xf32, #tpu.memory_space<vmem_shared>> -> memref<64x144xf32, #tpu.memory_space<vmem_shared>>
      %dma_start3A_192 = arith.constant 0 : i32
      %dma_start3A_193 = arith.constant 0 : i32
      %dma_start3A_194 = tpu.memref_slice %arg12[%run_scoped3A_19, %dma_start3A_192, %dma_start3A_193] : memref<2x64x144xf32, #tpu.memory_space<vmem>> -> memref<1x64x144xf32, #tpu.memory_space<vmem>>
      %dma_start3A_195 = tpu.memref_squeeze %dma_start3A_194 : memref<1x64x144xf32, #tpu.memory_space<vmem>> -> memref<64x144xf32, #tpu.memory_space<vmem>>
      tpu.enqueue_dma source(%dma_start3A_195 : memref<64x144xf32, #tpu.memory_space<vmem>>) target(%dma_start3A_191 : memref<64x144xf32, #tpu.memory_space<vmem_shared>>) target_semaphore(%run_scoped3A_183 : memref<!tpu.dma_semaphore, #tpu.memory_space<semaphore_mem>>)
      %dma_wait3A_196 = arith.constant 0 : i32
      %dma_wait3A_197 = arith.constant 0 : i32
      %dma_wait3A_198 = tpu.memref_slice %arg12[%run_scoped3A_19, %dma_wait3A_196, %dma_wait3A_197] : memref<2x64x144xf32, #tpu.memory_space<vmem>> -> memref<1x64x144xf32, #tpu.memory_space<vmem>>
      %dma_wait3A_199 = tpu.memref_squeeze %dma_wait3A_198 : memref<1x64x144xf32, #tpu.memory_space<vmem>> -> memref<64x144xf32, #tpu.memory_space<vmem>>
      %dma_wait3A_200 = arith.constant 0 : i32
      %dma_wait3A_201 = tpu.memref_slice %arg7[%add3A_18, %dma_wait3A_200] : memref<10016x144xf32, #tpu.memory_space<vmem_shared>> -> memref<64x144xf32, #tpu.memory_space<vmem_shared>>
      %dma_wait3A_202 = arith.constant 0 : i32
      %dma_wait3A_203 = tpu.memref_slice %arg7[%add3A_18, %dma_wait3A_202] : memref<10016x144xf32, #tpu.memory_space<vmem_shared>> -> memref<64x144xf32, #tpu.memory_space<vmem_shared>>
      %dma_wait3A_204 = arith.constant 0 : i32
      %dma_wait3A_205 = arith.constant 0 : i32
      %dma_wait3A_206 = tpu.memref_slice %arg12[%run_scoped3A_19, %dma_wait3A_204, %dma_wait3A_205] : memref<2x64x144xf32, #tpu.memory_space<vmem>> -> memref<1x64x144xf32, #tpu.memory_space<vmem>>
      %dma_wait3A_207 = tpu.memref_squeeze %dma_wait3A_206 : memref<1x64x144xf32, #tpu.memory_space<vmem>> -> memref<64x144xf32, #tpu.memory_space<vmem>>
      tpu.wait_dma2 semaphore(%run_scoped3A_183 : memref<!tpu.dma_semaphore, #tpu.memory_space<semaphore_mem>>) src(%dma_wait3A_207 : memref<64x144xf32, #tpu.memory_space<vmem>>) dst(%dma_wait3A_203 : memref<64x144xf32, #tpu.memory_space<vmem_shared>>)
      tpu.yield
    }) : () -> ()
    %add3A_20 = arith.constant 256 : i32
    %add3A_21 = arith.addi %mul3A_8, %add3A_20 : i32
    %run_scoped3A_22 = arith.constant 0 : i32
    "tpu.region"() ({
      %run_scoped3A_183 = tpu.sem_alloc : memref<!tpu.dma_semaphore, #tpu.memory_space<semaphore_mem>>
      %dma_start3A_184 = arith.constant 0 : i32
      %dma_start3A_185 = arith.constant 0 : i32
      %dma_start3A_186 = tpu.memref_slice %arg12[%run_scoped3A_22, %dma_start3A_184, %dma_start3A_185] : memref<2x64x144xf32, #tpu.memory_space<vmem>> -> memref<1x64x144xf32, #tpu.memory_space<vmem>>
      %dma_start3A_187 = tpu.memref_squeeze %dma_start3A_186 : memref<1x64x144xf32, #tpu.memory_space<vmem>> -> memref<64x144xf32, #tpu.memory_space<vmem>>
      %dma_start3A_188 = arith.constant 0 : i32
      %dma_start3A_189 = tpu.memref_slice %arg7[%add3A_21, %dma_start3A_188] : memref<10016x144xf32, #tpu.memory_space<vmem_shared>> -> memref<64x144xf32, #tpu.memory_space<vmem_shared>>
      %dma_start3A_190 = arith.constant 0 : i32
      %dma_start3A_191 = tpu.memref_slice %arg7[%add3A_21, %dma_start3A_190] : memref<10016x144xf32, #tpu.memory_space<vmem_shared>> -> memref<64x144xf32, #tpu.memory_space<vmem_shared>>
      %dma_start3A_192 = arith.constant 0 : i32
      %dma_start3A_193 = arith.constant 0 : i32
      %dma_start3A_194 = tpu.memref_slice %arg12[%run_scoped3A_22, %dma_start3A_192, %dma_start3A_193] : memref<2x64x144xf32, #tpu.memory_space<vmem>> -> memref<1x64x144xf32, #tpu.memory_space<vmem>>
      %dma_start3A_195 = tpu.memref_squeeze %dma_start3A_194 : memref<1x64x144xf32, #tpu.memory_space<vmem>> -> memref<64x144xf32, #tpu.memory_space<vmem>>
      tpu.enqueue_dma source(%dma_start3A_195 : memref<64x144xf32, #tpu.memory_space<vmem>>) target(%dma_start3A_191 : memref<64x144xf32, #tpu.memory_space<vmem_shared>>) target_semaphore(%run_scoped3A_183 : memref<!tpu.dma_semaphore, #tpu.memory_space<semaphore_mem>>)
      %dma_wait3A_196 = arith.constant 0 : i32
      %dma_wait3A_197 = arith.constant 0 : i32
      %dma_wait3A_198 = tpu.memref_slice %arg12[%run_scoped3A_22, %dma_wait3A_196, %dma_wait3A_197] : memref<2x64x144xf32, #tpu.memory_space<vmem>> -> memref<1x64x144xf32, #tpu.memory_space<vmem>>
      %dma_wait3A_199 = tpu.memref_squeeze %dma_wait3A_198 : memref<1x64x144xf32, #tpu.memory_space<vmem>> -> memref<64x144xf32, #tpu.memory_space<vmem>>
      %dma_wait3A_200 = arith.constant 0 : i32
      %dma_wait3A_201 = tpu.memref_slice %arg7[%add3A_21, %dma_wait3A_200] : memref<10016x144xf32, #tpu.memory_space<vmem_shared>> -> memref<64x144xf32, #tpu.memory_space<vmem_shared>>
      %dma_wait3A_202 = arith.constant 0 : i32
      %dma_wait3A_203 = tpu.memref_slice %arg7[%add3A_21, %dma_wait3A_202] : memref<10016x144xf32, #tpu.memory_space<vmem_shared>> -> memref<64x144xf32, #tpu.memory_space<vmem_shared>>
      %dma_wait3A_204 = arith.constant 0 : i32
      %dma_wait3A_205 = arith.constant 0 : i32
      %dma_wait3A_206 = tpu.memref_slice %arg12[%run_scoped3A_22, %dma_wait3A_204, %dma_wait3A_205] : memref<2x64x144xf32, #tpu.memory_space<vmem>> -> memref<1x64x144xf32, #tpu.memory_space<vmem>>
      %dma_wait3A_207 = tpu.memref_squeeze %dma_wait3A_206 : memref<1x64x144xf32, #tpu.memory_space<vmem>> -> memref<64x144xf32, #tpu.memory_space<vmem>>
      tpu.wait_dma2 semaphore(%run_scoped3A_183 : memref<!tpu.dma_semaphore, #tpu.memory_space<semaphore_mem>>) src(%dma_wait3A_207 : memref<64x144xf32, #tpu.memory_space<vmem>>) dst(%dma_wait3A_203 : memref<64x144xf32, #tpu.memory_space<vmem_shared>>)
      tpu.yield
    }) : () -> ()
    %add3A_23 = arith.constant 320 : i32
    %add3A_24 = arith.addi %mul3A_8, %add3A_23 : i32
    %run_scoped3A_25 = arith.constant 0 : i32
    "tpu.region"() ({
      %run_scoped3A_183 = tpu.sem_alloc : memref<!tpu.dma_semaphore, #tpu.memory_space<semaphore_mem>>
      %dma_start3A_184 = arith.constant 0 : i32
      %dma_start3A_185 = arith.constant 0 : i32
      %dma_start3A_186 = tpu.memref_slice %arg12[%run_scoped3A_25, %dma_start3A_184, %dma_start3A_185] : memref<2x64x144xf32, #tpu.memory_space<vmem>> -> memref<1x64x144xf32, #tpu.memory_space<vmem>>
      %dma_start3A_187 = tpu.memref_squeeze %dma_start3A_186 : memref<1x64x144xf32, #tpu.memory_space<vmem>> -> memref<64x144xf32, #tpu.memory_space<vmem>>
      %dma_start3A_188 = arith.constant 0 : i32
      %dma_start3A_189 = tpu.memref_slice %arg7[%add3A_24, %dma_start3A_188] : memref<10016x144xf32, #tpu.memory_space<vmem_shared>> -> memref<64x144xf32, #tpu.memory_space<vmem_shared>>
      %dma_start3A_190 = arith.constant 0 : i32
      %dma_start3A_191 = tpu.memref_slice %arg7[%add3A_24, %dma_start3A_190] : memref<10016x144xf32, #tpu.memory_space<vmem_shared>> -> memref<64x144xf32, #tpu.memory_space<vmem_shared>>
      %dma_start3A_192 = arith.constant 0 : i32
      %dma_start3A_193 = arith.constant 0 : i32
      %dma_start3A_194 = tpu.memref_slice %arg12[%run_scoped3A_25, %dma_start3A_192, %dma_start3A_193] : memref<2x64x144xf32, #tpu.memory_space<vmem>> -> memref<1x64x144xf32, #tpu.memory_space<vmem>>
      %dma_start3A_195 = tpu.memref_squeeze %dma_start3A_194 : memref<1x64x144xf32, #tpu.memory_space<vmem>> -> memref<64x144xf32, #tpu.memory_space<vmem>>
      tpu.enqueue_dma source(%dma_start3A_195 : memref<64x144xf32, #tpu.memory_space<vmem>>) target(%dma_start3A_191 : memref<64x144xf32, #tpu.memory_space<vmem_shared>>) target_semaphore(%run_scoped3A_183 : memref<!tpu.dma_semaphore, #tpu.memory_space<semaphore_mem>>)
      %dma_wait3A_196 = arith.constant 0 : i32
      %dma_wait3A_197 = arith.constant 0 : i32
      %dma_wait3A_198 = tpu.memref_slice %arg12[%run_scoped3A_25, %dma_wait3A_196, %dma_wait3A_197] : memref<2x64x144xf32, #tpu.memory_space<vmem>> -> memref<1x64x144xf32, #tpu.memory_space<vmem>>
      %dma_wait3A_199 = tpu.memref_squeeze %dma_wait3A_198 : memref<1x64x144xf32, #tpu.memory_space<vmem>> -> memref<64x144xf32, #tpu.memory_space<vmem>>
      %dma_wait3A_200 = arith.constant 0 : i32
      %dma_wait3A_201 = tpu.memref_slice %arg7[%add3A_24, %dma_wait3A_200] : memref<10016x144xf32, #tpu.memory_space<vmem_shared>> -> memref<64x144xf32, #tpu.memory_space<vmem_shared>>
      %dma_wait3A_202 = arith.constant 0 : i32
      %dma_wait3A_203 = tpu.memref_slice %arg7[%add3A_24, %dma_wait3A_202] : memref<10016x144xf32, #tpu.memory_space<vmem_shared>> -> memref<64x144xf32, #tpu.memory_space<vmem_shared>>
      %dma_wait3A_204 = arith.constant 0 : i32
      %dma_wait3A_205 = arith.constant 0 : i32
      %dma_wait3A_206 = tpu.memref_slice %arg12[%run_scoped3A_25, %dma_wait3A_204, %dma_wait3A_205] : memref<2x64x144xf32, #tpu.memory_space<vmem>> -> memref<1x64x144xf32, #tpu.memory_space<vmem>>
      %dma_wait3A_207 = tpu.memref_squeeze %dma_wait3A_206 : memref<1x64x144xf32, #tpu.memory_space<vmem>> -> memref<64x144xf32, #tpu.memory_space<vmem>>
      tpu.wait_dma2 semaphore(%run_scoped3A_183 : memref<!tpu.dma_semaphore, #tpu.memory_space<semaphore_mem>>) src(%dma_wait3A_207 : memref<64x144xf32, #tpu.memory_space<vmem>>) dst(%dma_wait3A_203 : memref<64x144xf32, #tpu.memory_space<vmem_shared>>)
      tpu.yield
    }) : () -> ()
    %add3A_26 = arith.constant 384 : i32
    %add3A_27 = arith.addi %mul3A_8, %add3A_26 : i32
    %run_scoped3A_28 = arith.constant 0 : i32
    "tpu.region"() ({
      %run_scoped3A_183 = tpu.sem_alloc : memref<!tpu.dma_semaphore, #tpu.memory_space<semaphore_mem>>
      %dma_start3A_184 = arith.constant 0 : i32
      %dma_start3A_185 = arith.constant 0 : i32
      %dma_start3A_186 = tpu.memref_slice %arg12[%run_scoped3A_28, %dma_start3A_184, %dma_start3A_185] : memref<2x64x144xf32, #tpu.memory_space<vmem>> -> memref<1x64x144xf32, #tpu.memory_space<vmem>>
      %dma_start3A_187 = tpu.memref_squeeze %dma_start3A_186 : memref<1x64x144xf32, #tpu.memory_space<vmem>> -> memref<64x144xf32, #tpu.memory_space<vmem>>
      %dma_start3A_188 = arith.constant 0 : i32
      %dma_start3A_189 = tpu.memref_slice %arg7[%add3A_27, %dma_start3A_188] : memref<10016x144xf32, #tpu.memory_space<vmem_shared>> -> memref<64x144xf32, #tpu.memory_space<vmem_shared>>
      %dma_start3A_190 = arith.constant 0 : i32
      %dma_start3A_191 = tpu.memref_slice %arg7[%add3A_27, %dma_start3A_190] : memref<10016x144xf32, #tpu.memory_space<vmem_shared>> -> memref<64x144xf32, #tpu.memory_space<vmem_shared>>
      %dma_start3A_192 = arith.constant 0 : i32
      %dma_start3A_193 = arith.constant 0 : i32
      %dma_start3A_194 = tpu.memref_slice %arg12[%run_scoped3A_28, %dma_start3A_192, %dma_start3A_193] : memref<2x64x144xf32, #tpu.memory_space<vmem>> -> memref<1x64x144xf32, #tpu.memory_space<vmem>>
      %dma_start3A_195 = tpu.memref_squeeze %dma_start3A_194 : memref<1x64x144xf32, #tpu.memory_space<vmem>> -> memref<64x144xf32, #tpu.memory_space<vmem>>
      tpu.enqueue_dma source(%dma_start3A_195 : memref<64x144xf32, #tpu.memory_space<vmem>>) target(%dma_start3A_191 : memref<64x144xf32, #tpu.memory_space<vmem_shared>>) target_semaphore(%run_scoped3A_183 : memref<!tpu.dma_semaphore, #tpu.memory_space<semaphore_mem>>)
      %dma_wait3A_196 = arith.constant 0 : i32
      %dma_wait3A_197 = arith.constant 0 : i32
      %dma_wait3A_198 = tpu.memref_slice %arg12[%run_scoped3A_28, %dma_wait3A_196, %dma_wait3A_197] : memref<2x64x144xf32, #tpu.memory_space<vmem>> -> memref<1x64x144xf32, #tpu.memory_space<vmem>>
      %dma_wait3A_199 = tpu.memref_squeeze %dma_wait3A_198 : memref<1x64x144xf32, #tpu.memory_space<vmem>> -> memref<64x144xf32, #tpu.memory_space<vmem>>
      %dma_wait3A_200 = arith.constant 0 : i32
      %dma_wait3A_201 = tpu.memref_slice %arg7[%add3A_27, %dma_wait3A_200] : memref<10016x144xf32, #tpu.memory_space<vmem_shared>> -> memref<64x144xf32, #tpu.memory_space<vmem_shared>>
      %dma_wait3A_202 = arith.constant 0 : i32
      %dma_wait3A_203 = tpu.memref_slice %arg7[%add3A_27, %dma_wait3A_202] : memref<10016x144xf32, #tpu.memory_space<vmem_shared>> -> memref<64x144xf32, #tpu.memory_space<vmem_shared>>
      %dma_wait3A_204 = arith.constant 0 : i32
      %dma_wait3A_205 = arith.constant 0 : i32
      %dma_wait3A_206 = tpu.memref_slice %arg12[%run_scoped3A_28, %dma_wait3A_204, %dma_wait3A_205] : memref<2x64x144xf32, #tpu.memory_space<vmem>> -> memref<1x64x144xf32, #tpu.memory_space<vmem>>
      %dma_wait3A_207 = tpu.memref_squeeze %dma_wait3A_206 : memref<1x64x144xf32, #tpu.memory_space<vmem>> -> memref<64x144xf32, #tpu.memory_space<vmem>>
      tpu.wait_dma2 semaphore(%run_scoped3A_183 : memref<!tpu.dma_semaphore, #tpu.memory_space<semaphore_mem>>) src(%dma_wait3A_207 : memref<64x144xf32, #tpu.memory_space<vmem>>) dst(%dma_wait3A_203 : memref<64x144xf32, #tpu.memory_space<vmem_shared>>)
      tpu.yield
    }) : () -> ()
    %add3A_29 = arith.constant 448 : i32
    %add3A_30 = arith.addi %mul3A_8, %add3A_29 : i32
    %run_scoped3A_31 = arith.constant 0 : i32
    "tpu.region"() ({
      %run_scoped3A_183 = tpu.sem_alloc : memref<!tpu.dma_semaphore, #tpu.memory_space<semaphore_mem>>
      %dma_start3A_184 = arith.constant 0 : i32
      %dma_start3A_185 = arith.constant 0 : i32
      %dma_start3A_186 = tpu.memref_slice %arg12[%run_scoped3A_31, %dma_start3A_184, %dma_start3A_185] : memref<2x64x144xf32, #tpu.memory_space<vmem>> -> memref<1x64x144xf32, #tpu.memory_space<vmem>>
      %dma_start3A_187 = tpu.memref_squeeze %dma_start3A_186 : memref<1x64x144xf32, #tpu.memory_space<vmem>> -> memref<64x144xf32, #tpu.memory_space<vmem>>
      %dma_start3A_188 = arith.constant 0 : i32
      %dma_start3A_189 = tpu.memref_slice %arg7[%add3A_30, %dma_start3A_188] : memref<10016x144xf32, #tpu.memory_space<vmem_shared>> -> memref<64x144xf32, #tpu.memory_space<vmem_shared>>
      %dma_start3A_190 = arith.constant 0 : i32
      %dma_start3A_191 = tpu.memref_slice %arg7[%add3A_30, %dma_start3A_190] : memref<10016x144xf32, #tpu.memory_space<vmem_shared>> -> memref<64x144xf32, #tpu.memory_space<vmem_shared>>
      %dma_start3A_192 = arith.constant 0 : i32
      %dma_start3A_193 = arith.constant 0 : i32
      %dma_start3A_194 = tpu.memref_slice %arg12[%run_scoped3A_31, %dma_start3A_192, %dma_start3A_193] : memref<2x64x144xf32, #tpu.memory_space<vmem>> -> memref<1x64x144xf32, #tpu.memory_space<vmem>>
      %dma_start3A_195 = tpu.memref_squeeze %dma_start3A_194 : memref<1x64x144xf32, #tpu.memory_space<vmem>> -> memref<64x144xf32, #tpu.memory_space<vmem>>
      tpu.enqueue_dma source(%dma_start3A_195 : memref<64x144xf32, #tpu.memory_space<vmem>>) target(%dma_start3A_191 : memref<64x144xf32, #tpu.memory_space<vmem_shared>>) target_semaphore(%run_scoped3A_183 : memref<!tpu.dma_semaphore, #tpu.memory_space<semaphore_mem>>)
      %dma_wait3A_196 = arith.constant 0 : i32
      %dma_wait3A_197 = arith.constant 0 : i32
      %dma_wait3A_198 = tpu.memref_slice %arg12[%run_scoped3A_31, %dma_wait3A_196, %dma_wait3A_197] : memref<2x64x144xf32, #tpu.memory_space<vmem>> -> memref<1x64x144xf32, #tpu.memory_space<vmem>>
      %dma_wait3A_199 = tpu.memref_squeeze %dma_wait3A_198 : memref<1x64x144xf32, #tpu.memory_space<vmem>> -> memref<64x144xf32, #tpu.memory_space<vmem>>
      %dma_wait3A_200 = arith.constant 0 : i32
      %dma_wait3A_201 = tpu.memref_slice %arg7[%add3A_30, %dma_wait3A_200] : memref<10016x144xf32, #tpu.memory_space<vmem_shared>> -> memref<64x144xf32, #tpu.memory_space<vmem_shared>>
      %dma_wait3A_202 = arith.constant 0 : i32
      %dma_wait3A_203 = tpu.memref_slice %arg7[%add3A_30, %dma_wait3A_202] : memref<10016x144xf32, #tpu.memory_space<vmem_shared>> -> memref<64x144xf32, #tpu.memory_space<vmem_shared>>
      %dma_wait3A_204 = arith.constant 0 : i32
      %dma_wait3A_205 = arith.constant 0 : i32
      %dma_wait3A_206 = tpu.memref_slice %arg12[%run_scoped3A_31, %dma_wait3A_204, %dma_wait3A_205] : memref<2x64x144xf32, #tpu.memory_space<vmem>> -> memref<1x64x144xf32, #tpu.memory_space<vmem>>
      %dma_wait3A_207 = tpu.memref_squeeze %dma_wait3A_206 : memref<1x64x144xf32, #tpu.memory_space<vmem>> -> memref<64x144xf32, #tpu.memory_space<vmem>>
      tpu.wait_dma2 semaphore(%run_scoped3A_183 : memref<!tpu.dma_semaphore, #tpu.memory_space<semaphore_mem>>) src(%dma_wait3A_207 : memref<64x144xf32, #tpu.memory_space<vmem>>) dst(%dma_wait3A_203 : memref<64x144xf32, #tpu.memory_space<vmem_shared>>)
      tpu.yield
    }) : () -> ()
    %add3A_32 = arith.constant 512 : i32
    %add3A_33 = arith.addi %mul3A_8, %add3A_32 : i32
    %run_scoped3A_34 = arith.constant 0 : i32
    "tpu.region"() ({
      %run_scoped3A_183 = tpu.sem_alloc : memref<!tpu.dma_semaphore, #tpu.memory_space<semaphore_mem>>
      %dma_start3A_184 = arith.constant 0 : i32
      %dma_start3A_185 = arith.constant 0 : i32
      %dma_start3A_186 = tpu.memref_slice %arg12[%run_scoped3A_34, %dma_start3A_184, %dma_start3A_185] : memref<2x64x144xf32, #tpu.memory_space<vmem>> -> memref<1x64x144xf32, #tpu.memory_space<vmem>>
      %dma_start3A_187 = tpu.memref_squeeze %dma_start3A_186 : memref<1x64x144xf32, #tpu.memory_space<vmem>> -> memref<64x144xf32, #tpu.memory_space<vmem>>
      %dma_start3A_188 = arith.constant 0 : i32
      %dma_start3A_189 = tpu.memref_slice %arg7[%add3A_33, %dma_start3A_188] : memref<10016x144xf32, #tpu.memory_space<vmem_shared>> -> memref<64x144xf32, #tpu.memory_space<vmem_shared>>
      %dma_start3A_190 = arith.constant 0 : i32
      %dma_start3A_191 = tpu.memref_slice %arg7[%add3A_33, %dma_start3A_190] : memref<10016x144xf32, #tpu.memory_space<vmem_shared>> -> memref<64x144xf32, #tpu.memory_space<vmem_shared>>
      %dma_start3A_192 = arith.constant 0 : i32
      %dma_start3A_193 = arith.constant 0 : i32
      %dma_start3A_194 = tpu.memref_slice %arg12[%run_scoped3A_34, %dma_start3A_192, %dma_start3A_193] : memref<2x64x144xf32, #tpu.memory_space<vmem>> -> memref<1x64x144xf32, #tpu.memory_space<vmem>>
      %dma_start3A_195 = tpu.memref_squeeze %dma_start3A_194 : memref<1x64x144xf32, #tpu.memory_space<vmem>> -> memref<64x144xf32, #tpu.memory_space<vmem>>
      tpu.enqueue_dma source(%dma_start3A_195 : memref<64x144xf32, #tpu.memory_space<vmem>>) target(%dma_start3A_191 : memref<64x144xf32, #tpu.memory_space<vmem_shared>>) target_semaphore(%run_scoped3A_183 : memref<!tpu.dma_semaphore, #tpu.memory_space<semaphore_mem>>)
      %dma_wait3A_196 = arith.constant 0 : i32
      %dma_wait3A_197 = arith.constant 0 : i32
      %dma_wait3A_198 = tpu.memref_slice %arg12[%run_scoped3A_34, %dma_wait3A_196, %dma_wait3A_197] : memref<2x64x144xf32, #tpu.memory_space<vmem>> -> memref<1x64x144xf32, #tpu.memory_space<vmem>>
      %dma_wait3A_199 = tpu.memref_squeeze %dma_wait3A_198 : memref<1x64x144xf32, #tpu.memory_space<vmem>> -> memref<64x144xf32, #tpu.memory_space<vmem>>
      %dma_wait3A_200 = arith.constant 0 : i32
      %dma_wait3A_201 = tpu.memref_slice %arg7[%add3A_33, %dma_wait3A_200] : memref<10016x144xf32, #tpu.memory_space<vmem_shared>> -> memref<64x144xf32, #tpu.memory_space<vmem_shared>>
      %dma_wait3A_202 = arith.constant 0 : i32
      %dma_wait3A_203 = tpu.memref_slice %arg7[%add3A_33, %dma_wait3A_202] : memref<10016x144xf32, #tpu.memory_space<vmem_shared>> -> memref<64x144xf32, #tpu.memory_space<vmem_shared>>
      %dma_wait3A_204 = arith.constant 0 : i32
      %dma_wait3A_205 = arith.constant 0 : i32
      %dma_wait3A_206 = tpu.memref_slice %arg12[%run_scoped3A_34, %dma_wait3A_204, %dma_wait3A_205] : memref<2x64x144xf32, #tpu.memory_space<vmem>> -> memref<1x64x144xf32, #tpu.memory_space<vmem>>
      %dma_wait3A_207 = tpu.memref_squeeze %dma_wait3A_206 : memref<1x64x144xf32, #tpu.memory_space<vmem>> -> memref<64x144xf32, #tpu.memory_space<vmem>>
      tpu.wait_dma2 semaphore(%run_scoped3A_183 : memref<!tpu.dma_semaphore, #tpu.memory_space<semaphore_mem>>) src(%dma_wait3A_207 : memref<64x144xf32, #tpu.memory_space<vmem>>) dst(%dma_wait3A_203 : memref<64x144xf32, #tpu.memory_space<vmem_shared>>)
      tpu.yield
    }) : () -> ()
    %add3A_35 = arith.constant 576 : i32
    %add3A_36 = arith.addi %mul3A_8, %add3A_35 : i32
    %run_scoped3A_37 = arith.constant 0 : i32
    "tpu.region"() ({
      %run_scoped3A_183 = tpu.sem_alloc : memref<!tpu.dma_semaphore, #tpu.memory_space<semaphore_mem>>
      %dma_start3A_184 = arith.constant 0 : i32
      %dma_start3A_185 = arith.constant 0 : i32
      %dma_start3A_186 = tpu.memref_slice %arg12[%run_scoped3A_37, %dma_start3A_184, %dma_start3A_185] : memref<2x64x144xf32, #tpu.memory_space<vmem>> -> memref<1x50x144xf32, #tpu.memory_space<vmem>>
      %dma_start3A_187 = tpu.memref_squeeze %dma_start3A_186 : memref<1x50x144xf32, #tpu.memory_space<vmem>> -> memref<50x144xf32, #tpu.memory_space<vmem>>
      %dma_start3A_188 = arith.constant 0 : i32
      %dma_start3A_189 = tpu.memref_slice %arg7[%add3A_36, %dma_start3A_188] : memref<10016x144xf32, #tpu.memory_space<vmem_shared>> -> memref<50x144xf32, #tpu.memory_space<vmem_shared>>
      %dma_start3A_190 = arith.constant 0 : i32
      %dma_start3A_191 = tpu.memref_slice %arg7[%add3A_36, %dma_start3A_190] : memref<10016x144xf32, #tpu.memory_space<vmem_shared>> -> memref<50x144xf32, #tpu.memory_space<vmem_shared>>
      %dma_start3A_192 = arith.constant 0 : i32
      %dma_start3A_193 = arith.constant 0 : i32
      %dma_start3A_194 = tpu.memref_slice %arg12[%run_scoped3A_37, %dma_start3A_192, %dma_start3A_193] : memref<2x64x144xf32, #tpu.memory_space<vmem>> -> memref<1x50x144xf32, #tpu.memory_space<vmem>>
      %dma_start3A_195 = tpu.memref_squeeze %dma_start3A_194 : memref<1x50x144xf32, #tpu.memory_space<vmem>> -> memref<50x144xf32, #tpu.memory_space<vmem>>
      tpu.enqueue_dma source(%dma_start3A_195 : memref<50x144xf32, #tpu.memory_space<vmem>>) target(%dma_start3A_191 : memref<50x144xf32, #tpu.memory_space<vmem_shared>>) target_semaphore(%run_scoped3A_183 : memref<!tpu.dma_semaphore, #tpu.memory_space<semaphore_mem>>)
      %dma_wait3A_196 = arith.constant 0 : i32
      %dma_wait3A_197 = arith.constant 0 : i32
      %dma_wait3A_198 = tpu.memref_slice %arg12[%run_scoped3A_37, %dma_wait3A_196, %dma_wait3A_197] : memref<2x64x144xf32, #tpu.memory_space<vmem>> -> memref<1x50x144xf32, #tpu.memory_space<vmem>>
      %dma_wait3A_199 = tpu.memref_squeeze %dma_wait3A_198 : memref<1x50x144xf32, #tpu.memory_space<vmem>> -> memref<50x144xf32, #tpu.memory_space<vmem>>
      %dma_wait3A_200 = arith.constant 0 : i32
      %dma_wait3A_201 = tpu.memref_slice %arg7[%add3A_36, %dma_wait3A_200] : memref<10016x144xf32, #tpu.memory_space<vmem_shared>> -> memref<50x144xf32, #tpu.memory_space<vmem_shared>>
      %dma_wait3A_202 = arith.constant 0 : i32
      %dma_wait3A_203 = tpu.memref_slice %arg7[%add3A_36, %dma_wait3A_202] : memref<10016x144xf32, #tpu.memory_space<vmem_shared>> -> memref<50x144xf32, #tpu.memory_space<vmem_shared>>
      %dma_wait3A_204 = arith.constant 0 : i32
      %dma_wait3A_205 = arith.constant 0 : i32
      %dma_wait3A_206 = tpu.memref_slice %arg12[%run_scoped3A_37, %dma_wait3A_204, %dma_wait3A_205] : memref<2x64x144xf32, #tpu.memory_space<vmem>> -> memref<1x50x144xf32, #tpu.memory_space<vmem>>
      %dma_wait3A_207 = tpu.memref_squeeze %dma_wait3A_206 : memref<1x50x144xf32, #tpu.memory_space<vmem>> -> memref<50x144xf32, #tpu.memory_space<vmem>>
      tpu.wait_dma2 semaphore(%run_scoped3A_183 : memref<!tpu.dma_semaphore, #tpu.memory_space<semaphore_mem>>) src(%dma_wait3A_207 : memref<50x144xf32, #tpu.memory_space<vmem>>) dst(%dma_wait3A_203 : memref<50x144xf32, #tpu.memory_space<vmem_shared>>)
      tpu.yield
    }) : () -> ()
    %barrier3A = arith.constant 0 : index
    tpu.barrier barrier_id(%barrier3A)
    %mul3A_38 = arith.constant 164 : i32
    %mul3A_39 = arith.muli %add3A, %mul3A_38 : i32
    %add3A_40 = arith.constant 0 : i32
    %add3A_41 = arith.addi %mul3A_39, %add3A_40 : i32
    %dma_start3A = arith.constant 0 : i32
    %dma_start3A_42 = arith.constant 0 : i32
    %dma_start3A_43 = tpu.memref_slice %arg8[%dma_start3A, %dma_start3A_42] : memref<4x64xi32, #tpu.memory_space<vmem>> -> memref<1x64xi32, #tpu.memory_space<vmem>>
    %dma_start3A_44 = tpu.memref_squeeze %dma_start3A_43 : memref<1x64xi32, #tpu.memory_space<vmem>> -> memref<64xi32, #tpu.memory_space<vmem>>
    %dma_start3A_45 = arith.constant 0 : i32
    %dma_start3A_46 = tpu.memref_slice %arg4[%add3A_41, %dma_start3A_45] : memref<5248x64xi32, #tpu.memory_space<hbm>> -> memref<1x64xi32, #tpu.memory_space<hbm>>
    %dma_start3A_47 = tpu.memref_squeeze %dma_start3A_46 : memref<1x64xi32, #tpu.memory_space<hbm>> -> memref<64xi32, #tpu.memory_space<hbm>>
    %dma_start3A_48 = arith.constant 0 : i32
    %dma_start3A_49 = tpu.memref_slice %arg8[%dma_start3A, %dma_start3A_48] : memref<4x64xi32, #tpu.memory_space<vmem>> -> memref<1x64xi32, #tpu.memory_space<vmem>>
    %dma_start3A_50 = tpu.memref_squeeze %dma_start3A_49 : memref<1x64xi32, #tpu.memory_space<vmem>> -> memref<64xi32, #tpu.memory_space<vmem>>
    %dma_start3A_51 = arith.constant 0 : i32
    %dma_start3A_52 = tpu.memref_slice %arg4[%add3A_41, %dma_start3A_51] : memref<5248x64xi32, #tpu.memory_space<hbm>> -> memref<1x64xi32, #tpu.memory_space<hbm>>
    %dma_start3A_53 = tpu.memref_squeeze %dma_start3A_52 : memref<1x64xi32, #tpu.memory_space<hbm>> -> memref<64xi32, #tpu.memory_space<hbm>>
    tpu.enqueue_dma source(%dma_start3A_53 : memref<64xi32, #tpu.memory_space<hbm>>) target(%dma_start3A_50 : memref<64xi32, #tpu.memory_space<vmem>>) target_semaphore(%arg13 : memref<!tpu.dma_semaphore, #tpu.memory_space<semaphore_mem>>)
    %add3A_54 = arith.constant 0 : i32
    %add3A_55 = arith.addi %mul3A_39, %add3A_54 : i32
    %dma_start3A_56 = arith.constant 0 : i32
    %dma_start3A_57 = arith.constant 0 : i32
    %dma_start3A_58 = tpu.memref_slice %arg9[%dma_start3A_56, %dma_start3A_57] : memref<4x64xi32, #tpu.memory_space<vmem>> -> memref<1x64xi32, #tpu.memory_space<vmem>>
    %dma_start3A_59 = tpu.memref_squeeze %dma_start3A_58 : memref<1x64xi32, #tpu.memory_space<vmem>> -> memref<64xi32, #tpu.memory_space<vmem>>
    %dma_start3A_60 = arith.constant 0 : i32
    %dma_start3A_61 = tpu.memref_slice %arg5[%add3A_55, %dma_start3A_60] : memref<5248x64xi32, #tpu.memory_space<hbm>> -> memref<1x64xi32, #tpu.memory_space<hbm>>
    %dma_start3A_62 = tpu.memref_squeeze %dma_start3A_61 : memref<1x64xi32, #tpu.memory_space<hbm>> -> memref<64xi32, #tpu.memory_space<hbm>>
    %dma_start3A_63 = arith.constant 0 : i32
    %dma_start3A_64 = tpu.memref_slice %arg9[%dma_start3A_56, %dma_start3A_63] : memref<4x64xi32, #tpu.memory_space<vmem>> -> memref<1x64xi32, #tpu.memory_space<vmem>>
    %dma_start3A_65 = tpu.memref_squeeze %dma_start3A_64 : memref<1x64xi32, #tpu.memory_space<vmem>> -> memref<64xi32, #tpu.memory_space<vmem>>
    %dma_start3A_66 = arith.constant 0 : i32
    %dma_start3A_67 = tpu.memref_slice %arg5[%add3A_55, %dma_start3A_66] : memref<5248x64xi32, #tpu.memory_space<hbm>> -> memref<1x64xi32, #tpu.memory_space<hbm>>
    %dma_start3A_68 = tpu.memref_squeeze %dma_start3A_67 : memref<1x64xi32, #tpu.memory_space<hbm>> -> memref<64xi32, #tpu.memory_space<hbm>>
    tpu.enqueue_dma source(%dma_start3A_68 : memref<64xi32, #tpu.memory_space<hbm>>) target(%dma_start3A_65 : memref<64xi32, #tpu.memory_space<vmem>>) target_semaphore(%arg13 : memref<!tpu.dma_semaphore, #tpu.memory_space<semaphore_mem>>)
    %add3A_69 = arith.constant 1 : i32
    %add3A_70 = arith.addi %mul3A_39, %add3A_69 : i32
    %dma_start3A_71 = arith.constant 1 : i32
    %dma_start3A_72 = arith.constant 0 : i32
    %dma_start3A_73 = tpu.memref_slice %arg8[%dma_start3A_71, %dma_start3A_72] : memref<4x64xi32, #tpu.memory_space<vmem>> -> memref<1x64xi32, #tpu.memory_space<vmem>>
    %dma_start3A_74 = tpu.memref_squeeze %dma_start3A_73 : memref<1x64xi32, #tpu.memory_space<vmem>> -> memref<64xi32, #tpu.memory_space<vmem>>
    %dma_start3A_75 = arith.constant 0 : i32
    %dma_start3A_76 = tpu.memref_slice %arg4[%add3A_70, %dma_start3A_75] : memref<5248x64xi32, #tpu.memory_space<hbm>> -> memref<1x64xi32, #tpu.memory_space<hbm>>
    %dma_start3A_77 = tpu.memref_squeeze %dma_start3A_76 : memref<1x64xi32, #tpu.memory_space<hbm>> -> memref<64xi32, #tpu.memory_space<hbm>>
    %dma_start3A_78 = arith.constant 0 : i32
    %dma_start3A_79 = tpu.memref_slice %arg8[%dma_start3A_71, %dma_start3A_78] : memref<4x64xi32, #tpu.memory_space<vmem>> -> memref<1x64xi32, #tpu.memory_space<vmem>>
    %dma_start3A_80 = tpu.memref_squeeze %dma_start3A_79 : memref<1x64xi32, #tpu.memory_space<vmem>> -> memref<64xi32, #tpu.memory_space<vmem>>
    %dma_start3A_81 = arith.constant 0 : i32
    %dma_start3A_82 = tpu.memref_slice %arg4[%add3A_70, %dma_start3A_81] : memref<5248x64xi32, #tpu.memory_space<hbm>> -> memref<1x64xi32, #tpu.memory_space<hbm>>
    %dma_start3A_83 = tpu.memref_squeeze %dma_start3A_82 : memref<1x64xi32, #tpu.memory_space<hbm>> -> memref<64xi32, #tpu.memory_space<hbm>>
    tpu.enqueue_dma source(%dma_start3A_83 : memref<64xi32, #tpu.memory_space<hbm>>) target(%dma_start3A_80 : memref<64xi32, #tpu.memory_space<vmem>>) target_semaphore(%arg14 : memref<!tpu.dma_semaphore, #tpu.memory_space<semaphore_mem>>)
    %add3A_84 = arith.constant 1 : i32
    %add3A_85 = arith.addi %mul3A_39, %add3A_84 : i32
    %dma_start3A_86 = arith.constant 1 : i32
    %dma_start3A_87 = arith.constant 0 : i32
    %dma_start3A_88 = tpu.memref_slice %arg9[%dma_start3A_86, %dma_start3A_87] : memref<4x64xi32, #tpu.memory_space<vmem>> -> memref<1x64xi32, #tpu.memory_space<vmem>>
    %dma_start3A_89 = tpu.memref_squeeze %dma_start3A_88 : memref<1x64xi32, #tpu.memory_space<vmem>> -> memref<64xi32, #tpu.memory_space<vmem>>
    %dma_start3A_90 = arith.constant 0 : i32
    %dma_start3A_91 = tpu.memref_slice %arg5[%add3A_85, %dma_start3A_90] : memref<5248x64xi32, #tpu.memory_space<hbm>> -> memref<1x64xi32, #tpu.memory_space<hbm>>
    %dma_start3A_92 = tpu.memref_squeeze %dma_start3A_91 : memref<1x64xi32, #tpu.memory_space<hbm>> -> memref<64xi32, #tpu.memory_space<hbm>>
    %dma_start3A_93 = arith.constant 0 : i32
    %dma_start3A_94 = tpu.memref_slice %arg9[%dma_start3A_86, %dma_start3A_93] : memref<4x64xi32, #tpu.memory_space<vmem>> -> memref<1x64xi32, #tpu.memory_space<vmem>>
    %dma_start3A_95 = tpu.memref_squeeze %dma_start3A_94 : memref<1x64xi32, #tpu.memory_space<vmem>> -> memref<64xi32, #tpu.memory_space<vmem>>
    %dma_start3A_96 = arith.constant 0 : i32
    %dma_start3A_97 = tpu.memref_slice %arg5[%add3A_85, %dma_start3A_96] : memref<5248x64xi32, #tpu.memory_space<hbm>> -> memref<1x64xi32, #tpu.memory_space<hbm>>
    %dma_start3A_98 = tpu.memref_squeeze %dma_start3A_97 : memref<1x64xi32, #tpu.memory_space<hbm>> -> memref<64xi32, #tpu.memory_space<hbm>>
    tpu.enqueue_dma source(%dma_start3A_98 : memref<64xi32, #tpu.memory_space<hbm>>) target(%dma_start3A_95 : memref<64xi32, #tpu.memory_space<vmem>>) target_semaphore(%arg14 : memref<!tpu.dma_semaphore, #tpu.memory_space<semaphore_mem>>)
    %add3A_99 = arith.constant 0 : i32
    %add3A_100 = arith.addi %mul3A_39, %add3A_99 : i32
    %dma_wait3A = arith.constant 0 : i32
    %dma_wait3A_101 = arith.constant 0 : i32
    %dma_wait3A_102 = tpu.memref_slice %arg8[%dma_wait3A, %dma_wait3A_101] : memref<4x64xi32, #tpu.memory_space<vmem>> -> memref<1x64xi32, #tpu.memory_space<vmem>>
    %dma_wait3A_103 = tpu.memref_squeeze %dma_wait3A_102 : memref<1x64xi32, #tpu.memory_space<vmem>> -> memref<64xi32, #tpu.memory_space<vmem>>
    %dma_wait3A_104 = arith.constant 0 : i32
    %dma_wait3A_105 = tpu.memref_slice %arg4[%add3A_100, %dma_wait3A_104] : memref<5248x64xi32, #tpu.memory_space<hbm>> -> memref<1x64xi32, #tpu.memory_space<hbm>>
    %dma_wait3A_106 = tpu.memref_squeeze %dma_wait3A_105 : memref<1x64xi32, #tpu.memory_space<hbm>> -> memref<64xi32, #tpu.memory_space<hbm>>
    %dma_wait3A_107 = arith.constant 0 : i32
    %dma_wait3A_108 = tpu.memref_slice %arg8[%dma_wait3A, %dma_wait3A_107] : memref<4x64xi32, #tpu.memory_space<vmem>> -> memref<1x64xi32, #tpu.memory_space<vmem>>
    %dma_wait3A_109 = tpu.memref_squeeze %dma_wait3A_108 : memref<1x64xi32, #tpu.memory_space<vmem>> -> memref<64xi32, #tpu.memory_space<vmem>>
    %dma_wait3A_110 = arith.constant 0 : i32
    %dma_wait3A_111 = tpu.memref_slice %arg4[%add3A_100, %dma_wait3A_110] : memref<5248x64xi32, #tpu.memory_space<hbm>> -> memref<1x64xi32, #tpu.memory_space<hbm>>
    %dma_wait3A_112 = tpu.memref_squeeze %dma_wait3A_111 : memref<1x64xi32, #tpu.memory_space<hbm>> -> memref<64xi32, #tpu.memory_space<hbm>>
    tpu.wait_dma2 semaphore(%arg13 : memref<!tpu.dma_semaphore, #tpu.memory_space<semaphore_mem>>) src(%dma_wait3A_112 : memref<64xi32, #tpu.memory_space<hbm>>) dst(%dma_wait3A_109 : memref<64xi32, #tpu.memory_space<vmem>>)
    %add3A_113 = arith.constant 0 : i32
    %add3A_114 = arith.addi %mul3A_39, %add3A_113 : i32
    %dma_wait3A_115 = arith.constant 0 : i32
    %dma_wait3A_116 = arith.constant 0 : i32
    %dma_wait3A_117 = tpu.memref_slice %arg9[%dma_wait3A_115, %dma_wait3A_116] : memref<4x64xi32, #tpu.memory_space<vmem>> -> memref<1x64xi32, #tpu.memory_space<vmem>>
    %dma_wait3A_118 = tpu.memref_squeeze %dma_wait3A_117 : memref<1x64xi32, #tpu.memory_space<vmem>> -> memref<64xi32, #tpu.memory_space<vmem>>
    %dma_wait3A_119 = arith.constant 0 : i32
    %dma_wait3A_120 = tpu.memref_slice %arg5[%add3A_114, %dma_wait3A_119] : memref<5248x64xi32, #tpu.memory_space<hbm>> -> memref<1x64xi32, #tpu.memory_space<hbm>>
    %dma_wait3A_121 = tpu.memref_squeeze %dma_wait3A_120 : memref<1x64xi32, #tpu.memory_space<hbm>> -> memref<64xi32, #tpu.memory_space<hbm>>
    %dma_wait3A_122 = arith.constant 0 : i32
    %dma_wait3A_123 = tpu.memref_slice %arg9[%dma_wait3A_115, %dma_wait3A_122] : memref<4x64xi32, #tpu.memory_space<vmem>> -> memref<1x64xi32, #tpu.memory_space<vmem>>
    %dma_wait3A_124 = tpu.memref_squeeze %dma_wait3A_123 : memref<1x64xi32, #tpu.memory_space<vmem>> -> memref<64xi32, #tpu.memory_space<vmem>>
    %dma_wait3A_125 = arith.constant 0 : i32
    %dma_wait3A_126 = tpu.memref_slice %arg5[%add3A_114, %dma_wait3A_125] : memref<5248x64xi32, #tpu.memory_space<hbm>> -> memref<1x64xi32, #tpu.memory_space<hbm>>
    %dma_wait3A_127 = tpu.memref_squeeze %dma_wait3A_126 : memref<1x64xi32, #tpu.memory_space<hbm>> -> memref<64xi32, #tpu.memory_space<hbm>>
    tpu.wait_dma2 semaphore(%arg13 : memref<!tpu.dma_semaphore, #tpu.memory_space<semaphore_mem>>) src(%dma_wait3A_127 : memref<64xi32, #tpu.memory_space<hbm>>) dst(%dma_wait3A_124 : memref<64xi32, #tpu.memory_space<vmem>>)
    %dma_start3A_128 = arith.constant 0 : i32
    %dma_start3A_129 = arith.constant 0 : i32
    %dma_start3A_130 = arith.constant 0 : i32
    %dma_start3A_131 = arith.constant 0 : i32
    %dma_start3A_132 = tpu.memref_slice %arg10[%dma_start3A_129, %dma_start3A_130, %dma_start3A_131] : memref<2x64x144xf32, #tpu.memory_space<vmem>> -> memref<1x64x144xf32, #tpu.memory_space<vmem>>
    %dma_start3A_133 = tpu.memref_squeeze %dma_start3A_132 : memref<1x64x144xf32, #tpu.memory_space<vmem>> -> memref<64x144xf32, #tpu.memory_space<vmem>>
    %dma_start3A_134 = arith.constant 0 : i32
    %dma_start3A_135 = tpu.memref_slice %arg8[%dma_start3A_128, %dma_start3A_134] : memref<4x64xi32, #tpu.memory_space<vmem>> -> memref<1x64xi32, #tpu.memory_space<vmem>>
    %dma_start3A_136 = tpu.memref_squeeze %dma_start3A_135 : memref<1x64xi32, #tpu.memory_space<vmem>> -> memref<64xi32, #tpu.memory_space<vmem>>
    %dma_start3A_137 = arith.constant 0 : i32
    %dma_start3A_138 = arith.constant 0 : i32
    %dma_start3A_139 = tpu.memref_slice %arg2[%dma_start3A_137, %dma_start3A_138] : memref<10240x144xf32, #tpu.memory_space<hbm>> -> memref<10240x144xf32, #tpu.memory_space<hbm>>
    tpu.enqueue_indirect_dma source(%dma_start3A_139 : memref<10240x144xf32, #tpu.memory_space<hbm>>) target(%dma_start3A_133 : memref<64x144xf32, #tpu.memory_space<vmem>>) offsets(%dma_start3A_136 : memref<64xi32, #tpu.memory_space<vmem>>) semaphore(%arg17 : memref<!tpu.dma_semaphore, #tpu.memory_space<semaphore_mem>>)
    %dma_start3A_140 = arith.constant 0 : i32
    %dma_start3A_141 = arith.constant 0 : i32
    %dma_start3A_142 = arith.constant 0 : i32
    %dma_start3A_143 = arith.constant 0 : i32
    %dma_start3A_144 = tpu.memref_slice %arg11[%dma_start3A_141, %dma_start3A_142, %dma_start3A_143] : memref<2x64x16xf32, #tpu.memory_space<vmem>> -> memref<1x64x16xf32, #tpu.memory_space<vmem>>
    %dma_start3A_145 = tpu.memref_squeeze %dma_start3A_144 : memref<1x64x16xf32, #tpu.memory_space<vmem>> -> memref<64x16xf32, #tpu.memory_space<vmem>>
    %dma_start3A_146 = arith.constant 0 : i32
    %dma_start3A_147 = tpu.memref_slice %arg9[%dma_start3A_140, %dma_start3A_146] : memref<4x64xi32, #tpu.memory_space<vmem>> -> memref<1x64xi32, #tpu.memory_space<vmem>>
    %dma_start3A_148 = tpu.memref_squeeze %dma_start3A_147 : memref<1x64xi32, #tpu.memory_space<vmem>> -> memref<64xi32, #tpu.memory_space<vmem>>
    %dma_start3A_149 = arith.constant 0 : i32
    %dma_start3A_150 = arith.constant 0 : i32
    %dma_start3A_151 = tpu.memref_slice %arg3[%dma_start3A_149, %dma_start3A_150] : memref<10240x16xf32, #tpu.memory_space<hbm>> -> memref<10240x16xf32, #tpu.memory_space<hbm>>
    tpu.enqueue_indirect_dma source(%dma_start3A_151 : memref<10240x16xf32, #tpu.memory_space<hbm>>) target(%dma_start3A_145 : memref<64x16xf32, #tpu.memory_space<vmem>>) offsets(%dma_start3A_148 : memref<64xi32, #tpu.memory_space<vmem>>) semaphore(%arg17 : memref<!tpu.dma_semaphore, #tpu.memory_space<semaphore_mem>>)
    %scan3A_152 = arith.constant 0 : i32
    %scan3A_153 = arith.constant 0 : i32
    %scan3A_154 = arith.constant 41 : i32
    %scan3A_155 = arith.addi %scan3A_153, %scan3A_154 : i32
    %scan3A_156 = arith.constant 1 : i32
    scf.for %scan3A_183 = %scan3A_153 to %scan3A_155 step %scan3A_156  : i32 {
      %mul3A_184 = arith.constant 4 : i32
      %mul3A_185 = arith.muli %scan3A_183, %mul3A_184 : i32
      %add3A_186 = arith.constant 0 : i32
      %add3A_187 = arith.addi %mul3A_185, %add3A_186 : i32
      %dma_wait3A_188 = arith.constant 0 : i32
      %dma_wait3A_189 = arith.constant 0 : i32
      %dma_wait3A_190 = arith.constant 0 : i32
      %dma_wait3A_191 = arith.constant 0 : i32
      %dma_wait3A_192 = tpu.memref_slice %arg10[%dma_wait3A_189, %dma_wait3A_190, %dma_wait3A_191] : memref<2x64x144xf32, #tpu.memory_space<vmem>> -> memref<1x64x144xf32, #tpu.memory_space<vmem>>
      %dma_wait3A_193 = tpu.memref_squeeze %dma_wait3A_192 : memref<1x64x144xf32, #tpu.memory_space<vmem>> -> memref<64x144xf32, #tpu.memory_space<vmem>>
      %dma_wait3A_194 = arith.constant 0 : i32
      %dma_wait3A_195 = tpu.memref_slice %arg8[%dma_wait3A_188, %dma_wait3A_194] : memref<4x64xi32, #tpu.memory_space<vmem>> -> memref<1x64xi32, #tpu.memory_space<vmem>>
      %dma_wait3A_196 = tpu.memref_squeeze %dma_wait3A_195 : memref<1x64xi32, #tpu.memory_space<vmem>> -> memref<64xi32, #tpu.memory_space<vmem>>
      %dma_wait3A_197 = arith.constant 0 : i32
      %dma_wait3A_198 = arith.constant 0 : i32
      %dma_wait3A_199 = tpu.memref_slice %arg2[%dma_wait3A_197, %dma_wait3A_198] : memref<10240x144xf32, #tpu.memory_space<hbm>> -> memref<10240x144xf32, #tpu.memory_space<hbm>>
      tpu.wait_indirect_dma semaphore(%arg17 : memref<!tpu.dma_semaphore, #tpu.memory_space<semaphore_mem>>) src(%dma_wait3A_199 : memref<10240x144xf32, #tpu.memory_space<hbm>>) dst(%dma_wait3A_193 : memref<64x144xf32, #tpu.memory_space<vmem>>)
      %dma_wait3A_200 = arith.constant 0 : i32
      %dma_wait3A_201 = arith.constant 0 : i32
      %dma_wait3A_202 = arith.constant 0 : i32
      %dma_wait3A_203 = arith.constant 0 : i32
      %dma_wait3A_204 = tpu.memref_slice %arg11[%dma_wait3A_201, %dma_wait3A_202, %dma_wait3A_203] : memref<2x64x16xf32, #tpu.memory_space<vmem>> -> memref<1x64x16xf32, #tpu.memory_space<vmem>>
      %dma_wait3A_205 = tpu.memref_squeeze %dma_wait3A_204 : memref<1x64x16xf32, #tpu.memory_space<vmem>> -> memref<64x16xf32, #tpu.memory_space<vmem>>
      %dma_wait3A_206 = arith.constant 0 : i32
      %dma_wait3A_207 = tpu.memref_slice %arg9[%dma_wait3A_200, %dma_wait3A_206] : memref<4x64xi32, #tpu.memory_space<vmem>> -> memref<1x64xi32, #tpu.memory_space<vmem>>
      %dma_wait3A_208 = tpu.memref_squeeze %dma_wait3A_207 : memref<1x64xi32, #tpu.memory_space<vmem>> -> memref<64xi32, #tpu.memory_space<vmem>>
      %dma_wait3A_209 = arith.constant 0 : i32
      %dma_wait3A_210 = arith.constant 0 : i32
      %dma_wait3A_211 = tpu.memref_slice %arg3[%dma_wait3A_209, %dma_wait3A_210] : memref<10240x16xf32, #tpu.memory_space<hbm>> -> memref<10240x16xf32, #tpu.memory_space<hbm>>
      tpu.wait_indirect_dma semaphore(%arg17 : memref<!tpu.dma_semaphore, #tpu.memory_space<semaphore_mem>>) src(%dma_wait3A_211 : memref<10240x16xf32, #tpu.memory_space<hbm>>) dst(%dma_wait3A_205 : memref<64x16xf32, #tpu.memory_space<vmem>>)
      %ge3A = arith.constant 2 : i32
      %ge3A_212 = arith.cmpi sge, %add3A_187, %ge3A : i32
      %convert_element_type3A = arith.extui %ge3A_212 : i1 to i32
      %cond3A = arith.constant 0 : i32
      %cond3A_213 = arith.cmpi ne, %convert_element_type3A, %cond3A : i32
      scf.if %cond3A_213 {
        %dma_wait3A_427 = arith.constant 0 : i32
        %dma_wait3A_428 = arith.constant 2 : i32
        %dma_wait3A_429 = arith.constant 0 : i32
        %dma_wait3A_430 = arith.constant 0 : i32
        %dma_wait3A_431 = tpu.memref_slice %arg12[%dma_wait3A_427, %dma_wait3A_429, %dma_wait3A_430] : memref<2x64x144xf32, #tpu.memory_space<vmem>> -> memref<1x64x144xf32, #tpu.memory_space<vmem>>
        %dma_wait3A_432 = tpu.memref_squeeze %dma_wait3A_431 : memref<1x64x144xf32, #tpu.memory_space<vmem>> -> memref<64x144xf32, #tpu.memory_space<vmem>>
        %dma_wait3A_433 = arith.constant 0 : i32
        %dma_wait3A_434 = tpu.memref_slice %arg9[%dma_wait3A_428, %dma_wait3A_433] : memref<4x64xi32, #tpu.memory_space<vmem>> -> memref<1x64xi32, #tpu.memory_space<vmem>>
        %dma_wait3A_435 = tpu.memref_squeeze %dma_wait3A_434 : memref<1x64xi32, #tpu.memory_space<vmem>> -> memref<64xi32, #tpu.memory_space<vmem>>
        %dma_wait3A_436 = arith.constant 0 : i32
        %dma_wait3A_437 = arith.constant 0 : i32
        %dma_wait3A_438 = tpu.memref_slice %arg7[%dma_wait3A_436, %dma_wait3A_437] : memref<10016x144xf32, #tpu.memory_space<vmem_shared>> -> memref<10016x144xf32, #tpu.memory_space<vmem_shared>>
        tpu.wait_indirect_dma semaphore(%arg19 : memref<!tpu.dma_semaphore, #tpu.memory_space<semaphore_mem>>) src(%dma_wait3A_432 : memref<64x144xf32, #tpu.memory_space<vmem>>) dst(%dma_wait3A_438 : memref<10016x144xf32, #tpu.memory_space<vmem_shared>>)
      } else {
      }
      %add3A_214 = arith.constant 2 : i32
      %add3A_215 = arith.addi %add3A_187, %add3A_214 : i32
      %lt3A = arith.constant 164 : i32
      %lt3A_216 = arith.cmpi slt, %add3A_215, %lt3A : i32
      %convert_element_type3A_217 = arith.extui %lt3A_216 : i1 to i32
      %cond3A_218 = arith.constant 0 : i32
      %cond3A_219 = arith.cmpi ne, %convert_element_type3A_217, %cond3A_218 : i32
      scf.if %cond3A_219 {
        %add3A_427 = arith.constant 2 : i32
        %add3A_428 = arith.addi %add3A_187, %add3A_427 : i32
        %add3A_429 = arith.addi %mul3A_39, %add3A_428 : i32
        %dma_start3A_430 = arith.constant 2 : i32
        %dma_start3A_431 = arith.constant 0 : i32
        %dma_start3A_432 = tpu.memref_slice %arg8[%dma_start3A_430, %dma_start3A_431] : memref<4x64xi32, #tpu.memory_space<vmem>> -> memref<1x64xi32, #tpu.memory_space<vmem>>
        %dma_start3A_433 = tpu.memref_squeeze %dma_start3A_432 : memref<1x64xi32, #tpu.memory_space<vmem>> -> memref<64xi32, #tpu.memory_space<vmem>>
        %dma_start3A_434 = arith.constant 0 : i32
        %dma_start3A_435 = tpu.memref_slice %arg4[%add3A_429, %dma_start3A_434] : memref<5248x64xi32, #tpu.memory_space<hbm>> -> memref<1x64xi32, #tpu.memory_space<hbm>>
        %dma_start3A_436 = tpu.memref_squeeze %dma_start3A_435 : memref<1x64xi32, #tpu.memory_space<hbm>> -> memref<64xi32, #tpu.memory_space<hbm>>
        %dma_start3A_437 = arith.constant 0 : i32
        %dma_start3A_438 = tpu.memref_slice %arg8[%dma_start3A_430, %dma_start3A_437] : memref<4x64xi32, #tpu.memory_space<vmem>> -> memref<1x64xi32, #tpu.memory_space<vmem>>
        %dma_start3A_439 = tpu.memref_squeeze %dma_start3A_438 : memref<1x64xi32, #tpu.memory_space<vmem>> -> memref<64xi32, #tpu.memory_space<vmem>>
        %dma_start3A_440 = arith.constant 0 : i32
        %dma_start3A_441 = tpu.memref_slice %arg4[%add3A_429, %dma_start3A_440] : memref<5248x64xi32, #tpu.memory_space<hbm>> -> memref<1x64xi32, #tpu.memory_space<hbm>>
        %dma_start3A_442 = tpu.memref_squeeze %dma_start3A_441 : memref<1x64xi32, #tpu.memory_space<hbm>> -> memref<64xi32, #tpu.memory_space<hbm>>
        tpu.enqueue_dma source(%dma_start3A_442 : memref<64xi32, #tpu.memory_space<hbm>>) target(%dma_start3A_439 : memref<64xi32, #tpu.memory_space<vmem>>) target_semaphore(%arg15 : memref<!tpu.dma_semaphore, #tpu.memory_space<semaphore_mem>>)
        %add3A_443 = arith.addi %mul3A_39, %add3A_428 : i32
        %dma_start3A_444 = arith.constant 2 : i32
        %dma_start3A_445 = arith.constant 0 : i32
        %dma_start3A_446 = tpu.memref_slice %arg9[%dma_start3A_444, %dma_start3A_445] : memref<4x64xi32, #tpu.memory_space<vmem>> -> memref<1x64xi32, #tpu.memory_space<vmem>>
        %dma_start3A_447 = tpu.memref_squeeze %dma_start3A_446 : memref<1x64xi32, #tpu.memory_space<vmem>> -> memref<64xi32, #tpu.memory_space<vmem>>
        %dma_start3A_448 = arith.constant 0 : i32
        %dma_start3A_449 = tpu.memref_slice %arg5[%add3A_443, %dma_start3A_448] : memref<5248x64xi32, #tpu.memory_space<hbm>> -> memref<1x64xi32, #tpu.memory_space<hbm>>
        %dma_start3A_450 = tpu.memref_squeeze %dma_start3A_449 : memref<1x64xi32, #tpu.memory_space<hbm>> -> memref<64xi32, #tpu.memory_space<hbm>>
        %dma_start3A_451 = arith.constant 0 : i32
        %dma_start3A_452 = tpu.memref_slice %arg9[%dma_start3A_444, %dma_start3A_451] : memref<4x64xi32, #tpu.memory_space<vmem>> -> memref<1x64xi32, #tpu.memory_space<vmem>>
        %dma_start3A_453 = tpu.memref_squeeze %dma_start3A_452 : memref<1x64xi32, #tpu.memory_space<vmem>> -> memref<64xi32, #tpu.memory_space<vmem>>
        %dma_start3A_454 = arith.constant 0 : i32
        %dma_start3A_455 = tpu.memref_slice %arg5[%add3A_443, %dma_start3A_454] : memref<5248x64xi32, #tpu.memory_space<hbm>> -> memref<1x64xi32, #tpu.memory_space<hbm>>
        %dma_start3A_456 = tpu.memref_squeeze %dma_start3A_455 : memref<1x64xi32, #tpu.memory_space<hbm>> -> memref<64xi32, #tpu.memory_space<hbm>>
        tpu.enqueue_dma source(%dma_start3A_456 : memref<64xi32, #tpu.memory_space<hbm>>) target(%dma_start3A_453 : memref<64xi32, #tpu.memory_space<vmem>>) target_semaphore(%arg15 : memref<!tpu.dma_semaphore, #tpu.memory_space<semaphore_mem>>)
      } else {
      }
      %add3A_220 = arith.constant 1 : i32
      %add3A_221 = arith.addi %add3A_187, %add3A_220 : i32
      %lt3A_222 = arith.constant 164 : i32
      %lt3A_223 = arith.cmpi slt, %add3A_221, %lt3A_222 : i32
      %convert_element_type3A_224 = arith.extui %lt3A_223 : i1 to i32
      %cond3A_225 = arith.constant 0 : i32
      %cond3A_226 = arith.cmpi ne, %convert_element_type3A_224, %cond3A_225 : i32
      scf.if %cond3A_226 {
        %add3A_427 = arith.constant 1 : i32
        %add3A_428 = arith.addi %add3A_187, %add3A_427 : i32
        %add3A_429 = arith.addi %mul3A_39, %add3A_428 : i32
        %dma_wait3A_430 = arith.constant 1 : i32
        %dma_wait3A_431 = arith.constant 0 : i32
        %dma_wait3A_432 = tpu.memref_slice %arg8[%dma_wait3A_430, %dma_wait3A_431] : memref<4x64xi32, #tpu.memory_space<vmem>> -> memref<1x64xi32, #tpu.memory_space<vmem>>
        %dma_wait3A_433 = tpu.memref_squeeze %dma_wait3A_432 : memref<1x64xi32, #tpu.memory_space<vmem>> -> memref<64xi32, #tpu.memory_space<vmem>>
        %dma_wait3A_434 = arith.constant 0 : i32
        %dma_wait3A_435 = tpu.memref_slice %arg4[%add3A_429, %dma_wait3A_434] : memref<5248x64xi32, #tpu.memory_space<hbm>> -> memref<1x64xi32, #tpu.memory_space<hbm>>
        %dma_wait3A_436 = tpu.memref_squeeze %dma_wait3A_435 : memref<1x64xi32, #tpu.memory_space<hbm>> -> memref<64xi32, #tpu.memory_space<hbm>>
        %dma_wait3A_437 = arith.constant 0 : i32
        %dma_wait3A_438 = tpu.memref_slice %arg8[%dma_wait3A_430, %dma_wait3A_437] : memref<4x64xi32, #tpu.memory_space<vmem>> -> memref<1x64xi32, #tpu.memory_space<vmem>>
        %dma_wait3A_439 = tpu.memref_squeeze %dma_wait3A_438 : memref<1x64xi32, #tpu.memory_space<vmem>> -> memref<64xi32, #tpu.memory_space<vmem>>
        %dma_wait3A_440 = arith.constant 0 : i32
        %dma_wait3A_441 = tpu.memref_slice %arg4[%add3A_429, %dma_wait3A_440] : memref<5248x64xi32, #tpu.memory_space<hbm>> -> memref<1x64xi32, #tpu.memory_space<hbm>>
        %dma_wait3A_442 = tpu.memref_squeeze %dma_wait3A_441 : memref<1x64xi32, #tpu.memory_space<hbm>> -> memref<64xi32, #tpu.memory_space<hbm>>
        tpu.wait_dma2 semaphore(%arg14 : memref<!tpu.dma_semaphore, #tpu.memory_space<semaphore_mem>>) src(%dma_wait3A_442 : memref<64xi32, #tpu.memory_space<hbm>>) dst(%dma_wait3A_439 : memref<64xi32, #tpu.memory_space<vmem>>)
        %add3A_443 = arith.addi %mul3A_39, %add3A_428 : i32
        %dma_wait3A_444 = arith.constant 1 : i32
        %dma_wait3A_445 = arith.constant 0 : i32
        %dma_wait3A_446 = tpu.memref_slice %arg9[%dma_wait3A_444, %dma_wait3A_445] : memref<4x64xi32, #tpu.memory_space<vmem>> -> memref<1x64xi32, #tpu.memory_space<vmem>>
        %dma_wait3A_447 = tpu.memref_squeeze %dma_wait3A_446 : memref<1x64xi32, #tpu.memory_space<vmem>> -> memref<64xi32, #tpu.memory_space<vmem>>
        %dma_wait3A_448 = arith.constant 0 : i32
        %dma_wait3A_449 = tpu.memref_slice %arg5[%add3A_443, %dma_wait3A_448] : memref<5248x64xi32, #tpu.memory_space<hbm>> -> memref<1x64xi32, #tpu.memory_space<hbm>>
        %dma_wait3A_450 = tpu.memref_squeeze %dma_wait3A_449 : memref<1x64xi32, #tpu.memory_space<hbm>> -> memref<64xi32, #tpu.memory_space<hbm>>
        %dma_wait3A_451 = arith.constant 0 : i32
        %dma_wait3A_452 = tpu.memref_slice %arg9[%dma_wait3A_444, %dma_wait3A_451] : memref<4x64xi32, #tpu.memory_space<vmem>> -> memref<1x64xi32, #tpu.memory_space<vmem>>
        %dma_wait3A_453 = tpu.memref_squeeze %dma_wait3A_452 : memref<1x64xi32, #tpu.memory_space<vmem>> -> memref<64xi32, #tpu.memory_space<vmem>>
        %dma_wait3A_454 = arith.constant 0 : i32
        %dma_wait3A_455 = tpu.memref_slice %arg5[%add3A_443, %dma_wait3A_454] : memref<5248x64xi32, #tpu.memory_space<hbm>> -> memref<1x64xi32, #tpu.memory_space<hbm>>
        %dma_wait3A_456 = tpu.memref_squeeze %dma_wait3A_455 : memref<1x64xi32, #tpu.memory_space<hbm>> -> memref<64xi32, #tpu.memory_space<hbm>>
        tpu.wait_dma2 semaphore(%arg14 : memref<!tpu.dma_semaphore, #tpu.memory_space<semaphore_mem>>) src(%dma_wait3A_456 : memref<64xi32, #tpu.memory_space<hbm>>) dst(%dma_wait3A_453 : memref<64xi32, #tpu.memory_space<vmem>>)
        %dma_start3A_457 = arith.constant 1 : i32
        %dma_start3A_458 = arith.constant 1 : i32
        %dma_start3A_459 = arith.constant 0 : i32
        %dma_start3A_460 = arith.constant 0 : i32
        %dma_start3A_461 = tpu.memref_slice %arg10[%dma_start3A_458, %dma_start3A_459, %dma_start3A_460] : memref<2x64x144xf32, #tpu.memory_space<vmem>> -> memref<1x64x144xf32, #tpu.memory_space<vmem>>
        %dma_start3A_462 = tpu.memref_squeeze %dma_start3A_461 : memref<1x64x144xf32, #tpu.memory_space<vmem>> -> memref<64x144xf32, #tpu.memory_space<vmem>>
        %dma_start3A_463 = arith.constant 0 : i32
        %dma_start3A_464 = tpu.memref_slice %arg8[%dma_start3A_457, %dma_start3A_463] : memref<4x64xi32, #tpu.memory_space<vmem>> -> memref<1x64xi32, #tpu.memory_space<vmem>>
        %dma_start3A_465 = tpu.memref_squeeze %dma_start3A_464 : memref<1x64xi32, #tpu.memory_space<vmem>> -> memref<64xi32, #tpu.memory_space<vmem>>
        %dma_start3A_466 = arith.constant 0 : i32
        %dma_start3A_467 = arith.constant 0 : i32
        %dma_start3A_468 = tpu.memref_slice %arg2[%dma_start3A_466, %dma_start3A_467] : memref<10240x144xf32, #tpu.memory_space<hbm>> -> memref<10240x144xf32, #tpu.memory_space<hbm>>
        tpu.enqueue_indirect_dma source(%dma_start3A_468 : memref<10240x144xf32, #tpu.memory_space<hbm>>) target(%dma_start3A_462 : memref<64x144xf32, #tpu.memory_space<vmem>>) offsets(%dma_start3A_465 : memref<64xi32, #tpu.memory_space<vmem>>) semaphore(%arg18 : memref<!tpu.dma_semaphore, #tpu.memory_space<semaphore_mem>>)
        %dma_start3A_469 = arith.constant 1 : i32
        %dma_start3A_470 = arith.constant 1 : i32
        %dma_start3A_471 = arith.constant 0 : i32
        %dma_start3A_472 = arith.constant 0 : i32
        %dma_start3A_473 = tpu.memref_slice %arg11[%dma_start3A_470, %dma_start3A_471, %dma_start3A_472] : memref<2x64x16xf32, #tpu.memory_space<vmem>> -> memref<1x64x16xf32, #tpu.memory_space<vmem>>
        %dma_start3A_474 = tpu.memref_squeeze %dma_start3A_473 : memref<1x64x16xf32, #tpu.memory_space<vmem>> -> memref<64x16xf32, #tpu.memory_space<vmem>>
        %dma_start3A_475 = arith.constant 0 : i32
        %dma_start3A_476 = tpu.memref_slice %arg9[%dma_start3A_469, %dma_start3A_475] : memref<4x64xi32, #tpu.memory_space<vmem>> -> memref<1x64xi32, #tpu.memory_space<vmem>>
        %dma_start3A_477 = tpu.memref_squeeze %dma_start3A_476 : memref<1x64xi32, #tpu.memory_space<vmem>> -> memref<64xi32, #tpu.memory_space<vmem>>
        %dma_start3A_478 = arith.constant 0 : i32
        %dma_start3A_479 = arith.constant 0 : i32
        %dma_start3A_480 = tpu.memref_slice %arg3[%dma_start3A_478, %dma_start3A_479] : memref<10240x16xf32, #tpu.memory_space<hbm>> -> memref<10240x16xf32, #tpu.memory_space<hbm>>
        tpu.enqueue_indirect_dma source(%dma_start3A_480 : memref<10240x16xf32, #tpu.memory_space<hbm>>) target(%dma_start3A_474 : memref<64x16xf32, #tpu.memory_space<vmem>>) offsets(%dma_start3A_477 : memref<64xi32, #tpu.memory_space<vmem>>) semaphore(%arg18 : memref<!tpu.dma_semaphore, #tpu.memory_space<semaphore_mem>>)
      } else {
      }
      %parallel_loop3A = arith.constant 0 : i32
      %parallel_loop3A_227 = arith.constant 64 : i32
      %parallel_loop3A_228 = arith.constant 1 : i32
      scf.for %parallel_loop3A_427 = %parallel_loop3A to %parallel_loop3A_227 step %parallel_loop3A_228  : i32 {
        %parallel_loop3A_428 = arith.constant 0 : i32
        %parallel_loop3A_429 = arith.index_cast %parallel_loop3A_428 : i32 to index
        %parallel_loop3A_430 = arith.index_cast %parallel_loop3A_427 : i32 to index
        %parallel_loop3A_431 = arith.constant 128 : index
        %parallel_loop3A_432 = tpu.vector_load %arg10[%parallel_loop3A_429, %parallel_loop3A_430, %parallel_loop3A_431] {strides = array<i32>} : memref<2x64x144xf32, #tpu.memory_space<vmem>>, vector<1x1x16xf32>,
        %parallel_loop3A_433 = vector.shape_cast %parallel_loop3A_432 : vector<1x1x16xf32> to vector<16xf32>
        %parallel_loop3A_434 = arith.constant 0 : i32
        %parallel_loop3A_435 = arith.index_cast %parallel_loop3A_434 : i32 to index
        %parallel_loop3A_436 = arith.index_cast %parallel_loop3A_427 : i32 to index
        %parallel_loop3A_437 = arith.constant 0 : index
        %parallel_loop3A_438 = tpu.vector_load %arg11[%parallel_loop3A_435, %parallel_loop3A_436, %parallel_loop3A_437] {strides = array<i32>} : memref<2x64x16xf32, #tpu.memory_space<vmem>>, vector<1x1x16xf32>,
        %parallel_loop3A_439 = vector.shape_cast %parallel_loop3A_438 : vector<1x1x16xf32> to vector<16xf32>
        %parallel_loop3A_440 = arith.addf %parallel_loop3A_433, %parallel_loop3A_439 : vector<16xf32>
        %parallel_loop3A_441 = arith.constant 0.000000e+00 : f32
        %parallel_loop3A_442 = vector.broadcast %parallel_loop3A_441 : f32 to vector<16xf32>
        %parallel_loop3A_443 = arith.cmpf olt, %parallel_loop3A_440, %parallel_loop3A_442 : vector<16xf32>
        %parallel_loop3A_444 = arith.constant 2.000000e-01 : f32
        %parallel_loop3A_445 = vector.broadcast %parallel_loop3A_444 : f32 to vector<16xf32>
        %parallel_loop3A_446 = arith.mulf %parallel_loop3A_440, %parallel_loop3A_445 : vector<16xf32>
        %parallel_loop3A_447 = arith.select %parallel_loop3A_443, %parallel_loop3A_446, %parallel_loop3A_440 : vector<16xi1>, vector<16xf32>
        %parallel_loop3A_448 = math.exp %parallel_loop3A_447 : vector<16xf32>
        %parallel_loop3A_449 = arith.constant 0 : i32
        %parallel_loop3A_450 = arith.index_cast %parallel_loop3A_449 : i32 to index
        %parallel_loop3A_451 = arith.index_cast %parallel_loop3A_427 : i32 to index
        %parallel_loop3A_452 = arith.constant 128 : index
        %parallel_loop3A_453 = tpu.vector_load %arg12[%parallel_loop3A_450, %parallel_loop3A_451, %parallel_loop3A_452] {strides = array<i32>} : memref<2x64x144xf32, #tpu.memory_space<vmem>>, vector<1x1x16xf32>,
        %parallel_loop3A_454 = vector.shape_cast %parallel_loop3A_453 : vector<1x1x16xf32> to vector<16xf32>
        %parallel_loop3A_455 = vector.shape_cast %parallel_loop3A_448 : vector<16xf32> to vector<1x1x16xf32>
        tpu.vector_store %arg12[%parallel_loop3A_450, %parallel_loop3A_451, %parallel_loop3A_452], %parallel_loop3A_455 {strides = array<i32>} : memref<2x64x144xf32, #tpu.memory_space<vmem>>, vector<1x1x16xf32>,
        %parallel_loop3A_456 = vector.extract_strided_slice %parallel_loop3A_448 {offsets = [0], sizes = [1], strides = [1]} : vector<16xf32> to vector<1xf32>
        %parallel_loop3A_457 = vector.shape_cast %parallel_loop3A_456 : vector<1xf32> to vector<1xf32>
        %parallel_loop3A_458 = vector.broadcast %parallel_loop3A_457 : vector<1xf32> to vector<16xf32>
        %parallel_loop3A_459 = arith.constant 0 : i32
        %parallel_loop3A_460 = arith.index_cast %parallel_loop3A_459 : i32 to index
        %parallel_loop3A_461 = arith.index_cast %parallel_loop3A_427 : i32 to index
        %parallel_loop3A_462 = arith.constant 0 : index
        %parallel_loop3A_463 = tpu.vector_load %arg10[%parallel_loop3A_460, %parallel_loop3A_461, %parallel_loop3A_462] {strides = array<i32>} : memref<2x64x144xf32, #tpu.memory_space<vmem>>, vector<1x1x16xf32>,
        %parallel_loop3A_464 = vector.shape_cast %parallel_loop3A_463 : vector<1x1x16xf32> to vector<16xf32>
        %parallel_loop3A_465 = arith.mulf %parallel_loop3A_464, %parallel_loop3A_458 : vector<16xf32>
        %parallel_loop3A_466 = arith.constant 0 : i32
        %parallel_loop3A_467 = arith.index_cast %parallel_loop3A_466 : i32 to index
        %parallel_loop3A_468 = arith.index_cast %parallel_loop3A_427 : i32 to index
        %parallel_loop3A_469 = arith.constant 0 : index
        %parallel_loop3A_470 = tpu.vector_load %arg12[%parallel_loop3A_467, %parallel_loop3A_468, %parallel_loop3A_469] {strides = array<i32>} : memref<2x64x144xf32, #tpu.memory_space<vmem>>, vector<1x1x16xf32>,
        %parallel_loop3A_471 = vector.shape_cast %parallel_loop3A_470 : vector<1x1x16xf32> to vector<16xf32>
        %parallel_loop3A_472 = vector.shape_cast %parallel_loop3A_465 : vector<16xf32> to vector<1x1x16xf32>
        tpu.vector_store %arg12[%parallel_loop3A_467, %parallel_loop3A_468, %parallel_loop3A_469], %parallel_loop3A_472 {strides = array<i32>} : memref<2x64x144xf32, #tpu.memory_space<vmem>>, vector<1x1x16xf32>,
        %parallel_loop3A_473 = arith.constant 0 : i32
        %parallel_loop3A_474 = arith.index_cast %parallel_loop3A_473 : i32 to index
        %parallel_loop3A_475 = arith.index_cast %parallel_loop3A_427 : i32 to index
        %parallel_loop3A_476 = arith.constant 16 : index
        %parallel_loop3A_477 = tpu.vector_load %arg10[%parallel_loop3A_474, %parallel_loop3A_475, %parallel_loop3A_476] {strides = array<i32>} : memref<2x64x144xf32, #tpu.memory_space<vmem>>, vector<1x1x16xf32>,
        %parallel_loop3A_478 = vector.shape_cast %parallel_loop3A_477 : vector<1x1x16xf32> to vector<16xf32>
        %parallel_loop3A_479 = arith.mulf %parallel_loop3A_478, %parallel_loop3A_458 : vector<16xf32>
        %parallel_loop3A_480 = arith.constant 0 : i32
        %parallel_loop3A_481 = arith.index_cast %parallel_loop3A_480 : i32 to index
        %parallel_loop3A_482 = arith.index_cast %parallel_loop3A_427 : i32 to index
        %parallel_loop3A_483 = arith.constant 16 : index
        %parallel_loop3A_484 = tpu.vector_load %arg12[%parallel_loop3A_481, %parallel_loop3A_482, %parallel_loop3A_483] {strides = array<i32>} : memref<2x64x144xf32, #tpu.memory_space<vmem>>, vector<1x1x16xf32>,
        %parallel_loop3A_485 = vector.shape_cast %parallel_loop3A_484 : vector<1x1x16xf32> to vector<16xf32>
        %parallel_loop3A_486 = vector.shape_cast %parallel_loop3A_479 : vector<16xf32> to vector<1x1x16xf32>
        tpu.vector_store %arg12[%parallel_loop3A_481, %parallel_loop3A_482, %parallel_loop3A_483], %parallel_loop3A_486 {strides = array<i32>} : memref<2x64x144xf32, #tpu.memory_space<vmem>>, vector<1x1x16xf32>,
        %parallel_loop3A_487 = vector.extract_strided_slice %parallel_loop3A_448 {offsets = [1], sizes = [1], strides = [1]} : vector<16xf32> to vector<1xf32>
        %parallel_loop3A_488 = vector.shape_cast %parallel_loop3A_487 : vector<1xf32> to vector<1xf32>
        %parallel_loop3A_489 = vector.broadcast %parallel_loop3A_488 : vector<1xf32> to vector<16xf32>
        %parallel_loop3A_490 = arith.constant 0 : i32
        %parallel_loop3A_491 = arith.index_cast %parallel_loop3A_490 : i32 to index
        %parallel_loop3A_492 = arith.index_cast %parallel_loop3A_427 : i32 to index
        %parallel_loop3A_493 = arith.constant 32 : index
        %parallel_loop3A_494 = tpu.vector_load %arg10[%parallel_loop3A_491, %parallel_loop3A_492, %parallel_loop3A_493] {strides = array<i32>} : memref<2x64x144xf32, #tpu.memory_space<vmem>>, vector<1x1x16xf32>,
        %parallel_loop3A_495 = vector.shape_cast %parallel_loop3A_494 : vector<1x1x16xf32> to vector<16xf32>
        %parallel_loop3A_496 = arith.mulf %parallel_loop3A_495, %parallel_loop3A_489 : vector<16xf32>
        %parallel_loop3A_497 = arith.constant 0 : i32
        %parallel_loop3A_498 = arith.index_cast %parallel_loop3A_497 : i32 to index
        %parallel_loop3A_499 = arith.index_cast %parallel_loop3A_427 : i32 to index
        %parallel_loop3A_500 = arith.constant 32 : index
        %parallel_loop3A_501 = tpu.vector_load %arg12[%parallel_loop3A_498, %parallel_loop3A_499, %parallel_loop3A_500] {strides = array<i32>} : memref<2x64x144xf32, #tpu.memory_space<vmem>>, vector<1x1x16xf32>,
        %parallel_loop3A_502 = vector.shape_cast %parallel_loop3A_501 : vector<1x1x16xf32> to vector<16xf32>
        %parallel_loop3A_503 = vector.shape_cast %parallel_loop3A_496 : vector<16xf32> to vector<1x1x16xf32>
        tpu.vector_store %arg12[%parallel_loop3A_498, %parallel_loop3A_499, %parallel_loop3A_500], %parallel_loop3A_503 {strides = array<i32>} : memref<2x64x144xf32, #tpu.memory_space<vmem>>, vector<1x1x16xf32>,
        %parallel_loop3A_504 = arith.constant 0 : i32
        %parallel_loop3A_505 = arith.index_cast %parallel_loop3A_504 : i32 to index
        %parallel_loop3A_506 = arith.index_cast %parallel_loop3A_427 : i32 to index
        %parallel_loop3A_507 = arith.constant 48 : index
        %parallel_loop3A_508 = tpu.vector_load %arg10[%parallel_loop3A_505, %parallel_loop3A_506, %parallel_loop3A_507] {strides = array<i32>} : memref<2x64x144xf32, #tpu.memory_space<vmem>>, vector<1x1x16xf32>,
        %parallel_loop3A_509 = vector.shape_cast %parallel_loop3A_508 : vector<1x1x16xf32> to vector<16xf32>
        %parallel_loop3A_510 = arith.mulf %parallel_loop3A_509, %parallel_loop3A_489 : vector<16xf32>
        %parallel_loop3A_511 = arith.constant 0 : i32
        %parallel_loop3A_512 = arith.index_cast %parallel_loop3A_511 : i32 to index
        %parallel_loop3A_513 = arith.index_cast %parallel_loop3A_427 : i32 to index
        %parallel_loop3A_514 = arith.constant 48 : index
        %parallel_loop3A_515 = tpu.vector_load %arg12[%parallel_loop3A_512, %parallel_loop3A_513, %parallel_loop3A_514] {strides = array<i32>} : memref<2x64x144xf32, #tpu.memory_space<vmem>>, vector<1x1x16xf32>,
        %parallel_loop3A_516 = vector.shape_cast %parallel_loop3A_515 : vector<1x1x16xf32> to vector<16xf32>
        %parallel_loop3A_517 = vector.shape_cast %parallel_loop3A_510 : vector<16xf32> to vector<1x1x16xf32>
        tpu.vector_store %arg12[%parallel_loop3A_512, %parallel_loop3A_513, %parallel_loop3A_514], %parallel_loop3A_517 {strides = array<i32>} : memref<2x64x144xf32, #tpu.memory_space<vmem>>, vector<1x1x16xf32>,
        %parallel_loop3A_518 = vector.extract_strided_slice %parallel_loop3A_448 {offsets = [2], sizes = [1], strides = [1]} : vector<16xf32> to vector<1xf32>
        %parallel_loop3A_519 = vector.shape_cast %parallel_loop3A_518 : vector<1xf32> to vector<1xf32>
        %parallel_loop3A_520 = vector.broadcast %parallel_loop3A_519 : vector<1xf32> to vector<16xf32>
        %parallel_loop3A_521 = arith.constant 0 : i32
        %parallel_loop3A_522 = arith.index_cast %parallel_loop3A_521 : i32 to index
        %parallel_loop3A_523 = arith.index_cast %parallel_loop3A_427 : i32 to index
        %parallel_loop3A_524 = arith.constant 64 : index
        %parallel_loop3A_525 = tpu.vector_load %arg10[%parallel_loop3A_522, %parallel_loop3A_523, %parallel_loop3A_524] {strides = array<i32>} : memref<2x64x144xf32, #tpu.memory_space<vmem>>, vector<1x1x16xf32>,
        %parallel_loop3A_526 = vector.shape_cast %parallel_loop3A_525 : vector<1x1x16xf32> to vector<16xf32>
        %parallel_loop3A_527 = arith.mulf %parallel_loop3A_526, %parallel_loop3A_520 : vector<16xf32>
        %parallel_loop3A_528 = arith.constant 0 : i32
        %parallel_loop3A_529 = arith.index_cast %parallel_loop3A_528 : i32 to index
        %parallel_loop3A_530 = arith.index_cast %parallel_loop3A_427 : i32 to index
        %parallel_loop3A_531 = arith.constant 64 : index
        %parallel_loop3A_532 = tpu.vector_load %arg12[%parallel_loop3A_529, %parallel_loop3A_530, %parallel_loop3A_531] {strides = array<i32>} : memref<2x64x144xf32, #tpu.memory_space<vmem>>, vector<1x1x16xf32>,
        %parallel_loop3A_533 = vector.shape_cast %parallel_loop3A_532 : vector<1x1x16xf32> to vector<16xf32>
        %parallel_loop3A_534 = vector.shape_cast %parallel_loop3A_527 : vector<16xf32> to vector<1x1x16xf32>
        tpu.vector_store %arg12[%parallel_loop3A_529, %parallel_loop3A_530, %parallel_loop3A_531], %parallel_loop3A_534 {strides = array<i32>} : memref<2x64x144xf32, #tpu.memory_space<vmem>>, vector<1x1x16xf32>,
        %parallel_loop3A_535 = arith.constant 0 : i32
        %parallel_loop3A_536 = arith.index_cast %parallel_loop3A_535 : i32 to index
        %parallel_loop3A_537 = arith.index_cast %parallel_loop3A_427 : i32 to index
        %parallel_loop3A_538 = arith.constant 80 : index
        %parallel_loop3A_539 = tpu.vector_load %arg10[%parallel_loop3A_536, %parallel_loop3A_537, %parallel_loop3A_538] {strides = array<i32>} : memref<2x64x144xf32, #tpu.memory_space<vmem>>, vector<1x1x16xf32>,
        %parallel_loop3A_540 = vector.shape_cast %parallel_loop3A_539 : vector<1x1x16xf32> to vector<16xf32>
        %parallel_loop3A_541 = arith.mulf %parallel_loop3A_540, %parallel_loop3A_520 : vector<16xf32>
        %parallel_loop3A_542 = arith.constant 0 : i32
        %parallel_loop3A_543 = arith.index_cast %parallel_loop3A_542 : i32 to index
        %parallel_loop3A_544 = arith.index_cast %parallel_loop3A_427 : i32 to index
        %parallel_loop3A_545 = arith.constant 80 : index
        %parallel_loop3A_546 = tpu.vector_load %arg12[%parallel_loop3A_543, %parallel_loop3A_544, %parallel_loop3A_545] {strides = array<i32>} : memref<2x64x144xf32, #tpu.memory_space<vmem>>, vector<1x1x16xf32>,
        %parallel_loop3A_547 = vector.shape_cast %parallel_loop3A_546 : vector<1x1x16xf32> to vector<16xf32>
        %parallel_loop3A_548 = vector.shape_cast %parallel_loop3A_541 : vector<16xf32> to vector<1x1x16xf32>
        tpu.vector_store %arg12[%parallel_loop3A_543, %parallel_loop3A_544, %parallel_loop3A_545], %parallel_loop3A_548 {strides = array<i32>} : memref<2x64x144xf32, #tpu.memory_space<vmem>>, vector<1x1x16xf32>,
        %parallel_loop3A_549 = vector.extract_strided_slice %parallel_loop3A_448 {offsets = [3], sizes = [1], strides = [1]} : vector<16xf32> to vector<1xf32>
        %parallel_loop3A_550 = vector.shape_cast %parallel_loop3A_549 : vector<1xf32> to vector<1xf32>
        %parallel_loop3A_551 = vector.broadcast %parallel_loop3A_550 : vector<1xf32> to vector<16xf32>
        %parallel_loop3A_552 = arith.constant 0 : i32
        %parallel_loop3A_553 = arith.index_cast %parallel_loop3A_552 : i32 to index
        %parallel_loop3A_554 = arith.index_cast %parallel_loop3A_427 : i32 to index
        %parallel_loop3A_555 = arith.constant 96 : index
        %parallel_loop3A_556 = tpu.vector_load %arg10[%parallel_loop3A_553, %parallel_loop3A_554, %parallel_loop3A_555] {strides = array<i32>} : memref<2x64x144xf32, #tpu.memory_space<vmem>>, vector<1x1x16xf32>,
        %parallel_loop3A_557 = vector.shape_cast %parallel_loop3A_556 : vector<1x1x16xf32> to vector<16xf32>
        %parallel_loop3A_558 = arith.mulf %parallel_loop3A_557, %parallel_loop3A_551 : vector<16xf32>
        %parallel_loop3A_559 = arith.constant 0 : i32
        %parallel_loop3A_560 = arith.index_cast %parallel_loop3A_559 : i32 to index
        %parallel_loop3A_561 = arith.index_cast %parallel_loop3A_427 : i32 to index
        %parallel_loop3A_562 = arith.constant 96 : index
        %parallel_loop3A_563 = tpu.vector_load %arg12[%parallel_loop3A_560, %parallel_loop3A_561, %parallel_loop3A_562] {strides = array<i32>} : memref<2x64x144xf32, #tpu.memory_space<vmem>>, vector<1x1x16xf32>,
        %parallel_loop3A_564 = vector.shape_cast %parallel_loop3A_563 : vector<1x1x16xf32> to vector<16xf32>
        %parallel_loop3A_565 = vector.shape_cast %parallel_loop3A_558 : vector<16xf32> to vector<1x1x16xf32>
        tpu.vector_store %arg12[%parallel_loop3A_560, %parallel_loop3A_561, %parallel_loop3A_562], %parallel_loop3A_565 {strides = array<i32>} : memref<2x64x144xf32, #tpu.memory_space<vmem>>, vector<1x1x16xf32>,
        %parallel_loop3A_566 = arith.constant 0 : i32
        %parallel_loop3A_567 = arith.index_cast %parallel_loop3A_566 : i32 to index
        %parallel_loop3A_568 = arith.index_cast %parallel_loop3A_427 : i32 to index
        %parallel_loop3A_569 = arith.constant 112 : index
        %parallel_loop3A_570 = tpu.vector_load %arg10[%parallel_loop3A_567, %parallel_loop3A_568, %parallel_loop3A_569] {strides = array<i32>} : memref<2x64x144xf32, #tpu.memory_space<vmem>>, vector<1x1x16xf32>,
        %parallel_loop3A_571 = vector.shape_cast %parallel_loop3A_570 : vector<1x1x16xf32> to vector<16xf32>
        %parallel_loop3A_572 = arith.mulf %parallel_loop3A_571, %parallel_loop3A_551 : vector<16xf32>
        %parallel_loop3A_573 = arith.constant 0 : i32
        %parallel_loop3A_574 = arith.index_cast %parallel_loop3A_573 : i32 to index
        %parallel_loop3A_575 = arith.index_cast %parallel_loop3A_427 : i32 to index
        %parallel_loop3A_576 = arith.constant 112 : index
        %parallel_loop3A_577 = tpu.vector_load %arg12[%parallel_loop3A_574, %parallel_loop3A_575, %parallel_loop3A_576] {strides = array<i32>} : memref<2x64x144xf32, #tpu.memory_space<vmem>>, vector<1x1x16xf32>,
        %parallel_loop3A_578 = vector.shape_cast %parallel_loop3A_577 : vector<1x1x16xf32> to vector<16xf32>
        %parallel_loop3A_579 = vector.shape_cast %parallel_loop3A_572 : vector<16xf32> to vector<1x1x16xf32>
        tpu.vector_store %arg12[%parallel_loop3A_574, %parallel_loop3A_575, %parallel_loop3A_576], %parallel_loop3A_579 {strides = array<i32>} : memref<2x64x144xf32, #tpu.memory_space<vmem>>, vector<1x1x16xf32>,
      } {sc.loop_unroll_factor = 4 : i64, sc.parallel_access}
      %dma_start3A_229 = arith.constant 0 : i32
      %dma_start3A_230 = arith.constant 0 : i32
      %dma_start3A_231 = arith.constant 0 : i32
      %dma_start3A_232 = arith.constant 0 : i32
      %dma_start3A_233 = tpu.memref_slice %arg12[%dma_start3A_229, %dma_start3A_231, %dma_start3A_232] : memref<2x64x144xf32, #tpu.memory_space<vmem>> -> memref<1x64x144xf32, #tpu.memory_space<vmem>>
      %dma_start3A_234 = tpu.memref_squeeze %dma_start3A_233 : memref<1x64x144xf32, #tpu.memory_space<vmem>> -> memref<64x144xf32, #tpu.memory_space<vmem>>
      %dma_start3A_235 = arith.constant 0 : i32
      %dma_start3A_236 = tpu.memref_slice %arg9[%dma_start3A_230, %dma_start3A_235] : memref<4x64xi32, #tpu.memory_space<vmem>> -> memref<1x64xi32, #tpu.memory_space<vmem>>
      %dma_start3A_237 = tpu.memref_squeeze %dma_start3A_236 : memref<1x64xi32, #tpu.memory_space<vmem>> -> memref<64xi32, #tpu.memory_space<vmem>>
      %dma_start3A_238 = arith.constant 0 : i32
      %dma_start3A_239 = arith.constant 0 : i32
      %dma_start3A_240 = tpu.memref_slice %arg7[%dma_start3A_238, %dma_start3A_239] : memref<10016x144xf32, #tpu.memory_space<vmem_shared>> -> memref<10016x144xf32, #tpu.memory_space<vmem_shared>>
      tpu.enqueue_indirect_dma source(%dma_start3A_234 : memref<64x144xf32, #tpu.memory_space<vmem>>) target(%dma_start3A_240 : memref<10016x144xf32, #tpu.memory_space<vmem_shared>>) offsets(%dma_start3A_237 : memref<64xi32, #tpu.memory_space<vmem>>) semaphore(%arg19 : memref<!tpu.dma_semaphore, #tpu.memory_space<semaphore_mem>>) {add = true}
      %mul3A_241 = arith.constant 4 : i32
      %mul3A_242 = arith.muli %scan3A_183, %mul3A_241 : i32
      %add3A_243 = arith.constant 1 : i32
      %add3A_244 = arith.addi %mul3A_242, %add3A_243 : i32
      %dma_wait3A_245 = arith.constant 1 : i32
      %dma_wait3A_246 = arith.constant 1 : i32
      %dma_wait3A_247 = arith.constant 0 : i32
      %dma_wait3A_248 = arith.constant 0 : i32
      %dma_wait3A_249 = tpu.memref_slice %arg10[%dma_wait3A_246, %dma_wait3A_247, %dma_wait3A_248] : memref<2x64x144xf32, #tpu.memory_space<vmem>> -> memref<1x64x144xf32, #tpu.memory_space<vmem>>
      %dma_wait3A_250 = tpu.memref_squeeze %dma_wait3A_249 : memref<1x64x144xf32, #tpu.memory_space<vmem>> -> memref<64x144xf32, #tpu.memory_space<vmem>>
      %dma_wait3A_251 = arith.constant 0 : i32
      %dma_wait3A_252 = tpu.memref_slice %arg8[%dma_wait3A_245, %dma_wait3A_251] : memref<4x64xi32, #tpu.memory_space<vmem>> -> memref<1x64xi32, #tpu.memory_space<vmem>>
      %dma_wait3A_253 = tpu.memref_squeeze %dma_wait3A_252 : memref<1x64xi32, #tpu.memory_space<vmem>> -> memref<64xi32, #tpu.memory_space<vmem>>
      %dma_wait3A_254 = arith.constant 0 : i32
      %dma_wait3A_255 = arith.constant 0 : i32
      %dma_wait3A_256 = tpu.memref_slice %arg2[%dma_wait3A_254, %dma_wait3A_255] : memref<10240x144xf32, #tpu.memory_space<hbm>> -> memref<10240x144xf32, #tpu.memory_space<hbm>>
      tpu.wait_indirect_dma semaphore(%arg18 : memref<!tpu.dma_semaphore, #tpu.memory_space<semaphore_mem>>) src(%dma_wait3A_256 : memref<10240x144xf32, #tpu.memory_space<hbm>>) dst(%dma_wait3A_250 : memref<64x144xf32, #tpu.memory_space<vmem>>)
      %dma_wait3A_257 = arith.constant 1 : i32
      %dma_wait3A_258 = arith.constant 1 : i32
      %dma_wait3A_259 = arith.constant 0 : i32
      %dma_wait3A_260 = arith.constant 0 : i32
      %dma_wait3A_261 = tpu.memref_slice %arg11[%dma_wait3A_258, %dma_wait3A_259, %dma_wait3A_260] : memref<2x64x16xf32, #tpu.memory_space<vmem>> -> memref<1x64x16xf32, #tpu.memory_space<vmem>>
      %dma_wait3A_262 = tpu.memref_squeeze %dma_wait3A_261 : memref<1x64x16xf32, #tpu.memory_space<vmem>> -> memref<64x16xf32, #tpu.memory_space<vmem>>
      %dma_wait3A_263 = arith.constant 0 : i32
      %dma_wait3A_264 = tpu.memref_slice %arg9[%dma_wait3A_257, %dma_wait3A_263] : memref<4x64xi32, #tpu.memory_space<vmem>> -> memref<1x64xi32, #tpu.memory_space<vmem>>
      %dma_wait3A_265 = tpu.memref_squeeze %dma_wait3A_264 : memref<1x64xi32, #tpu.memory_space<vmem>> -> memref<64xi32, #tpu.memory_space<vmem>>
      %dma_wait3A_266 = arith.constant 0 : i32
      %dma_wait3A_267 = arith.constant 0 : i32
      %dma_wait3A_268 = tpu.memref_slice %arg3[%dma_wait3A_266, %dma_wait3A_267] : memref<10240x16xf32, #tpu.memory_space<hbm>> -> memref<10240x16xf32, #tpu.memory_space<hbm>>
      tpu.wait_indirect_dma semaphore(%arg18 : memref<!tpu.dma_semaphore, #tpu.memory_space<semaphore_mem>>) src(%dma_wait3A_268 : memref<10240x16xf32, #tpu.memory_space<hbm>>) dst(%dma_wait3A_262 : memref<64x16xf32, #tpu.memory_space<vmem>>)
      %ge3A_269 = arith.constant 2 : i32
      %ge3A_270 = arith.cmpi sge, %add3A_244, %ge3A_269 : i32
      %convert_element_type3A_271 = arith.extui %ge3A_270 : i1 to i32
      %cond3A_272 = arith.constant 0 : i32
      %cond3A_273 = arith.cmpi ne, %convert_element_type3A_271, %cond3A_272 : i32
      scf.if %cond3A_273 {
        %dma_wait3A_427 = arith.constant 1 : i32
        %dma_wait3A_428 = arith.constant 3 : i32
        %dma_wait3A_429 = arith.constant 0 : i32
        %dma_wait3A_430 = arith.constant 0 : i32
        %dma_wait3A_431 = tpu.memref_slice %arg12[%dma_wait3A_427, %dma_wait3A_429, %dma_wait3A_430] : memref<2x64x144xf32, #tpu.memory_space<vmem>> -> memref<1x64x144xf32, #tpu.memory_space<vmem>>
        %dma_wait3A_432 = tpu.memref_squeeze %dma_wait3A_431 : memref<1x64x144xf32, #tpu.memory_space<vmem>> -> memref<64x144xf32, #tpu.memory_space<vmem>>
        %dma_wait3A_433 = arith.constant 0 : i32
        %dma_wait3A_434 = tpu.memref_slice %arg9[%dma_wait3A_428, %dma_wait3A_433] : memref<4x64xi32, #tpu.memory_space<vmem>> -> memref<1x64xi32, #tpu.memory_space<vmem>>
        %dma_wait3A_435 = tpu.memref_squeeze %dma_wait3A_434 : memref<1x64xi32, #tpu.memory_space<vmem>> -> memref<64xi32, #tpu.memory_space<vmem>>
        %dma_wait3A_436 = arith.constant 0 : i32
        %dma_wait3A_437 = arith.constant 0 : i32
        %dma_wait3A_438 = tpu.memref_slice %arg7[%dma_wait3A_436, %dma_wait3A_437] : memref<10016x144xf32, #tpu.memory_space<vmem_shared>> -> memref<10016x144xf32, #tpu.memory_space<vmem_shared>>
        tpu.wait_indirect_dma semaphore(%arg20 : memref<!tpu.dma_semaphore, #tpu.memory_space<semaphore_mem>>) src(%dma_wait3A_432 : memref<64x144xf32, #tpu.memory_space<vmem>>) dst(%dma_wait3A_438 : memref<10016x144xf32, #tpu.memory_space<vmem_shared>>)
      } else {
      }
      %add3A_274 = arith.constant 2 : i32
      %add3A_275 = arith.addi %add3A_244, %add3A_274 : i32
      %lt3A_276 = arith.constant 164 : i32
      %lt3A_277 = arith.cmpi slt, %add3A_275, %lt3A_276 : i32
      %convert_element_type3A_278 = arith.extui %lt3A_277 : i1 to i32
      %cond3A_279 = arith.constant 0 : i32
      %cond3A_280 = arith.cmpi ne, %convert_element_type3A_278, %cond3A_279 : i32
      scf.if %cond3A_280 {
        %add3A_427 = arith.constant 2 : i32
        %add3A_428 = arith.addi %add3A_244, %add3A_427 : i32
        %add3A_429 = arith.addi %mul3A_39, %add3A_428 : i32
        %dma_start3A_430 = arith.constant 3 : i32
        %dma_start3A_431 = arith.constant 0 : i32
        %dma_start3A_432 = tpu.memref_slice %arg8[%dma_start3A_430, %dma_start3A_431] : memref<4x64xi32, #tpu.memory_space<vmem>> -> memref<1x64xi32, #tpu.memory_space<vmem>>
        %dma_start3A_433 = tpu.memref_squeeze %dma_start3A_432 : memref<1x64xi32, #tpu.memory_space<vmem>> -> memref<64xi32, #tpu.memory_space<vmem>>
        %dma_start3A_434 = arith.constant 0 : i32
        %dma_start3A_435 = tpu.memref_slice %arg4[%add3A_429, %dma_start3A_434] : memref<5248x64xi32, #tpu.memory_space<hbm>> -> memref<1x64xi32, #tpu.memory_space<hbm>>
        %dma_start3A_436 = tpu.memref_squeeze %dma_start3A_435 : memref<1x64xi32, #tpu.memory_space<hbm>> -> memref<64xi32, #tpu.memory_space<hbm>>
        %dma_start3A_437 = arith.constant 0 : i32
        %dma_start3A_438 = tpu.memref_slice %arg8[%dma_start3A_430, %dma_start3A_437] : memref<4x64xi32, #tpu.memory_space<vmem>> -> memref<1x64xi32, #tpu.memory_space<vmem>>
        %dma_start3A_439 = tpu.memref_squeeze %dma_start3A_438 : memref<1x64xi32, #tpu.memory_space<vmem>> -> memref<64xi32, #tpu.memory_space<vmem>>
        %dma_start3A_440 = arith.constant 0 : i32
        %dma_start3A_441 = tpu.memref_slice %arg4[%add3A_429, %dma_start3A_440] : memref<5248x64xi32, #tpu.memory_space<hbm>> -> memref<1x64xi32, #tpu.memory_space<hbm>>
        %dma_start3A_442 = tpu.memref_squeeze %dma_start3A_441 : memref<1x64xi32, #tpu.memory_space<hbm>> -> memref<64xi32, #tpu.memory_space<hbm>>
        tpu.enqueue_dma source(%dma_start3A_442 : memref<64xi32, #tpu.memory_space<hbm>>) target(%dma_start3A_439 : memref<64xi32, #tpu.memory_space<vmem>>) target_semaphore(%arg16 : memref<!tpu.dma_semaphore, #tpu.memory_space<semaphore_mem>>)
        %add3A_443 = arith.addi %mul3A_39, %add3A_428 : i32
        %dma_start3A_444 = arith.constant 3 : i32
        %dma_start3A_445 = arith.constant 0 : i32
        %dma_start3A_446 = tpu.memref_slice %arg9[%dma_start3A_444, %dma_start3A_445] : memref<4x64xi32, #tpu.memory_space<vmem>> -> memref<1x64xi32, #tpu.memory_space<vmem>>
        %dma_start3A_447 = tpu.memref_squeeze %dma_start3A_446 : memref<1x64xi32, #tpu.memory_space<vmem>> -> memref<64xi32, #tpu.memory_space<vmem>>
        %dma_start3A_448 = arith.constant 0 : i32
        %dma_start3A_449 = tpu.memref_slice %arg5[%add3A_443, %dma_start3A_448] : memref<5248x64xi32, #tpu.memory_space<hbm>> -> memref<1x64xi32, #tpu.memory_space<hbm>>
        %dma_start3A_450 = tpu.memref_squeeze %dma_start3A_449 : memref<1x64xi32, #tpu.memory_space<hbm>> -> memref<64xi32, #tpu.memory_space<hbm>>
        %dma_start3A_451 = arith.constant 0 : i32
        %dma_start3A_452 = tpu.memref_slice %arg9[%dma_start3A_444, %dma_start3A_451] : memref<4x64xi32, #tpu.memory_space<vmem>> -> memref<1x64xi32, #tpu.memory_space<vmem>>
        %dma_start3A_453 = tpu.memref_squeeze %dma_start3A_452 : memref<1x64xi32, #tpu.memory_space<vmem>> -> memref<64xi32, #tpu.memory_space<vmem>>
        %dma_start3A_454 = arith.constant 0 : i32
        %dma_start3A_455 = tpu.memref_slice %arg5[%add3A_443, %dma_start3A_454] : memref<5248x64xi32, #tpu.memory_space<hbm>> -> memref<1x64xi32, #tpu.memory_space<hbm>>
        %dma_start3A_456 = tpu.memref_squeeze %dma_start3A_455 : memref<1x64xi32, #tpu.memory_space<hbm>> -> memref<64xi32, #tpu.memory_space<hbm>>
        tpu.enqueue_dma source(%dma_start3A_456 : memref<64xi32, #tpu.memory_space<hbm>>) target(%dma_start3A_453 : memref<64xi32, #tpu.memory_space<vmem>>) target_semaphore(%arg16 : memref<!tpu.dma_semaphore, #tpu.memory_space<semaphore_mem>>)
      } else {
      }
      %add3A_281 = arith.constant 1 : i32
      %add3A_282 = arith.addi %add3A_244, %add3A_281 : i32
      %lt3A_283 = arith.constant 164 : i32
      %lt3A_284 = arith.cmpi slt, %add3A_282, %lt3A_283 : i32
      %convert_element_type3A_285 = arith.extui %lt3A_284 : i1 to i32
      %cond3A_286 = arith.constant 0 : i32
      %cond3A_287 = arith.cmpi ne, %convert_element_type3A_285, %cond3A_286 : i32
      scf.if %cond3A_287 {
        %add3A_427 = arith.constant 1 : i32
        %add3A_428 = arith.addi %add3A_244, %add3A_427 : i32
        %add3A_429 = arith.addi %mul3A_39, %add3A_428 : i32
        %dma_wait3A_430 = arith.constant 2 : i32
        %dma_wait3A_431 = arith.constant 0 : i32
        %dma_wait3A_432 = tpu.memref_slice %arg8[%dma_wait3A_430, %dma_wait3A_431] : memref<4x64xi32, #tpu.memory_space<vmem>> -> memref<1x64xi32, #tpu.memory_space<vmem>>
        %dma_wait3A_433 = tpu.memref_squeeze %dma_wait3A_432 : memref<1x64xi32, #tpu.memory_space<vmem>> -> memref<64xi32, #tpu.memory_space<vmem>>
        %dma_wait3A_434 = arith.constant 0 : i32
        %dma_wait3A_435 = tpu.memref_slice %arg4[%add3A_429, %dma_wait3A_434] : memref<5248x64xi32, #tpu.memory_space<hbm>> -> memref<1x64xi32, #tpu.memory_space<hbm>>
        %dma_wait3A_436 = tpu.memref_squeeze %dma_wait3A_435 : memref<1x64xi32, #tpu.memory_space<hbm>> -> memref<64xi32, #tpu.memory_space<hbm>>
        %dma_wait3A_437 = arith.constant 0 : i32
        %dma_wait3A_438 = tpu.memref_slice %arg8[%dma_wait3A_430, %dma_wait3A_437] : memref<4x64xi32, #tpu.memory_space<vmem>> -> memref<1x64xi32, #tpu.memory_space<vmem>>
        %dma_wait3A_439 = tpu.memref_squeeze %dma_wait3A_438 : memref<1x64xi32, #tpu.memory_space<vmem>> -> memref<64xi32, #tpu.memory_space<vmem>>
        %dma_wait3A_440 = arith.constant 0 : i32
        %dma_wait3A_441 = tpu.memref_slice %arg4[%add3A_429, %dma_wait3A_440] : memref<5248x64xi32, #tpu.memory_space<hbm>> -> memref<1x64xi32, #tpu.memory_space<hbm>>
        %dma_wait3A_442 = tpu.memref_squeeze %dma_wait3A_441 : memref<1x64xi32, #tpu.memory_space<hbm>> -> memref<64xi32, #tpu.memory_space<hbm>>
        tpu.wait_dma2 semaphore(%arg15 : memref<!tpu.dma_semaphore, #tpu.memory_space<semaphore_mem>>) src(%dma_wait3A_442 : memref<64xi32, #tpu.memory_space<hbm>>) dst(%dma_wait3A_439 : memref<64xi32, #tpu.memory_space<vmem>>)
        %add3A_443 = arith.addi %mul3A_39, %add3A_428 : i32
        %dma_wait3A_444 = arith.constant 2 : i32
        %dma_wait3A_445 = arith.constant 0 : i32
        %dma_wait3A_446 = tpu.memref_slice %arg9[%dma_wait3A_444, %dma_wait3A_445] : memref<4x64xi32, #tpu.memory_space<vmem>> -> memref<1x64xi32, #tpu.memory_space<vmem>>
        %dma_wait3A_447 = tpu.memref_squeeze %dma_wait3A_446 : memref<1x64xi32, #tpu.memory_space<vmem>> -> memref<64xi32, #tpu.memory_space<vmem>>
        %dma_wait3A_448 = arith.constant 0 : i32
        %dma_wait3A_449 = tpu.memref_slice %arg5[%add3A_443, %dma_wait3A_448] : memref<5248x64xi32, #tpu.memory_space<hbm>> -> memref<1x64xi32, #tpu.memory_space<hbm>>
        %dma_wait3A_450 = tpu.memref_squeeze %dma_wait3A_449 : memref<1x64xi32, #tpu.memory_space<hbm>> -> memref<64xi32, #tpu.memory_space<hbm>>
        %dma_wait3A_451 = arith.constant 0 : i32
        %dma_wait3A_452 = tpu.memref_slice %arg9[%dma_wait3A_444, %dma_wait3A_451] : memref<4x64xi32, #tpu.memory_space<vmem>> -> memref<1x64xi32, #tpu.memory_space<vmem>>
        %dma_wait3A_453 = tpu.memref_squeeze %dma_wait3A_452 : memref<1x64xi32, #tpu.memory_space<vmem>> -> memref<64xi32, #tpu.memory_space<vmem>>
        %dma_wait3A_454 = arith.constant 0 : i32
        %dma_wait3A_455 = tpu.memref_slice %arg5[%add3A_443, %dma_wait3A_454] : memref<5248x64xi32, #tpu.memory_space<hbm>> -> memref<1x64xi32, #tpu.memory_space<hbm>>
        %dma_wait3A_456 = tpu.memref_squeeze %dma_wait3A_455 : memref<1x64xi32, #tpu.memory_space<hbm>> -> memref<64xi32, #tpu.memory_space<hbm>>
        tpu.wait_dma2 semaphore(%arg15 : memref<!tpu.dma_semaphore, #tpu.memory_space<semaphore_mem>>) src(%dma_wait3A_456 : memref<64xi32, #tpu.memory_space<hbm>>) dst(%dma_wait3A_453 : memref<64xi32, #tpu.memory_space<vmem>>)
        %dma_start3A_457 = arith.constant 2 : i32
        %dma_start3A_458 = arith.constant 0 : i32
        %dma_start3A_459 = arith.constant 0 : i32
        %dma_start3A_460 = arith.constant 0 : i32
        %dma_start3A_461 = tpu.memref_slice %arg10[%dma_start3A_458, %dma_start3A_459, %dma_start3A_460] : memref<2x64x144xf32, #tpu.memory_space<vmem>> -> memref<1x64x144xf32, #tpu.memory_space<vmem>>
        %dma_start3A_462 = tpu.memref_squeeze %dma_start3A_461 : memref<1x64x144xf32, #tpu.memory_space<vmem>> -> memref<64x144xf32, #tpu.memory_space<vmem>>
        %dma_start3A_463 = arith.constant 0 : i32
        %dma_start3A_464 = tpu.memref_slice %arg8[%dma_start3A_457, %dma_start3A_463] : memref<4x64xi32, #tpu.memory_space<vmem>> -> memref<1x64xi32, #tpu.memory_space<vmem>>
        %dma_start3A_465 = tpu.memref_squeeze %dma_start3A_464 : memref<1x64xi32, #tpu.memory_space<vmem>> -> memref<64xi32, #tpu.memory_space<vmem>>
        %dma_start3A_466 = arith.constant 0 : i32
        %dma_start3A_467 = arith.constant 0 : i32
        %dma_start3A_468 = tpu.memref_slice %arg2[%dma_start3A_466, %dma_start3A_467] : memref<10240x144xf32, #tpu.memory_space<hbm>> -> memref<10240x144xf32, #tpu.memory_space<hbm>>
        tpu.enqueue_indirect_dma source(%dma_start3A_468 : memref<10240x144xf32, #tpu.memory_space<hbm>>) target(%dma_start3A_462 : memref<64x144xf32, #tpu.memory_space<vmem>>) offsets(%dma_start3A_465 : memref<64xi32, #tpu.memory_space<vmem>>) semaphore(%arg17 : memref<!tpu.dma_semaphore, #tpu.memory_space<semaphore_mem>>)
        %dma_start3A_469 = arith.constant 2 : i32
        %dma_start3A_470 = arith.constant 0 : i32
        %dma_start3A_471 = arith.constant 0 : i32
        %dma_start3A_472 = arith.constant 0 : i32
        %dma_start3A_473 = tpu.memref_slice %arg11[%dma_start3A_470, %dma_start3A_471, %dma_start3A_472] : memref<2x64x16xf32, #tpu.memory_space<vmem>> -> memref<1x64x16xf32, #tpu.memory_space<vmem>>
        %dma_start3A_474 = tpu.memref_squeeze %dma_start3A_473 : memref<1x64x16xf32, #tpu.memory_space<vmem>> -> memref<64x16xf32, #tpu.memory_space<vmem>>
        %dma_start3A_475 = arith.constant 0 : i32
        %dma_start3A_476 = tpu.memref_slice %arg9[%dma_start3A_469, %dma_start3A_475] : memref<4x64xi32, #tpu.memory_space<vmem>> -> memref<1x64xi32, #tpu.memory_space<vmem>>
        %dma_start3A_477 = tpu.memref_squeeze %dma_start3A_476 : memref<1x64xi32, #tpu.memory_space<vmem>> -> memref<64xi32, #tpu.memory_space<vmem>>
        %dma_start3A_478 = arith.constant 0 : i32
        %dma_start3A_479 = arith.constant 0 : i32
        %dma_start3A_480 = tpu.memref_slice %arg3[%dma_start3A_478, %dma_start3A_479] : memref<10240x16xf32, #tpu.memory_space<hbm>> -> memref<10240x16xf32, #tpu.memory_space<hbm>>
        tpu.enqueue_indirect_dma source(%dma_start3A_480 : memref<10240x16xf32, #tpu.memory_space<hbm>>) target(%dma_start3A_474 : memref<64x16xf32, #tpu.memory_space<vmem>>) offsets(%dma_start3A_477 : memref<64xi32, #tpu.memory_space<vmem>>) semaphore(%arg17 : memref<!tpu.dma_semaphore, #tpu.memory_space<semaphore_mem>>)
      } else {
      }
      %parallel_loop3A_288 = arith.constant 0 : i32
      %parallel_loop3A_289 = arith.constant 64 : i32
      %parallel_loop3A_290 = arith.constant 1 : i32
      scf.for %parallel_loop3A_427 = %parallel_loop3A_288 to %parallel_loop3A_289 step %parallel_loop3A_290  : i32 {
        %parallel_loop3A_428 = arith.constant 1 : i32
        %parallel_loop3A_429 = arith.index_cast %parallel_loop3A_428 : i32 to index
        %parallel_loop3A_430 = arith.index_cast %parallel_loop3A_427 : i32 to index
        %parallel_loop3A_431 = arith.constant 128 : index
        %parallel_loop3A_432 = tpu.vector_load %arg10[%parallel_loop3A_429, %parallel_loop3A_430, %parallel_loop3A_431] {strides = array<i32>} : memref<2x64x144xf32, #tpu.memory_space<vmem>>, vector<1x1x16xf32>,
        %parallel_loop3A_433 = vector.shape_cast %parallel_loop3A_432 : vector<1x1x16xf32> to vector<16xf32>
        %parallel_loop3A_434 = arith.constant 1 : i32
        %parallel_loop3A_435 = arith.index_cast %parallel_loop3A_434 : i32 to index
        %parallel_loop3A_436 = arith.index_cast %parallel_loop3A_427 : i32 to index
        %parallel_loop3A_437 = arith.constant 0 : index
        %parallel_loop3A_438 = tpu.vector_load %arg11[%parallel_loop3A_435, %parallel_loop3A_436, %parallel_loop3A_437] {strides = array<i32>} : memref<2x64x16xf32, #tpu.memory_space<vmem>>, vector<1x1x16xf32>,
        %parallel_loop3A_439 = vector.shape_cast %parallel_loop3A_438 : vector<1x1x16xf32> to vector<16xf32>
        %parallel_loop3A_440 = arith.addf %parallel_loop3A_433, %parallel_loop3A_439 : vector<16xf32>
        %parallel_loop3A_441 = arith.constant 0.000000e+00 : f32
        %parallel_loop3A_442 = vector.broadcast %parallel_loop3A_441 : f32 to vector<16xf32>
        %parallel_loop3A_443 = arith.cmpf olt, %parallel_loop3A_440, %parallel_loop3A_442 : vector<16xf32>
        %parallel_loop3A_444 = arith.constant 2.000000e-01 : f32
        %parallel_loop3A_445 = vector.broadcast %parallel_loop3A_444 : f32 to vector<16xf32>
        %parallel_loop3A_446 = arith.mulf %parallel_loop3A_440, %parallel_loop3A_445 : vector<16xf32>
        %parallel_loop3A_447 = arith.select %parallel_loop3A_443, %parallel_loop3A_446, %parallel_loop3A_440 : vector<16xi1>, vector<16xf32>
        %parallel_loop3A_448 = math.exp %parallel_loop3A_447 : vector<16xf32>
        %parallel_loop3A_449 = arith.constant 1 : i32
        %parallel_loop3A_450 = arith.index_cast %parallel_loop3A_449 : i32 to index
        %parallel_loop3A_451 = arith.index_cast %parallel_loop3A_427 : i32 to index
        %parallel_loop3A_452 = arith.constant 128 : index
        %parallel_loop3A_453 = tpu.vector_load %arg12[%parallel_loop3A_450, %parallel_loop3A_451, %parallel_loop3A_452] {strides = array<i32>} : memref<2x64x144xf32, #tpu.memory_space<vmem>>, vector<1x1x16xf32>,
        %parallel_loop3A_454 = vector.shape_cast %parallel_loop3A_453 : vector<1x1x16xf32> to vector<16xf32>
        %parallel_loop3A_455 = vector.shape_cast %parallel_loop3A_448 : vector<16xf32> to vector<1x1x16xf32>
        tpu.vector_store %arg12[%parallel_loop3A_450, %parallel_loop3A_451, %parallel_loop3A_452], %parallel_loop3A_455 {strides = array<i32>} : memref<2x64x144xf32, #tpu.memory_space<vmem>>, vector<1x1x16xf32>,
        %parallel_loop3A_456 = vector.extract_strided_slice %parallel_loop3A_448 {offsets = [0], sizes = [1], strides = [1]} : vector<16xf32> to vector<1xf32>
        %parallel_loop3A_457 = vector.shape_cast %parallel_loop3A_456 : vector<1xf32> to vector<1xf32>
        %parallel_loop3A_458 = vector.broadcast %parallel_loop3A_457 : vector<1xf32> to vector<16xf32>
        %parallel_loop3A_459 = arith.constant 1 : i32
        %parallel_loop3A_460 = arith.index_cast %parallel_loop3A_459 : i32 to index
        %parallel_loop3A_461 = arith.index_cast %parallel_loop3A_427 : i32 to index
        %parallel_loop3A_462 = arith.constant 0 : index
        %parallel_loop3A_463 = tpu.vector_load %arg10[%parallel_loop3A_460, %parallel_loop3A_461, %parallel_loop3A_462] {strides = array<i32>} : memref<2x64x144xf32, #tpu.memory_space<vmem>>, vector<1x1x16xf32>,
        %parallel_loop3A_464 = vector.shape_cast %parallel_loop3A_463 : vector<1x1x16xf32> to vector<16xf32>
        %parallel_loop3A_465 = arith.mulf %parallel_loop3A_464, %parallel_loop3A_458 : vector<16xf32>
        %parallel_loop3A_466 = arith.constant 1 : i32
        %parallel_loop3A_467 = arith.index_cast %parallel_loop3A_466 : i32 to index
        %parallel_loop3A_468 = arith.index_cast %parallel_loop3A_427 : i32 to index
        %parallel_loop3A_469 = arith.constant 0 : index
        %parallel_loop3A_470 = tpu.vector_load %arg12[%parallel_loop3A_467, %parallel_loop3A_468, %parallel_loop3A_469] {strides = array<i32>} : memref<2x64x144xf32, #tpu.memory_space<vmem>>, vector<1x1x16xf32>,
        %parallel_loop3A_471 = vector.shape_cast %parallel_loop3A_470 : vector<1x1x16xf32> to vector<16xf32>
        %parallel_loop3A_472 = vector.shape_cast %parallel_loop3A_465 : vector<16xf32> to vector<1x1x16xf32>
        tpu.vector_store %arg12[%parallel_loop3A_467, %parallel_loop3A_468, %parallel_loop3A_469], %parallel_loop3A_472 {strides = array<i32>} : memref<2x64x144xf32, #tpu.memory_space<vmem>>, vector<1x1x16xf32>,
        %parallel_loop3A_473 = arith.constant 1 : i32
        %parallel_loop3A_474 = arith.index_cast %parallel_loop3A_473 : i32 to index
        %parallel_loop3A_475 = arith.index_cast %parallel_loop3A_427 : i32 to index
        %parallel_loop3A_476 = arith.constant 16 : index
        %parallel_loop3A_477 = tpu.vector_load %arg10[%parallel_loop3A_474, %parallel_loop3A_475, %parallel_loop3A_476] {strides = array<i32>} : memref<2x64x144xf32, #tpu.memory_space<vmem>>, vector<1x1x16xf32>,
        %parallel_loop3A_478 = vector.shape_cast %parallel_loop3A_477 : vector<1x1x16xf32> to vector<16xf32>
        %parallel_loop3A_479 = arith.mulf %parallel_loop3A_478, %parallel_loop3A_458 : vector<16xf32>
        %parallel_loop3A_480 = arith.constant 1 : i32
        %parallel_loop3A_481 = arith.index_cast %parallel_loop3A_480 : i32 to index
        %parallel_loop3A_482 = arith.index_cast %parallel_loop3A_427 : i32 to index
        %parallel_loop3A_483 = arith.constant 16 : index
        %parallel_loop3A_484 = tpu.vector_load %arg12[%parallel_loop3A_481, %parallel_loop3A_482, %parallel_loop3A_483] {strides = array<i32>} : memref<2x64x144xf32, #tpu.memory_space<vmem>>, vector<1x1x16xf32>,
        %parallel_loop3A_485 = vector.shape_cast %parallel_loop3A_484 : vector<1x1x16xf32> to vector<16xf32>
        %parallel_loop3A_486 = vector.shape_cast %parallel_loop3A_479 : vector<16xf32> to vector<1x1x16xf32>
        tpu.vector_store %arg12[%parallel_loop3A_481, %parallel_loop3A_482, %parallel_loop3A_483], %parallel_loop3A_486 {strides = array<i32>} : memref<2x64x144xf32, #tpu.memory_space<vmem>>, vector<1x1x16xf32>,
        %parallel_loop3A_487 = vector.extract_strided_slice %parallel_loop3A_448 {offsets = [1], sizes = [1], strides = [1]} : vector<16xf32> to vector<1xf32>
        %parallel_loop3A_488 = vector.shape_cast %parallel_loop3A_487 : vector<1xf32> to vector<1xf32>
        %parallel_loop3A_489 = vector.broadcast %parallel_loop3A_488 : vector<1xf32> to vector<16xf32>
        %parallel_loop3A_490 = arith.constant 1 : i32
        %parallel_loop3A_491 = arith.index_cast %parallel_loop3A_490 : i32 to index
        %parallel_loop3A_492 = arith.index_cast %parallel_loop3A_427 : i32 to index
        %parallel_loop3A_493 = arith.constant 32 : index
        %parallel_loop3A_494 = tpu.vector_load %arg10[%parallel_loop3A_491, %parallel_loop3A_492, %parallel_loop3A_493] {strides = array<i32>} : memref<2x64x144xf32, #tpu.memory_space<vmem>>, vector<1x1x16xf32>,
        %parallel_loop3A_495 = vector.shape_cast %parallel_loop3A_494 : vector<1x1x16xf32> to vector<16xf32>
        %parallel_loop3A_496 = arith.mulf %parallel_loop3A_495, %parallel_loop3A_489 : vector<16xf32>
        %parallel_loop3A_497 = arith.constant 1 : i32
        %parallel_loop3A_498 = arith.index_cast %parallel_loop3A_497 : i32 to index
        %parallel_loop3A_499 = arith.index_cast %parallel_loop3A_427 : i32 to index
        %parallel_loop3A_500 = arith.constant 32 : index
        %parallel_loop3A_501 = tpu.vector_load %arg12[%parallel_loop3A_498, %parallel_loop3A_499, %parallel_loop3A_500] {strides = array<i32>} : memref<2x64x144xf32, #tpu.memory_space<vmem>>, vector<1x1x16xf32>,
        %parallel_loop3A_502 = vector.shape_cast %parallel_loop3A_501 : vector<1x1x16xf32> to vector<16xf32>
        %parallel_loop3A_503 = vector.shape_cast %parallel_loop3A_496 : vector<16xf32> to vector<1x1x16xf32>
        tpu.vector_store %arg12[%parallel_loop3A_498, %parallel_loop3A_499, %parallel_loop3A_500], %parallel_loop3A_503 {strides = array<i32>} : memref<2x64x144xf32, #tpu.memory_space<vmem>>, vector<1x1x16xf32>,
        %parallel_loop3A_504 = arith.constant 1 : i32
        %parallel_loop3A_505 = arith.index_cast %parallel_loop3A_504 : i32 to index
        %parallel_loop3A_506 = arith.index_cast %parallel_loop3A_427 : i32 to index
        %parallel_loop3A_507 = arith.constant 48 : index
        %parallel_loop3A_508 = tpu.vector_load %arg10[%parallel_loop3A_505, %parallel_loop3A_506, %parallel_loop3A_507] {strides = array<i32>} : memref<2x64x144xf32, #tpu.memory_space<vmem>>, vector<1x1x16xf32>,
        %parallel_loop3A_509 = vector.shape_cast %parallel_loop3A_508 : vector<1x1x16xf32> to vector<16xf32>
        %parallel_loop3A_510 = arith.mulf %parallel_loop3A_509, %parallel_loop3A_489 : vector<16xf32>
        %parallel_loop3A_511 = arith.constant 1 : i32
        %parallel_loop3A_512 = arith.index_cast %parallel_loop3A_511 : i32 to index
        %parallel_loop3A_513 = arith.index_cast %parallel_loop3A_427 : i32 to index
        %parallel_loop3A_514 = arith.constant 48 : index
        %parallel_loop3A_515 = tpu.vector_load %arg12[%parallel_loop3A_512, %parallel_loop3A_513, %parallel_loop3A_514] {strides = array<i32>} : memref<2x64x144xf32, #tpu.memory_space<vmem>>, vector<1x1x16xf32>,
        %parallel_loop3A_516 = vector.shape_cast %parallel_loop3A_515 : vector<1x1x16xf32> to vector<16xf32>
        %parallel_loop3A_517 = vector.shape_cast %parallel_loop3A_510 : vector<16xf32> to vector<1x1x16xf32>
        tpu.vector_store %arg12[%parallel_loop3A_512, %parallel_loop3A_513, %parallel_loop3A_514], %parallel_loop3A_517 {strides = array<i32>} : memref<2x64x144xf32, #tpu.memory_space<vmem>>, vector<1x1x16xf32>,
        %parallel_loop3A_518 = vector.extract_strided_slice %parallel_loop3A_448 {offsets = [2], sizes = [1], strides = [1]} : vector<16xf32> to vector<1xf32>
        %parallel_loop3A_519 = vector.shape_cast %parallel_loop3A_518 : vector<1xf32> to vector<1xf32>
        %parallel_loop3A_520 = vector.broadcast %parallel_loop3A_519 : vector<1xf32> to vector<16xf32>
        %parallel_loop3A_521 = arith.constant 1 : i32
        %parallel_loop3A_522 = arith.index_cast %parallel_loop3A_521 : i32 to index
        %parallel_loop3A_523 = arith.index_cast %parallel_loop3A_427 : i32 to index
        %parallel_loop3A_524 = arith.constant 64 : index
        %parallel_loop3A_525 = tpu.vector_load %arg10[%parallel_loop3A_522, %parallel_loop3A_523, %parallel_loop3A_524] {strides = array<i32>} : memref<2x64x144xf32, #tpu.memory_space<vmem>>, vector<1x1x16xf32>,
        %parallel_loop3A_526 = vector.shape_cast %parallel_loop3A_525 : vector<1x1x16xf32> to vector<16xf32>
        %parallel_loop3A_527 = arith.mulf %parallel_loop3A_526, %parallel_loop3A_520 : vector<16xf32>
        %parallel_loop3A_528 = arith.constant 1 : i32
        %parallel_loop3A_529 = arith.index_cast %parallel_loop3A_528 : i32 to index
        %parallel_loop3A_530 = arith.index_cast %parallel_loop3A_427 : i32 to index
        %parallel_loop3A_531 = arith.constant 64 : index
        %parallel_loop3A_532 = tpu.vector_load %arg12[%parallel_loop3A_529, %parallel_loop3A_530, %parallel_loop3A_531] {strides = array<i32>} : memref<2x64x144xf32, #tpu.memory_space<vmem>>, vector<1x1x16xf32>,
        %parallel_loop3A_533 = vector.shape_cast %parallel_loop3A_532 : vector<1x1x16xf32> to vector<16xf32>
        %parallel_loop3A_534 = vector.shape_cast %parallel_loop3A_527 : vector<16xf32> to vector<1x1x16xf32>
        tpu.vector_store %arg12[%parallel_loop3A_529, %parallel_loop3A_530, %parallel_loop3A_531], %parallel_loop3A_534 {strides = array<i32>} : memref<2x64x144xf32, #tpu.memory_space<vmem>>, vector<1x1x16xf32>,
        %parallel_loop3A_535 = arith.constant 1 : i32
        %parallel_loop3A_536 = arith.index_cast %parallel_loop3A_535 : i32 to index
        %parallel_loop3A_537 = arith.index_cast %parallel_loop3A_427 : i32 to index
        %parallel_loop3A_538 = arith.constant 80 : index
        %parallel_loop3A_539 = tpu.vector_load %arg10[%parallel_loop3A_536, %parallel_loop3A_537, %parallel_loop3A_538] {strides = array<i32>} : memref<2x64x144xf32, #tpu.memory_space<vmem>>, vector<1x1x16xf32>,
        %parallel_loop3A_540 = vector.shape_cast %parallel_loop3A_539 : vector<1x1x16xf32> to vector<16xf32>
        %parallel_loop3A_541 = arith.mulf %parallel_loop3A_540, %parallel_loop3A_520 : vector<16xf32>
        %parallel_loop3A_542 = arith.constant 1 : i32
        %parallel_loop3A_543 = arith.index_cast %parallel_loop3A_542 : i32 to index
        %parallel_loop3A_544 = arith.index_cast %parallel_loop3A_427 : i32 to index
        %parallel_loop3A_545 = arith.constant 80 : index
        %parallel_loop3A_546 = tpu.vector_load %arg12[%parallel_loop3A_543, %parallel_loop3A_544, %parallel_loop3A_545] {strides = array<i32>} : memref<2x64x144xf32, #tpu.memory_space<vmem>>, vector<1x1x16xf32>,
        %parallel_loop3A_547 = vector.shape_cast %parallel_loop3A_546 : vector<1x1x16xf32> to vector<16xf32>
        %parallel_loop3A_548 = vector.shape_cast %parallel_loop3A_541 : vector<16xf32> to vector<1x1x16xf32>
        tpu.vector_store %arg12[%parallel_loop3A_543, %parallel_loop3A_544, %parallel_loop3A_545], %parallel_loop3A_548 {strides = array<i32>} : memref<2x64x144xf32, #tpu.memory_space<vmem>>, vector<1x1x16xf32>,
        %parallel_loop3A_549 = vector.extract_strided_slice %parallel_loop3A_448 {offsets = [3], sizes = [1], strides = [1]} : vector<16xf32> to vector<1xf32>
        %parallel_loop3A_550 = vector.shape_cast %parallel_loop3A_549 : vector<1xf32> to vector<1xf32>
        %parallel_loop3A_551 = vector.broadcast %parallel_loop3A_550 : vector<1xf32> to vector<16xf32>
        %parallel_loop3A_552 = arith.constant 1 : i32
        %parallel_loop3A_553 = arith.index_cast %parallel_loop3A_552 : i32 to index
        %parallel_loop3A_554 = arith.index_cast %parallel_loop3A_427 : i32 to index
        %parallel_loop3A_555 = arith.constant 96 : index
        %parallel_loop3A_556 = tpu.vector_load %arg10[%parallel_loop3A_553, %parallel_loop3A_554, %parallel_loop3A_555] {strides = array<i32>} : memref<2x64x144xf32, #tpu.memory_space<vmem>>, vector<1x1x16xf32>,
        %parallel_loop3A_557 = vector.shape_cast %parallel_loop3A_556 : vector<1x1x16xf32> to vector<16xf32>
        %parallel_loop3A_558 = arith.mulf %parallel_loop3A_557, %parallel_loop3A_551 : vector<16xf32>
        %parallel_loop3A_559 = arith.constant 1 : i32
        %parallel_loop3A_560 = arith.index_cast %parallel_loop3A_559 : i32 to index
        %parallel_loop3A_561 = arith.index_cast %parallel_loop3A_427 : i32 to index
        %parallel_loop3A_562 = arith.constant 96 : index
        %parallel_loop3A_563 = tpu.vector_load %arg12[%parallel_loop3A_560, %parallel_loop3A_561, %parallel_loop3A_562] {strides = array<i32>} : memref<2x64x144xf32, #tpu.memory_space<vmem>>, vector<1x1x16xf32>,
        %parallel_loop3A_564 = vector.shape_cast %parallel_loop3A_563 : vector<1x1x16xf32> to vector<16xf32>
        %parallel_loop3A_565 = vector.shape_cast %parallel_loop3A_558 : vector<16xf32> to vector<1x1x16xf32>
        tpu.vector_store %arg12[%parallel_loop3A_560, %parallel_loop3A_561, %parallel_loop3A_562], %parallel_loop3A_565 {strides = array<i32>} : memref<2x64x144xf32, #tpu.memory_space<vmem>>, vector<1x1x16xf32>,
        %parallel_loop3A_566 = arith.constant 1 : i32
        %parallel_loop3A_567 = arith.index_cast %parallel_loop3A_566 : i32 to index
        %parallel_loop3A_568 = arith.index_cast %parallel_loop3A_427 : i32 to index
        %parallel_loop3A_569 = arith.constant 112 : index
        %parallel_loop3A_570 = tpu.vector_load %arg10[%parallel_loop3A_567, %parallel_loop3A_568, %parallel_loop3A_569] {strides = array<i32>} : memref<2x64x144xf32, #tpu.memory_space<vmem>>, vector<1x1x16xf32>,
        %parallel_loop3A_571 = vector.shape_cast %parallel_loop3A_570 : vector<1x1x16xf32> to vector<16xf32>
        %parallel_loop3A_572 = arith.mulf %parallel_loop3A_571, %parallel_loop3A_551 : vector<16xf32>
        %parallel_loop3A_573 = arith.constant 1 : i32
        %parallel_loop3A_574 = arith.index_cast %parallel_loop3A_573 : i32 to index
        %parallel_loop3A_575 = arith.index_cast %parallel_loop3A_427 : i32 to index
        %parallel_loop3A_576 = arith.constant 112 : index
        %parallel_loop3A_577 = tpu.vector_load %arg12[%parallel_loop3A_574, %parallel_loop3A_575, %parallel_loop3A_576] {strides = array<i32>} : memref<2x64x144xf32, #tpu.memory_space<vmem>>, vector<1x1x16xf32>,
        %parallel_loop3A_578 = vector.shape_cast %parallel_loop3A_577 : vector<1x1x16xf32> to vector<16xf32>
        %parallel_loop3A_579 = vector.shape_cast %parallel_loop3A_572 : vector<16xf32> to vector<1x1x16xf32>
        tpu.vector_store %arg12[%parallel_loop3A_574, %parallel_loop3A_575, %parallel_loop3A_576], %parallel_loop3A_579 {strides = array<i32>} : memref<2x64x144xf32, #tpu.memory_space<vmem>>, vector<1x1x16xf32>,
      } {sc.loop_unroll_factor = 4 : i64, sc.parallel_access}
      %dma_start3A_291 = arith.constant 1 : i32
      %dma_start3A_292 = arith.constant 1 : i32
      %dma_start3A_293 = arith.constant 0 : i32
      %dma_start3A_294 = arith.constant 0 : i32
      %dma_start3A_295 = tpu.memref_slice %arg12[%dma_start3A_291, %dma_start3A_293, %dma_start3A_294] : memref<2x64x144xf32, #tpu.memory_space<vmem>> -> memref<1x64x144xf32, #tpu.memory_space<vmem>>
      %dma_start3A_296 = tpu.memref_squeeze %dma_start3A_295 : memref<1x64x144xf32, #tpu.memory_space<vmem>> -> memref<64x144xf32, #tpu.memory_space<vmem>>
      %dma_start3A_297 = arith.constant 0 : i32
      %dma_start3A_298 = tpu.memref_slice %arg9[%dma_start3A_292, %dma_start3A_297] : memref<4x64xi32, #tpu.memory_space<vmem>> -> memref<1x64xi32, #tpu.memory_space<vmem>>
      %dma_start3A_299 = tpu.memref_squeeze %dma_start3A_298 : memref<1x64xi32, #tpu.memory_space<vmem>> -> memref<64xi32, #tpu.memory_space<vmem>>
      %dma_start3A_300 = arith.constant 0 : i32
      %dma_start3A_301 = arith.constant 0 : i32
      %dma_start3A_302 = tpu.memref_slice %arg7[%dma_start3A_300, %dma_start3A_301] : memref<10016x144xf32, #tpu.memory_space<vmem_shared>> -> memref<10016x144xf32, #tpu.memory_space<vmem_shared>>
      tpu.enqueue_indirect_dma source(%dma_start3A_296 : memref<64x144xf32, #tpu.memory_space<vmem>>) target(%dma_start3A_302 : memref<10016x144xf32, #tpu.memory_space<vmem_shared>>) offsets(%dma_start3A_299 : memref<64xi32, #tpu.memory_space<vmem>>) semaphore(%arg20 : memref<!tpu.dma_semaphore, #tpu.memory_space<semaphore_mem>>) {add = true}
      %mul3A_303 = arith.constant 4 : i32
      %mul3A_304 = arith.muli %scan3A_183, %mul3A_303 : i32
      %add3A_305 = arith.constant 2 : i32
      %add3A_306 = arith.addi %mul3A_304, %add3A_305 : i32
      %dma_wait3A_307 = arith.constant 2 : i32
      %dma_wait3A_308 = arith.constant 0 : i32
      %dma_wait3A_309 = arith.constant 0 : i32
      %dma_wait3A_310 = arith.constant 0 : i32
      %dma_wait3A_311 = tpu.memref_slice %arg10[%dma_wait3A_308, %dma_wait3A_309, %dma_wait3A_310] : memref<2x64x144xf32, #tpu.memory_space<vmem>> -> memref<1x64x144xf32, #tpu.memory_space<vmem>>
      %dma_wait3A_312 = tpu.memref_squeeze %dma_wait3A_311 : memref<1x64x144xf32, #tpu.memory_space<vmem>> -> memref<64x144xf32, #tpu.memory_space<vmem>>
      %dma_wait3A_313 = arith.constant 0 : i32
      %dma_wait3A_314 = tpu.memref_slice %arg8[%dma_wait3A_307, %dma_wait3A_313] : memref<4x64xi32, #tpu.memory_space<vmem>> -> memref<1x64xi32, #tpu.memory_space<vmem>>
      %dma_wait3A_315 = tpu.memref_squeeze %dma_wait3A_314 : memref<1x64xi32, #tpu.memory_space<vmem>> -> memref<64xi32, #tpu.memory_space<vmem>>
      %dma_wait3A_316 = arith.constant 0 : i32
      %dma_wait3A_317 = arith.constant 0 : i32
      %dma_wait3A_318 = tpu.memref_slice %arg2[%dma_wait3A_316, %dma_wait3A_317] : memref<10240x144xf32, #tpu.memory_space<hbm>> -> memref<10240x144xf32, #tpu.memory_space<hbm>>
      tpu.wait_indirect_dma semaphore(%arg17 : memref<!tpu.dma_semaphore, #tpu.memory_space<semaphore_mem>>) src(%dma_wait3A_318 : memref<10240x144xf32, #tpu.memory_space<hbm>>) dst(%dma_wait3A_312 : memref<64x144xf32, #tpu.memory_space<vmem>>)
      %dma_wait3A_319 = arith.constant 2 : i32
      %dma_wait3A_320 = arith.constant 0 : i32
      %dma_wait3A_321 = arith.constant 0 : i32
      %dma_wait3A_322 = arith.constant 0 : i32
      %dma_wait3A_323 = tpu.memref_slice %arg11[%dma_wait3A_320, %dma_wait3A_321, %dma_wait3A_322] : memref<2x64x16xf32, #tpu.memory_space<vmem>> -> memref<1x64x16xf32, #tpu.memory_space<vmem>>
      %dma_wait3A_324 = tpu.memref_squeeze %dma_wait3A_323 : memref<1x64x16xf32, #tpu.memory_space<vmem>> -> memref<64x16xf32, #tpu.memory_space<vmem>>
      %dma_wait3A_325 = arith.constant 0 : i32
      %dma_wait3A_326 = tpu.memref_slice %arg9[%dma_wait3A_319, %dma_wait3A_325] : memref<4x64xi32, #tpu.memory_space<vmem>> -> memref<1x64xi32, #tpu.memory_space<vmem>>
      %dma_wait3A_327 = tpu.memref_squeeze %dma_wait3A_326 : memref<1x64xi32, #tpu.memory_space<vmem>> -> memref<64xi32, #tpu.memory_space<vmem>>
      %dma_wait3A_328 = arith.constant 0 : i32
      %dma_wait3A_329 = arith.constant 0 : i32
      %dma_wait3A_330 = tpu.memref_slice %arg3[%dma_wait3A_328, %dma_wait3A_329] : memref<10240x16xf32, #tpu.memory_space<hbm>> -> memref<10240x16xf32, #tpu.memory_space<hbm>>
      tpu.wait_indirect_dma semaphore(%arg17 : memref<!tpu.dma_semaphore, #tpu.memory_space<semaphore_mem>>) src(%dma_wait3A_330 : memref<10240x16xf32, #tpu.memory_space<hbm>>) dst(%dma_wait3A_324 : memref<64x16xf32, #tpu.memory_space<vmem>>)
      %ge3A_331 = arith.constant 2 : i32
      %ge3A_332 = arith.cmpi sge, %add3A_306, %ge3A_331 : i32
      %convert_element_type3A_333 = arith.extui %ge3A_332 : i1 to i32
      %cond3A_334 = arith.constant 0 : i32
      %cond3A_335 = arith.cmpi ne, %convert_element_type3A_333, %cond3A_334 : i32
      scf.if %cond3A_335 {
        %dma_wait3A_427 = arith.constant 0 : i32
        %dma_wait3A_428 = arith.constant 0 : i32
        %dma_wait3A_429 = arith.constant 0 : i32
        %dma_wait3A_430 = arith.constant 0 : i32
        %dma_wait3A_431 = tpu.memref_slice %arg12[%dma_wait3A_427, %dma_wait3A_429, %dma_wait3A_430] : memref<2x64x144xf32, #tpu.memory_space<vmem>> -> memref<1x64x144xf32, #tpu.memory_space<vmem>>
        %dma_wait3A_432 = tpu.memref_squeeze %dma_wait3A_431 : memref<1x64x144xf32, #tpu.memory_space<vmem>> -> memref<64x144xf32, #tpu.memory_space<vmem>>
        %dma_wait3A_433 = arith.constant 0 : i32
        %dma_wait3A_434 = tpu.memref_slice %arg9[%dma_wait3A_428, %dma_wait3A_433] : memref<4x64xi32, #tpu.memory_space<vmem>> -> memref<1x64xi32, #tpu.memory_space<vmem>>
        %dma_wait3A_435 = tpu.memref_squeeze %dma_wait3A_434 : memref<1x64xi32, #tpu.memory_space<vmem>> -> memref<64xi32, #tpu.memory_space<vmem>>
        %dma_wait3A_436 = arith.constant 0 : i32
        %dma_wait3A_437 = arith.constant 0 : i32
        %dma_wait3A_438 = tpu.memref_slice %arg7[%dma_wait3A_436, %dma_wait3A_437] : memref<10016x144xf32, #tpu.memory_space<vmem_shared>> -> memref<10016x144xf32, #tpu.memory_space<vmem_shared>>
        tpu.wait_indirect_dma semaphore(%arg19 : memref<!tpu.dma_semaphore, #tpu.memory_space<semaphore_mem>>) src(%dma_wait3A_432 : memref<64x144xf32, #tpu.memory_space<vmem>>) dst(%dma_wait3A_438 : memref<10016x144xf32, #tpu.memory_space<vmem_shared>>)
      } else {
      }
      %add3A_336 = arith.constant 2 : i32
      %add3A_337 = arith.addi %add3A_306, %add3A_336 : i32
      %lt3A_338 = arith.constant 164 : i32
      %lt3A_339 = arith.cmpi slt, %add3A_337, %lt3A_338 : i32
      %convert_element_type3A_340 = arith.extui %lt3A_339 : i1 to i32
      %cond3A_341 = arith.constant 0 : i32
      %cond3A_342 = arith.cmpi ne, %convert_element_type3A_340, %cond3A_341 : i32
      scf.if %cond3A_342 {
        %add3A_427 = arith.constant 2 : i32
        %add3A_428 = arith.addi %add3A_306, %add3A_427 : i32
        %add3A_429 = arith.addi %mul3A_39, %add3A_428 : i32
        %dma_start3A_430 = arith.constant 0 : i32
        %dma_start3A_431 = arith.constant 0 : i32
        %dma_start3A_432 = tpu.memref_slice %arg8[%dma_start3A_430, %dma_start3A_431] : memref<4x64xi32, #tpu.memory_space<vmem>> -> memref<1x64xi32, #tpu.memory_space<vmem>>
        %dma_start3A_433 = tpu.memref_squeeze %dma_start3A_432 : memref<1x64xi32, #tpu.memory_space<vmem>> -> memref<64xi32, #tpu.memory_space<vmem>>
        %dma_start3A_434 = arith.constant 0 : i32
        %dma_start3A_435 = tpu.memref_slice %arg4[%add3A_429, %dma_start3A_434] : memref<5248x64xi32, #tpu.memory_space<hbm>> -> memref<1x64xi32, #tpu.memory_space<hbm>>
        %dma_start3A_436 = tpu.memref_squeeze %dma_start3A_435 : memref<1x64xi32, #tpu.memory_space<hbm>> -> memref<64xi32, #tpu.memory_space<hbm>>
        %dma_start3A_437 = arith.constant 0 : i32
        %dma_start3A_438 = tpu.memref_slice %arg8[%dma_start3A_430, %dma_start3A_437] : memref<4x64xi32, #tpu.memory_space<vmem>> -> memref<1x64xi32, #tpu.memory_space<vmem>>
        %dma_start3A_439 = tpu.memref_squeeze %dma_start3A_438 : memref<1x64xi32, #tpu.memory_space<vmem>> -> memref<64xi32, #tpu.memory_space<vmem>>
        %dma_start3A_440 = arith.constant 0 : i32
        %dma_start3A_441 = tpu.memref_slice %arg4[%add3A_429, %dma_start3A_440] : memref<5248x64xi32, #tpu.memory_space<hbm>> -> memref<1x64xi32, #tpu.memory_space<hbm>>
        %dma_start3A_442 = tpu.memref_squeeze %dma_start3A_441 : memref<1x64xi32, #tpu.memory_space<hbm>> -> memref<64xi32, #tpu.memory_space<hbm>>
        tpu.enqueue_dma source(%dma_start3A_442 : memref<64xi32, #tpu.memory_space<hbm>>) target(%dma_start3A_439 : memref<64xi32, #tpu.memory_space<vmem>>) target_semaphore(%arg13 : memref<!tpu.dma_semaphore, #tpu.memory_space<semaphore_mem>>)
        %add3A_443 = arith.addi %mul3A_39, %add3A_428 : i32
        %dma_start3A_444 = arith.constant 0 : i32
        %dma_start3A_445 = arith.constant 0 : i32
        %dma_start3A_446 = tpu.memref_slice %arg9[%dma_start3A_444, %dma_start3A_445] : memref<4x64xi32, #tpu.memory_space<vmem>> -> memref<1x64xi32, #tpu.memory_space<vmem>>
        %dma_start3A_447 = tpu.memref_squeeze %dma_start3A_446 : memref<1x64xi32, #tpu.memory_space<vmem>> -> memref<64xi32, #tpu.memory_space<vmem>>
        %dma_start3A_448 = arith.constant 0 : i32
        %dma_start3A_449 = tpu.memref_slice %arg5[%add3A_443, %dma_start3A_448] : memref<5248x64xi32, #tpu.memory_space<hbm>> -> memref<1x64xi32, #tpu.memory_space<hbm>>
        %dma_start3A_450 = tpu.memref_squeeze %dma_start3A_449 : memref<1x64xi32, #tpu.memory_space<hbm>> -> memref<64xi32, #tpu.memory_space<hbm>>
        %dma_start3A_451 = arith.constant 0 : i32
        %dma_start3A_452 = tpu.memref_slice %arg9[%dma_start3A_444, %dma_start3A_451] : memref<4x64xi32, #tpu.memory_space<vmem>> -> memref<1x64xi32, #tpu.memory_space<vmem>>
        %dma_start3A_453 = tpu.memref_squeeze %dma_start3A_452 : memref<1x64xi32, #tpu.memory_space<vmem>> -> memref<64xi32, #tpu.memory_space<vmem>>
        %dma_start3A_454 = arith.constant 0 : i32
        %dma_start3A_455 = tpu.memref_slice %arg5[%add3A_443, %dma_start3A_454] : memref<5248x64xi32, #tpu.memory_space<hbm>> -> memref<1x64xi32, #tpu.memory_space<hbm>>
        %dma_start3A_456 = tpu.memref_squeeze %dma_start3A_455 : memref<1x64xi32, #tpu.memory_space<hbm>> -> memref<64xi32, #tpu.memory_space<hbm>>
        tpu.enqueue_dma source(%dma_start3A_456 : memref<64xi32, #tpu.memory_space<hbm>>) target(%dma_start3A_453 : memref<64xi32, #tpu.memory_space<vmem>>) target_semaphore(%arg13 : memref<!tpu.dma_semaphore, #tpu.memory_space<semaphore_mem>>)
      } else {
      }
      %add3A_343 = arith.constant 1 : i32
      %add3A_344 = arith.addi %add3A_306, %add3A_343 : i32
      %lt3A_345 = arith.constant 164 : i32
      %lt3A_346 = arith.cmpi slt, %add3A_344, %lt3A_345 : i32
      %convert_element_type3A_347 = arith.extui %lt3A_346 : i1 to i32
      %cond3A_348 = arith.constant 0 : i32
      %cond3A_349 = arith.cmpi ne, %convert_element_type3A_347, %cond3A_348 : i32
      scf.if %cond3A_349 {
        %add3A_427 = arith.constant 1 : i32
        %add3A_428 = arith.addi %add3A_306, %add3A_427 : i32
        %add3A_429 = arith.addi %mul3A_39, %add3A_428 : i32
        %dma_wait3A_430 = arith.constant 3 : i32
        %dma_wait3A_431 = arith.constant 0 : i32
        %dma_wait3A_432 = tpu.memref_slice %arg8[%dma_wait3A_430, %dma_wait3A_431] : memref<4x64xi32, #tpu.memory_space<vmem>> -> memref<1x64xi32, #tpu.memory_space<vmem>>
        %dma_wait3A_433 = tpu.memref_squeeze %dma_wait3A_432 : memref<1x64xi32, #tpu.memory_space<vmem>> -> memref<64xi32, #tpu.memory_space<vmem>>
        %dma_wait3A_434 = arith.constant 0 : i32
        %dma_wait3A_435 = tpu.memref_slice %arg4[%add3A_429, %dma_wait3A_434] : memref<5248x64xi32, #tpu.memory_space<hbm>> -> memref<1x64xi32, #tpu.memory_space<hbm>>
        %dma_wait3A_436 = tpu.memref_squeeze %dma_wait3A_435 : memref<1x64xi32, #tpu.memory_space<hbm>> -> memref<64xi32, #tpu.memory_space<hbm>>
        %dma_wait3A_437 = arith.constant 0 : i32
        %dma_wait3A_438 = tpu.memref_slice %arg8[%dma_wait3A_430, %dma_wait3A_437] : memref<4x64xi32, #tpu.memory_space<vmem>> -> memref<1x64xi32, #tpu.memory_space<vmem>>
        %dma_wait3A_439 = tpu.memref_squeeze %dma_wait3A_438 : memref<1x64xi32, #tpu.memory_space<vmem>> -> memref<64xi32, #tpu.memory_space<vmem>>
        %dma_wait3A_440 = arith.constant 0 : i32
        %dma_wait3A_441 = tpu.memref_slice %arg4[%add3A_429, %dma_wait3A_440] : memref<5248x64xi32, #tpu.memory_space<hbm>> -> memref<1x64xi32, #tpu.memory_space<hbm>>
        %dma_wait3A_442 = tpu.memref_squeeze %dma_wait3A_441 : memref<1x64xi32, #tpu.memory_space<hbm>> -> memref<64xi32, #tpu.memory_space<hbm>>
        tpu.wait_dma2 semaphore(%arg16 : memref<!tpu.dma_semaphore, #tpu.memory_space<semaphore_mem>>) src(%dma_wait3A_442 : memref<64xi32, #tpu.memory_space<hbm>>) dst(%dma_wait3A_439 : memref<64xi32, #tpu.memory_space<vmem>>)
        %add3A_443 = arith.addi %mul3A_39, %add3A_428 : i32
        %dma_wait3A_444 = arith.constant 3 : i32
        %dma_wait3A_445 = arith.constant 0 : i32
        %dma_wait3A_446 = tpu.memref_slice %arg9[%dma_wait3A_444, %dma_wait3A_445] : memref<4x64xi32, #tpu.memory_space<vmem>> -> memref<1x64xi32, #tpu.memory_space<vmem>>
        %dma_wait3A_447 = tpu.memref_squeeze %dma_wait3A_446 : memref<1x64xi32, #tpu.memory_space<vmem>> -> memref<64xi32, #tpu.memory_space<vmem>>
        %dma_wait3A_448 = arith.constant 0 : i32
        %dma_wait3A_449 = tpu.memref_slice %arg5[%add3A_443, %dma_wait3A_448] : memref<5248x64xi32, #tpu.memory_space<hbm>> -> memref<1x64xi32, #tpu.memory_space<hbm>>
        %dma_wait3A_450 = tpu.memref_squeeze %dma_wait3A_449 : memref<1x64xi32, #tpu.memory_space<hbm>> -> memref<64xi32, #tpu.memory_space<hbm>>
        %dma_wait3A_451 = arith.constant 0 : i32
        %dma_wait3A_452 = tpu.memref_slice %arg9[%dma_wait3A_444, %dma_wait3A_451] : memref<4x64xi32, #tpu.memory_space<vmem>> -> memref<1x64xi32, #tpu.memory_space<vmem>>
        %dma_wait3A_453 = tpu.memref_squeeze %dma_wait3A_452 : memref<1x64xi32, #tpu.memory_space<vmem>> -> memref<64xi32, #tpu.memory_space<vmem>>
        %dma_wait3A_454 = arith.constant 0 : i32
        %dma_wait3A_455 = tpu.memref_slice %arg5[%add3A_443, %dma_wait3A_454] : memref<5248x64xi32, #tpu.memory_space<hbm>> -> memref<1x64xi32, #tpu.memory_space<hbm>>
        %dma_wait3A_456 = tpu.memref_squeeze %dma_wait3A_455 : memref<1x64xi32, #tpu.memory_space<hbm>> -> memref<64xi32, #tpu.memory_space<hbm>>
        tpu.wait_dma2 semaphore(%arg16 : memref<!tpu.dma_semaphore, #tpu.memory_space<semaphore_mem>>) src(%dma_wait3A_456 : memref<64xi32, #tpu.memory_space<hbm>>) dst(%dma_wait3A_453 : memref<64xi32, #tpu.memory_space<vmem>>)
        %dma_start3A_457 = arith.constant 3 : i32
        %dma_start3A_458 = arith.constant 1 : i32
        %dma_start3A_459 = arith.constant 0 : i32
        %dma_start3A_460 = arith.constant 0 : i32
        %dma_start3A_461 = tpu.memref_slice %arg10[%dma_start3A_458, %dma_start3A_459, %dma_start3A_460] : memref<2x64x144xf32, #tpu.memory_space<vmem>> -> memref<1x64x144xf32, #tpu.memory_space<vmem>>
        %dma_start3A_462 = tpu.memref_squeeze %dma_start3A_461 : memref<1x64x144xf32, #tpu.memory_space<vmem>> -> memref<64x144xf32, #tpu.memory_space<vmem>>
        %dma_start3A_463 = arith.constant 0 : i32
        %dma_start3A_464 = tpu.memref_slice %arg8[%dma_start3A_457, %dma_start3A_463] : memref<4x64xi32, #tpu.memory_space<vmem>> -> memref<1x64xi32, #tpu.memory_space<vmem>>
        %dma_start3A_465 = tpu.memref_squeeze %dma_start3A_464 : memref<1x64xi32, #tpu.memory_space<vmem>> -> memref<64xi32, #tpu.memory_space<vmem>>
        %dma_start3A_466 = arith.constant 0 : i32
        %dma_start3A_467 = arith.constant 0 : i32
        %dma_start3A_468 = tpu.memref_slice %arg2[%dma_start3A_466, %dma_start3A_467] : memref<10240x144xf32, #tpu.memory_space<hbm>> -> memref<10240x144xf32, #tpu.memory_space<hbm>>
        tpu.enqueue_indirect_dma source(%dma_start3A_468 : memref<10240x144xf32, #tpu.memory_space<hbm>>) target(%dma_start3A_462 : memref<64x144xf32, #tpu.memory_space<vmem>>) offsets(%dma_start3A_465 : memref<64xi32, #tpu.memory_space<vmem>>) semaphore(%arg18 : memref<!tpu.dma_semaphore, #tpu.memory_space<semaphore_mem>>)
        %dma_start3A_469 = arith.constant 3 : i32
        %dma_start3A_470 = arith.constant 1 : i32
        %dma_start3A_471 = arith.constant 0 : i32
        %dma_start3A_472 = arith.constant 0 : i32
        %dma_start3A_473 = tpu.memref_slice %arg11[%dma_start3A_470, %dma_start3A_471, %dma_start3A_472] : memref<2x64x16xf32, #tpu.memory_space<vmem>> -> memref<1x64x16xf32, #tpu.memory_space<vmem>>
        %dma_start3A_474 = tpu.memref_squeeze %dma_start3A_473 : memref<1x64x16xf32, #tpu.memory_space<vmem>> -> memref<64x16xf32, #tpu.memory_space<vmem>>
        %dma_start3A_475 = arith.constant 0 : i32
        %dma_start3A_476 = tpu.memref_slice %arg9[%dma_start3A_469, %dma_start3A_475] : memref<4x64xi32, #tpu.memory_space<vmem>> -> memref<1x64xi32, #tpu.memory_space<vmem>>
        %dma_start3A_477 = tpu.memref_squeeze %dma_start3A_476 : memref<1x64xi32, #tpu.memory_space<vmem>> -> memref<64xi32, #tpu.memory_space<vmem>>
        %dma_start3A_478 = arith.constant 0 : i32
        %dma_start3A_479 = arith.constant 0 : i32
        %dma_start3A_480 = tpu.memref_slice %arg3[%dma_start3A_478, %dma_start3A_479] : memref<10240x16xf32, #tpu.memory_space<hbm>> -> memref<10240x16xf32, #tpu.memory_space<hbm>>
        tpu.enqueue_indirect_dma source(%dma_start3A_480 : memref<10240x16xf32, #tpu.memory_space<hbm>>) target(%dma_start3A_474 : memref<64x16xf32, #tpu.memory_space<vmem>>) offsets(%dma_start3A_477 : memref<64xi32, #tpu.memory_space<vmem>>) semaphore(%arg18 : memref<!tpu.dma_semaphore, #tpu.memory_space<semaphore_mem>>)
      } else {
      }
      %parallel_loop3A_350 = arith.constant 0 : i32
      %parallel_loop3A_351 = arith.constant 64 : i32
      %parallel_loop3A_352 = arith.constant 1 : i32
      scf.for %parallel_loop3A_427 = %parallel_loop3A_350 to %parallel_loop3A_351 step %parallel_loop3A_352  : i32 {
        %parallel_loop3A_428 = arith.constant 0 : i32
        %parallel_loop3A_429 = arith.index_cast %parallel_loop3A_428 : i32 to index
        %parallel_loop3A_430 = arith.index_cast %parallel_loop3A_427 : i32 to index
        %parallel_loop3A_431 = arith.constant 128 : index
        %parallel_loop3A_432 = tpu.vector_load %arg10[%parallel_loop3A_429, %parallel_loop3A_430, %parallel_loop3A_431] {strides = array<i32>} : memref<2x64x144xf32, #tpu.memory_space<vmem>>, vector<1x1x16xf32>,
        %parallel_loop3A_433 = vector.shape_cast %parallel_loop3A_432 : vector<1x1x16xf32> to vector<16xf32>
        %parallel_loop3A_434 = arith.constant 0 : i32
        %parallel_loop3A_435 = arith.index_cast %parallel_loop3A_434 : i32 to index
        %parallel_loop3A_436 = arith.index_cast %parallel_loop3A_427 : i32 to index
        %parallel_loop3A_437 = arith.constant 0 : index
        %parallel_loop3A_438 = tpu.vector_load %arg11[%parallel_loop3A_435, %parallel_loop3A_436, %parallel_loop3A_437] {strides = array<i32>} : memref<2x64x16xf32, #tpu.memory_space<vmem>>, vector<1x1x16xf32>,
        %parallel_loop3A_439 = vector.shape_cast %parallel_loop3A_438 : vector<1x1x16xf32> to vector<16xf32>
        %parallel_loop3A_440 = arith.addf %parallel_loop3A_433, %parallel_loop3A_439 : vector<16xf32>
        %parallel_loop3A_441 = arith.constant 0.000000e+00 : f32
        %parallel_loop3A_442 = vector.broadcast %parallel_loop3A_441 : f32 to vector<16xf32>
        %parallel_loop3A_443 = arith.cmpf olt, %parallel_loop3A_440, %parallel_loop3A_442 : vector<16xf32>
        %parallel_loop3A_444 = arith.constant 2.000000e-01 : f32
        %parallel_loop3A_445 = vector.broadcast %parallel_loop3A_444 : f32 to vector<16xf32>
        %parallel_loop3A_446 = arith.mulf %parallel_loop3A_440, %parallel_loop3A_445 : vector<16xf32>
        %parallel_loop3A_447 = arith.select %parallel_loop3A_443, %parallel_loop3A_446, %parallel_loop3A_440 : vector<16xi1>, vector<16xf32>
        %parallel_loop3A_448 = math.exp %parallel_loop3A_447 : vector<16xf32>
        %parallel_loop3A_449 = arith.constant 0 : i32
        %parallel_loop3A_450 = arith.index_cast %parallel_loop3A_449 : i32 to index
        %parallel_loop3A_451 = arith.index_cast %parallel_loop3A_427 : i32 to index
        %parallel_loop3A_452 = arith.constant 128 : index
        %parallel_loop3A_453 = tpu.vector_load %arg12[%parallel_loop3A_450, %parallel_loop3A_451, %parallel_loop3A_452] {strides = array<i32>} : memref<2x64x144xf32, #tpu.memory_space<vmem>>, vector<1x1x16xf32>,
        %parallel_loop3A_454 = vector.shape_cast %parallel_loop3A_453 : vector<1x1x16xf32> to vector<16xf32>
        %parallel_loop3A_455 = vector.shape_cast %parallel_loop3A_448 : vector<16xf32> to vector<1x1x16xf32>
        tpu.vector_store %arg12[%parallel_loop3A_450, %parallel_loop3A_451, %parallel_loop3A_452], %parallel_loop3A_455 {strides = array<i32>} : memref<2x64x144xf32, #tpu.memory_space<vmem>>, vector<1x1x16xf32>,
        %parallel_loop3A_456 = vector.extract_strided_slice %parallel_loop3A_448 {offsets = [0], sizes = [1], strides = [1]} : vector<16xf32> to vector<1xf32>
        %parallel_loop3A_457 = vector.shape_cast %parallel_loop3A_456 : vector<1xf32> to vector<1xf32>
        %parallel_loop3A_458 = vector.broadcast %parallel_loop3A_457 : vector<1xf32> to vector<16xf32>
        %parallel_loop3A_459 = arith.constant 0 : i32
        %parallel_loop3A_460 = arith.index_cast %parallel_loop3A_459 : i32 to index
        %parallel_loop3A_461 = arith.index_cast %parallel_loop3A_427 : i32 to index
        %parallel_loop3A_462 = arith.constant 0 : index
        %parallel_loop3A_463 = tpu.vector_load %arg10[%parallel_loop3A_460, %parallel_loop3A_461, %parallel_loop3A_462] {strides = array<i32>} : memref<2x64x144xf32, #tpu.memory_space<vmem>>, vector<1x1x16xf32>,
        %parallel_loop3A_464 = vector.shape_cast %parallel_loop3A_463 : vector<1x1x16xf32> to vector<16xf32>
        %parallel_loop3A_465 = arith.mulf %parallel_loop3A_464, %parallel_loop3A_458 : vector<16xf32>
        %parallel_loop3A_466 = arith.constant 0 : i32
        %parallel_loop3A_467 = arith.index_cast %parallel_loop3A_466 : i32 to index
        %parallel_loop3A_468 = arith.index_cast %parallel_loop3A_427 : i32 to index
        %parallel_loop3A_469 = arith.constant 0 : index
        %parallel_loop3A_470 = tpu.vector_load %arg12[%parallel_loop3A_467, %parallel_loop3A_468, %parallel_loop3A_469] {strides = array<i32>} : memref<2x64x144xf32, #tpu.memory_space<vmem>>, vector<1x1x16xf32>,
        %parallel_loop3A_471 = vector.shape_cast %parallel_loop3A_470 : vector<1x1x16xf32> to vector<16xf32>
        %parallel_loop3A_472 = vector.shape_cast %parallel_loop3A_465 : vector<16xf32> to vector<1x1x16xf32>
        tpu.vector_store %arg12[%parallel_loop3A_467, %parallel_loop3A_468, %parallel_loop3A_469], %parallel_loop3A_472 {strides = array<i32>} : memref<2x64x144xf32, #tpu.memory_space<vmem>>, vector<1x1x16xf32>,
        %parallel_loop3A_473 = arith.constant 0 : i32
        %parallel_loop3A_474 = arith.index_cast %parallel_loop3A_473 : i32 to index
        %parallel_loop3A_475 = arith.index_cast %parallel_loop3A_427 : i32 to index
        %parallel_loop3A_476 = arith.constant 16 : index
        %parallel_loop3A_477 = tpu.vector_load %arg10[%parallel_loop3A_474, %parallel_loop3A_475, %parallel_loop3A_476] {strides = array<i32>} : memref<2x64x144xf32, #tpu.memory_space<vmem>>, vector<1x1x16xf32>,
        %parallel_loop3A_478 = vector.shape_cast %parallel_loop3A_477 : vector<1x1x16xf32> to vector<16xf32>
        %parallel_loop3A_479 = arith.mulf %parallel_loop3A_478, %parallel_loop3A_458 : vector<16xf32>
        %parallel_loop3A_480 = arith.constant 0 : i32
        %parallel_loop3A_481 = arith.index_cast %parallel_loop3A_480 : i32 to index
        %parallel_loop3A_482 = arith.index_cast %parallel_loop3A_427 : i32 to index
        %parallel_loop3A_483 = arith.constant 16 : index
        %parallel_loop3A_484 = tpu.vector_load %arg12[%parallel_loop3A_481, %parallel_loop3A_482, %parallel_loop3A_483] {strides = array<i32>} : memref<2x64x144xf32, #tpu.memory_space<vmem>>, vector<1x1x16xf32>,
        %parallel_loop3A_485 = vector.shape_cast %parallel_loop3A_484 : vector<1x1x16xf32> to vector<16xf32>
        %parallel_loop3A_486 = vector.shape_cast %parallel_loop3A_479 : vector<16xf32> to vector<1x1x16xf32>
        tpu.vector_store %arg12[%parallel_loop3A_481, %parallel_loop3A_482, %parallel_loop3A_483], %parallel_loop3A_486 {strides = array<i32>} : memref<2x64x144xf32, #tpu.memory_space<vmem>>, vector<1x1x16xf32>,
        %parallel_loop3A_487 = vector.extract_strided_slice %parallel_loop3A_448 {offsets = [1], sizes = [1], strides = [1]} : vector<16xf32> to vector<1xf32>
        %parallel_loop3A_488 = vector.shape_cast %parallel_loop3A_487 : vector<1xf32> to vector<1xf32>
        %parallel_loop3A_489 = vector.broadcast %parallel_loop3A_488 : vector<1xf32> to vector<16xf32>
        %parallel_loop3A_490 = arith.constant 0 : i32
        %parallel_loop3A_491 = arith.index_cast %parallel_loop3A_490 : i32 to index
        %parallel_loop3A_492 = arith.index_cast %parallel_loop3A_427 : i32 to index
        %parallel_loop3A_493 = arith.constant 32 : index
        %parallel_loop3A_494 = tpu.vector_load %arg10[%parallel_loop3A_491, %parallel_loop3A_492, %parallel_loop3A_493] {strides = array<i32>} : memref<2x64x144xf32, #tpu.memory_space<vmem>>, vector<1x1x16xf32>,
        %parallel_loop3A_495 = vector.shape_cast %parallel_loop3A_494 : vector<1x1x16xf32> to vector<16xf32>
        %parallel_loop3A_496 = arith.mulf %parallel_loop3A_495, %parallel_loop3A_489 : vector<16xf32>
        %parallel_loop3A_497 = arith.constant 0 : i32
        %parallel_loop3A_498 = arith.index_cast %parallel_loop3A_497 : i32 to index
        %parallel_loop3A_499 = arith.index_cast %parallel_loop3A_427 : i32 to index
        %parallel_loop3A_500 = arith.constant 32 : index
        %parallel_loop3A_501 = tpu.vector_load %arg12[%parallel_loop3A_498, %parallel_loop3A_499, %parallel_loop3A_500] {strides = array<i32>} : memref<2x64x144xf32, #tpu.memory_space<vmem>>, vector<1x1x16xf32>,
        %parallel_loop3A_502 = vector.shape_cast %parallel_loop3A_501 : vector<1x1x16xf32> to vector<16xf32>
        %parallel_loop3A_503 = vector.shape_cast %parallel_loop3A_496 : vector<16xf32> to vector<1x1x16xf32>
        tpu.vector_store %arg12[%parallel_loop3A_498, %parallel_loop3A_499, %parallel_loop3A_500], %parallel_loop3A_503 {strides = array<i32>} : memref<2x64x144xf32, #tpu.memory_space<vmem>>, vector<1x1x16xf32>,
        %parallel_loop3A_504 = arith.constant 0 : i32
        %parallel_loop3A_505 = arith.index_cast %parallel_loop3A_504 : i32 to index
        %parallel_loop3A_506 = arith.index_cast %parallel_loop3A_427 : i32 to index
        %parallel_loop3A_507 = arith.constant 48 : index
        %parallel_loop3A_508 = tpu.vector_load %arg10[%parallel_loop3A_505, %parallel_loop3A_506, %parallel_loop3A_507] {strides = array<i32>} : memref<2x64x144xf32, #tpu.memory_space<vmem>>, vector<1x1x16xf32>,
        %parallel_loop3A_509 = vector.shape_cast %parallel_loop3A_508 : vector<1x1x16xf32> to vector<16xf32>
        %parallel_loop3A_510 = arith.mulf %parallel_loop3A_509, %parallel_loop3A_489 : vector<16xf32>
        %parallel_loop3A_511 = arith.constant 0 : i32
        %parallel_loop3A_512 = arith.index_cast %parallel_loop3A_511 : i32 to index
        %parallel_loop3A_513 = arith.index_cast %parallel_loop3A_427 : i32 to index
        %parallel_loop3A_514 = arith.constant 48 : index
        %parallel_loop3A_515 = tpu.vector_load %arg12[%parallel_loop3A_512, %parallel_loop3A_513, %parallel_loop3A_514] {strides = array<i32>} : memref<2x64x144xf32, #tpu.memory_space<vmem>>, vector<1x1x16xf32>,
        %parallel_loop3A_516 = vector.shape_cast %parallel_loop3A_515 : vector<1x1x16xf32> to vector<16xf32>
        %parallel_loop3A_517 = vector.shape_cast %parallel_loop3A_510 : vector<16xf32> to vector<1x1x16xf32>
        tpu.vector_store %arg12[%parallel_loop3A_512, %parallel_loop3A_513, %parallel_loop3A_514], %parallel_loop3A_517 {strides = array<i32>} : memref<2x64x144xf32, #tpu.memory_space<vmem>>, vector<1x1x16xf32>,
        %parallel_loop3A_518 = vector.extract_strided_slice %parallel_loop3A_448 {offsets = [2], sizes = [1], strides = [1]} : vector<16xf32> to vector<1xf32>
        %parallel_loop3A_519 = vector.shape_cast %parallel_loop3A_518 : vector<1xf32> to vector<1xf32>
        %parallel_loop3A_520 = vector.broadcast %parallel_loop3A_519 : vector<1xf32> to vector<16xf32>
        %parallel_loop3A_521 = arith.constant 0 : i32
        %parallel_loop3A_522 = arith.index_cast %parallel_loop3A_521 : i32 to index
        %parallel_loop3A_523 = arith.index_cast %parallel_loop3A_427 : i32 to index
        %parallel_loop3A_524 = arith.constant 64 : index
        %parallel_loop3A_525 = tpu.vector_load %arg10[%parallel_loop3A_522, %parallel_loop3A_523, %parallel_loop3A_524] {strides = array<i32>} : memref<2x64x144xf32, #tpu.memory_space<vmem>>, vector<1x1x16xf32>,
        %parallel_loop3A_526 = vector.shape_cast %parallel_loop3A_525 : vector<1x1x16xf32> to vector<16xf32>
        %parallel_loop3A_527 = arith.mulf %parallel_loop3A_526, %parallel_loop3A_520 : vector<16xf32>
        %parallel_loop3A_528 = arith.constant 0 : i32
        %parallel_loop3A_529 = arith.index_cast %parallel_loop3A_528 : i32 to index
        %parallel_loop3A_530 = arith.index_cast %parallel_loop3A_427 : i32 to index
        %parallel_loop3A_531 = arith.constant 64 : index
        %parallel_loop3A_532 = tpu.vector_load %arg12[%parallel_loop3A_529, %parallel_loop3A_530, %parallel_loop3A_531] {strides = array<i32>} : memref<2x64x144xf32, #tpu.memory_space<vmem>>, vector<1x1x16xf32>,
        %parallel_loop3A_533 = vector.shape_cast %parallel_loop3A_532 : vector<1x1x16xf32> to vector<16xf32>
        %parallel_loop3A_534 = vector.shape_cast %parallel_loop3A_527 : vector<16xf32> to vector<1x1x16xf32>
        tpu.vector_store %arg12[%parallel_loop3A_529, %parallel_loop3A_530, %parallel_loop3A_531], %parallel_loop3A_534 {strides = array<i32>} : memref<2x64x144xf32, #tpu.memory_space<vmem>>, vector<1x1x16xf32>,
        %parallel_loop3A_535 = arith.constant 0 : i32
        %parallel_loop3A_536 = arith.index_cast %parallel_loop3A_535 : i32 to index
        %parallel_loop3A_537 = arith.index_cast %parallel_loop3A_427 : i32 to index
        %parallel_loop3A_538 = arith.constant 80 : index
        %parallel_loop3A_539 = tpu.vector_load %arg10[%parallel_loop3A_536, %parallel_loop3A_537, %parallel_loop3A_538] {strides = array<i32>} : memref<2x64x144xf32, #tpu.memory_space<vmem>>, vector<1x1x16xf32>,
        %parallel_loop3A_540 = vector.shape_cast %parallel_loop3A_539 : vector<1x1x16xf32> to vector<16xf32>
        %parallel_loop3A_541 = arith.mulf %parallel_loop3A_540, %parallel_loop3A_520 : vector<16xf32>
        %parallel_loop3A_542 = arith.constant 0 : i32
        %parallel_loop3A_543 = arith.index_cast %parallel_loop3A_542 : i32 to index
        %parallel_loop3A_544 = arith.index_cast %parallel_loop3A_427 : i32 to index
        %parallel_loop3A_545 = arith.constant 80 : index
        %parallel_loop3A_546 = tpu.vector_load %arg12[%parallel_loop3A_543, %parallel_loop3A_544, %parallel_loop3A_545] {strides = array<i32>} : memref<2x64x144xf32, #tpu.memory_space<vmem>>, vector<1x1x16xf32>,
        %parallel_loop3A_547 = vector.shape_cast %parallel_loop3A_546 : vector<1x1x16xf32> to vector<16xf32>
        %parallel_loop3A_548 = vector.shape_cast %parallel_loop3A_541 : vector<16xf32> to vector<1x1x16xf32>
        tpu.vector_store %arg12[%parallel_loop3A_543, %parallel_loop3A_544, %parallel_loop3A_545], %parallel_loop3A_548 {strides = array<i32>} : memref<2x64x144xf32, #tpu.memory_space<vmem>>, vector<1x1x16xf32>,
        %parallel_loop3A_549 = vector.extract_strided_slice %parallel_loop3A_448 {offsets = [3], sizes = [1], strides = [1]} : vector<16xf32> to vector<1xf32>
        %parallel_loop3A_550 = vector.shape_cast %parallel_loop3A_549 : vector<1xf32> to vector<1xf32>
        %parallel_loop3A_551 = vector.broadcast %parallel_loop3A_550 : vector<1xf32> to vector<16xf32>
        %parallel_loop3A_552 = arith.constant 0 : i32
        %parallel_loop3A_553 = arith.index_cast %parallel_loop3A_552 : i32 to index
        %parallel_loop3A_554 = arith.index_cast %parallel_loop3A_427 : i32 to index
        %parallel_loop3A_555 = arith.constant 96 : index
        %parallel_loop3A_556 = tpu.vector_load %arg10[%parallel_loop3A_553, %parallel_loop3A_554, %parallel_loop3A_555] {strides = array<i32>} : memref<2x64x144xf32, #tpu.memory_space<vmem>>, vector<1x1x16xf32>,
        %parallel_loop3A_557 = vector.shape_cast %parallel_loop3A_556 : vector<1x1x16xf32> to vector<16xf32>
        %parallel_loop3A_558 = arith.mulf %parallel_loop3A_557, %parallel_loop3A_551 : vector<16xf32>
        %parallel_loop3A_559 = arith.constant 0 : i32
        %parallel_loop3A_560 = arith.index_cast %parallel_loop3A_559 : i32 to index
        %parallel_loop3A_561 = arith.index_cast %parallel_loop3A_427 : i32 to index
        %parallel_loop3A_562 = arith.constant 96 : index
        %parallel_loop3A_563 = tpu.vector_load %arg12[%parallel_loop3A_560, %parallel_loop3A_561, %parallel_loop3A_562] {strides = array<i32>} : memref<2x64x144xf32, #tpu.memory_space<vmem>>, vector<1x1x16xf32>,
        %parallel_loop3A_564 = vector.shape_cast %parallel_loop3A_563 : vector<1x1x16xf32> to vector<16xf32>
        %parallel_loop3A_565 = vector.shape_cast %parallel_loop3A_558 : vector<16xf32> to vector<1x1x16xf32>
        tpu.vector_store %arg12[%parallel_loop3A_560, %parallel_loop3A_561, %parallel_loop3A_562], %parallel_loop3A_565 {strides = array<i32>} : memref<2x64x144xf32, #tpu.memory_space<vmem>>, vector<1x1x16xf32>,
        %parallel_loop3A_566 = arith.constant 0 : i32
        %parallel_loop3A_567 = arith.index_cast %parallel_loop3A_566 : i32 to index
        %parallel_loop3A_568 = arith.index_cast %parallel_loop3A_427 : i32 to index
        %parallel_loop3A_569 = arith.constant 112 : index
        %parallel_loop3A_570 = tpu.vector_load %arg10[%parallel_loop3A_567, %parallel_loop3A_568, %parallel_loop3A_569] {strides = array<i32>} : memref<2x64x144xf32, #tpu.memory_space<vmem>>, vector<1x1x16xf32>,
        %parallel_loop3A_571 = vector.shape_cast %parallel_loop3A_570 : vector<1x1x16xf32> to vector<16xf32>
        %parallel_loop3A_572 = arith.mulf %parallel_loop3A_571, %parallel_loop3A_551 : vector<16xf32>
        %parallel_loop3A_573 = arith.constant 0 : i32
        %parallel_loop3A_574 = arith.index_cast %parallel_loop3A_573 : i32 to index
        %parallel_loop3A_575 = arith.index_cast %parallel_loop3A_427 : i32 to index
        %parallel_loop3A_576 = arith.constant 112 : index
        %parallel_loop3A_577 = tpu.vector_load %arg12[%parallel_loop3A_574, %parallel_loop3A_575, %parallel_loop3A_576] {strides = array<i32>} : memref<2x64x144xf32, #tpu.memory_space<vmem>>, vector<1x1x16xf32>,
        %parallel_loop3A_578 = vector.shape_cast %parallel_loop3A_577 : vector<1x1x16xf32> to vector<16xf32>
        %parallel_loop3A_579 = vector.shape_cast %parallel_loop3A_572 : vector<16xf32> to vector<1x1x16xf32>
        tpu.vector_store %arg12[%parallel_loop3A_574, %parallel_loop3A_575, %parallel_loop3A_576], %parallel_loop3A_579 {strides = array<i32>} : memref<2x64x144xf32, #tpu.memory_space<vmem>>, vector<1x1x16xf32>,
      } {sc.loop_unroll_factor = 4 : i64, sc.parallel_access}
      %dma_start3A_353 = arith.constant 0 : i32
      %dma_start3A_354 = arith.constant 2 : i32
      %dma_start3A_355 = arith.constant 0 : i32
      %dma_start3A_356 = arith.constant 0 : i32
      %dma_start3A_357 = tpu.memref_slice %arg12[%dma_start3A_353, %dma_start3A_355, %dma_start3A_356] : memref<2x64x144xf32, #tpu.memory_space<vmem>> -> memref<1x64x144xf32, #tpu.memory_space<vmem>>
      %dma_start3A_358 = tpu.memref_squeeze %dma_start3A_357 : memref<1x64x144xf32, #tpu.memory_space<vmem>> -> memref<64x144xf32, #tpu.memory_space<vmem>>
      %dma_start3A_359 = arith.constant 0 : i32
      %dma_start3A_360 = tpu.memref_slice %arg9[%dma_start3A_354, %dma_start3A_359] : memref<4x64xi32, #tpu.memory_space<vmem>> -> memref<1x64xi32, #tpu.memory_space<vmem>>
      %dma_start3A_361 = tpu.memref_squeeze %dma_start3A_360 : memref<1x64xi32, #tpu.memory_space<vmem>> -> memref<64xi32, #tpu.memory_space<vmem>>
      %dma_start3A_362 = arith.constant 0 : i32
      %dma_start3A_363 = arith.constant 0 : i32
      %dma_start3A_364 = tpu.memref_slice %arg7[%dma_start3A_362, %dma_start3A_363] : memref<10016x144xf32, #tpu.memory_space<vmem_shared>> -> memref<10016x144xf32, #tpu.memory_space<vmem_shared>>
      tpu.enqueue_indirect_dma source(%dma_start3A_358 : memref<64x144xf32, #tpu.memory_space<vmem>>) target(%dma_start3A_364 : memref<10016x144xf32, #tpu.memory_space<vmem_shared>>) offsets(%dma_start3A_361 : memref<64xi32, #tpu.memory_space<vmem>>) semaphore(%arg19 : memref<!tpu.dma_semaphore, #tpu.memory_space<semaphore_mem>>) {add = true}
      %mul3A_365 = arith.constant 4 : i32
      %mul3A_366 = arith.muli %scan3A_183, %mul3A_365 : i32
      %add3A_367 = arith.constant 3 : i32
      %add3A_368 = arith.addi %mul3A_366, %add3A_367 : i32
      %dma_wait3A_369 = arith.constant 3 : i32
      %dma_wait3A_370 = arith.constant 1 : i32
      %dma_wait3A_371 = arith.constant 0 : i32
      %dma_wait3A_372 = arith.constant 0 : i32
      %dma_wait3A_373 = tpu.memref_slice %arg10[%dma_wait3A_370, %dma_wait3A_371, %dma_wait3A_372] : memref<2x64x144xf32, #tpu.memory_space<vmem>> -> memref<1x64x144xf32, #tpu.memory_space<vmem>>
      %dma_wait3A_374 = tpu.memref_squeeze %dma_wait3A_373 : memref<1x64x144xf32, #tpu.memory_space<vmem>> -> memref<64x144xf32, #tpu.memory_space<vmem>>
      %dma_wait3A_375 = arith.constant 0 : i32
      %dma_wait3A_376 = tpu.memref_slice %arg8[%dma_wait3A_369, %dma_wait3A_375] : memref<4x64xi32, #tpu.memory_space<vmem>> -> memref<1x64xi32, #tpu.memory_space<vmem>>
      %dma_wait3A_377 = tpu.memref_squeeze %dma_wait3A_376 : memref<1x64xi32, #tpu.memory_space<vmem>> -> memref<64xi32, #tpu.memory_space<vmem>>
      %dma_wait3A_378 = arith.constant 0 : i32
      %dma_wait3A_379 = arith.constant 0 : i32
      %dma_wait3A_380 = tpu.memref_slice %arg2[%dma_wait3A_378, %dma_wait3A_379] : memref<10240x144xf32, #tpu.memory_space<hbm>> -> memref<10240x144xf32, #tpu.memory_space<hbm>>
      tpu.wait_indirect_dma semaphore(%arg18 : memref<!tpu.dma_semaphore, #tpu.memory_space<semaphore_mem>>) src(%dma_wait3A_380 : memref<10240x144xf32, #tpu.memory_space<hbm>>) dst(%dma_wait3A_374 : memref<64x144xf32, #tpu.memory_space<vmem>>)
      %dma_wait3A_381 = arith.constant 3 : i32
      %dma_wait3A_382 = arith.constant 1 : i32
      %dma_wait3A_383 = arith.constant 0 : i32
      %dma_wait3A_384 = arith.constant 0 : i32
      %dma_wait3A_385 = tpu.memref_slice %arg11[%dma_wait3A_382, %dma_wait3A_383, %dma_wait3A_384] : memref<2x64x16xf32, #tpu.memory_space<vmem>> -> memref<1x64x16xf32, #tpu.memory_space<vmem>>
      %dma_wait3A_386 = tpu.memref_squeeze %dma_wait3A_385 : memref<1x64x16xf32, #tpu.memory_space<vmem>> -> memref<64x16xf32, #tpu.memory_space<vmem>>
      %dma_wait3A_387 = arith.constant 0 : i32
      %dma_wait3A_388 = tpu.memref_slice %arg9[%dma_wait3A_381, %dma_wait3A_387] : memref<4x64xi32, #tpu.memory_space<vmem>> -> memref<1x64xi32, #tpu.memory_space<vmem>>
      %dma_wait3A_389 = tpu.memref_squeeze %dma_wait3A_388 : memref<1x64xi32, #tpu.memory_space<vmem>> -> memref<64xi32, #tpu.memory_space<vmem>>
      %dma_wait3A_390 = arith.constant 0 : i32
      %dma_wait3A_391 = arith.constant 0 : i32
      %dma_wait3A_392 = tpu.memref_slice %arg3[%dma_wait3A_390, %dma_wait3A_391] : memref<10240x16xf32, #tpu.memory_space<hbm>> -> memref<10240x16xf32, #tpu.memory_space<hbm>>
      tpu.wait_indirect_dma semaphore(%arg18 : memref<!tpu.dma_semaphore, #tpu.memory_space<semaphore_mem>>) src(%dma_wait3A_392 : memref<10240x16xf32, #tpu.memory_space<hbm>>) dst(%dma_wait3A_386 : memref<64x16xf32, #tpu.memory_space<vmem>>)
      %ge3A_393 = arith.constant 2 : i32
      %ge3A_394 = arith.cmpi sge, %add3A_368, %ge3A_393 : i32
      %convert_element_type3A_395 = arith.extui %ge3A_394 : i1 to i32
      %cond3A_396 = arith.constant 0 : i32
      %cond3A_397 = arith.cmpi ne, %convert_element_type3A_395, %cond3A_396 : i32
      scf.if %cond3A_397 {
        %dma_wait3A_427 = arith.constant 1 : i32
        %dma_wait3A_428 = arith.constant 1 : i32
        %dma_wait3A_429 = arith.constant 0 : i32
        %dma_wait3A_430 = arith.constant 0 : i32
        %dma_wait3A_431 = tpu.memref_slice %arg12[%dma_wait3A_427, %dma_wait3A_429, %dma_wait3A_430] : memref<2x64x144xf32, #tpu.memory_space<vmem>> -> memref<1x64x144xf32, #tpu.memory_space<vmem>>
        %dma_wait3A_432 = tpu.memref_squeeze %dma_wait3A_431 : memref<1x64x144xf32, #tpu.memory_space<vmem>> -> memref<64x144xf32, #tpu.memory_space<vmem>>
        %dma_wait3A_433 = arith.constant 0 : i32
        %dma_wait3A_434 = tpu.memref_slice %arg9[%dma_wait3A_428, %dma_wait3A_433] : memref<4x64xi32, #tpu.memory_space<vmem>> -> memref<1x64xi32, #tpu.memory_space<vmem>>
        %dma_wait3A_435 = tpu.memref_squeeze %dma_wait3A_434 : memref<1x64xi32, #tpu.memory_space<vmem>> -> memref<64xi32, #tpu.memory_space<vmem>>
        %dma_wait3A_436 = arith.constant 0 : i32
        %dma_wait3A_437 = arith.constant 0 : i32
        %dma_wait3A_438 = tpu.memref_slice %arg7[%dma_wait3A_436, %dma_wait3A_437] : memref<10016x144xf32, #tpu.memory_space<vmem_shared>> -> memref<10016x144xf32, #tpu.memory_space<vmem_shared>>
        tpu.wait_indirect_dma semaphore(%arg20 : memref<!tpu.dma_semaphore, #tpu.memory_space<semaphore_mem>>) src(%dma_wait3A_432 : memref<64x144xf32, #tpu.memory_space<vmem>>) dst(%dma_wait3A_438 : memref<10016x144xf32, #tpu.memory_space<vmem_shared>>)
      } else {
      }
      %add3A_398 = arith.constant 2 : i32
      %add3A_399 = arith.addi %add3A_368, %add3A_398 : i32
      %lt3A_400 = arith.constant 164 : i32
      %lt3A_401 = arith.cmpi slt, %add3A_399, %lt3A_400 : i32
      %convert_element_type3A_402 = arith.extui %lt3A_401 : i1 to i32
      %cond3A_403 = arith.constant 0 : i32
      %cond3A_404 = arith.cmpi ne, %convert_element_type3A_402, %cond3A_403 : i32
      scf.if %cond3A_404 {
        %add3A_427 = arith.constant 2 : i32
        %add3A_428 = arith.addi %add3A_368, %add3A_427 : i32
        %add3A_429 = arith.addi %mul3A_39, %add3A_428 : i32
        %dma_start3A_430 = arith.constant 1 : i32
        %dma_start3A_431 = arith.constant 0 : i32
        %dma_start3A_432 = tpu.memref_slice %arg8[%dma_start3A_430, %dma_start3A_431] : memref<4x64xi32, #tpu.memory_space<vmem>> -> memref<1x64xi32, #tpu.memory_space<vmem>>
        %dma_start3A_433 = tpu.memref_squeeze %dma_start3A_432 : memref<1x64xi32, #tpu.memory_space<vmem>> -> memref<64xi32, #tpu.memory_space<vmem>>
        %dma_start3A_434 = arith.constant 0 : i32
        %dma_start3A_435 = tpu.memref_slice %arg4[%add3A_429, %dma_start3A_434] : memref<5248x64xi32, #tpu.memory_space<hbm>> -> memref<1x64xi32, #tpu.memory_space<hbm>>
        %dma_start3A_436 = tpu.memref_squeeze %dma_start3A_435 : memref<1x64xi32, #tpu.memory_space<hbm>> -> memref<64xi32, #tpu.memory_space<hbm>>
        %dma_start3A_437 = arith.constant 0 : i32
        %dma_start3A_438 = tpu.memref_slice %arg8[%dma_start3A_430, %dma_start3A_437] : memref<4x64xi32, #tpu.memory_space<vmem>> -> memref<1x64xi32, #tpu.memory_space<vmem>>
        %dma_start3A_439 = tpu.memref_squeeze %dma_start3A_438 : memref<1x64xi32, #tpu.memory_space<vmem>> -> memref<64xi32, #tpu.memory_space<vmem>>
        %dma_start3A_440 = arith.constant 0 : i32
        %dma_start3A_441 = tpu.memref_slice %arg4[%add3A_429, %dma_start3A_440] : memref<5248x64xi32, #tpu.memory_space<hbm>> -> memref<1x64xi32, #tpu.memory_space<hbm>>
        %dma_start3A_442 = tpu.memref_squeeze %dma_start3A_441 : memref<1x64xi32, #tpu.memory_space<hbm>> -> memref<64xi32, #tpu.memory_space<hbm>>
        tpu.enqueue_dma source(%dma_start3A_442 : memref<64xi32, #tpu.memory_space<hbm>>) target(%dma_start3A_439 : memref<64xi32, #tpu.memory_space<vmem>>) target_semaphore(%arg14 : memref<!tpu.dma_semaphore, #tpu.memory_space<semaphore_mem>>)
        %add3A_443 = arith.addi %mul3A_39, %add3A_428 : i32
        %dma_start3A_444 = arith.constant 1 : i32
        %dma_start3A_445 = arith.constant 0 : i32
        %dma_start3A_446 = tpu.memref_slice %arg9[%dma_start3A_444, %dma_start3A_445] : memref<4x64xi32, #tpu.memory_space<vmem>> -> memref<1x64xi32, #tpu.memory_space<vmem>>
        %dma_start3A_447 = tpu.memref_squeeze %dma_start3A_446 : memref<1x64xi32, #tpu.memory_space<vmem>> -> memref<64xi32, #tpu.memory_space<vmem>>
        %dma_start3A_448 = arith.constant 0 : i32
        %dma_start3A_449 = tpu.memref_slice %arg5[%add3A_443, %dma_start3A_448] : memref<5248x64xi32, #tpu.memory_space<hbm>> -> memref<1x64xi32, #tpu.memory_space<hbm>>
        %dma_start3A_450 = tpu.memref_squeeze %dma_start3A_449 : memref<1x64xi32, #tpu.memory_space<hbm>> -> memref<64xi32, #tpu.memory_space<hbm>>
        %dma_start3A_451 = arith.constant 0 : i32
        %dma_start3A_452 = tpu.memref_slice %arg9[%dma_start3A_444, %dma_start3A_451] : memref<4x64xi32, #tpu.memory_space<vmem>> -> memref<1x64xi32, #tpu.memory_space<vmem>>
        %dma_start3A_453 = tpu.memref_squeeze %dma_start3A_452 : memref<1x64xi32, #tpu.memory_space<vmem>> -> memref<64xi32, #tpu.memory_space<vmem>>
        %dma_start3A_454 = arith.constant 0 : i32
        %dma_start3A_455 = tpu.memref_slice %arg5[%add3A_443, %dma_start3A_454] : memref<5248x64xi32, #tpu.memory_space<hbm>> -> memref<1x64xi32, #tpu.memory_space<hbm>>
        %dma_start3A_456 = tpu.memref_squeeze %dma_start3A_455 : memref<1x64xi32, #tpu.memory_space<hbm>> -> memref<64xi32, #tpu.memory_space<hbm>>
        tpu.enqueue_dma source(%dma_start3A_456 : memref<64xi32, #tpu.memory_space<hbm>>) target(%dma_start3A_453 : memref<64xi32, #tpu.memory_space<vmem>>) target_semaphore(%arg14 : memref<!tpu.dma_semaphore, #tpu.memory_space<semaphore_mem>>)
      } else {
      }
      %add3A_405 = arith.constant 1 : i32
      %add3A_406 = arith.addi %add3A_368, %add3A_405 : i32
      %lt3A_407 = arith.constant 164 : i32
      %lt3A_408 = arith.cmpi slt, %add3A_406, %lt3A_407 : i32
      %convert_element_type3A_409 = arith.extui %lt3A_408 : i1 to i32
      %cond3A_410 = arith.constant 0 : i32
      %cond3A_411 = arith.cmpi ne, %convert_element_type3A_409, %cond3A_410 : i32
      scf.if %cond3A_411 {
        %add3A_427 = arith.constant 1 : i32
        %add3A_428 = arith.addi %add3A_368, %add3A_427 : i32
        %add3A_429 = arith.addi %mul3A_39, %add3A_428 : i32
        %dma_wait3A_430 = arith.constant 0 : i32
        %dma_wait3A_431 = arith.constant 0 : i32
        %dma_wait3A_432 = tpu.memref_slice %arg8[%dma_wait3A_430, %dma_wait3A_431] : memref<4x64xi32, #tpu.memory_space<vmem>> -> memref<1x64xi32, #tpu.memory_space<vmem>>
        %dma_wait3A_433 = tpu.memref_squeeze %dma_wait3A_432 : memref<1x64xi32, #tpu.memory_space<vmem>> -> memref<64xi32, #tpu.memory_space<vmem>>
        %dma_wait3A_434 = arith.constant 0 : i32
        %dma_wait3A_435 = tpu.memref_slice %arg4[%add3A_429, %dma_wait3A_434] : memref<5248x64xi32, #tpu.memory_space<hbm>> -> memref<1x64xi32, #tpu.memory_space<hbm>>
        %dma_wait3A_436 = tpu.memref_squeeze %dma_wait3A_435 : memref<1x64xi32, #tpu.memory_space<hbm>> -> memref<64xi32, #tpu.memory_space<hbm>>
        %dma_wait3A_437 = arith.constant 0 : i32
        %dma_wait3A_438 = tpu.memref_slice %arg8[%dma_wait3A_430, %dma_wait3A_437] : memref<4x64xi32, #tpu.memory_space<vmem>> -> memref<1x64xi32, #tpu.memory_space<vmem>>
        %dma_wait3A_439 = tpu.memref_squeeze %dma_wait3A_438 : memref<1x64xi32, #tpu.memory_space<vmem>> -> memref<64xi32, #tpu.memory_space<vmem>>
        %dma_wait3A_440 = arith.constant 0 : i32
        %dma_wait3A_441 = tpu.memref_slice %arg4[%add3A_429, %dma_wait3A_440] : memref<5248x64xi32, #tpu.memory_space<hbm>> -> memref<1x64xi32, #tpu.memory_space<hbm>>
        %dma_wait3A_442 = tpu.memref_squeeze %dma_wait3A_441 : memref<1x64xi32, #tpu.memory_space<hbm>> -> memref<64xi32, #tpu.memory_space<hbm>>
        tpu.wait_dma2 semaphore(%arg13 : memref<!tpu.dma_semaphore, #tpu.memory_space<semaphore_mem>>) src(%dma_wait3A_442 : memref<64xi32, #tpu.memory_space<hbm>>) dst(%dma_wait3A_439 : memref<64xi32, #tpu.memory_space<vmem>>)
        %add3A_443 = arith.addi %mul3A_39, %add3A_428 : i32
        %dma_wait3A_444 = arith.constant 0 : i32
        %dma_wait3A_445 = arith.constant 0 : i32
        %dma_wait3A_446 = tpu.memref_slice %arg9[%dma_wait3A_444, %dma_wait3A_445] : memref<4x64xi32, #tpu.memory_space<vmem>> -> memref<1x64xi32, #tpu.memory_space<vmem>>
        %dma_wait3A_447 = tpu.memref_squeeze %dma_wait3A_446 : memref<1x64xi32, #tpu.memory_space<vmem>> -> memref<64xi32, #tpu.memory_space<vmem>>
        %dma_wait3A_448 = arith.constant 0 : i32
        %dma_wait3A_449 = tpu.memref_slice %arg5[%add3A_443, %dma_wait3A_448] : memref<5248x64xi32, #tpu.memory_space<hbm>> -> memref<1x64xi32, #tpu.memory_space<hbm>>
        %dma_wait3A_450 = tpu.memref_squeeze %dma_wait3A_449 : memref<1x64xi32, #tpu.memory_space<hbm>> -> memref<64xi32, #tpu.memory_space<hbm>>
        %dma_wait3A_451 = arith.constant 0 : i32
        %dma_wait3A_452 = tpu.memref_slice %arg9[%dma_wait3A_444, %dma_wait3A_451] : memref<4x64xi32, #tpu.memory_space<vmem>> -> memref<1x64xi32, #tpu.memory_space<vmem>>
        %dma_wait3A_453 = tpu.memref_squeeze %dma_wait3A_452 : memref<1x64xi32, #tpu.memory_space<vmem>> -> memref<64xi32, #tpu.memory_space<vmem>>
        %dma_wait3A_454 = arith.constant 0 : i32
        %dma_wait3A_455 = tpu.memref_slice %arg5[%add3A_443, %dma_wait3A_454] : memref<5248x64xi32, #tpu.memory_space<hbm>> -> memref<1x64xi32, #tpu.memory_space<hbm>>
        %dma_wait3A_456 = tpu.memref_squeeze %dma_wait3A_455 : memref<1x64xi32, #tpu.memory_space<hbm>> -> memref<64xi32, #tpu.memory_space<hbm>>
        tpu.wait_dma2 semaphore(%arg13 : memref<!tpu.dma_semaphore, #tpu.memory_space<semaphore_mem>>) src(%dma_wait3A_456 : memref<64xi32, #tpu.memory_space<hbm>>) dst(%dma_wait3A_453 : memref<64xi32, #tpu.memory_space<vmem>>)
        %dma_start3A_457 = arith.constant 0 : i32
        %dma_start3A_458 = arith.constant 0 : i32
        %dma_start3A_459 = arith.constant 0 : i32
        %dma_start3A_460 = arith.constant 0 : i32
        %dma_start3A_461 = tpu.memref_slice %arg10[%dma_start3A_458, %dma_start3A_459, %dma_start3A_460] : memref<2x64x144xf32, #tpu.memory_space<vmem>> -> memref<1x64x144xf32, #tpu.memory_space<vmem>>
        %dma_start3A_462 = tpu.memref_squeeze %dma_start3A_461 : memref<1x64x144xf32, #tpu.memory_space<vmem>> -> memref<64x144xf32, #tpu.memory_space<vmem>>
        %dma_start3A_463 = arith.constant 0 : i32
        %dma_start3A_464 = tpu.memref_slice %arg8[%dma_start3A_457, %dma_start3A_463] : memref<4x64xi32, #tpu.memory_space<vmem>> -> memref<1x64xi32, #tpu.memory_space<vmem>>
        %dma_start3A_465 = tpu.memref_squeeze %dma_start3A_464 : memref<1x64xi32, #tpu.memory_space<vmem>> -> memref<64xi32, #tpu.memory_space<vmem>>
        %dma_start3A_466 = arith.constant 0 : i32
        %dma_start3A_467 = arith.constant 0 : i32
        %dma_start3A_468 = tpu.memref_slice %arg2[%dma_start3A_466, %dma_start3A_467] : memref<10240x144xf32, #tpu.memory_space<hbm>> -> memref<10240x144xf32, #tpu.memory_space<hbm>>
        tpu.enqueue_indirect_dma source(%dma_start3A_468 : memref<10240x144xf32, #tpu.memory_space<hbm>>) target(%dma_start3A_462 : memref<64x144xf32, #tpu.memory_space<vmem>>) offsets(%dma_start3A_465 : memref<64xi32, #tpu.memory_space<vmem>>) semaphore(%arg17 : memref<!tpu.dma_semaphore, #tpu.memory_space<semaphore_mem>>)
        %dma_start3A_469 = arith.constant 0 : i32
        %dma_start3A_470 = arith.constant 0 : i32
        %dma_start3A_471 = arith.constant 0 : i32
        %dma_start3A_472 = arith.constant 0 : i32
        %dma_start3A_473 = tpu.memref_slice %arg11[%dma_start3A_470, %dma_start3A_471, %dma_start3A_472] : memref<2x64x16xf32, #tpu.memory_space<vmem>> -> memref<1x64x16xf32, #tpu.memory_space<vmem>>
        %dma_start3A_474 = tpu.memref_squeeze %dma_start3A_473 : memref<1x64x16xf32, #tpu.memory_space<vmem>> -> memref<64x16xf32, #tpu.memory_space<vmem>>
        %dma_start3A_475 = arith.constant 0 : i32
        %dma_start3A_476 = tpu.memref_slice %arg9[%dma_start3A_469, %dma_start3A_475] : memref<4x64xi32, #tpu.memory_space<vmem>> -> memref<1x64xi32, #tpu.memory_space<vmem>>
        %dma_start3A_477 = tpu.memref_squeeze %dma_start3A_476 : memref<1x64xi32, #tpu.memory_space<vmem>> -> memref<64xi32, #tpu.memory_space<vmem>>
        %dma_start3A_478 = arith.constant 0 : i32
        %dma_start3A_479 = arith.constant 0 : i32
        %dma_start3A_480 = tpu.memref_slice %arg3[%dma_start3A_478, %dma_start3A_479] : memref<10240x16xf32, #tpu.memory_space<hbm>> -> memref<10240x16xf32, #tpu.memory_space<hbm>>
        tpu.enqueue_indirect_dma source(%dma_start3A_480 : memref<10240x16xf32, #tpu.memory_space<hbm>>) target(%dma_start3A_474 : memref<64x16xf32, #tpu.memory_space<vmem>>) offsets(%dma_start3A_477 : memref<64xi32, #tpu.memory_space<vmem>>) semaphore(%arg17 : memref<!tpu.dma_semaphore, #tpu.memory_space<semaphore_mem>>)
      } else {
      }
      %parallel_loop3A_412 = arith.constant 0 : i32
      %parallel_loop3A_413 = arith.constant 64 : i32
      %parallel_loop3A_414 = arith.constant 1 : i32
      scf.for %parallel_loop3A_427 = %parallel_loop3A_412 to %parallel_loop3A_413 step %parallel_loop3A_414  : i32 {
        %parallel_loop3A_428 = arith.constant 1 : i32
        %parallel_loop3A_429 = arith.index_cast %parallel_loop3A_428 : i32 to index
        %parallel_loop3A_430 = arith.index_cast %parallel_loop3A_427 : i32 to index
        %parallel_loop3A_431 = arith.constant 128 : index
        %parallel_loop3A_432 = tpu.vector_load %arg10[%parallel_loop3A_429, %parallel_loop3A_430, %parallel_loop3A_431] {strides = array<i32>} : memref<2x64x144xf32, #tpu.memory_space<vmem>>, vector<1x1x16xf32>,
        %parallel_loop3A_433 = vector.shape_cast %parallel_loop3A_432 : vector<1x1x16xf32> to vector<16xf32>
        %parallel_loop3A_434 = arith.constant 1 : i32
        %parallel_loop3A_435 = arith.index_cast %parallel_loop3A_434 : i32 to index
        %parallel_loop3A_436 = arith.index_cast %parallel_loop3A_427 : i32 to index
        %parallel_loop3A_437 = arith.constant 0 : index
        %parallel_loop3A_438 = tpu.vector_load %arg11[%parallel_loop3A_435, %parallel_loop3A_436, %parallel_loop3A_437] {strides = array<i32>} : memref<2x64x16xf32, #tpu.memory_space<vmem>>, vector<1x1x16xf32>,
        %parallel_loop3A_439 = vector.shape_cast %parallel_loop3A_438 : vector<1x1x16xf32> to vector<16xf32>
        %parallel_loop3A_440 = arith.addf %parallel_loop3A_433, %parallel_loop3A_439 : vector<16xf32>
        %parallel_loop3A_441 = arith.constant 0.000000e+00 : f32
        %parallel_loop3A_442 = vector.broadcast %parallel_loop3A_441 : f32 to vector<16xf32>
        %parallel_loop3A_443 = arith.cmpf olt, %parallel_loop3A_440, %parallel_loop3A_442 : vector<16xf32>
        %parallel_loop3A_444 = arith.constant 2.000000e-01 : f32
        %parallel_loop3A_445 = vector.broadcast %parallel_loop3A_444 : f32 to vector<16xf32>
        %parallel_loop3A_446 = arith.mulf %parallel_loop3A_440, %parallel_loop3A_445 : vector<16xf32>
        %parallel_loop3A_447 = arith.select %parallel_loop3A_443, %parallel_loop3A_446, %parallel_loop3A_440 : vector<16xi1>, vector<16xf32>
        %parallel_loop3A_448 = math.exp %parallel_loop3A_447 : vector<16xf32>
        %parallel_loop3A_449 = arith.constant 1 : i32
        %parallel_loop3A_450 = arith.index_cast %parallel_loop3A_449 : i32 to index
        %parallel_loop3A_451 = arith.index_cast %parallel_loop3A_427 : i32 to index
        %parallel_loop3A_452 = arith.constant 128 : index
        %parallel_loop3A_453 = tpu.vector_load %arg12[%parallel_loop3A_450, %parallel_loop3A_451, %parallel_loop3A_452] {strides = array<i32>} : memref<2x64x144xf32, #tpu.memory_space<vmem>>, vector<1x1x16xf32>,
        %parallel_loop3A_454 = vector.shape_cast %parallel_loop3A_453 : vector<1x1x16xf32> to vector<16xf32>
        %parallel_loop3A_455 = vector.shape_cast %parallel_loop3A_448 : vector<16xf32> to vector<1x1x16xf32>
        tpu.vector_store %arg12[%parallel_loop3A_450, %parallel_loop3A_451, %parallel_loop3A_452], %parallel_loop3A_455 {strides = array<i32>} : memref<2x64x144xf32, #tpu.memory_space<vmem>>, vector<1x1x16xf32>,
        %parallel_loop3A_456 = vector.extract_strided_slice %parallel_loop3A_448 {offsets = [0], sizes = [1], strides = [1]} : vector<16xf32> to vector<1xf32>
        %parallel_loop3A_457 = vector.shape_cast %parallel_loop3A_456 : vector<1xf32> to vector<1xf32>
        %parallel_loop3A_458 = vector.broadcast %parallel_loop3A_457 : vector<1xf32> to vector<16xf32>
        %parallel_loop3A_459 = arith.constant 1 : i32
        %parallel_loop3A_460 = arith.index_cast %parallel_loop3A_459 : i32 to index
        %parallel_loop3A_461 = arith.index_cast %parallel_loop3A_427 : i32 to index
        %parallel_loop3A_462 = arith.constant 0 : index
        %parallel_loop3A_463 = tpu.vector_load %arg10[%parallel_loop3A_460, %parallel_loop3A_461, %parallel_loop3A_462] {strides = array<i32>} : memref<2x64x144xf32, #tpu.memory_space<vmem>>, vector<1x1x16xf32>,
        %parallel_loop3A_464 = vector.shape_cast %parallel_loop3A_463 : vector<1x1x16xf32> to vector<16xf32>
        %parallel_loop3A_465 = arith.mulf %parallel_loop3A_464, %parallel_loop3A_458 : vector<16xf32>
        %parallel_loop3A_466 = arith.constant 1 : i32
        %parallel_loop3A_467 = arith.index_cast %parallel_loop3A_466 : i32 to index
        %parallel_loop3A_468 = arith.index_cast %parallel_loop3A_427 : i32 to index
        %parallel_loop3A_469 = arith.constant 0 : index
        %parallel_loop3A_470 = tpu.vector_load %arg12[%parallel_loop3A_467, %parallel_loop3A_468, %parallel_loop3A_469] {strides = array<i32>} : memref<2x64x144xf32, #tpu.memory_space<vmem>>, vector<1x1x16xf32>,
        %parallel_loop3A_471 = vector.shape_cast %parallel_loop3A_470 : vector<1x1x16xf32> to vector<16xf32>
        %parallel_loop3A_472 = vector.shape_cast %parallel_loop3A_465 : vector<16xf32> to vector<1x1x16xf32>
        tpu.vector_store %arg12[%parallel_loop3A_467, %parallel_loop3A_468, %parallel_loop3A_469], %parallel_loop3A_472 {strides = array<i32>} : memref<2x64x144xf32, #tpu.memory_space<vmem>>, vector<1x1x16xf32>,
        %parallel_loop3A_473 = arith.constant 1 : i32
        %parallel_loop3A_474 = arith.index_cast %parallel_loop3A_473 : i32 to index
        %parallel_loop3A_475 = arith.index_cast %parallel_loop3A_427 : i32 to index
        %parallel_loop3A_476 = arith.constant 16 : index
        %parallel_loop3A_477 = tpu.vector_load %arg10[%parallel_loop3A_474, %parallel_loop3A_475, %parallel_loop3A_476] {strides = array<i32>} : memref<2x64x144xf32, #tpu.memory_space<vmem>>, vector<1x1x16xf32>,
        %parallel_loop3A_478 = vector.shape_cast %parallel_loop3A_477 : vector<1x1x16xf32> to vector<16xf32>
        %parallel_loop3A_479 = arith.mulf %parallel_loop3A_478, %parallel_loop3A_458 : vector<16xf32>
        %parallel_loop3A_480 = arith.constant 1 : i32
        %parallel_loop3A_481 = arith.index_cast %parallel_loop3A_480 : i32 to index
        %parallel_loop3A_482 = arith.index_cast %parallel_loop3A_427 : i32 to index
        %parallel_loop3A_483 = arith.constant 16 : index
        %parallel_loop3A_484 = tpu.vector_load %arg12[%parallel_loop3A_481, %parallel_loop3A_482, %parallel_loop3A_483] {strides = array<i32>} : memref<2x64x144xf32, #tpu.memory_space<vmem>>, vector<1x1x16xf32>,
        %parallel_loop3A_485 = vector.shape_cast %parallel_loop3A_484 : vector<1x1x16xf32> to vector<16xf32>
        %parallel_loop3A_486 = vector.shape_cast %parallel_loop3A_479 : vector<16xf32> to vector<1x1x16xf32>
        tpu.vector_store %arg12[%parallel_loop3A_481, %parallel_loop3A_482, %parallel_loop3A_483], %parallel_loop3A_486 {strides = array<i32>} : memref<2x64x144xf32, #tpu.memory_space<vmem>>, vector<1x1x16xf32>,
        %parallel_loop3A_487 = vector.extract_strided_slice %parallel_loop3A_448 {offsets = [1], sizes = [1], strides = [1]} : vector<16xf32> to vector<1xf32>
        %parallel_loop3A_488 = vector.shape_cast %parallel_loop3A_487 : vector<1xf32> to vector<1xf32>
        %parallel_loop3A_489 = vector.broadcast %parallel_loop3A_488 : vector<1xf32> to vector<16xf32>
        %parallel_loop3A_490 = arith.constant 1 : i32
        %parallel_loop3A_491 = arith.index_cast %parallel_loop3A_490 : i32 to index
        %parallel_loop3A_492 = arith.index_cast %parallel_loop3A_427 : i32 to index
        %parallel_loop3A_493 = arith.constant 32 : index
        %parallel_loop3A_494 = tpu.vector_load %arg10[%parallel_loop3A_491, %parallel_loop3A_492, %parallel_loop3A_493] {strides = array<i32>} : memref<2x64x144xf32, #tpu.memory_space<vmem>>, vector<1x1x16xf32>,
        %parallel_loop3A_495 = vector.shape_cast %parallel_loop3A_494 : vector<1x1x16xf32> to vector<16xf32>
        %parallel_loop3A_496 = arith.mulf %parallel_loop3A_495, %parallel_loop3A_489 : vector<16xf32>
        %parallel_loop3A_497 = arith.constant 1 : i32
        %parallel_loop3A_498 = arith.index_cast %parallel_loop3A_497 : i32 to index
        %parallel_loop3A_499 = arith.index_cast %parallel_loop3A_427 : i32 to index
        %parallel_loop3A_500 = arith.constant 32 : index
        %parallel_loop3A_501 = tpu.vector_load %arg12[%parallel_loop3A_498, %parallel_loop3A_499, %parallel_loop3A_500] {strides = array<i32>} : memref<2x64x144xf32, #tpu.memory_space<vmem>>, vector<1x1x16xf32>,
        %parallel_loop3A_502 = vector.shape_cast %parallel_loop3A_501 : vector<1x1x16xf32> to vector<16xf32>
        %parallel_loop3A_503 = vector.shape_cast %parallel_loop3A_496 : vector<16xf32> to vector<1x1x16xf32>
        tpu.vector_store %arg12[%parallel_loop3A_498, %parallel_loop3A_499, %parallel_loop3A_500], %parallel_loop3A_503 {strides = array<i32>} : memref<2x64x144xf32, #tpu.memory_space<vmem>>, vector<1x1x16xf32>,
        %parallel_loop3A_504 = arith.constant 1 : i32
        %parallel_loop3A_505 = arith.index_cast %parallel_loop3A_504 : i32 to index
        %parallel_loop3A_506 = arith.index_cast %parallel_loop3A_427 : i32 to index
        %parallel_loop3A_507 = arith.constant 48 : index
        %parallel_loop3A_508 = tpu.vector_load %arg10[%parallel_loop3A_505, %parallel_loop3A_506, %parallel_loop3A_507] {strides = array<i32>} : memref<2x64x144xf32, #tpu.memory_space<vmem>>, vector<1x1x16xf32>,
        %parallel_loop3A_509 = vector.shape_cast %parallel_loop3A_508 : vector<1x1x16xf32> to vector<16xf32>
        %parallel_loop3A_510 = arith.mulf %parallel_loop3A_509, %parallel_loop3A_489 : vector<16xf32>
        %parallel_loop3A_511 = arith.constant 1 : i32
        %parallel_loop3A_512 = arith.index_cast %parallel_loop3A_511 : i32 to index
        %parallel_loop3A_513 = arith.index_cast %parallel_loop3A_427 : i32 to index
        %parallel_loop3A_514 = arith.constant 48 : index
        %parallel_loop3A_515 = tpu.vector_load %arg12[%parallel_loop3A_512, %parallel_loop3A_513, %parallel_loop3A_514] {strides = array<i32>} : memref<2x64x144xf32, #tpu.memory_space<vmem>>, vector<1x1x16xf32>,
        %parallel_loop3A_516 = vector.shape_cast %parallel_loop3A_515 : vector<1x1x16xf32> to vector<16xf32>
        %parallel_loop3A_517 = vector.shape_cast %parallel_loop3A_510 : vector<16xf32> to vector<1x1x16xf32>
        tpu.vector_store %arg12[%parallel_loop3A_512, %parallel_loop3A_513, %parallel_loop3A_514], %parallel_loop3A_517 {strides = array<i32>} : memref<2x64x144xf32, #tpu.memory_space<vmem>>, vector<1x1x16xf32>,
        %parallel_loop3A_518 = vector.extract_strided_slice %parallel_loop3A_448 {offsets = [2], sizes = [1], strides = [1]} : vector<16xf32> to vector<1xf32>
        %parallel_loop3A_519 = vector.shape_cast %parallel_loop3A_518 : vector<1xf32> to vector<1xf32>
        %parallel_loop3A_520 = vector.broadcast %parallel_loop3A_519 : vector<1xf32> to vector<16xf32>
        %parallel_loop3A_521 = arith.constant 1 : i32
        %parallel_loop3A_522 = arith.index_cast %parallel_loop3A_521 : i32 to index
        %parallel_loop3A_523 = arith.index_cast %parallel_loop3A_427 : i32 to index
        %parallel_loop3A_524 = arith.constant 64 : index
        %parallel_loop3A_525 = tpu.vector_load %arg10[%parallel_loop3A_522, %parallel_loop3A_523, %parallel_loop3A_524] {strides = array<i32>} : memref<2x64x144xf32, #tpu.memory_space<vmem>>, vector<1x1x16xf32>,
        %parallel_loop3A_526 = vector.shape_cast %parallel_loop3A_525 : vector<1x1x16xf32> to vector<16xf32>
        %parallel_loop3A_527 = arith.mulf %parallel_loop3A_526, %parallel_loop3A_520 : vector<16xf32>
        %parallel_loop3A_528 = arith.constant 1 : i32
        %parallel_loop3A_529 = arith.index_cast %parallel_loop3A_528 : i32 to index
        %parallel_loop3A_530 = arith.index_cast %parallel_loop3A_427 : i32 to index
        %parallel_loop3A_531 = arith.constant 64 : index
        %parallel_loop3A_532 = tpu.vector_load %arg12[%parallel_loop3A_529, %parallel_loop3A_530, %parallel_loop3A_531] {strides = array<i32>} : memref<2x64x144xf32, #tpu.memory_space<vmem>>, vector<1x1x16xf32>,
        %parallel_loop3A_533 = vector.shape_cast %parallel_loop3A_532 : vector<1x1x16xf32> to vector<16xf32>
        %parallel_loop3A_534 = vector.shape_cast %parallel_loop3A_527 : vector<16xf32> to vector<1x1x16xf32>
        tpu.vector_store %arg12[%parallel_loop3A_529, %parallel_loop3A_530, %parallel_loop3A_531], %parallel_loop3A_534 {strides = array<i32>} : memref<2x64x144xf32, #tpu.memory_space<vmem>>, vector<1x1x16xf32>,
        %parallel_loop3A_535 = arith.constant 1 : i32
        %parallel_loop3A_536 = arith.index_cast %parallel_loop3A_535 : i32 to index
        %parallel_loop3A_537 = arith.index_cast %parallel_loop3A_427 : i32 to index
        %parallel_loop3A_538 = arith.constant 80 : index
        %parallel_loop3A_539 = tpu.vector_load %arg10[%parallel_loop3A_536, %parallel_loop3A_537, %parallel_loop3A_538] {strides = array<i32>} : memref<2x64x144xf32, #tpu.memory_space<vmem>>, vector<1x1x16xf32>,
        %parallel_loop3A_540 = vector.shape_cast %parallel_loop3A_539 : vector<1x1x16xf32> to vector<16xf32>
        %parallel_loop3A_541 = arith.mulf %parallel_loop3A_540, %parallel_loop3A_520 : vector<16xf32>
        %parallel_loop3A_542 = arith.constant 1 : i32
        %parallel_loop3A_543 = arith.index_cast %parallel_loop3A_542 : i32 to index
        %parallel_loop3A_544 = arith.index_cast %parallel_loop3A_427 : i32 to index
        %parallel_loop3A_545 = arith.constant 80 : index
        %parallel_loop3A_546 = tpu.vector_load %arg12[%parallel_loop3A_543, %parallel_loop3A_544, %parallel_loop3A_545] {strides = array<i32>} : memref<2x64x144xf32, #tpu.memory_space<vmem>>, vector<1x1x16xf32>,
        %parallel_loop3A_547 = vector.shape_cast %parallel_loop3A_546 : vector<1x1x16xf32> to vector<16xf32>
        %parallel_loop3A_548 = vector.shape_cast %parallel_loop3A_541 : vector<16xf32> to vector<1x1x16xf32>
        tpu.vector_store %arg12[%parallel_loop3A_543, %parallel_loop3A_544, %parallel_loop3A_545], %parallel_loop3A_548 {strides = array<i32>} : memref<2x64x144xf32, #tpu.memory_space<vmem>>, vector<1x1x16xf32>,
        %parallel_loop3A_549 = vector.extract_strided_slice %parallel_loop3A_448 {offsets = [3], sizes = [1], strides = [1]} : vector<16xf32> to vector<1xf32>
        %parallel_loop3A_550 = vector.shape_cast %parallel_loop3A_549 : vector<1xf32> to vector<1xf32>
        %parallel_loop3A_551 = vector.broadcast %parallel_loop3A_550 : vector<1xf32> to vector<16xf32>
        %parallel_loop3A_552 = arith.constant 1 : i32
        %parallel_loop3A_553 = arith.index_cast %parallel_loop3A_552 : i32 to index
        %parallel_loop3A_554 = arith.index_cast %parallel_loop3A_427 : i32 to index
        %parallel_loop3A_555 = arith.constant 96 : index
        %parallel_loop3A_556 = tpu.vector_load %arg10[%parallel_loop3A_553, %parallel_loop3A_554, %parallel_loop3A_555] {strides = array<i32>} : memref<2x64x144xf32, #tpu.memory_space<vmem>>, vector<1x1x16xf32>,
        %parallel_loop3A_557 = vector.shape_cast %parallel_loop3A_556 : vector<1x1x16xf32> to vector<16xf32>
        %parallel_loop3A_558 = arith.mulf %parallel_loop3A_557, %parallel_loop3A_551 : vector<16xf32>
        %parallel_loop3A_559 = arith.constant 1 : i32
        %parallel_loop3A_560 = arith.index_cast %parallel_loop3A_559 : i32 to index
        %parallel_loop3A_561 = arith.index_cast %parallel_loop3A_427 : i32 to index
        %parallel_loop3A_562 = arith.constant 96 : index
        %parallel_loop3A_563 = tpu.vector_load %arg12[%parallel_loop3A_560, %parallel_loop3A_561, %parallel_loop3A_562] {strides = array<i32>} : memref<2x64x144xf32, #tpu.memory_space<vmem>>, vector<1x1x16xf32>,
        %parallel_loop3A_564 = vector.shape_cast %parallel_loop3A_563 : vector<1x1x16xf32> to vector<16xf32>
        %parallel_loop3A_565 = vector.shape_cast %parallel_loop3A_558 : vector<16xf32> to vector<1x1x16xf32>
        tpu.vector_store %arg12[%parallel_loop3A_560, %parallel_loop3A_561, %parallel_loop3A_562], %parallel_loop3A_565 {strides = array<i32>} : memref<2x64x144xf32, #tpu.memory_space<vmem>>, vector<1x1x16xf32>,
        %parallel_loop3A_566 = arith.constant 1 : i32
        %parallel_loop3A_567 = arith.index_cast %parallel_loop3A_566 : i32 to index
        %parallel_loop3A_568 = arith.index_cast %parallel_loop3A_427 : i32 to index
        %parallel_loop3A_569 = arith.constant 112 : index
        %parallel_loop3A_570 = tpu.vector_load %arg10[%parallel_loop3A_567, %parallel_loop3A_568, %parallel_loop3A_569] {strides = array<i32>} : memref<2x64x144xf32, #tpu.memory_space<vmem>>, vector<1x1x16xf32>,
        %parallel_loop3A_571 = vector.shape_cast %parallel_loop3A_570 : vector<1x1x16xf32> to vector<16xf32>
        %parallel_loop3A_572 = arith.mulf %parallel_loop3A_571, %parallel_loop3A_551 : vector<16xf32>
        %parallel_loop3A_573 = arith.constant 1 : i32
        %parallel_loop3A_574 = arith.index_cast %parallel_loop3A_573 : i32 to index
        %parallel_loop3A_575 = arith.index_cast %parallel_loop3A_427 : i32 to index
        %parallel_loop3A_576 = arith.constant 112 : index
        %parallel_loop3A_577 = tpu.vector_load %arg12[%parallel_loop3A_574, %parallel_loop3A_575, %parallel_loop3A_576] {strides = array<i32>} : memref<2x64x144xf32, #tpu.memory_space<vmem>>, vector<1x1x16xf32>,
        %parallel_loop3A_578 = vector.shape_cast %parallel_loop3A_577 : vector<1x1x16xf32> to vector<16xf32>
        %parallel_loop3A_579 = vector.shape_cast %parallel_loop3A_572 : vector<16xf32> to vector<1x1x16xf32>
        tpu.vector_store %arg12[%parallel_loop3A_574, %parallel_loop3A_575, %parallel_loop3A_576], %parallel_loop3A_579 {strides = array<i32>} : memref<2x64x144xf32, #tpu.memory_space<vmem>>, vector<1x1x16xf32>,
      } {sc.loop_unroll_factor = 4 : i64, sc.parallel_access}
      %dma_start3A_415 = arith.constant 1 : i32
      %dma_start3A_416 = arith.constant 3 : i32
      %dma_start3A_417 = arith.constant 0 : i32
      %dma_start3A_418 = arith.constant 0 : i32
      %dma_start3A_419 = tpu.memref_slice %arg12[%dma_start3A_415, %dma_start3A_417, %dma_start3A_418] : memref<2x64x144xf32, #tpu.memory_space<vmem>> -> memref<1x64x144xf32, #tpu.memory_space<vmem>>
      %dma_start3A_420 = tpu.memref_squeeze %dma_start3A_419 : memref<1x64x144xf32, #tpu.memory_space<vmem>> -> memref<64x144xf32, #tpu.memory_space<vmem>>
      %dma_start3A_421 = arith.constant 0 : i32
      %dma_start3A_422 = tpu.memref_slice %arg9[%dma_start3A_416, %dma_start3A_421] : memref<4x64xi32, #tpu.memory_space<vmem>> -> memref<1x64xi32, #tpu.memory_space<vmem>>
      %dma_start3A_423 = tpu.memref_squeeze %dma_start3A_422 : memref<1x64xi32, #tpu.memory_space<vmem>> -> memref<64xi32, #tpu.memory_space<vmem>>
      %dma_start3A_424 = arith.constant 0 : i32
      %dma_start3A_425 = arith.constant 0 : i32
      %dma_start3A_426 = tpu.memref_slice %arg7[%dma_start3A_424, %dma_start3A_425] : memref<10016x144xf32, #tpu.memory_space<vmem_shared>> -> memref<10016x144xf32, #tpu.memory_space<vmem_shared>>
      tpu.enqueue_indirect_dma source(%dma_start3A_420 : memref<64x144xf32, #tpu.memory_space<vmem>>) target(%dma_start3A_426 : memref<10016x144xf32, #tpu.memory_space<vmem_shared>>) offsets(%dma_start3A_423 : memref<64xi32, #tpu.memory_space<vmem>>) semaphore(%arg20 : memref<!tpu.dma_semaphore, #tpu.memory_space<semaphore_mem>>) {add = true}
    }
    %scan3A_157 = arith.constant 41 : i32
    %dma_wait3A_158 = arith.constant 0 : i32
    %dma_wait3A_159 = arith.constant 2 : i32
    %dma_wait3A_160 = arith.constant 0 : i32
    %dma_wait3A_161 = arith.constant 0 : i32
    %dma_wait3A_162 = tpu.memref_slice %arg12[%dma_wait3A_158, %dma_wait3A_160, %dma_wait3A_161] : memref<2x64x144xf32, #tpu.memory_space<vmem>> -> memref<1x64x144xf32, #tpu.memory_space<vmem>>
    %dma_wait3A_163 = tpu.memref_squeeze %dma_wait3A_162 : memref<1x64x144xf32, #tpu.memory_space<vmem>> -> memref<64x144xf32, #tpu.memory_space<vmem>>
    %dma_wait3A_164 = arith.constant 0 : i32
    %dma_wait3A_165 = tpu.memref_slice %arg9[%dma_wait3A_159, %dma_wait3A_164] : memref<4x64xi32, #tpu.memory_space<vmem>> -> memref<1x64xi32, #tpu.memory_space<vmem>>
    %dma_wait3A_166 = tpu.memref_squeeze %dma_wait3A_165 : memref<1x64xi32, #tpu.memory_space<vmem>> -> memref<64xi32, #tpu.memory_space<vmem>>
    %dma_wait3A_167 = arith.constant 0 : i32
    %dma_wait3A_168 = arith.constant 0 : i32
    %dma_wait3A_169 = tpu.memref_slice %arg7[%dma_wait3A_167, %dma_wait3A_168] : memref<10016x144xf32, #tpu.memory_space<vmem_shared>> -> memref<10016x144xf32, #tpu.memory_space<vmem_shared>>
    tpu.wait_indirect_dma semaphore(%arg19 : memref<!tpu.dma_semaphore, #tpu.memory_space<semaphore_mem>>) src(%dma_wait3A_163 : memref<64x144xf32, #tpu.memory_space<vmem>>) dst(%dma_wait3A_169 : memref<10016x144xf32, #tpu.memory_space<vmem_shared>>)
    %dma_wait3A_170 = arith.constant 1 : i32
    %dma_wait3A_171 = arith.constant 3 : i32
    %dma_wait3A_172 = arith.constant 0 : i32
    %dma_wait3A_173 = arith.constant 0 : i32
    %dma_wait3A_174 = tpu.memref_slice %arg12[%dma_wait3A_170, %dma_wait3A_172, %dma_wait3A_173] : memref<2x64x144xf32, #tpu.memory_space<vmem>> -> memref<1x64x144xf32, #tpu.memory_space<vmem>>
    %dma_wait3A_175 = tpu.memref_squeeze %dma_wait3A_174 : memref<1x64x144xf32, #tpu.memory_space<vmem>> -> memref<64x144xf32, #tpu.memory_space<vmem>>
    %dma_wait3A_176 = arith.constant 0 : i32
    %dma_wait3A_177 = tpu.memref_slice %arg9[%dma_wait3A_171, %dma_wait3A_176] : memref<4x64xi32, #tpu.memory_space<vmem>> -> memref<1x64xi32, #tpu.memory_space<vmem>>
    %dma_wait3A_178 = tpu.memref_squeeze %dma_wait3A_177 : memref<1x64xi32, #tpu.memory_space<vmem>> -> memref<64xi32, #tpu.memory_space<vmem>>
    %dma_wait3A_179 = arith.constant 0 : i32
    %dma_wait3A_180 = arith.constant 0 : i32
    %dma_wait3A_181 = tpu.memref_slice %arg7[%dma_wait3A_179, %dma_wait3A_180] : memref<10016x144xf32, #tpu.memory_space<vmem_shared>> -> memref<10016x144xf32, #tpu.memory_space<vmem_shared>>
    tpu.wait_indirect_dma semaphore(%arg20 : memref<!tpu.dma_semaphore, #tpu.memory_space<semaphore_mem>>) src(%dma_wait3A_175 : memref<64x144xf32, #tpu.memory_space<vmem>>) dst(%dma_wait3A_181 : memref<10016x144xf32, #tpu.memory_space<vmem_shared>>)
    %barrier3A_182 = arith.constant 0 : index
    tpu.barrier barrier_id(%barrier3A_182)
    "tpu.region"() ({
      %run_scoped3A_183 = tpu.sem_alloc : memref<!tpu.dma_semaphore, #tpu.memory_space<semaphore_mem>>
      %dma_start3A_184 = arith.constant 0 : i32
      %dma_start3A_185 = tpu.memref_slice %arg6[%arg0, %mul3A_8, %dma_start3A_184] : memref<2x10016x144xf32, #tpu.memory_space<hbm>> -> memref<1x626x144xf32, #tpu.memory_space<hbm>>
      %dma_start3A_186 = tpu.memref_squeeze %dma_start3A_185 : memref<1x626x144xf32, #tpu.memory_space<hbm>> -> memref<626x144xf32, #tpu.memory_space<hbm>>
      %dma_start3A_187 = arith.constant 0 : i32
      %dma_start3A_188 = tpu.memref_slice %arg7[%mul3A_8, %dma_start3A_187] : memref<10016x144xf32, #tpu.memory_space<vmem_shared>> -> memref<626x144xf32, #tpu.memory_space<vmem_shared>>
      tpu.enqueue_dma source(%dma_start3A_188 : memref<626x144xf32, #tpu.memory_space<vmem_shared>>) target(%dma_start3A_186 : memref<626x144xf32, #tpu.memory_space<hbm>>) target_semaphore(%run_scoped3A_183 : memref<!tpu.dma_semaphore, #tpu.memory_space<semaphore_mem>>)
      %dma_wait3A_189 = arith.constant 0 : i32
      %dma_wait3A_190 = tpu.memref_slice %arg6[%arg0, %mul3A_8, %dma_wait3A_189] : memref<2x10016x144xf32, #tpu.memory_space<hbm>> -> memref<1x626x144xf32, #tpu.memory_space<hbm>>
      %dma_wait3A_191 = tpu.memref_squeeze %dma_wait3A_190 : memref<1x626x144xf32, #tpu.memory_space<hbm>> -> memref<626x144xf32, #tpu.memory_space<hbm>>
      %dma_wait3A_192 = arith.constant 0 : i32
      %dma_wait3A_193 = tpu.memref_slice %arg7[%mul3A_8, %dma_wait3A_192] : memref<10016x144xf32, #tpu.memory_space<vmem_shared>> -> memref<626x144xf32, #tpu.memory_space<vmem_shared>>
      tpu.wait_dma2 semaphore(%run_scoped3A_183 : memref<!tpu.dma_semaphore, #tpu.memory_space<semaphore_mem>>) src(%dma_wait3A_193 : memref<626x144xf32, #tpu.memory_space<vmem_shared>>) dst(%dma_wait3A_191 : memref<626x144xf32, #tpu.memory_space<hbm>>)
      tpu.yield
    }) : () -> ()
    return
  }
}

module attributes {stable_mosaic.version = 14 : i64} {
  func.func @_tc_prep_kernel(%arg0: i32, %arg1: memref<256x128xf32, #tpu.memory_space<vmem>>, %arg2: memref<128x128xf32, #tpu.memory_space<vmem>>, %arg3: memref<128x16xf32, #tpu.memory_space<vmem>>, %arg4: memref<128x16xf32, #tpu.memory_space<vmem>>, %arg5: memref<256x144xf32, #tpu.memory_space<vmem>>, %arg6: memref<256x16xf32, #tpu.memory_space<vmem>>) attributes {dimension_semantics = [#tpu.dimension_semantics<arbitrary>], iteration_bounds = array<i64: 40>, scalar_prefetch = 0 : i64, scratch_operands = 0 : i64, tpu.core_type = #tpu.core_type<tc>, window_params = [{transform_indices = @transform_0, window_bounds = array<i64: 256, 128>}, {pipeline_mode = #tpu.pipeline_mode<synchronous>, transform_indices = @transform_1, window_bounds = array<i64: 128, 128>}, {pipeline_mode = #tpu.pipeline_mode<synchronous>, transform_indices = @transform_2, window_bounds = array<i64: 128, 16>}, {pipeline_mode = #tpu.pipeline_mode<synchronous>, transform_indices = @transform_3, window_bounds = array<i64: 128, 16>}, {transform_indices = @transform_4, window_bounds = array<i64: 256, 144>}, {transform_indices = @transform_5, window_bounds = array<i64: 256, 16>}]} {
    %get3A = arith.constant 0 : index
    %get3A_0 = arith.constant 0 : index
    %get3A_1 = vector.load %arg1[%get3A, %get3A_0] : memref<256x128xf32, #tpu.memory_space<vmem>>, vector<256x128xf32>
    %get3A_2 = arith.constant 0 : index
    %get3A_3 = arith.constant 0 : index
    %get3A_4 = vector.load %arg2[%get3A_2, %get3A_3] : memref<128x128xf32, #tpu.memory_space<vmem>>, vector<128x128xf32>
    %dot_general3A = arith.constant dense<0.000000e+00> : vector<256x128xf32>
    %dot_general3A_5 = tpu.matmul %get3A_1, %get3A_4, %dot_general3A {dimension_numbers = #tpu.dot_dimension_numbers<[1], [0], [0], [1], [0, 0, 1, 1], [], []>, transpose_lhs_hint = false} : vector<256x128xf32>, vector<128x128xf32>, vector<256x128xf32> -> vector<256x128xf32>
    %get3A_6 = arith.constant 0 : index
    %get3A_7 = arith.constant 0 : index
    %get3A_8 = vector.load %arg3[%get3A_6, %get3A_7] : memref<128x16xf32, #tpu.memory_space<vmem>>, vector<128x16xf32>
    %dot_general3A_9 = arith.constant dense<0.000000e+00> : vector<256x16xf32>
    %dot_general3A_10 = tpu.matmul %dot_general3A_5, %get3A_8, %dot_general3A_9 {dimension_numbers = #tpu.dot_dimension_numbers<[1], [0], [0], [1], [0, 0, 1, 1], [], []>, precision = #tpu.contract_precision<fp32>, transpose_lhs_hint = false} : vector<256x128xf32>, vector<128x16xf32>, vector<256x16xf32> -> vector<256x16xf32>
    %concatenate3A = tpu.concatenate %dot_general3A_5, %dot_general3A_10 in 1 : vector<256x128xf32>, vector<256x16xf32> -> vector<256x144xf32>
    %swap3A = arith.constant 0 : index
    %swap3A_11 = arith.constant 0 : index
    %swap3A_12 = vector.load %arg5[%swap3A, %swap3A_11] : memref<256x144xf32, #tpu.memory_space<vmem>>, vector<256x144xf32>
    tpu.vector_store %arg5[%swap3A, %swap3A_11], %concatenate3A {strides = array<i32>} : memref<256x144xf32, #tpu.memory_space<vmem>>, vector<256x144xf32>,
    %get3A_13 = arith.constant 0 : index
    %get3A_14 = arith.constant 0 : index
    %get3A_15 = vector.load %arg4[%get3A_13, %get3A_14] : memref<128x16xf32, #tpu.memory_space<vmem>>, vector<128x16xf32>
    %dot_general3A_16 = arith.constant dense<0.000000e+00> : vector<256x16xf32>
    %dot_general3A_17 = tpu.matmul %dot_general3A_5, %get3A_15, %dot_general3A_16 {dimension_numbers = #tpu.dot_dimension_numbers<[1], [0], [0], [1], [0, 0, 1, 1], [], []>, precision = #tpu.contract_precision<fp32>, transpose_lhs_hint = false} : vector<256x128xf32>, vector<128x16xf32>, vector<256x16xf32> -> vector<256x16xf32>
    %swap3A_18 = arith.constant 0 : index
    %swap3A_19 = arith.constant 0 : index
    %swap3A_20 = vector.load %arg6[%swap3A_18, %swap3A_19] : memref<256x16xf32, #tpu.memory_space<vmem>>, vector<256x16xf32>
    tpu.vector_store %arg6[%swap3A_18, %swap3A_19], %dot_general3A_17 {strides = array<i32>} : memref<256x16xf32, #tpu.memory_space<vmem>>, vector<256x16xf32>,
    return
  }
  func.func @transform_0(%arg0: i32) -> (i32, i32) {
    %c0_i32 = arith.constant 0 : i32
    %c0_i32_0 = arith.constant 0 : i32
    return %arg0, %c0_i32 : i32, i32
  }
  func.func @transform_1(%arg0: i32) -> (i32, i32) {
    %c0_i32 = arith.constant 0 : i32
    %c0_i32_0 = arith.constant 0 : i32
    %c0_i32_1 = arith.constant 0 : i32
    return %c0_i32, %c0_i32_0 : i32, i32
  }
  func.func @transform_2(%arg0: i32) -> (i32, i32) {
    %c0_i32 = arith.constant 0 : i32
    %c0_i32_0 = arith.constant 0 : i32
    %c0_i32_1 = arith.constant 0 : i32
    return %c0_i32, %c0_i32_0 : i32, i32
  }
  func.func @transform_3(%arg0: i32) -> (i32, i32) {
    %c0_i32 = arith.constant 0 : i32
    %c0_i32_0 = arith.constant 0 : i32
    %c0_i32_1 = arith.constant 0 : i32
    return %c0_i32, %c0_i32_0 : i32, i32
  }
  func.func @transform_4(%arg0: i32) -> (i32, i32) {
    %c0_i32 = arith.constant 0 : i32
    %c0_i32_0 = arith.constant 0 : i32
    return %arg0, %c0_i32 : i32, i32
  }
  func.func @transform_5(%arg0: i32) -> (i32, i32) {
    %c0_i32 = arith.constant 0 : i32
    %c0_i32_0 = arith.constant 0 : i32
    return %arg0, %c0_i32 : i32, i32
  }
}

module attributes {stable_mosaic.version = 14 : i64} {
  func.func @_tc_final_kernel(%arg0: memref<2x10016x144xf32, #tpu.memory_space<vmem>>, %arg1: memref<1x128xf32, #tpu.memory_space<vmem>>, %arg2: memref<1x10016xi32, #tpu.memory_space<vmem>>, %arg3: memref<128x1xf32, #tpu.memory_space<vmem>>, %arg4: memref<1x1xf32, #tpu.memory_space<vmem>>, %arg5: memref<128x50xf32, #tpu.memory_space<vmem>>, %arg6: memref<1x50xf32, #tpu.memory_space<vmem>>, %arg7: memref<50x1xf32, #tpu.memory_space<vmem>>, %arg8: memref<1x1xf32, #tpu.memory_space<vmem>>, %arg9: memref<64x1xf32, #tpu.memory_space<vmem>>) attributes {dimension_semantics = [], scalar_prefetch = 0 : i64, scratch_operands = 0 : i64, tpu.core_type = #tpu.core_type<tc>} {
    %get3A = arith.constant 0 : index
    %get3A_0 = arith.constant 0 : index
    %get3A_1 = arith.constant 0 : index
    %get3A_2 = vector.load %arg0[%get3A, %get3A_0, %get3A_1] : memref<2x10016x144xf32, #tpu.memory_space<vmem>>, vector<1x10016x144xf32>
    %get3A_3 = vector.shape_cast %get3A_2 : vector<1x10016x144xf32> to vector<10016x144xf32>
    %get3A_4 = arith.constant 1 : index
    %get3A_5 = arith.constant 0 : index
    %get3A_6 = arith.constant 0 : index
    %get3A_7 = vector.load %arg0[%get3A_4, %get3A_5, %get3A_6] : memref<2x10016x144xf32, #tpu.memory_space<vmem>>, vector<1x10016x144xf32>
    %get3A_8 = vector.shape_cast %get3A_7 : vector<1x10016x144xf32> to vector<10016x144xf32>
    %add3A = arith.addf %get3A_3, %get3A_8 : vector<10016x144xf32>
    %slice3A = vector.extract_strided_slice %add3A {offsets = [0, 0], sizes = [10016, 128], strides = [1, 1]} : vector<10016x144xf32> to vector<10016x128xf32>
    %slice3A_9 = vector.extract_strided_slice %add3A {offsets = [0, 128], sizes = [10016, 1], strides = [1, 1]} : vector<10016x144xf32> to vector<10016x1xf32>
    %broadcast_in_dim3A = vector.shape_cast %slice3A_9 : vector<10016x1xf32> to vector<10016x1xf32>
    %broadcast_in_dim3A_10 = vector.broadcast %broadcast_in_dim3A : vector<10016x1xf32> to vector<10016x32xf32>
    %slice3A_11 = vector.extract_strided_slice %add3A {offsets = [0, 129], sizes = [10016, 1], strides = [1, 1]} : vector<10016x144xf32> to vector<10016x1xf32>
    %broadcast_in_dim3A_12 = vector.shape_cast %slice3A_11 : vector<10016x1xf32> to vector<10016x1xf32>
    %broadcast_in_dim3A_13 = vector.broadcast %broadcast_in_dim3A_12 : vector<10016x1xf32> to vector<10016x32xf32>
    %slice3A_14 = vector.extract_strided_slice %add3A {offsets = [0, 130], sizes = [10016, 1], strides = [1, 1]} : vector<10016x144xf32> to vector<10016x1xf32>
    %broadcast_in_dim3A_15 = vector.shape_cast %slice3A_14 : vector<10016x1xf32> to vector<10016x1xf32>
    %broadcast_in_dim3A_16 = vector.broadcast %broadcast_in_dim3A_15 : vector<10016x1xf32> to vector<10016x32xf32>
    %slice3A_17 = vector.extract_strided_slice %add3A {offsets = [0, 131], sizes = [10016, 1], strides = [1, 1]} : vector<10016x144xf32> to vector<10016x1xf32>
    %broadcast_in_dim3A_18 = vector.shape_cast %slice3A_17 : vector<10016x1xf32> to vector<10016x1xf32>
    %broadcast_in_dim3A_19 = vector.broadcast %broadcast_in_dim3A_18 : vector<10016x1xf32> to vector<10016x32xf32>
    %concatenate3A = tpu.concatenate %broadcast_in_dim3A_10, %broadcast_in_dim3A_13, %broadcast_in_dim3A_16, %broadcast_in_dim3A_19 in 1 : vector<10016x32xf32>, vector<10016x32xf32>, vector<10016x32xf32>, vector<10016x32xf32> -> vector<10016x128xf32>
    %eq3A = arith.constant 0.000000e+00 : f32
    %eq3A_20 = vector.broadcast %eq3A : f32 to vector<10016x128xf32>
    %eq3A_21 = arith.cmpf oeq, %concatenate3A, %eq3A_20 : vector<10016x128xf32>
    %jit3A = arith.constant 1.000000e+00 : f32
    %broadcast_in_dim3A_22 = vector.broadcast %jit3A : f32 to vector<10016x128xf32>
    %select_n3A = arith.select %eq3A_21, %broadcast_in_dim3A_22, %concatenate3A : vector<10016x128xi1>, vector<10016x128xf32>
    %div3A = arith.divf %slice3A, %select_n3A : vector<10016x128xf32>
    %get3A_23 = arith.constant 0 : index
    %get3A_24 = arith.constant 0 : index
    %get3A_25 = vector.load %arg1[%get3A_23, %get3A_24] : memref<1x128xf32, #tpu.memory_space<vmem>>, vector<1x128xf32>
    %add3A_26 = vector.broadcast %get3A_25 : vector<1x128xf32> to vector<10016x128xf32>
    %add3A_27 = arith.addf %div3A, %add3A_26 : vector<10016x128xf32>
    %gt3A = arith.constant 0.000000e+00 : f32
    %gt3A_28 = vector.broadcast %gt3A : f32 to vector<10016x128xf32>
    %gt3A_29 = arith.cmpf ogt, %add3A_27, %gt3A_28 : vector<10016x128xf32>
    %exp3A = math.exp %add3A_27 : vector<10016x128xf32>
    %sub3A = arith.constant 1.000000e+00 : f32
    %sub3A_30 = vector.broadcast %sub3A : f32 to vector<10016x128xf32>
    %sub3A_31 = arith.subf %exp3A, %sub3A_30 : vector<10016x128xf32>
    %select_n3A_32 = arith.select %gt3A_29, %add3A_27, %sub3A_31 : vector<10016x128xi1>, vector<10016x128xf32>
    %get3A_33 = arith.constant 0 : index
    %get3A_34 = arith.constant 0 : index
    %get3A_35 = vector.load %arg3[%get3A_33, %get3A_34] : memref<128x1xf32, #tpu.memory_space<vmem>>, vector<128x1xf32>
    %dot_general3A = arith.constant dense<0.000000e+00> : vector<10016x1xf32>
    %dot_general3A_36 = tpu.matmul %select_n3A_32, %get3A_35, %dot_general3A {dimension_numbers = #tpu.dot_dimension_numbers<[1], [0], [0], [1], [0, 0, 1, 1], [], []>, transpose_lhs_hint = false} : vector<10016x128xf32>, vector<128x1xf32>, vector<10016x1xf32> -> vector<10016x1xf32>
    %get3A_37 = arith.constant 0 : index
    %get3A_38 = arith.constant 0 : index
    %get3A_39 = vector.load %arg4[%get3A_37, %get3A_38] : memref<1x1xf32, #tpu.memory_space<vmem>>, vector<1x1xf32>
    %add3A_40 = vector.broadcast %get3A_39 : vector<1x1xf32> to vector<10016x1xf32>
    %add3A_41 = arith.addf %dot_general3A_36, %add3A_40 : vector<10016x1xf32>
    %exp3A_42 = math.exp %add3A_41 : vector<10016x1xf32>
    %get3A_43 = arith.constant 0 : index
    %get3A_44 = arith.constant 0 : index
    %get3A_45 = vector.load %arg2[%get3A_43, %get3A_44] : memref<1x10016xi32, #tpu.memory_space<vmem>>, vector<1x10016xi32>
    %iota3A = tpu.iota {dimensions = array<i32: 0>} : vector<64x10016xi32>
    %eq3A_46 = vector.broadcast %get3A_45 : vector<1x10016xi32> to vector<64x10016xi32>
    %eq3A_47 = arith.cmpi eq, %iota3A, %eq3A_46 : vector<64x10016xi32>
    %convert_element_type3A = arith.extui %eq3A_47 : vector<64x10016xi1> to vector<64x10016xi32>
    %convert_element_type3A_48 = arith.sitofp %convert_element_type3A : vector<64x10016xi32> to vector<64x10016xf32>
    %dot_general3A_49 = arith.constant dense<0.000000e+00> : vector<64x1xf32>
    %dot_general3A_50 = tpu.matmul %convert_element_type3A_48, %exp3A_42, %dot_general3A_49 {dimension_numbers = #tpu.dot_dimension_numbers<[1], [0], [0], [1], [0, 0, 1, 1], [], []>, precision = #tpu.contract_precision<fp32>, transpose_lhs_hint = false} : vector<64x10016xf32>, vector<10016x1xf32>, vector<64x1xf32> -> vector<64x1xf32>
    %mul3A = vector.broadcast %exp3A_42 : vector<10016x1xf32> to vector<10016x128xf32>
    %mul3A_51 = arith.mulf %select_n3A_32, %mul3A : vector<10016x128xf32>
    %dot_general3A_52 = arith.constant dense<0.000000e+00> : vector<64x128xf32>
    %dot_general3A_53 = tpu.matmul %convert_element_type3A_48, %mul3A_51, %dot_general3A_52 {dimension_numbers = #tpu.dot_dimension_numbers<[1], [0], [0], [1], [0, 0, 1, 1], [], []>, precision = #tpu.contract_precision<fp32>, transpose_lhs_hint = false} : vector<64x10016xf32>, vector<10016x128xf32>, vector<64x128xf32> -> vector<64x128xf32>
    %eq3A_54 = arith.constant 0.000000e+00 : f32
    %eq3A_55 = vector.broadcast %eq3A_54 : f32 to vector<64x1xf32>
    %eq3A_56 = arith.cmpf oeq, %dot_general3A_50, %eq3A_55 : vector<64x1xf32>
    %jit3A_57 = arith.constant 1.000000e+00 : f32
    %broadcast_in_dim3A_58 = vector.broadcast %jit3A_57 : f32 to vector<64x1xf32>
    %select_n3A_59 = arith.select %eq3A_56, %broadcast_in_dim3A_58, %dot_general3A_50 : vector<64x1xi1>, vector<64x1xf32>
    %div3A_60 = vector.broadcast %select_n3A_59 : vector<64x1xf32> to vector<64x128xf32>
    %div3A_61 = arith.divf %dot_general3A_53, %div3A_60 : vector<64x128xf32>
    %get3A_62 = arith.constant 0 : index
    %get3A_63 = arith.constant 0 : index
    %get3A_64 = vector.load %arg5[%get3A_62, %get3A_63] : memref<128x50xf32, #tpu.memory_space<vmem>>, vector<128x50xf32>
    %dot_general3A_65 = arith.constant dense<0.000000e+00> : vector<64x50xf32>
    %dot_general3A_66 = tpu.matmul %div3A_61, %get3A_64, %dot_general3A_65 {dimension_numbers = #tpu.dot_dimension_numbers<[1], [0], [0], [1], [0, 0, 1, 1], [], []>, transpose_lhs_hint = false} : vector<64x128xf32>, vector<128x50xf32>, vector<64x50xf32> -> vector<64x50xf32>
    %get3A_67 = arith.constant 0 : index
    %get3A_68 = arith.constant 0 : index
    %get3A_69 = vector.load %arg6[%get3A_67, %get3A_68] : memref<1x50xf32, #tpu.memory_space<vmem>>, vector<1x50xf32>
    %add3A_70 = vector.broadcast %get3A_69 : vector<1x50xf32> to vector<64x50xf32>
    %add3A_71 = arith.addf %dot_general3A_66, %add3A_70 : vector<64x50xf32>
    %max3A = arith.constant 0.000000e+00 : f32
    %max3A_72 = vector.broadcast %max3A : f32 to vector<64x50xf32>
    %max3A_73 = arith.maximumf %add3A_71, %max3A_72 : vector<64x50xf32>
    %get3A_74 = arith.constant 0 : index
    %get3A_75 = arith.constant 0 : index
    %get3A_76 = vector.load %arg7[%get3A_74, %get3A_75] : memref<50x1xf32, #tpu.memory_space<vmem>>, vector<50x1xf32>
    %dot_general3A_77 = arith.constant dense<0.000000e+00> : vector<64x1xf32>
    %dot_general3A_78 = tpu.matmul %max3A_73, %get3A_76, %dot_general3A_77 {dimension_numbers = #tpu.dot_dimension_numbers<[1], [0], [0], [1], [0, 0, 1, 1], [], []>, transpose_lhs_hint = false} : vector<64x50xf32>, vector<50x1xf32>, vector<64x1xf32> -> vector<64x1xf32>
    %get3A_79 = arith.constant 0 : index
    %get3A_80 = arith.constant 0 : index
    %get3A_81 = vector.load %arg8[%get3A_79, %get3A_80] : memref<1x1xf32, #tpu.memory_space<vmem>>, vector<1x1xf32>
    %add3A_82 = vector.broadcast %get3A_81 : vector<1x1xf32> to vector<64x1xf32>
    %add3A_83 = arith.addf %dot_general3A_78, %add3A_82 : vector<64x1xf32>
    %swap3A = arith.constant 0 : index
    %swap3A_84 = arith.constant 0 : index
    %swap3A_85 = vector.load %arg9[%swap3A, %swap3A_84] : memref<64x1xf32, #tpu.memory_space<vmem>>, vector<64x1xf32>
    tpu.vector_store %arg9[%swap3A, %swap3A_84], %add3A_83 {strides = array<i32>} : memref<64x1xf32, #tpu.memory_space<vmem>>, vector<64x1xf32>,
    return
  }
}

</mosaic_0001>

<sc_bundles>
// kernel: kernel.5.cloned.1.call-start
scs
__scs_entry_jumppad:
0x0: {  	(pc) =	sbr.rel $0x88, $3  }
0x1: {  	(tag) =	ssettag $0x0;
	lr =	simm.s32 $0x1  }
0x2: {  	[smem:$0x3F94] =	sst lr;
	_ =	strace $0xD0000000  }
0x3: {  	_ = 	snop  }
0x4: {  	_ = 	snop  }
0x5: {  	_ = 	snop  }
0x6: {  	_ = 	snop  }
0x7: {  	_ = 	snop  }
__scs_overlays_trampoline_lowered:
0x8: {  	[smem:$0x3FA3] =	sst s0  }
0x9: {  	[smem:$0x3FA4] =	sst s1  }
0xa: {  	[smem:$0x3FA5] =	sst s2  }
0xb: {  	[smem:$0x3FA6] =	sst s3  }
0xc: {  	[smem:$0x3FA7] =	sst s4  }
0xd: {  	[smem:$0x3FA8] =	sst s5  }
0xe: {  	[smem:$0x3FA9] =	sst s6  }
0xf: {  	[smem:$0x3FAA] =	sst s7  }
0x10: {  	[smem:$0x3FAB] =	sst s8  }
0x11: {  	[smem:$0x3FAC] =	sst s9;
	s0 =	simm.s32 @!p0 $0x0  }
0x12: {  	s1 =	sld [smem:$0x3F92];
	s0 =	simm.s32 @p0 $0x1  }
0x13: {  	[smem:$0x3FAD] =	sst s0;
	s0 =	simm.s32 @!p1 $0x0  }
0x14: {  	s2 =	sld [smem:$0x3F91];
	s0 =	simm.s32 @p1 $0x1  }
0x15: {  	[smem:$0x3FAE] =	sst s0;
	s0 =	simm.s32 @!p2 $0x0  }
0x16: {  	s3 =	sld [smem:$0x3FDB];
	s0 =	simm.s32 @p2 $0x1  }
0x17: {  	s4 =	simm.s32 $0x1BF5;
	[smem:$0x3FB0] =	sst s0  }
0x18: {  	s0 =	sld [smem:$0x3F93];
	_ =	swait.ge [sflag:s4], $0x0  }
0x19: {  	s7 =	sld [smem:$0x3F94]  }
0x1a: {  	s8 =	sadd.s32 $0xFFFFE003, lr  }
0x1b: {  	s9 =	sadd.s32 $0xFFFFFEF7, lr;
	s5 =	simm.s32 $0xFFFFFFFF;
	p2 =	slt.u32 s8, $0xFFFFF086  }
0x1c: {  	p1 =	slt.u32 s9, $0xF7A;
	s5 =	simm.s32 @!p2 $0x0  }
0x1d: {  	s5 =	simm.s32 @p1 $0x1;
	p0 =	seq.s32 s7, s2  }
0x1e: {  	s7 =	smul.u32 @!p0 $0xF7A, s2;
	p2 =	seq.s32 @!p0 s5, $0x0  }
0x1f: {  	s9 =	smul.u32 $0xF7A, s1;
	s8 =	simm.s32 @!p0 $0x1BF5;
	p2 =	por !p2, p0  }
0x20: {  	[sflag:s8] =	ssyncset.s32 @!p0 $0xFFFFF086;
	s6 =	sadd.s32 @!p0 s3, s7;
	s7 =	simm.s32 @!p0 $0x108  }
0x21: {  	s3 =	sadd.s32 s3, s9;
	s6 =	sadd.s32 @!p0 $0x88, s6;
	s7 =	simm.s32 @p2 $0x1082  }
0x22: {  	[simem:s7], [sflag:s8] =	dma.local @!p0 [hbm:s6], $0xF7A  }
0x23: {  	s9 =	sor.u32 $0xD0000000, s2;
	s6 =	simm.s32 $0x108;
	_ =	swait.ge @!p0 [sflag:s8], $0x0  }
0x24: {  	s3 =	sadd.s32 $0x88, s3;
	s6 =	simm.s32 @!p1 $0x1082;
	[sflag:s4] =	ssyncset.s32 $0xFFFFF086  }
0x25: {  	[simem:s6], [sflag:s4] =	dma.local [hbm:s3], $0xF7A  }
0x26: {  	[smem:$0x3F94] =	sst s1;
	(tag) =	ssettag s2;
	_ =	strace s9  }
0x27: {  	s1 =	sld [smem:$0x3FA4]  }
0x28: {  	s2 =	sld [smem:$0x3FA5]  }
0x29: {  	s4 =	sld [smem:$0x3FA7]  }
0x2a: {  	p0 =	seq.s32 s5, $0x0;
	s5 =	sld [smem:$0x3FA8]  }
0x2b: {  	s6 =	sld [smem:$0x3FA9]  }
0x2c: {  	s7 =	sld [smem:$0x3FAA]  }
0x2d: {  	s3 =	simm.s32 $0x108;
	s8 =	sld [smem:$0x3FAB]  }
0x2e: {  	s3 =	simm.s32 @!p0 $0x1082;
	s9 =	sld [smem:$0x3FAC]  }
0x2f: {  	lr =	sadd.s32 s0, s3;
	s0 =	sld [smem:$0x3FA3]  }
0x30: {  	s3 =	sld [smem:$0x3FA6]  }
0x31: {  	[smem:$0x3FAF] =	sst s10  }
0x32: {  	s10 =	sld [smem:$0x3FAD];
	_ =	sdelay $0x3  }
0x33: {  	p0 =	seq.s32 s10, $0x1;
	s10 =	sld [smem:$0x3FAF];
	_ =	sdelay $0x3  }
0x34: {  	[smem:$0x3FAF] =	sst s10  }
0x35: {  	s10 =	sld [smem:$0x3FAE];
	_ =	sdelay $0x3  }
0x36: {  	p1 =	seq.s32 s10, $0x1;
	s10 =	sld [smem:$0x3FAF];
	_ =	sdelay $0x3  }
0x37: {  	[smem:$0x3FAF] =	sst s10  }
0x38: {  	s10 =	sld [smem:$0x3FB0]  }
0x39: {  	_ = 	snop;
	(pc) =	sbr.ind lr, $3  }
0x3a: {  	_ = 	snop  }
0x3b: {  	_ = 	snop  }
0x3c: {  	p2 =	seq.s32 s10, $0x1;
	s10 =	sld [smem:$0x3FAF]  }
0x3d: {  	_ =	shalt  }
0x3e: {  	_ =	shalt  }
0x3f: {  	_ =	shalt  }
0x40: {  	_ =	shalt  }
0x41: {  	_ =	shalt  }
0x42: {  	_ =	shalt  }
0x43: {  	_ =	shalt  }
0x44: {  	_ =	shalt  }
0x45: {  	_ =	shalt  }
0x46: {  	_ =	shalt  }
0x47: {  	_ =	shalt  }
0x48: {  	_ =	shalt  }
0x49: {  	_ =	shalt  }
0x4a: {  	_ =	shalt  }
0x4b: {  	_ =	shalt  }
0x4c: {  	_ =	shalt  }
0x4d: {  	_ =	shalt  }
0x4e: {  	_ =	shalt  }
0x4f: {  	_ =	shalt  }
0x50: {  	_ =	shalt  }
0x51: {  	_ =	shalt  }
0x52: {  	_ =	shalt  }
0x53: {  	_ =	shalt  }
0x54: {  	_ =	shalt  }
0x55: {  	_ =	shalt  }
0x56: {  	_ =	shalt  }
0x57: {  	_ =	shalt  }
0x58: {  	_ =	shalt  }
0x59: {  	_ =	shalt  }
0x5a: {  	_ =	shalt  }
0x5b: {  	_ =	shalt  }
0x5c: {  	_ =	shalt  }
0x5d: {  	_ =	shalt  }
0x5e: {  	_ =	shalt  }
0x5f: {  	_ =	shalt  }
0x60: {  	_ =	shalt  }
0x61: {  	_ =	shalt  }
0x62: {  	_ =	shalt  }
0x63: {  	_ =	shalt  }
0x64: {  	_ =	shalt  }
0x65: {  	_ =	shalt  }
0x66: {  	_ =	shalt  }
0x67: {  	_ =	shalt  }
0x68: {  	_ =	shalt  }
0x69: {  	_ =	shalt  }
0x6a: {  	_ =	shalt  }
0x6b: {  	_ =	shalt  }
0x6c: {  	_ =	shalt  }
0x6d: {  	_ =	shalt  }
0x6e: {  	_ =	shalt  }
0x6f: {  	_ =	shalt  }
0x70: {  	_ =	shalt  }
0x71: {  	_ =	shalt  }
0x72: {  	_ =	shalt  }
0x73: {  	_ =	shalt  }
0x74: {  	_ =	shalt  }
0x75: {  	_ =	shalt  }
0x76: {  	_ =	shalt  }
0x77: {  	_ =	shalt  }
0x78: {  	_ =	shalt  }
0x79: {  	_ =	shalt  }
0x7a: {  	_ =	shalt  }
0x7b: {  	_ =	shalt  }
0x7c: {  	_ =	shalt  }
0x7d: {  	_ =	shalt  }
0x7e: {  	_ =	shalt  }
0x7f: {  	_ =	shalt  }
0x80: {  	_ =	shalt  }
0x81: {  	_ =	shalt  }
0x82: {  	_ =	shalt  }
0x83: {  	_ =	shalt  }
0x84: {  	_ =	shalt  }
0x85: {  	_ =	shalt  }
0x86: {  	_ =	shalt  }
0x87: {  	_ =	shalt  }
.Lfunc_end0:
.L_simem_size_0:
called_computation_lowered:
.L_overlay_start_0:
0x88: {  	s2 =	sld [smem:$0x3FD9]  }
0x89: {  	s3 =	sld [smem:$0x3FFE];
	_ =	sdelay $0x1  }
0x8a: {  	s1 =	srdreg.scid  }
0x8b: {  	s0 =	sand.u32 $0x1, s1  }
0x8c: {  	s16 =	sshll.u32 s0, $0xA;
	s2 =	sadd.s32 s3, s2  }
0x8d: {  	s2 =	sadd.s32 s2, s16  }
0x8e: {  	[smem:$0x3FBB] =	sst s2  }
0x8f: {  	_ = 	snop  }
0x90: {  	(tm) =	ssettm $0x1  }
0x91: {  	s17 =	sld [smem:$0x3FFB];
	_ =	sdelay $0x3  }
0x92: {  	_ =	strace s17  }
0x93: {  	s2 =	sld [smem:$0x3FFC];
	_ =	sdelay $0x3  }
0x94: {  	_ =	strace s2  }
0x95: {  	s2 =	sld [smem:$0x3FFD];
	_ =	sdelay $0x3  }
0x96: {  	_ =	strace s2  }
0x97: {  	_ =	strace $0x8FFFFFFF  }
0x98: {  	s18 =	sld [smem:$0x3FDB];
	_ =	sdelay $0x1  }
0x99: {  	s19 =	simm.s32 $_scs_section_size  }
0x9a: {  	s4 =	simm.s32 $_size__tile_overlayer_lowered;
	s5 =	simm.s32 $_tile_overlayer_lowered  }
0x9b: {  	s22 =	simm.s32 $0x1BFF;
	s21 =	sshll.u32 s5, $0x1;
	s2 =	sadd.s32 s19, s18  }
0x9c: {  	s6 =	simm.s32 $0x0;
	s20 =	sshll.u32 s4, $0x1;
	s4 =	sadd.s32 s21, s2  }
0x9d: {  	[timem:s6], [sflag:s22] =	dma.local [hbm:s4], s20  }
0x9e: {  	_ =	swait.ge [sflag:s22], s20  }
0x9f: {  	s3 =	ssub.s32 $0x0, s20;
	[sflag:s22] =	ssyncset.done $0x0  }
0xa0: {  	[sflag:s22] =	ssyncadd.s32 s3;
	_ =	sdelay $0x1  }
0xa1: {  	s23 =	simm.s32 $0x1B8B  }
0xa2: {  	_ =	swait.ge [sflag:s23], $0x1  }
0xa3: {  	[sflag:s23] =	ssyncset.done $0x0  }
0xa4: {  	s25 =	simm.s32 $0x1B8E;
	s24 =	sld [smem:$0x3FFE];
	[sflag:s23] =	ssyncadd.s32 $0xFFFFFFFF  }
0xa5: {  	s26 =	simm.s32 $execute0_lowered;
	[smem:$0x3FD2] =	sst s25  }
0xa6: {  	s4 =	sshll.u32 s26, $0x1;
	_ =	strace $0x80000046;
	[dreg:$0x1] =	wrdreg $0xFFFFFFFF  }
0xa7: {  	s28 =	simm.s32 $_size_execute0_lowered;
	s2 =	sadd.s32 s2, s4;
	[dreg:$0x0] =	wrdreg $0x0  }
0xa8: {  	s4 =	sshll.u32 s28, $0x1;
	[dreg:$0x2] =	wrdreg s2  }
0xa9: {  	[dreg:$0x3] =	wrdreg s4  }
0xaa: {  	[dreg:$0x4] =	wrdreg $0xC0  }
0xab: {  	_ =	task [dreg:s6], $0x5FFFF  }
0xac: {  	[dreg:$0x1] =	wrdreg $0xFFFFFFFF  }
0xad: {  	[dreg:$0x0] =	wrdreg $0x60  }
0xae: {  	[dreg:$0x2] =	wrdreg s24  }
0xaf: {  	[dreg:$0x3] =	wrdreg $0x0  }
0xb0: {  	[dreg:$0x4] =	wrdreg $0x9  }
0xb1: {  	_ =	task.clear_ibuf [dreg:s6], $0x5FFFF;
	_ =	strace $0x90000046  }
0xb2: {  	s29 =	simm.s32 $0x9;
	_ =	strace $0x80000048  }
0xb3: {  	_ =	swait.ge [sflag:s29], $0x1  }
0xb4: {  	[sflag:s29] =	ssyncadd.s32 $0xFFFFFFFF  }
0xb5: {  	_ =	strace $0x90000048  }
0xb6: {  	_ =	sfence  }
0xb7: {  	s30 =	sld [smem:$0x0];
	_ =	sdelay $0x2  }
0xb8: {  	s31 =	sshll.u32 s1, $0xD;
	s1 =	sshrl.u32 s1, $0x2  }
0xb9: {  	s3 =	sand.u32 $0x4000, s31;
	s1 =	sadd.s32 s1, s30  }
0xba: {  	s0 =	sor.u32 s3, s0;
	s1 =	sshll.u32 s1, $0x11  }
0xbb: {  	s0 =	sor.u32 s1, s0  }
0xbc: {  	s0 =	sadd.s32 $0x8F2B, s0  }
0xbd: {  	[sflag:s0] =	ssyncadd.remote.s32 $0x1  }
0xbe: {  	_ =	sfence.sel $0xFFFF  }
0xbf: {  	[dreg:$0x0] =	wrdreg $0xFFFFFFFF;
	(pc) =	sbr.abs _section_cstart, $3  }
0xc0: {  	[dreg:$0x1] =	wrdreg $0xFFFFFFFF  }
0xc1: {  	_ =	task.clear_ibuf [dreg:s6], $0x2FFFF;
	_ =	strace $0x9FFFFFFF  }
0xc2: {  	(tm) =	ssettm $0x7FFFFFFF  }
0xc3: {  	_ =	shalt  }
tec
execute0_lowered:
.L_overlay_start_1:
0x0: {  	(tag) =	ssettag $0x1  }
0x1: {  	s0 =	rddreg [dreg:$0x0]  }
0x2: {  	s2 =	rddreg [dreg:$0x1];
	s1 =	srdreg.scid  }
0x3: {  	s12 =	stileid.u32;
	s3 =	simm.s32 $0x0;
	s29 =	simm.s32 $0x1B220  }
0x4: {  	s30 =	simm.s32 $0x8;
	s1 =	sand.u32 $0x1, s1;
	s10 =	smul.u32 $0x58080, s12  }
0x5: {  	s8 =	smul.u32 $0x16020, s12;
	[smem:$0x7FF] =	sst s3;
	s4 =	sadd.s32 $0x600, s0  }
0x6: {  	s5 =	sadd.s32 $0x2D600, s0;
	s6 =	smul.u32 $0x160200, s1;
	s10 =	sshrl.u32 s10, $0x2  }
0x7: {  	_ =	strace $0x80000047;
	s31 =	ssub.s32 $0x2, s1;
	s10 =	sadd.s32 s10, s2  }
0x8: {  	s1 =	sshll.u32 s1, $0x4;
	s11 =	sshrl.u32 s31, $0x1;
	s13 =	sadd.s32 $0x2400, s10  }
0x9: {  	s1 =	sor.u32 s12, s1;
	s14 =	sadd.s32 $0x4800, s10;
	[dreg:$0x4] =	wrdreg s13  }
0xa: {  	s12 =	simm.s32 $0x9;
	s15 =	sadd.s32 $0x6C00, s10;
	[dreg:$0x5] =	wrdreg s14  }
0xb: {  	s7 =	sadd.s32 s8, s6;
	s16 =	sadd.s32 $0x9000, s10;
	[dreg:$0x6] =	wrdreg s15  }
0xc: {  	s6 =	sadd.s32 $0x3CA00, s0;
	s17 =	sadd.s32 $0xB400, s10;
	[dreg:$0x7] =	wrdreg s16  }
0xd: {  	s20 =	smul.u32 $0x520, s1;
	s18 =	sadd.s32 $0xD800, s10;
	[dreg:$0x8] =	wrdreg s17  }
0xe: {  	s1 =	smul.u32 $0xA4, s1;
	s19 =	sadd.s32 $0xFC00, s10;
	[dreg:$0x9] =	wrdreg s18  }
0xf: {  	s9 =	sshrl.u32 s7, $0x3;
	s21 =	sadd.s32 $0x12000, s10;
	[dreg:$0xa] =	wrdreg s19  }
0x10: {  	s7 =	sadd.s32 $0x32600, s0;
	s10 =	sadd.s32 $0x14400, s10;
	[dreg:$0xb] =	wrdreg s21  }
0x11: {  	s0 =	sadd.s32 s9, s0;
	[dreg:$0xc] =	wrdreg s10;
	s22 =	sadd.s32 s6, s20  }
0x12: {  	s9 =	ssub.s32 s31, s11;
	s23 =	sadd.s32 s7, s20;
	[dreg:$0xd] =	wrdreg s22  }
0x13: {  	s11 =	sadd.s32 s8, s2;
	s25 =	sor.u32 $0x2, s1;
	[dreg:$0xe] =	wrdreg s23  }
0x14: {  	s8 =	sor.u32 $0x8, s20;
	s26 =	sor.u32 $0x3, s1;
	[dreg:$0x11] =	wrdreg s25  }
0x15: {  	s28 =	sadd.s32 $0x4, s1;
	s1 =	sadd.s32 $0x5, s1;
	[dreg:$0x12] =	wrdreg s26  }
0x16: {  	s10 =	simm.s32 $0x40;
	s13 =	simm.s32 $0x5;
	[dreg:$0x13] =	wrdreg s28  }
0x17: {  	s15 =	simm.s32 $0x161A0;
	s16 =	simm.s32 $0x2;
	[dreg:$0x14] =	wrdreg s1  }
0x18: {  	s19 =	simm.s32 $0x6;
	s24 =	sadd.s32 s6, s8;
	[dreg:$0x3] =	wrdreg s11  }
0x19: {  	s21 =	simm.s32 $0x161E0;
	s8 =	sadd.s32 s7, s8;
	[dreg:$0xf] =	wrdreg s24  }
0x1a: {  	s0 =	sadd.s32 $0x46E00, s0;
	s31 =	smax.u32 s9, $0x1;
	[dreg:$0x10] =	wrdreg s8  }
0x1b: {  	v0 =	vimm.f32 $0.0e+00;
	v1 =	vimm.s32 $0x0;
	s26 =	simm.s32 $0x3;
	s9 =	simm.s32 $0x4;
	[dreg:$0x15] =	wrdreg s0  }
0x1c: {  	v2 =	vimm.s32 $0x1;
	v3 =	vimm.s32 $0x2;
	v4 =	vimm.s32 $0x3;
	s1 =	simm.s32 $0x0;
	[dreg:$0x16] =	wrdreg s31;
	s8 =	simm.s32 $0x7  }
.LBB2_1:
0x1d: {  	[dreg:$0x17] =	wrdreg s1;
	s0 =	simm.s32 $0x0;
	s1 =	simm.s32 $0x240  }
.LBB2_2:
0x1e: {  	p0 =	sne.s32 s1, $0x8DC0;
	[tilespmem:s0+$0x1B2A0] =	vst v0  }
0x1f: {  	[tilespmem:s0+$0x1B220] =	vst v0  }
0x20: {  	[tilespmem:s0+$0x1B230] =	vst v0  }
0x21: {  	[tilespmem:s0+$0x1B240] =	vst v0  }
.Ltmp0:
0x22: {  	[tilespmem:s0+$0x1B250] =	vst v0;
	(pc) =	sbr.rel @p0 .LBB2_2-.Ltmp0, $4  }
0x23: {  	[tilespmem:s0+$0x1B260] =	vst v0  }
0x24: {  	[tilespmem:s0+$0x1B270] =	vst v0  }
0x25: {  	[tilespmem:s0+$0x1B280] =	vst v0  }
0x26: {  	[tilespmem:s0+$0x1B290] =	vst v0;
	s0 =	sshra.s32 s1, $0x2;
	s1 =	sadd.s32 $0x240, s1  }
0x27: {  	[tilespmem:s0+$0x1B2A0] =	vst v0  }
0x28: {  	[tilespmem:s0+$0x1B220] =	vst v0  }
0x29: {  	[tilespmem:s0+$0x1B230] =	vst v0  }
0x2a: {  	[tilespmem:s0+$0x1B240] =	vst v0  }
0x2b: {  	[tilespmem:s0+$0x1B250] =	vst v0  }
0x2c: {  	[tilespmem:s0+$0x1B260] =	vst v0  }
0x2d: {  	[tilespmem:s0+$0x1B270] =	vst v0  }
0x2e: {  	[tilespmem:s0+$0x1B280] =	vst v0  }
0x2f: {  	[tilespmem:s0+$0x1B290] =	vst v0  }
0x30: {  	[spmem:s11] =	stream.linear.scatter [tilespmem:s29], [sflag:$0x9], $0x2400, $0x38;
	[tilespmem:$0x1FA20] =	vst v63  }
0x31: {  	_ =	swait.ge [sflag:s12], $0x2400  }
0x32: {  	[sflag:s12] =	ssyncset.done $0x0  }
0x33: {  	s20 =	rddreg [dreg:$0x4];
	[sflag:s12] =	ssyncadd.s32 $0xFFFFDC00  }
0x34: {  	[spmem:s20] =	stream.linear.scatter [tilespmem:s29], [sflag:$0x9], $0x2400, $0x38;
	[tilespmem:$0x1FA20] =	vst v63  }
0x35: {  	_ =	swait.ge [sflag:s12], $0x2400  }
0x36: {  	[sflag:s12] =	ssyncset.done $0x0  }
0x37: {  	s22 =	rddreg [dreg:$0x5];
	[sflag:s12] =	ssyncadd.s32 $0xFFFFDC00  }
0x38: {  	[spmem:s22] =	stream.linear.scatter [tilespmem:s29], [sflag:$0x9], $0x2400, $0x38;
	[tilespmem:$0x1FA20] =	vst v63  }
0x39: {  	_ =	swait.ge [sflag:s12], $0x2400  }
0x3a: {  	[sflag:s12] =	ssyncset.done $0x0  }
0x3b: {  	s23 =	rddreg [dreg:$0x6];
	[sflag:s12] =	ssyncadd.s32 $0xFFFFDC00  }
0x3c: {  	[spmem:s23] =	stream.linear.scatter [tilespmem:s29], [sflag:$0x9], $0x2400, $0x38;
	[tilespmem:$0x1FA20] =	vst v63  }
0x3d: {  	_ =	swait.ge [sflag:s12], $0x2400  }
0x3e: {  	[sflag:s12] =	ssyncset.done $0x0  }
0x3f: {  	s24 =	rddreg [dreg:$0x7];
	[sflag:s12] =	ssyncadd.s32 $0xFFFFDC00  }
0x40: {  	[spmem:s24] =	stream.linear.scatter [tilespmem:s29], [sflag:$0x9], $0x2400, $0x38;
	[tilespmem:$0x1FA20] =	vst v63  }
0x41: {  	_ =	swait.ge [sflag:s12], $0x2400  }
0x42: {  	[sflag:s12] =	ssyncset.done $0x0  }
0x43: {  	s25 =	rddreg [dreg:$0x8];
	[sflag:s12] =	ssyncadd.s32 $0xFFFFDC00  }
0x44: {  	[spmem:s25] =	stream.linear.scatter [tilespmem:s29], [sflag:$0x9], $0x2400, $0x38;
	[tilespmem:$0x1FA20] =	vst v63  }
0x45: {  	_ =	swait.ge [sflag:s12], $0x2400  }
0x46: {  	[sflag:s12] =	ssyncset.done $0x0  }
0x47: {  	s28 =	rddreg [dreg:$0x9];
	[sflag:s12] =	ssyncadd.s32 $0xFFFFDC00  }
0x48: {  	[spmem:s28] =	stream.linear.scatter [tilespmem:s29], [sflag:$0x9], $0x2400, $0x38;
	[tilespmem:$0x1FA20] =	vst v63  }
0x49: {  	_ =	swait.ge [sflag:s12], $0x2400  }
0x4a: {  	[sflag:s12] =	ssyncset.done $0x0  }
0x4b: {  	s31 =	rddreg [dreg:$0xa];
	[sflag:s12] =	ssyncadd.s32 $0xFFFFDC00  }
0x4c: {  	[spmem:s31] =	stream.linear.scatter [tilespmem:s29], [sflag:$0x9], $0x2400, $0x38;
	[tilespmem:$0x1FA20] =	vst v63  }
0x4d: {  	_ =	swait.ge [sflag:s12], $0x2400  }
0x4e: {  	[sflag:s12] =	ssyncset.done $0x0  }
0x4f: {  	s1 =	rddreg [dreg:$0xb];
	[sflag:s12] =	ssyncadd.s32 $0xFFFFDC00  }
0x50: {  	[spmem:s1] =	stream.linear.scatter [tilespmem:s29], [sflag:$0x9], $0x2400, $0x38;
	[tilespmem:$0x1FA20] =	vst v63  }
0x51: {  	_ =	swait.ge [sflag:s12], $0x2400  }
0x52: {  	[sflag:s12] =	ssyncset.done $0x0  }
0x53: {  	s11 =	rddreg [dreg:$0xc];
	[sflag:s12] =	ssyncadd.s32 $0xFFFFDC00  }
0x54: {  	[spmem:s11] =	stream.linear.scatter [tilespmem:s29], [sflag:$0x9], $0x1C20, $0x38;
	[tilespmem:$0x1FA20] =	vst v63  }
0x55: {  	_ =	swait.ge [sflag:s12], $0x1C20  }
0x56: {  	[sflag:s12] =	ssyncset.done $0x0  }
0x57: {  	[sflag:s12] =	ssyncadd.s32 $0xFFFFE3E0  }
0x58: {  	[bflag:$0x0] =	sbarrier.arrive $0xFFFF  }
0x59: {  	s17 =	simm.s32 $0x16020;
	s1 =	simm.s32 $0x0;
	s14 =	rddreg [dreg:$0xd]  }
0x5a: {  	[tilespmem:s17], [sflag:$0x1] =	stream.linear.gather [hbm4b:s14+s1], $0x40, $0x38;
	[tilespmem:$0x1FA20] =	vst v63  }
0x5b: {  	s20 =	simm.s32 $0x16120;
	s18 =	rddreg [dreg:$0xe]  }
0x5c: {  	[tilespmem:s20], [sflag:$0x1] =	stream.linear.gather [hbm4b:s18+s1], $0x40, $0x38;
	[tilespmem:$0x1FA20] =	vst v63  }
0x5d: {  	s22 =	rddreg [dreg:$0xf];
	s14 =	simm.s32 $0x16060  }
0x5e: {  	[tilespmem:s14], [sflag:$0x2] =	stream.linear.gather [hbm4b:s22+s1], $0x40, $0x38;
	[tilespmem:$0x1FA20] =	vst v63  }
0x5f: {  	s24 =	simm.s32 $0x16160;
	s25 =	simm.s32 $0x1;
	s23 =	rddreg [dreg:$0x10]  }
0x60: {  	[tilespmem:s24], [sflag:$0x2] =	stream.linear.gather [hbm4b:s23+s1], $0x40, $0x38;
	[tilespmem:$0x1FA20] =	vst v63  }
0x61: {  	_ =	swait.ge [sflag:s25], $0x40  }
0x62: {  	[sflag:s25] =	ssyncset.done $0x0  }
0x63: {  	[sflag:s25] =	ssyncadd.s32 $0xFFFFFFC0  }
0x64: {  	_ =	swait.ge [sflag:s25], $0x40  }
0x65: {  	[sflag:s25] =	ssyncset.done $0x0  }
0x66: {  	s28 =	simm.s32 $0x16220;
	[sflag:s25] =	ssyncadd.s32 $0xFFFFFFC0  }
0x67: {  	[tilespmem:s28], [sflag:$0x5] =	stream.indirect.gather [hbm4b:s4+s10], $0x90, s17, s10, $0xb8;
	[tilespmem:$0x1FA20] =	vst v63  }
0x68: {  	s31 =	simm.s32 $0x1AA20  }
0x69: {  	[tilespmem:s31], [sflag:$0x5] =	stream.indirect.gather [hbm4b:s5+s10], $0x10, s20, s10, $0xb8;
	[tilespmem:$0x1FA20] =	vst v63  }
.LBB2_4:
0x6a: {  	_ =	swait.ge [sflag:s13], $0x2400  }
0x6b: {  	[sflag:s13] =	ssyncset.done $0x0  }
0x6c: {  	[sflag:s13] =	ssyncadd.s32 $0xFFFFDC00  }
0x6d: {  	s11 =	sshll.u32 s1, $0x2;
	_ =	swait.ge [sflag:s13], $0x400  }
0x6e: {  	p0 =	seq.s32 s1, $0x0;
	[sflag:s13] =	ssyncset.done $0x0;
	s12 =	rddreg [dreg:$0x11]  }
0x6f: {  	s0 =	simm.s32 @!p0 $0x7;
	[sflag:s13] =	ssyncadd.s32 $0xFFFFFC00;
	s12 =	sadd.s32 s11, s12  }
0x70: {  	_ =	swait.ge @!p0 [sflag:s0], $0x2400;
	s12 =	sshll.u32 s12, $0x3  }
0x71: {  	[sflag:s0] =	ssyncset.done @!p0 $0x0;
	s12 =	sand.u32 $0x1FFFFFF0, s12  }
0x72: {  	s14 =	simm.s32 $0x160A0;
	[sflag:s0] =	ssyncadd.s32 @!p0 $0xFFFFDC00;
	s25 =	sadd.s32 s6, s12  }
0x73: {  	[tilespmem:s14], [sflag:$0x3] =	stream.linear.gather [hbm4b:s25+s3], $0x40, $0x38;
	[tilespmem:$0x1FA20] =	vst v63  }
0x74: {  	s17 =	sadd.s32 s7, s12  }
0x75: {  	[tilespmem:s15], [sflag:$0x3] =	stream.linear.gather [hbm4b:s17+s3], $0x40, $0x38;
	[tilespmem:$0x1FA20] =	vst v63  }
0x76: {  	_ =	swait.ge [sflag:s16], $0x40  }
0x77: {  	[sflag:s16] =	ssyncset.done $0x0  }
0x78: {  	[sflag:s16] =	ssyncadd.s32 $0xFFFFFFC0  }
0x79: {  	_ =	swait.ge [sflag:s16], $0x40  }
0x7a: {  	[sflag:s16] =	ssyncset.done $0x0  }
0x7b: {  	s18 =	simm.s32 $0x16060;
	s20 =	simm.s32 $0x18620;
	[sflag:s16] =	ssyncadd.s32 $0xFFFFFFC0  }
0x7c: {  	[tilespmem:s20], [sflag:$0x6] =	stream.indirect.gather [hbm4b:s4+s10], $0x90, s18, s10, $0xb8;
	[tilespmem:$0x1FA20] =	vst v63  }
0x7d: {  	s22 =	simm.s32 $0x16160;
	s23 =	simm.s32 $0x1AE20;
	s17 =	simm.s32 $0x16340  }
0x7e: {  	[tilespmem:s23], [sflag:$0x6] =	stream.indirect.gather [hbm4b:s5+s10], $0x10, s22, s10, $0xb8;
	[tilespmem:$0x1FA20] =	vst v63  }
0x7f: {  	s24 =	simm.s32 $0x1AA40;
	v5 =	vld [tilespmem:s17+$0x110]  }
0x80: {  	v6 =	vld [tilespmem:s24+$0x10];
	_ =	sdelay $0x4  }
0x81: {  	v7 =	vld [tilespmem:s17+$0xFFFFFFF0];
	v5 =	vadd.f32 v6, v5  }
0x82: {  	v8 =	vld [tilespmem:s24+$0xFFFFFFF0]  }
0x83: {  	v6 =	vmul.f32 $2.000000030e-01, v5  }
0x84: {  	vm0 =	vlt.f32 v5, $0.0e+00  }
0x85: {  	v5 =	vsel vm0, v6, v5  }
0x86: {  	v9 =	vld [tilespmem:s24+$0xFFFFFFE0];
	v5 =	vmul.f32 $1.442695020e+00, v5  }
0x87: {  	v7 =	vadd.f32 v8, v7;
	v8 =	vld [tilespmem:s17+$0xFFFFFF60]  }
0x88: {  	(erf) = vpow2.f32 v5  }
0x89: {  	v10 =	vld [tilespmem:s24+$0x0];
	v11 =	vmul.f32 $2.000000030e-01, v7  }
0x8a: {  	vm11 =	vlt.f32 v7, $0.0e+00;
	v6 =	vld [tilespmem:s17+$0x80]  }
0x8b: {  	v5 =	vsel vm11, v11, v7  }
0x8c: {  	v7 =	vadd.f32 v9, v8;
	v5 =	vmul.f32 $1.442695020e+00, v5;
	_ =	sdelay $0x1  }
0x8d: {  	(erf) = vpow2.f32 v5;
	v5 =	vmul.f32 $2.000000030e-01, v7  }
0x8e: {  	v6 =	vadd.f32 v10, v6;
	vm12 =	vlt.f32 v7, $0.0e+00  }
0x8f: {  	v5 =	vsel vm12, v5, v7  }
0x90: {  	s12 =	simm.s32 $0x1B340;
	v8 =	vmul.f32 $2.000000030e-01, v6;
	v5 =	vmul.f32 $1.442695020e+00, v5;
	v11 =	vpop (erf)  }
0x91: {  	vm1 =	vlt.f32 v6, $0.0e+00;
	[tilespmem:s12+$0x110] =	vst v11  }
0x92: {  	v6 =	vsel vm1, v8, v6;
	(erf) = vpow2.f32 v5;
	v5 =	vld [tilespmem:s17+$0x90]  }
0x93: {  	v6 =	vmul.f32 $1.442695020e+00, v6;
	_ =	sdelay $0x1  }
0x94: {  	(erf) = vpow2.f32 v6;
	v6 =	vperm.xlane v11, v1;
	_ =	sdelay $0x1  }
0x95: {  	v5 =	vmul.f32 v6, v5;
	_ =	sdelay $0x1  }
0x96: {  	[tilespmem:s12+$0x90] =	vst v5  }
0x97: {  	v12 =	vld [tilespmem:s17+$0xA0];
	_ =	sdelay $0x3  }
0x98: {  	s25 =	simm.s32 $0x1AA80;
	v7 =	vpop (erf)  }
0x99: {  	v15 =	vld [tilespmem:s25+$0x10];
	[tilespmem:s12+$0xFFFFFFF0] =	vst v7;
	v6 =	vmul.f32 v6, v12  }
0x9a: {  	s0 =	simm.s32 $0x16580;
	v8 =	vld [tilespmem:s17+$0xFFFFFF70]  }
0x9b: {  	v12 =	vld [tilespmem:s0+$0x110];
	[tilespmem:s12+$0xA0] =	vst v6  }
0x9c: {  	v6 =	vld [tilespmem:s17+$0xB0]  }
0x9d: {  	v16 =	vld [tilespmem:s25+$0xFFFFFFE0]  }
0x9e: {  	v17 =	vld [tilespmem:s0+$0xFFFFFFF0];
	v9 =	vperm.xlane v7, v1;
	v10 =	vpop (erf)  }
0x9f: {  	v19 =	vld [tilespmem:s25+$0xFFFFFFF0];
	v18 =	vperm.xlane v11, v2;
	[tilespmem:s12+$0xFFFFFF60] =	vst v10;
	v5 =	vpop (erf)  }
0xa0: {  	v8 =	vmul.f32 v9, v8;
	v13 =	vld [tilespmem:s17+$0xFFFFFEE0];
	[tilespmem:s12+$0x80] =	vst v5  }
0xa1: {  	v14 =	vld [tilespmem:s17+$0x0];
	v12 =	vadd.f32 v15, v12;
	v6 =	vmul.f32 v18, v6  }
0xa2: {  	v20 =	vld [tilespmem:s0+$0x80];
	[tilespmem:s12+$0xFFFFFF70] =	vst v8  }
0xa3: {  	v23 =	vld [tilespmem:s0+$0xFFFFFF60];
	v21 =	vperm.xlane v10, v1;
	[tilespmem:s12+$0xB0] =	vst v6;
	v6 =	vmul.f32 $2.000000030e-01, v12  }
0xa4: {  	v8 =	vld [tilespmem:s17+$0xFFFFFF80];
	v15 =	vperm.xlane v5, v1;
	vm13 =	vlt.f32 v12, $0.0e+00  }
0xa5: {  	v22 =	vld [tilespmem:s25+$0x0];
	v13 =	vmul.f32 v21, v13;
	v6 =	vsel vm13, v6, v12  }
0xa6: {  	v14 =	vmul.f32 v15, v14;
	v24 =	vld [tilespmem:s17+$0xC0];
	v6 =	vmul.f32 $1.442695020e+00, v6  }
0xa7: {  	[tilespmem:s12+$0xFFFFFEE0] =	vst v13  }
0xa8: {  	v13 =	vadd.f32 v19, v17;
	[tilespmem:s12+$0x0] =	vst v14;
	(erf) = vpow2.f32 v6  }
0xa9: {  	v16 =	vadd.f32 v16, v23;
	v8 =	vmul.f32 v9, v8;
	v9 =	vld [tilespmem:s17+$0x10]  }
0xaa: {  	v17 =	vmul.f32 $2.000000030e-01, v13  }
0xab: {  	v14 =	vadd.f32 v22, v20;
	v6 =	vmul.f32 $2.000000030e-01, v16;
	v18 =	vmul.f32 v18, v24  }
0xac: {  	vm2 =	vlt.f32 v16, $0.0e+00;
	vm14 =	vlt.f32 v13, $0.0e+00;
	[tilespmem:s12+$0xFFFFFF80] =	vst v8;
	v12 =	vld [tilespmem:s17+$0xFFFFFEF0]  }
0xad: {  	v13 =	vsel vm14, v17, v13;
	v19 =	vmul.f32 $2.000000030e-01, v14;
	v6 =	vsel vm2, v6, v16;
	v16 =	vld [tilespmem:s17+$0xFFFFFF90];
	[tilespmem:s12+$0xC0] =	vst v18  }
0xae: {  	v13 =	vmul.f32 $1.442695020e+00, v13;
	vm15 =	vlt.f32 v14, $0.0e+00;
	v9 =	vmul.f32 v15, v9;
	v15 =	vld [tilespmem:s17+$0xD0]  }
0xaf: {  	s18 =	simm.s32 $0x1AAC0;
	v17 =	vperm.xlane v7, v2;
	v8 =	vsel vm15, v19, v14;
	v6 =	vmul.f32 $1.442695020e+00, v6  }
0xb0: {  	s23 =	simm.s32 $0x167C0;
	v26 =	vld [tilespmem:s18+$0xFFFFFFE0];
	v8 =	vmul.f32 $1.442695020e+00, v8;
	(erf) = vpow2.f32 v13  }
0xb1: {  	s22 =	simm.s32 $0x1B580;
	v28 =	vld [tilespmem:s23+$0xFFFFFFF0];
	v13 =	vperm.xlane v11, v3;
	(erf) = vpow2.f32 v6;
	v14 =	vpop (erf)  }
0xb2: {  	v31 =	vld [tilespmem:s18+$0xFFFFFFF0];
	v12 =	vmul.f32 v21, v12;
	(erf) = vpow2.f32 v8;
	[tilespmem:s22+$0x110] =	vst v14  }
0xb3: {  	[tilespmem:s12+$0x10] =	vst v9;
	v9 =	vmul.f32 v17, v16;
	v8 =	vmul.f32 v13, v15;
	v16 =	vld [tilespmem:s0+$0x90]  }
0xb4: {  	[tilespmem:s12+$0xFFFFFEF0] =	vst v12;
	v6 =	vld [tilespmem:s17+$0x20]  }
0xb5: {  	v12 =	vld [tilespmem:s17+$0xFFFFFF00];
	[tilespmem:s12+$0xD0] =	vst v8  }
0xb6: {  	v21 =	vperm.xlane v14, v1;
	v19 =	vld [tilespmem:s17+$0xE0]  }
0xb7: {  	v34 =	vld [tilespmem:s23+$0x80];
	v15 =	vperm.xlane v5, v2  }
0xb8: {  	s20 =	simm.s32 $0x1AB00;
	v35 =	vld [tilespmem:s18+$0x0];
	v18 =	vperm.xlane v10, v2;
	v16 =	vmul.f32 v21, v16  }
0xb9: {  	v39 =	vld [tilespmem:s20+$0xFFFFFFF0];
	[tilespmem:s12+$0xFFFFFF90] =	vst v9;
	v8 =	vmul.f32 v15, v6  }
0xba: {  	v12 =	vmul.f32 v18, v12;
	v20 =	vld [tilespmem:s17+$0xFFFFFFA0];
	[tilespmem:s22+$0x90] =	vst v16  }
0xbb: {  	[tilespmem:s12+$0x20] =	vst v8;
	v13 =	vmul.f32 v13, v19;
	v19 =	vld [tilespmem:s0+$0xA0]  }
0xbc: {  	v6 =	vpop (erf);
	[tilespmem:s12+$0xFFFFFF00] =	vst v12;
	v22 =	vld [tilespmem:s17+$0x30]  }
0xbd: {  	[tilespmem:s22+$0xFFFFFFF0] =	vst v6;
	v12 =	vld [tilespmem:s17+$0xFFFFFF10];
	v9 =	vpop (erf)  }
0xbe: {  	v23 =	vld [tilespmem:s0+$0xFFFFFF70];
	[tilespmem:s22+$0xFFFFFF60] =	vst v9;
	v8 =	vpop (erf)  }
0xbf: {  	v24 =	vld [tilespmem:s0+$0xFFFFFEE0];
	[tilespmem:s22+$0x80] =	vst v8  }
0xc0: {  	v17 =	vmul.f32 v17, v20;
	v20 =	vld [tilespmem:s0+$0x0];
	v19 =	vmul.f32 v21, v19  }
0xc1: {  	v16 =	vperm.xlane v6, v1;
	[tilespmem:s12+$0xE0] =	vst v13;
	v13 =	vmul.f32 v15, v22;
	v22 =	vld [tilespmem:s18+$0x10]  }
0xc2: {  	v12 =	vmul.f32 v18, v12;
	v21 =	vld [tilespmem:s23+$0x110];
	[tilespmem:s22+$0xA0] =	vst v19  }
0xc3: {  	[tilespmem:s12+$0xFFFFFFA0] =	vst v17;
	v17 =	vmul.f32 v16, v23;
	v23 =	vld [tilespmem:s0+$0xB0]  }
0xc4: {  	v15 =	vld [tilespmem:s17+$0xF0];
	[tilespmem:s12+$0xFFFFFF10] =	vst v12  }
0xc5: {  	v32 =	vperm.xlane v9, v1;
	v12 =	vld [tilespmem:s17+$0xFFFFFFB0];
	[tilespmem:s22+$0xFFFFFF70] =	vst v17  }
0xc6: {  	v27 =	vperm.xlane v7, v3;
	v30 =	vperm.xlane v14, v2;
	v17 =	vld [tilespmem:s0+$0xFFFFFF80]  }
0xc7: {  	v25 =	vperm.xlane v10, v3;
	v18 =	vld [tilespmem:s17+$0xFFFFFF20];
	[tilespmem:s12+$0x30] =	vst v13;
	v21 =	vadd.f32 v22, v21;
	v22 =	vmul.f32 v32, v24  }
0xc8: {  	v33 =	vperm.xlane v8, v1;
	v13 =	vld [tilespmem:s17+$0x40];
	v23 =	vmul.f32 v30, v23  }
0xc9: {  	v11 =	vperm.xlane v11, v4;
	v29 =	vperm.xlane v6, v2;
	v24 =	vld [tilespmem:s23+$0xFFFFFF60];
	[tilespmem:s22+$0xFFFFFEE0] =	vst v22  }
0xca: {  	v43 =	vld [tilespmem:s20+$0x0];
	v28 =	vadd.f32 v31, v28;
	v20 =	vmul.f32 v33, v20;
	[tilespmem:s22+$0xB0] =	vst v23;
	v23 =	vmul.f32 $2.000000030e-01, v21  }
0xcb: {  	v19 =	vperm.xlane v5, v3;
	v16 =	vmul.f32 v16, v17;
	vm4 =	vlt.f32 v21, $0.0e+00;
	v17 =	vld [tilespmem:s0+$0xFFFFFEF0]  }
0xcc: {  	[tilespmem:s22+$0x0] =	vst v20;
	v22 =	vmul.f32 v27, v12;
	v12 =	vmul.f32 v25, v18;
	v18 =	vld [tilespmem:s0+$0xC0];
	v21 =	vsel vm4, v23, v21  }
0xcd: {  	s25 =	simm.s32 $0x16A00;
	v20 =	vadd.f32 v35, v34;
	v15 =	vmul.f32 v11, v15;
	[tilespmem:s22+$0xFFFFFF80] =	vst v16;
	v16 =	vld [tilespmem:s0+$0x10];
	v21 =	vmul.f32 $1.442695020e+00, v21  }
0xce: {  	v36 =	vld [tilespmem:s25+$0xFFFFFFF0];
	v13 =	vmul.f32 v19, v13;
	v24 =	vadd.f32 v26, v24;
	v23 =	vmul.f32 $2.000000030e-01, v28  }
0xcf: {  	vm5 =	vlt.f32 v28, $0.0e+00;
	[tilespmem:s12+$0xFFFFFF20] =	vst v12;
	v12 =	vmul.f32 $2.000000030e-01, v20;
	v26 =	vld [tilespmem:s0+$0xFFFFFF90];
	(erf) = vpow2.f32 v21  }
0xd0: {  	[tilespmem:s12+$0xF0] =	vst v15;
	v31 =	vmul.f32 $2.000000030e-01, v24;
	v17 =	vmul.f32 v32, v17;
	v15 =	vsel vm5, v23, v28;
	v21 =	vld [tilespmem:s17+$0xFFFFFF30]  }
0xd1: {  	v41 =	vld [tilespmem:s25+$0x80];
	[tilespmem:s12+$0x40] =	vst v13;
	vm7 =	vlt.f32 v24, $0.0e+00;
	v15 =	vmul.f32 $1.442695020e+00, v15;
	v18 =	vmul.f32 v30, v18  }
0xd2: {  	vm6 =	vlt.f32 v20, $0.0e+00;
	v16 =	vmul.f32 v33, v16;
	v23 =	vsel vm7, v31, v24;
	v24 =	vld [tilespmem:s17+$0x50];
	[tilespmem:s22+$0xFFFFFEF0] =	vst v17  }
0xd3: {  	v20 =	vsel vm6, v12, v20;
	(erf) = vpow2.f32 v15;
	v15 =	vld [tilespmem:s0+$0xFFFFFF00];
	[tilespmem:s22+$0xC0] =	vst v18;
	v18 =	vmul.f32 $1.442695020e+00, v23  }
0xd4: {  	[tilespmem:s12+$0xFFFFFFB0] =	vst v22;
	v20 =	vmul.f32 $1.442695020e+00, v20;
	v22 =	vmul.f32 v29, v26;
	v17 =	vld [tilespmem:s0+$0xD0]  }
0xd5: {  	[tilespmem:s22+$0x10] =	vst v16;
	v23 =	vld [tilespmem:s17+$0xFFFFFFC0];
	(erf) = vpow2.f32 v18;
	v16 =	vmul.f32 v25, v21  }
0xd6: {  	v18 =	vld [tilespmem:s0+$0x20];
	v21 =	vperm.xlane v9, v2;
	(erf) = vpow2.f32 v20  }
0xd7: {  	v12 =	vld [tilespmem:s17+$0x100];
	[tilespmem:s22+$0xFFFFFF90] =	vst v22;
	v20 =	vperm.xlane v14, v3  }
0xd8: {  	s24 =	simm.s32 $0x1B7C0;
	v22 =	vld [tilespmem:s0+$0xFFFFFFA0];
	v19 =	vmul.f32 v19, v24;
	[tilespmem:s12+$0xFFFFFF30] =	vst v16;
	v15 =	vmul.f32 v21, v15;
	v13 =	vpop (erf)  }
0xd9: {  	v24 =	vld [tilespmem:s20+$0xFFFFFFE0];
	v25 =	vperm.xlane v8, v2;
	v16 =	vmul.f32 v20, v17;
	[tilespmem:s24+$0x110] =	vst v13  }
0xda: {  	v17 =	vmul.f32 v27, v23;
	[tilespmem:s22+$0xFFFFFF00] =	vst v15;
	v23 =	vld [tilespmem:s23+$0x90]  }
0xdb: {  	v27 =	vld [tilespmem:s0+$0xFFFFFF10];
	[tilespmem:s22+$0xD0] =	vst v16;
	v16 =	vmul.f32 v25, v18  }
0xdc: {  	[tilespmem:s12+$0xFFFFFFC0] =	vst v17;
	v18 =	vld [tilespmem:s0+$0xE0]  }
0xdd: {  	v26 =	vld [tilespmem:s17+$0xFFFFFF40];
	v28 =	vperm.xlane v13, v1;
	v15 =	vpop (erf);
	[tilespmem:s22+$0x20] =	vst v16  }
0xde: {  	[tilespmem:s24+$0xFFFFFFF0] =	vst v15;
	v17 =	vpop (erf);
	v31 =	vld [tilespmem:s0+$0x30]  }
0xdf: {  	v54 =	vld [tilespmem:s23+$0xFFFFFF70];
	v16 =	vpop (erf);
	v23 =	vmul.f32 v28, v23  }
0xe0: {  	v30 =	vld [tilespmem:s17+$0xFFFFFFD0];
	v21 =	vmul.f32 v21, v27;
	[tilespmem:s24+$0x80] =	vst v16  }
0xe1: {  	v18 =	vmul.f32 v20, v18;
	v20 =	vmul.f32 v29, v22;
	v29 =	vld [tilespmem:s23+$0x0];
	[tilespmem:s24+$0x90] =	vst v23  }
0xe2: {  	[tilespmem:s22+$0xFFFFFF10] =	vst v21;
	v23 =	vperm.xlane v15, v1;
	v22 =	vld [tilespmem:s23+$0xA0]  }
0xe3: {  	v27 =	vld [tilespmem:s0+$0xFFFFFF20];
	[tilespmem:s22+$0xE0] =	vst v18;
	v18 =	vmul.f32 v25, v31  }
0xe4: {  	[tilespmem:s22+$0xFFFFFFA0] =	vst v20;
	v20 =	vld [tilespmem:s0+$0xF0];
	v25 =	vmul.f32 v23, v54  }
0xe5: {  	v21 =	vld [tilespmem:s0+$0xFFFFFFB0];
	[tilespmem:s22+$0x30] =	vst v18  }
0xe6: {  	v18 =	vperm.xlane v10, v4;
	v10 =	vperm.xlane v7, v4;
	v7 =	vld [tilespmem:s20+$0x10];
	[tilespmem:s24+$0xFFFFFF70] =	vst v25  }
0xe7: {  	v56 =	vperm.xlane v9, v3;
	v31 =	vld [tilespmem:s23+$0xFFFFFF80];
	v22 =	vmul.f32 v28, v22  }
0xe8: {  	v14 =	vperm.xlane v14, v4;
	[tilespmem:s24+$0xFFFFFF60] =	vst v17;
	v28 =	vld [tilespmem:s25+$0x110]  }
0xe9: {  	v57 =	vperm.xlane v6, v3;
	v55 =	vld [tilespmem:s23+$0xFFFFFEE0];
	v27 =	vmul.f32 v56, v27;
	[tilespmem:s24+$0xA0] =	vst v22  }
0xea: {  	v40 =	vperm.xlane v16, v1;
	v20 =	vmul.f32 v14, v20;
	v58 =	vld [tilespmem:s23+$0xB0]  }
0xeb: {  	v25 =	vld [tilespmem:s0+$0x40];
	v21 =	vmul.f32 v57, v21;
	[tilespmem:s22+$0xFFFFFF20] =	vst v27  }
0xec: {  	v37 =	vperm.xlane v17, v1;
	v29 =	vmul.f32 v40, v29;
	[tilespmem:s22+$0xF0] =	vst v20;
	v20 =	vld [tilespmem:s25+$0xFFFFFF60]  }
0xed: {  	v38 =	vperm.xlane v13, v2;
	[tilespmem:s22+$0xFFFFFFB0] =	vst v21;
	v21 =	vld [tilespmem:s0+$0xFFFFFF30];
	v23 =	vmul.f32 v23, v31;
	v7 =	vadd.f32 v7, v28  }
0xee: {  	[tilespmem:s24+$0x0] =	vst v29;
	v22 =	vperm.xlane v8, v3;
	v59 =	vld [tilespmem:s0+$0x100];
	v28 =	vmul.f32 v37, v55  }
0xef: {  	[tilespmem:s24+$0xFFFFFF80] =	vst v23;
	v23 =	vld [tilespmem:s23+$0x10];
	v60 =	vmul.f32 $2.000000030e-01, v7;
	v35 =	vmul.f32 v38, v58  }
0xf0: {  	v25 =	vmul.f32 v22, v25;
	[tilespmem:s24+$0xFFFFFEE0] =	vst v28;
	vm8 =	vlt.f32 v7, $0.0e+00;
	v62 =	vld [tilespmem:s23+$0xFFFFFF90]  }
0xf1: {  	v42 =	vperm.xlane v15, v2;
	v31 =	vadd.f32 v39, v36;
	v29 =	vld [tilespmem:s23+$0xFFFFFEF0];
	v7 =	vsel vm8, v60, v7;
	[tilespmem:s24+$0xB0] =	vst v35  }
0xf2: {  	[tilespmem:s22+$0x40] =	vst v25;
	v28 =	vmul.f32 v10, v30;
	v20 =	vadd.f32 v24, v20;
	v7 =	vmul.f32 $1.442695020e+00, v7;
	v30 =	vld [tilespmem:s23+$0xC0]  }
0xf3: {  	s28 =	simm.s32 $0x1AB40;
	v27 =	vmul.f32 $2.000000030e-01, v31;
	v63 =	vld [tilespmem:s0+$0x50];
	v14 =	vmul.f32 v14, v59  }
0xf4: {  	vm9 =	vlt.f32 v31, $0.0e+00;
	[tilespmem:s12+$0xFFFFFFD0] =	vst v28;
	v59 =	vld [tilespmem:s28+$0xFFFFFFE0];
	v25 =	vmul.f32 $2.000000030e-01, v20;
	(erf) = vpow2.f32 v7  }
0xf5: {  	s18 =	simm.s32 $0x16C40;
	[tilespmem:s12+$0x50] =	vst v19;
	v26 =	vmul.f32 v18, v26;
	v19 =	vsel vm9, v27, v31;
	vm11 =	vlt.f32 v20, $0.0e+00;
	v31 =	vld [tilespmem:s17+$0xFFFFFFE0]  }
0xf6: {  	v19 =	vmul.f32 $1.442695020e+00, v19;
	[tilespmem:s22+$0x100] =	vst v14;
	v14 =	vld [tilespmem:s18+$0xFFFFFFF0];
	v20 =	vsel vm11, v25, v20;
	v27 =	vmul.f32 v37, v29  }
0xf7: {  	[tilespmem:s12+$0xFFFFFF40] =	vst v26;
	v7 =	vld [tilespmem:s0+$0xFFFFFFC0];
	v20 =	vmul.f32 $1.442695020e+00, v20;
	v30 =	vmul.f32 v38, v30  }
0xf8: {  	v26 =	vmul.f32 v42, v62;
	v62 =	vld [tilespmem:s18+$0xFFFFFF60];
	(erf) = vpow2.f32 v19;
	[tilespmem:s24+$0xFFFFFEF0] =	vst v27  }
0xf9: {  	(erf) = vpow2.f32 v20;
	v20 =	vmul.f32 v56, v21;
	v19 =	vld [tilespmem:s23+$0xFFFFFF00];
	[tilespmem:s24+$0xC0] =	vst v30  }
0xfa: {  	v61 =	vadd.f32 v43, v41;
	v23 =	vmul.f32 v40, v23;
	v25 =	vld [tilespmem:s23+$0xD0]  }
0xfb: {  	v29 =	vld [tilespmem:s17+$0x60];
	[tilespmem:s24+$0xFFFFFF90] =	vst v26  }
0xfc: {  	v24 =	vmul.f32 $2.000000030e-01, v61;
	[tilespmem:s24+$0x10] =	vst v23;
	v26 =	vld [tilespmem:s23+$0xFFFFFFA0];
	v30 =	vperm.xlane v17, v2  }
0xfd: {  	s14 =	simm.s32 $0x1BA00;
	vm10 =	vlt.f32 v61, $0.0e+00;
	v28 =	vperm.xlane v13, v3;
	v21 =	vld [tilespmem:s23+$0x20];
	[tilespmem:s22+$0xFFFFFF30] =	vst v20;
	v20 =	vpop (erf)  }
0xfe: {  	v11 =	vmul.f32 v11, v12;
	v24 =	vsel vm10, v24, v61;
	v27 =	vld [tilespmem:s17+$0xFFFFFF50];
	v19 =	vmul.f32 v30, v19;
	[tilespmem:s14+$0x110] =	vst v20  }
0xff: {  	v24 =	vmul.f32 $1.442695020e+00, v24;
	v23 =	vmul.f32 v28, v25;
	v25 =	vld [tilespmem:s25+$0x90]  }
0x100: {  	v44 =	vperm.xlane v16, v2;
	v56 =	vld [tilespmem:s18+$0x110];
	v7 =	vmul.f32 v57, v7;
	[tilespmem:s24+$0xFFFFFF00] =	vst v19  }
0x101: {  	(erf) = vpow2.f32 v24;
	v12 =	vmul.f32 v42, v26;
	v47 =	vld [tilespmem:s23+$0xFFFFFF10];
	[tilespmem:s24+$0xD0] =	vst v23  }
0x102: {  	[tilespmem:s22+$0xFFFFFFC0] =	vst v7;
	v48 =	vperm.xlane v20, v1;
	v19 =	vmul.f32 v44, v21;
	v46 =	vld [tilespmem:s23+$0xE0]  }
0x103: {  	v57 =	vld [tilespmem:s28+$0x10];
	[tilespmem:s24+$0xFFFFFFA0] =	vst v12;
	v23 =	vpop (erf)  }
0x104: {  	v32 =	vperm.xlane v15, v3;
	v45 =	vld [tilespmem:s0+$0xFFFFFF40];
	[tilespmem:s24+$0x20] =	vst v19;
	v24 =	vpop (erf);
	v50 =	vmul.f32 v48, v25  }
0x105: {  	v53 =	vperm.xlane v17, v3;
	v19 =	vperm.xlane v9, v4;
	v9 =	vld [tilespmem:s23+$0x30];
	[tilespmem:s14+$0xFFFFFF60] =	vst v24  }
0x106: {  	v7 =	vperm.xlane v5, v4;
	v30 =	vmul.f32 v30, v47;
	v51 =	vld [tilespmem:s25+$0xFFFFFEE0];
	[tilespmem:s14+$0x90] =	vst v50  }
0x107: {  	v5 =	vperm.xlane v8, v4;
	[tilespmem:s14+$0xFFFFFFF0] =	vst v23;
	v8 =	vmul.f32 v28, v46;
	v52 =	vld [tilespmem:s25+$0xA0]  }
0x108: {  	v54 =	vperm.xlane v16, v3;
	v21 =	vperm.xlane v6, v4;
	v6 =	vld [tilespmem:s25+$0xFFFFFF70];
	[tilespmem:s24+$0xFFFFFF10] =	vst v30  }
0x109: {  	v18 =	vmul.f32 v18, v27;
	v27 =	vperm.xlane v24, v1;
	v30 =	vld [tilespmem:s23+$0xFFFFFFB0];
	[tilespmem:s24+$0xE0] =	vst v8  }
0x10a: {  	[tilespmem:s12+$0x100] =	vst v11;
	v13 =	vperm.xlane v13, v4;
	v25 =	vpop (erf);
	v8 =	vmul.f32 v44, v9;
	v12 =	vld [tilespmem:s23+$0xF0]  }
0x10b: {  	v49 =	vld [tilespmem:s0+$0xFFFFFFD0];
	[tilespmem:s14+$0x80] =	vst v25;
	v28 =	vperm.xlane v23, v1;
	v11 =	vmul.f32 v27, v51  }
0x10c: {  	v26 =	vld [tilespmem:s25+$0x0];
	[tilespmem:s24+$0x30] =	vst v8;
	v8 =	vperm.xlane v15, v4;
	v15 =	vmul.f32 v48, v52  }
0x10d: {  	v9 =	vperm.xlane v17, v4;
	v17 =	vld [tilespmem:s23+$0xFFFFFF20];
	v6 =	vmul.f32 v28, v6;
	[tilespmem:s14+$0xFFFFFEE0] =	vst v11  }
0x10e: {  	v31 =	vmul.f32 v10, v31;
	v11 =	vmul.f32 v32, v30;
	v30 =	vld [tilespmem:s28+$0xFFFFFFF0];
	[tilespmem:s14+$0xA0] =	vst v15  }
0x10f: {  	v10 =	vperm.xlane v25, v1;
	[tilespmem:s14+$0xFFFFFF70] =	vst v6;
	v12 =	vmul.f32 v13, v12;
	v15 =	vld [tilespmem:s25+$0xB0]  }
0x110: {  	v22 =	vmul.f32 v22, v63;
	v35 =	vmul.f32 v19, v45;
	v45 =	vld [tilespmem:s28+$0x0];
	[tilespmem:s24+$0xFFFFFFB0] =	vst v11  }
0x111: {  	v6 =	vperm.xlane v16, v4;
	v16 =	vld [tilespmem:s25+$0xFFFFFF80];
	[tilespmem:s24+$0xF0] =	vst v12;
	v12 =	vmul.f32 v10, v26  }
0x112: {  	v29 =	vmul.f32 v7, v29;
	v50 =	vld [tilespmem:s23+$0xFFFFFFC0];
	v26 =	vperm.xlane v20, v2  }
0x113: {  	v36 =	vperm.xlane v20, v4;
	v58 =	vld [tilespmem:s23+$0x100];
	v14 =	vadd.f32 v30, v14;
	[tilespmem:s14+$0x0] =	vst v12;
	v12 =	vmul.f32 v53, v17  }
0x114: {  	[tilespmem:s22+$0x50] =	vst v22;
	v33 =	vadd.f32 v57, v56;
	v63 =	vmul.f32 v21, v49;
	v17 =	vld [tilespmem:s18+$0x80];
	v11 =	vmul.f32 v26, v15  }
0x115: {  	v60 =	vperm.xlane v23, v2;
	v46 =	vld [tilespmem:s25+$0x10];
	v47 =	vmul.f32 $2.000000030e-01, v14;
	[tilespmem:s24+$0xFFFFFF20] =	vst v12  }
0x116: {  	vm12 =	vlt.f32 v33, $0.0e+00;
	v12 =	vmul.f32 v28, v16;
	v16 =	vmul.f32 $2.000000030e-01, v33;
	[tilespmem:s14+$0xB0] =	vst v11  }
0x117: {  	[tilespmem:s12+$0xFFFFFFE0] =	vst v31;
	v43 =	vperm.xlane v24, v2;
	v48 =	vadd.f32 v59, v62;
	vm13 =	vlt.f32 v14, $0.0e+00;
	v30 =	vld [tilespmem:s25+$0xC0]  }
0x118: {  	[tilespmem:s12+$0xFFFFFF50] =	vst v18;
	v28 =	vld [tilespmem:s25+$0xFFFFFEF0];
	v32 =	vmul.f32 v32, v50;
	v14 =	vsel vm13, v47, v14;
	v16 =	vsel vm12, v16, v33  }
0x119: {  	[tilespmem:s22+$0xFFFFFFD0] =	vst v63;
	v55 =	vld [tilespmem:s23+$0x40];
	v13 =	vmul.f32 v13, v58;
	v17 =	vadd.f32 v45, v17;
	v16 =	vmul.f32 $1.442695020e+00, v16  }
0x11a: {  	v51 =	vld [tilespmem:s0+$0xFFFFFFE0];
	[tilespmem:s14+$0xFFFFFF80] =	vst v12;
	v14 =	vmul.f32 $1.442695020e+00, v14;
	v10 =	vmul.f32 v10, v46  }
0x11b: {  	vm15 =	vlt.f32 v48, $0.0e+00;
	v49 =	vld [tilespmem:s23+$0xFFFFFF30];
	[tilespmem:s24+$0x100] =	vst v13;
	v13 =	vmul.f32 $2.000000030e-01, v17;
	(erf) = vpow2.f32 v16  }
0x11c: {  	[tilespmem:s24+$0xFFFFFFC0] =	vst v32;
	v22 =	vld [tilespmem:s25+$0xFFFFFF90];
	vm14 =	vlt.f32 v17, $0.0e+00;
	v16 =	vmul.f32 $2.000000030e-01, v48;
	v26 =	vmul.f32 v26, v30  }
0x11d: {  	v34 =	vld [tilespmem:s23+$0xFFFFFFD0];
	(erf) = vpow2.f32 v14;
	[tilespmem:s14+$0x10] =	vst v10;
	v13 =	vsel vm14, v13, v17;
	v17 =	vmul.f32 v27, v28  }
0x11e: {  	v44 =	vperm.xlane v25, v2;
	v61 =	vmul.f32 v54, v55;
	v27 =	vld [tilespmem:s0+$0x60];
	v16 =	vsel vm15, v16, v48;
	[tilespmem:s14+$0xC0] =	vst v26  }
0x11f: {  	v15 =	vperm.xlane v24, v3;
	v16 =	vmul.f32 $1.442695020e+00, v16;
	[tilespmem:s14+$0xFFFFFEF0] =	vst v17;
	v17 =	vld [tilespmem:s25+$0xD0]  }
0x120: {  	[tilespmem:s12+$0x60] =	vst v29;
	v10 =	vmul.f32 v53, v49;
	v52 =	vld [tilespmem:s25+$0x20];
	v13 =	vmul.f32 $1.442695020e+00, v13  }
0x121: {  	[tilespmem:s22+$0xFFFFFF40] =	vst v35;
	v53 =	vperm.xlane v20, v3;
	v18 =	vld [tilespmem:s25+$0xFFFFFF00];
	(erf) = vpow2.f32 v16  }
0x122: {  	[tilespmem:s24+$0x40] =	vst v61;
	v14 =	vmul.f32 v60, v22;
	v26 =	vld [tilespmem:s0+$0xFFFFFF50];
	(erf) = vpow2.f32 v13  }
0x123: {  	v11 =	vperm.xlane v23, v3;
	v12 =	vperm.xlane v25, v3;
	v30 =	vld [tilespmem:s23+$0x50];
	[tilespmem:s24+$0xFFFFFF30] =	vst v10  }
0x124: {  	s20 =	simm.s32 $0x1BC40;
	v31 =	vld [tilespmem:s23+$0xFFFFFF40];
	[tilespmem:s14+$0xFFFFFF90] =	vst v14;
	v14 =	vperm.xlane v24, v4;
	v16 =	vpop (erf);
	v17 =	vmul.f32 v53, v17  }
0x125: {  	v13 =	vperm.xlane v23, v4;
	v24 =	vld [tilespmem:s25+$0xFFFFFFA0];
	v23 =	vmul.f32 v5, v27;
	[tilespmem:s20+$0x110] =	vst v16  }
0x126: {  	v18 =	vmul.f32 v43, v18;
	v46 =	vpop (erf);
	v27 =	vld [tilespmem:s18+$0x90];
	[tilespmem:s14+$0xD0] =	vst v17;
	v17 =	vmul.f32 v44, v52  }
0x127: {  	v10 =	vperm.xlane v25, v4;
	v22 =	vmul.f32 v19, v26;
	[tilespmem:s20+$0xFFFFFFF0] =	vst v46;
	v19 =	vld [tilespmem:s25+$0xE0]  }
0x128: {  	v25 =	vmul.f32 v21, v51;
	v29 =	vmul.f32 v54, v30;
	[tilespmem:s14+$0xFFFFFF00] =	vst v18;
	v58 =	vld [tilespmem:s18+$0xFFFFFF70]  }
0x129: {  	v31 =	vmul.f32 v9, v31;
	v56 =	vperm.xlane v16, v1;
	v54 =	vld [tilespmem:s25+$0xFFFFFF10];
	[tilespmem:s14+$0x20] =	vst v17  }
0x12a: {  	v55 =	vmul.f32 v60, v24;
	v35 =	vperm.xlane v46, v1;
	v57 =	vld [tilespmem:s25+$0x30];
	v17 =	vpop (erf)  }
0x12b: {  	v28 =	vld [tilespmem:s17+$0x70];
	v20 =	vperm.xlane v46, v4;
	v24 =	vmul.f32 v56, v27;
	[tilespmem:s20+$0xFFFFFF60] =	vst v17;
	v30 =	vpop (erf)  }
0x12c: {  	v18 =	vperm.xlane v46, v2;
	v59 =	vld [tilespmem:s18+$0xFFFFFEE0];
	[tilespmem:s20+$0x80] =	vst v30;
	v27 =	vmul.f32 v53, v19  }
0x12d: {  	v33 =	vperm.xlane v17, v1;
	v21 =	vperm.xlane v17, v2;
	[tilespmem:s20+$0x90] =	vst v24;
	v60 =	vld [tilespmem:s18+$0x0]  }
0x12e: {  	v26 =	vperm.xlane v17, v3;
	v61 =	vmul.f32 v43, v54;
	v47 =	vld [tilespmem:s18+$0xA0];
	[tilespmem:s14+$0xE0] =	vst v27  }
0x12f: {  	[tilespmem:s14+$0xFFFFFFA0] =	vst v55;
	v63 =	vmul.f32 v35, v58;
	v62 =	vmul.f32 v44, v57;
	v37 =	vld [tilespmem:s25+$0xF0]  }
0x130: {  	v39 =	vld [tilespmem:s25+$0xFFFFFFB0];
	v17 =	vperm.xlane v17, v4;
	v32 =	vperm.xlane v30, v1;
	[tilespmem:s14+$0xFFFFFF10] =	vst v61  }
0x131: {  	v19 =	vperm.xlane v30, v2;
	v40 =	vld [tilespmem:s25+$0xFFFFFF20];
	[tilespmem:s14+$0x30] =	vst v62;
	v41 =	vmul.f32 v33, v59  }
0x132: {  	v24 =	vperm.xlane v46, v3;
	[tilespmem:s20+$0xFFFFFF70] =	vst v63;
	v38 =	vld [tilespmem:s25+$0x40];
	v42 =	vmul.f32 v32, v60  }
0x133: {  	s31 =	simm.s32 $0x16E80;
	s17 =	simm.s32 $0x10;
	v27 =	vperm.xlane v30, v3;
	v43 =	vmul.f32 v56, v47;
	[tilespmem:s20+$0xFFFFFEE0] =	vst v41;
	v41 =	vld [tilespmem:s18+$0xFFFFFF80]  }
.LBB2_5:
0x134: {  	v44 =	vld [tilespmem:s31+$0x110];
	[tilespmem:s20+$0x0] =	vst v42;
	v30 =	vperm.xlane v30, v4;
	s28 =	sadd.s32 $0x40, s28;
	v37 =	vmul.f32 v36, v37  }
0x135: {  	v34 =	vmul.f32 v8, v34;
	v42 =	vld [tilespmem:s28+$0x10];
	[tilespmem:s20+$0xA0] =	vst v43;
	v39 =	vmul.f32 v11, v39  }
0x136: {  	v28 =	vmul.f32 v7, v28;
	v7 =	vmovc v5;
	v5 =	vmov v6;
	v43 =	vld [tilespmem:s18+$0xB0];
	v40 =	vmul.f32 v15, v40;
	[tilespmem:s14+$0xF0] =	vst v37  }
0x137: {  	v6 =	vmov v10;
	v10 =	vmov v30;
	[tilespmem:s14+$0xFFFFFFB0] =	vst v39;
	v37 =	vmul.f32 v12, v38;
	v38 =	vld [tilespmem:s25+$0x100]  }
0x138: {  	s17 =	sadd.s32 $0x4, s17;
	v30 =	vld [tilespmem:s28+$0xFFFFFFE0];
	v35 =	vmul.f32 v35, v41;
	[tilespmem:s14+$0xFFFFFF20] =	vst v40  }
0x139: {  	p1 =	slt.u32 s17, $0x3C;
	v40 =	vperm.xlane v16, v2;
	v39 =	vld [tilespmem:s31+$0xFFFFFFF0];
	[tilespmem:s14+$0x40] =	vst v37  }
0x13a: {  	v37 =	vld [tilespmem:s28+$0xFFFFFFF0];
	[tilespmem:s20+$0xFFFFFF80] =	vst v35  }
0x13b: {  	v35 =	vld [tilespmem:s31+$0x80];
	v41 =	vmul.f32 v40, v43;
	[tilespmem:s24+$0x50] =	vst v29  }
0x13c: {  	v42 =	vadd.f32 v42, v44;
	v29 =	vld [tilespmem:s28+$0x0];
	v36 =	vmul.f32 v36, v38;
	[tilespmem:s24+$0xFFFFFF40] =	vst v31  }
0x13d: {  	v31 =	vld [tilespmem:s31+$0xFFFFFF60];
	[tilespmem:s20+$0xB0] =	vst v41  }
0x13e: {  	v38 =	vmul.f32 $2.000000030e-01, v42;
	v41 =	vld [tilespmem:s18+$0xFFFFFEF0];
	[tilespmem:s14+$0x100] =	vst v36  }
0x13f: {  	vm0 =	vlt.f32 v42, $0.0e+00;
	v36 =	vadd.f32 v37, v39;
	v37 =	vld [tilespmem:s18+$0xC0];
	[tilespmem:s24+$0xFFFFFFD0] =	vst v34  }
0x140: {  	v34 =	vsel vm0, v38, v42;
	v38 =	vld [tilespmem:s18+$0x10];
	[tilespmem:s22+$0x60] =	vst v23  }
0x141: {  	v34 =	vmul.f32 $1.442695020e+00, v34;
	v23 =	vmul.f32 $2.000000030e-01, v36;
	v29 =	vadd.f32 v29, v35;
	v35 =	vld [tilespmem:s18+$0xFFFFFF90];
	[tilespmem:s22+$0xFFFFFF50] =	vst v22  }
0x142: {  	vm0 =	vlt.f32 v36, $0.0e+00;
	v22 =	vadd.f32 v30, v31;
	v30 =	vld [tilespmem:s25+$0xFFFFFF30];
	[tilespmem:s22+$0xFFFFFFE0] =	vst v25  }
0x143: {  	vm1 =	vlt.f32 v29, $0.0e+00;
	v25 =	vmul.f32 $2.000000030e-01, v29;
	(erf) = vpow2.f32 v34;
	v31 =	vld [tilespmem:s25+$0xFFFFFFC0];
	[tilespmem:s12+$0x70] =	vst v28;
	s12 =	smov.u32 s22;
	s22 =	smov.u32 s24;
	s24 =	smov.u32 s14  }
0x144: {  	s14 =	smov.u32 s20;
	vm2 =	vlt.f32 v22, $0.0e+00;
	v28 =	vmul.f32 $2.000000030e-01, v22;
	v34 =	vmul.f32 v40, v37;
	v37 =	vld [tilespmem:s25+$0x50]  }
0x145: {  	v23 =	vsel vm0, v23, v36;
	v25 =	vsel vm1, v25, v29;
	v29 =	vmul.f32 v33, v41;
	v33 =	vld [tilespmem:s23+$0x60]  }
0x146: {  	v23 =	vmul.f32 $1.442695020e+00, v23;
	v22 =	vsel vm2, v28, v22;
	v25 =	vmul.f32 $1.442695020e+00, v25;
	[tilespmem:s20+$0xC0] =	vst v34;
	v28 =	vld [tilespmem:s23+$0xFFFFFF50]  }
0x147: {  	v22 =	vmul.f32 $1.442695020e+00, v22;
	[tilespmem:s20+$0xFFFFFEF0] =	vst v29;
	v29 =	vmul.f32 v32, v38;
	v32 =	vld [tilespmem:s18+$0xD0]  }
0x148: {  	(erf) = vpow2.f32 v23;
	v34 =	vld [tilespmem:s18+$0xFFFFFF00];
	v23 =	vmul.f32 v18, v35  }
0x149: {  	(erf) = vpow2.f32 v22;
	[tilespmem:s20+$0x10] =	vst v29;
	v22 =	vmul.f32 v15, v30;
	v30 =	vld [tilespmem:s23+$0xFFFFFFE0];
	v15 =	vmov v26  }
0x14a: {  	v36 =	vperm.xlane v16, v3;
	(erf) = vpow2.f32 v25;
	[tilespmem:s20+$0xFFFFFF90] =	vst v23;
	v26 =	vld [tilespmem:s18+$0x20]  }
0x14b: {  	v31 =	vmul.f32 v11, v31;
	v11 =	vmovc v24;
	v29 =	vmul.f32 v12, v37;
	v12 =	vmov v27;
	v35 =	vld [tilespmem:s18+$0xFFFFFFA0];
	[tilespmem:s24+$0xFFFFFF30] =	vst v22  }
0x14c: {  	s20 =	sadd.s32 $0x240, s20;
	v23 =	vmul.f32 v5, v33;
	v41 =	vpop (erf);
	v24 =	vmul.f32 v36, v32;
	v27 =	vld [tilespmem:s25+$0xFFFFFF40]  }
0x14d: {  	v22 =	vmul.f32 v9, v28;
	v9 =	vmovc v14;
	v14 =	vmov v17;
	[tilespmem:s20+$0x110] =	vst v41;
	v32 =	vmul.f32 v21, v34;
	v28 =	vld [tilespmem:s0+$0x70];
	s0 =	smov.u32 s23;
	s23 =	smov.u32 s25;
	s25 =	smov.u32 s18  }
0x14e: {  	s18 =	smov.u32 s31;
	v17 =	vld [tilespmem:s31+$0x90];
	[tilespmem:s14+$0xD0] =	vst v24;
	v25 =	vmul.f32 v8, v30;
	v8 =	vmov v13;
	v13 =	vmov v20  }
0x14f: {  	[tilespmem:s14+$0xFFFFFF00] =	vst v32;
	v26 =	vmul.f32 v19, v26;
	v24 =	vld [tilespmem:s25+$0xE0]  }
0x150: {  	v37 =	vld [tilespmem:s25+$0xFFFFFF10];
	v38 =	vmul.f32 v18, v35;
	[tilespmem:s24+$0xFFFFFFC0] =	vst v31  }
0x151: {  	v43 =	vperm.xlane v41, v1;
	v44 =	vpop (erf);
	[tilespmem:s14+$0x20] =	vst v26;
	v31 =	vmul.f32 v9, v27;
	v34 =	vld [tilespmem:s23+$0xFFFFFFD0]  }
0x152: {  	[tilespmem:s20+$0xFFFFFFF0] =	vst v44;
	v35 =	vperm.xlane v44, v1;
	v18 =	vperm.xlane v44, v2;
	v20 =	vpop (erf);
	v27 =	vld [tilespmem:s25+$0x30]  }
0x153: {  	[tilespmem:s20+$0xFFFFFF60] =	vst v20;
	v33 =	vperm.xlane v20, v1;
	v39 =	vld [tilespmem:s31+$0xFFFFFF70];
	v17 =	vmul.f32 v43, v17;
	v30 =	vpop (erf)  }
0x154: {  	v40 =	vld [tilespmem:s31+$0xFFFFFEE0];
	[tilespmem:s20+$0x80] =	vst v30;
	v32 =	vperm.xlane v30, v1;
	v24 =	vmul.f32 v36, v24  }
0x155: {  	v36 =	vperm.xlane v20, v2;
	v45 =	vperm.xlane v30, v2;
	v42 =	vld [tilespmem:s31+$0x0];
	[tilespmem:s20+$0x90] =	vst v17  }
0x156: {  	v26 =	vperm.xlane v20, v3;
	v17 =	vmul.f32 v21, v37;
	v46 =	vld [tilespmem:s31+$0xA0];
	[tilespmem:s14+$0xE0] =	vst v24  }
.Ltmp1:
0x157: {  	v24 =	vperm.xlane v44, v3;
	v21 =	vmovc v36;
	[tilespmem:s14+$0xFFFFFFA0] =	vst v38;
	v38 =	vmul.f32 v19, v27;
	v37 =	vld [tilespmem:s25+$0xF0];
	v19 =	vmov v45;
	(pc) =	sbr.rel @p1 .LBB2_5-.Ltmp1, $4  }
0x158: {  	v27 =	vperm.xlane v30, v3;
	v36 =	vmul.f32 v35, v39;
	[tilespmem:s14+$0xFFFFFF10] =	vst v17;
	v39 =	vld [tilespmem:s25+$0xFFFFFFB0]  }
0x159: {  	v17 =	vperm.xlane v20, v4;
	v45 =	vmul.f32 v33, v40;
	v40 =	vld [tilespmem:s25+$0xFFFFFF20];
	[tilespmem:s14+$0x30] =	vst v38  }
0x15a: {  	[tilespmem:s20+$0xFFFFFF70] =	vst v36;
	v42 =	vmul.f32 v32, v42;
	v38 =	vld [tilespmem:s25+$0x40];
	v36 =	vperm.xlane v16, v4;
	v16 =	vmov v41  }
0x15b: {  	s31 =	sadd.s32 $0x240, s31;
	v20 =	vperm.xlane v44, v4;
	[tilespmem:s20+$0xFFFFFEE0] =	vst v45;
	v41 =	vld [tilespmem:s18+$0xFFFFFF80];
	v43 =	vmul.f32 v43, v46  }
0x15c: {  	_ = 	snop  }
0x15d: {  	[tilespmem:s20+$0xA0] =	vst v43  }
0x15e: {  	v43 =	vld [tilespmem:s18+$0xB0];
	_ =	sdelay $0x2  }
0x15f: {  	v44 =	vperm.xlane v16, v2;
	_ =	sdelay $0x1  }
0x160: {  	v45 =	vld [tilespmem:s18+$0xFFFFFEF0];
	[tilespmem:s20+$0x0] =	vst v42;
	v43 =	vmul.f32 v44, v43  }
0x161: {  	v55 =	vld [tilespmem:s18+$0x10]  }
0x162: {  	[tilespmem:s20+$0xB0] =	vst v43  }
0x163: {  	v54 =	vld [tilespmem:s18+$0xC0]  }
0x164: {  	v35 =	vmul.f32 v35, v41  }
0x165: {  	v33 =	vmul.f32 v33, v45  }
0x166: {  	[tilespmem:s20+$0xFFFFFF80] =	vst v35;
	v32 =	vmul.f32 v32, v55  }
0x167: {  	[tilespmem:s20+$0xFFFFFEF0] =	vst v33;
	v58 =	vld [tilespmem:s18+$0xFFFFFF90]  }
0x168: {  	v33 =	vld [tilespmem:s18+$0xFFFFFF00];
	[tilespmem:s20+$0x10] =	vst v32;
	v56 =	vmul.f32 v44, v54  }
0x169: {  	[tilespmem:s24+$0x50] =	vst v29;
	v60 =	vld [tilespmem:s18+$0x20]  }
0x16a: {  	[tilespmem:s20+$0xC0] =	vst v56  }
0x16b: {  	v57 =	vmul.f32 v36, v37;
	[tilespmem:s24+$0xFFFFFF40] =	vst v31;
	v41 =	vld [tilespmem:s18+$0xD0]  }
0x16c: {  	[tilespmem:s22+$0x60] =	vst v23;
	v37 =	vmul.f32 v18, v58  }
0x16d: {  	v61 =	vperm.xlane v16, v3;
	[tilespmem:s14+$0xF0] =	vst v57;
	v33 =	vmul.f32 v21, v33  }
0x16e: {  	v59 =	vmul.f32 v15, v40;
	v62 =	vld [tilespmem:s25+$0x100];
	[tilespmem:s20+$0xFFFFFF90] =	vst v37;
	v40 =	vmul.f32 v19, v60  }
0x16f: {  	[tilespmem:s20+$0xFFFFFF00] =	vst v33;
	v37 =	vld [tilespmem:s18+$0xFFFFFFA0]  }
0x170: {  	[tilespmem:s20+$0x20] =	vst v40;
	v63 =	vmul.f32 v61, v41;
	v41 =	vld [tilespmem:s18+$0xFFFFFF10]  }
0x171: {  	[tilespmem:s22+$0xFFFFFF50] =	vst v22;
	v38 =	vmul.f32 v12, v38;
	v33 =	vld [tilespmem:s18+$0x30]  }
0x172: {  	[tilespmem:s20+$0xD0] =	vst v63  }
0x173: {  	[tilespmem:s14+$0x40] =	vst v38;
	v29 =	vmul.f32 v36, v62;
	v38 =	vld [tilespmem:s18+$0xE0]  }
0x174: {  	[tilespmem:s14+$0xFFFFFF20] =	vst v59;
	v18 =	vmul.f32 v18, v37  }
0x175: {  	[tilespmem:s14+$0x100] =	vst v29;
	v29 =	vld [tilespmem:s25+$0xFFFFFF30];
	v21 =	vmul.f32 v21, v41  }
0x176: {  	[tilespmem:s20+$0xFFFFFFA0] =	vst v18;
	v18 =	vmul.f32 v19, v33  }
0x177: {  	v39 =	vmul.f32 v11, v39;
	[tilespmem:s20+$0xFFFFFF10] =	vst v21;
	v21 =	vld [tilespmem:s18+$0xFFFFFFB0]  }
0x178: {  	[tilespmem:s20+$0x30] =	vst v18;
	v31 =	vmul.f32 v61, v38;
	v19 =	vld [tilespmem:s18+$0xFFFFFF20]  }
0x179: {  	[tilespmem:s14+$0xFFFFFFB0] =	vst v39;
	v18 =	vld [tilespmem:s18+$0x40]  }
0x17a: {  	v22 =	vld [tilespmem:s25+$0xFFFFFFC0];
	v15 =	vmul.f32 v15, v29;
	[tilespmem:s20+$0xE0] =	vst v31  }
0x17b: {  	[tilespmem:s22+$0xFFFFFFE0] =	vst v25;
	v7 =	vmul.f32 v7, v28;
	v31 =	vld [tilespmem:s18+$0xF0]  }
0x17c: {  	[tilespmem:s14+$0xFFFFFF30] =	vst v15;
	v15 =	vmul.f32 v24, v21  }
0x17d: {  	[tilespmem:s12+$0x70] =	vst v7;
	v21 =	vld [tilespmem:s25+$0xFFFFFF40];
	v19 =	vmul.f32 v26, v19  }
0x17e: {  	v16 =	vperm.xlane v16, v4;
	v23 =	vld [tilespmem:s25+$0x50];
	[tilespmem:s20+$0xFFFFFFB0] =	vst v15;
	v15 =	vmul.f32 v27, v18  }
0x17f: {  	v11 =	vmul.f32 v11, v22;
	[tilespmem:s20+$0xFFFFFF20] =	vst v19;
	v19 =	vld [tilespmem:s18+$0xFFFFFFC0]  }
0x180: {  	v25 =	vmul.f32 v16, v31;
	v18 =	vld [tilespmem:s18+$0xFFFFFF30];
	[tilespmem:s20+$0x40] =	vst v15  }
0x181: {  	v34 =	vmul.f32 v8, v34;
	[tilespmem:s14+$0xFFFFFFC0] =	vst v11;
	v11 =	vld [tilespmem:s18+$0x50]  }
0x182: {  	v15 =	vld [tilespmem:s25+$0xFFFFFFD0];
	v7 =	vmul.f32 v14, v21;
	[tilespmem:s20+$0xF0] =	vst v25  }
0x183: {  	[tilespmem:s24+$0xFFFFFFD0] =	vst v34;
	v12 =	vmul.f32 v12, v23;
	v22 =	vld [tilespmem:s18+$0x100]  }
0x184: {  	[tilespmem:s14+$0xFFFFFF40] =	vst v7;
	v7 =	vmul.f32 v24, v19;
	v19 =	vld [tilespmem:s23+$0xFFFFFFE0]  }
0x185: {  	[tilespmem:s14+$0x50] =	vst v12;
	v21 =	vld [tilespmem:s23+$0x60];
	v12 =	vmul.f32 v26, v18  }
0x186: {  	v18 =	vld [tilespmem:s23+$0xFFFFFF50];
	v11 =	vmul.f32 v27, v11;
	[tilespmem:s20+$0xFFFFFFC0] =	vst v7  }
0x187: {  	v7 =	vmul.f32 v13, v15;
	[tilespmem:s20+$0xFFFFFF30] =	vst v12;
	v15 =	vld [tilespmem:s18+$0xFFFFFFD0]  }
0x188: {  	v16 =	vmul.f32 v16, v22;
	v12 =	vld [tilespmem:s18+$0xFFFFFF40];
	[tilespmem:s20+$0x50] =	vst v11  }
0x189: {  	[tilespmem:s14+$0xFFFFFFD0] =	vst v7;
	v11 =	vld [tilespmem:s0+$0x70];
	v8 =	vmul.f32 v8, v19  }
0x18a: {  	[tilespmem:s20+$0x100] =	vst v16;
	v16 =	vmul.f32 v6, v21;
	v21 =	vld [tilespmem:s25+$0x60]  }
0x18b: {  	v7 =	vld [tilespmem:s18+$0x60];
	v9 =	vmul.f32 v9, v18;
	[tilespmem:s24+$0xFFFFFFE0] =	vst v8  }
0x18c: {  	v8 =	vld [tilespmem:s25+$0xFFFFFFE0];
	[tilespmem:s24+$0x60] =	vst v16;
	v15 =	vmul.f32 v20, v15  }
0x18d: {  	[tilespmem:s24+$0xFFFFFF50] =	vst v9;
	v9 =	vld [tilespmem:s25+$0xFFFFFF50];
	v12 =	vmul.f32 v17, v12  }
0x18e: {  	v16 =	vperm.xlane v30, v4;
	v19 =	vld [tilespmem:s23+$0x70];
	v5 =	vmul.f32 v5, v11;
	[tilespmem:s20+$0xFFFFFFD0] =	vst v15  }
0x18f: {  	v18 =	vmul.f32 v10, v21;
	[tilespmem:s20+$0xFFFFFF40] =	vst v12  }
0x190: {  	v7 =	vmul.f32 v16, v7;
	v11 =	vld [tilespmem:s18+$0xFFFFFFE0];
	[tilespmem:s22+$0x70] =	vst v5  }
0x191: {  	v12 =	vld [tilespmem:s18+$0xFFFFFF50];
	[tilespmem:s14+$0x60] =	vst v18  }
0x192: {  	[tilespmem:s20+$0x60] =	vst v7;
	v5 =	vmul.f32 v13, v8;
	v9 =	vmul.f32 v14, v9;
	v14 =	vld [tilespmem:s25+$0x70]  }
0x193: {  	v7 =	vld [tilespmem:s18+$0x70];
	v6 =	vmul.f32 v6, v19  }
0x194: {  	[tilespmem:s14+$0xFFFFFFE0] =	vst v5  }
0x195: {  	[tilespmem:s24+$0x70] =	vst v6;
	v6 =	vmul.f32 v20, v11  }
0x196: {  	[tilespmem:s14+$0xFFFFFF50] =	vst v9;
	v5 =	vmul.f32 v17, v12  }
0x197: {  	[tilespmem:s20+$0xFFFFFFE0] =	vst v6;
	v8 =	vmul.f32 v10, v14  }
0x198: {  	[tilespmem:s20+$0xFFFFFF50] =	vst v5;
	v5 =	vmul.f32 v16, v7  }
0x199: {  	[tilespmem:s14+$0x70] =	vst v8  }
0x19a: {  	s24 =	simm.s32 $0x16120;
	[tilespmem:s20+$0x70] =	vst v5  }
0x19b: {  	[spmem:s2] =	stream.indirect.scatter.add.f32 [tilespmem:s29], [sflag:$0x7], $0x90, s24, s10, $0xb8;
	[tilespmem:$0x1FA20] =	vst v63  }
0x19c: {  	_ =	swait.ge [sflag:s19], $0x2400  }
0x19d: {  	[sflag:s19] =	ssyncset.done $0x0  }
0x19e: {  	[sflag:s19] =	ssyncadd.s32 $0xFFFFDC00  }
0x19f: {  	_ =	swait.ge [sflag:s19], $0x400  }
0x1a0: {  	[sflag:s19] =	ssyncset.done $0x0;
	s25 =	rddreg [dreg:$0x12]  }
0x1a1: {  	s0 =	simm.s32 @!p0 $0x8;
	[sflag:s19] =	ssyncadd.s32 $0xFFFFFC00;
	s12 =	sadd.s32 s11, s25  }
0x1a2: {  	_ =	swait.ge @!p0 [sflag:s0], $0x2400;
	s12 =	sshll.u32 s12, $0x3  }
0x1a3: {  	[sflag:s0] =	ssyncset.done @!p0 $0x0;
	s12 =	sand.u32 $0x1FFFFFF8, s12  }
0x1a4: {  	s17 =	simm.s32 $0x160E0;
	[sflag:s0] =	ssyncadd.s32 @!p0 $0xFFFFDC00;
	s14 =	sadd.s32 s6, s12  }
0x1a5: {  	[tilespmem:s17], [sflag:$0x4] =	stream.linear.gather [hbm4b:s14+s3], $0x40, $0x38;
	[tilespmem:$0x1FA20] =	vst v63  }
0x1a6: {  	s18 =	sadd.s32 s7, s12  }
0x1a7: {  	[tilespmem:s21], [sflag:$0x4] =	stream.linear.gather [hbm4b:s18+s3], $0x40, $0x38;
	[tilespmem:$0x1FA20] =	vst v63  }
0x1a8: {  	_ =	swait.ge [sflag:s26], $0x40  }
0x1a9: {  	[sflag:s26] =	ssyncset.done $0x0  }
0x1aa: {  	[sflag:s26] =	ssyncadd.s32 $0xFFFFFFC0  }
0x1ab: {  	_ =	swait.ge [sflag:s26], $0x40  }
0x1ac: {  	[sflag:s26] =	ssyncset.done $0x0  }
0x1ad: {  	s22 =	simm.s32 $0x160A0;
	s20 =	simm.s32 $0x16220;
	[sflag:s26] =	ssyncadd.s32 $0xFFFFFFC0  }
0x1ae: {  	[tilespmem:s20], [sflag:$0x5] =	stream.indirect.gather [hbm4b:s4+s10], $0x90, s22, s10, $0xb8;
	[tilespmem:$0x1FA20] =	vst v63  }
0x1af: {  	s23 =	simm.s32 $0x1AA20;
	s17 =	simm.s32 $0x18850  }
0x1b0: {  	[tilespmem:s23], [sflag:$0x5] =	stream.indirect.gather [hbm4b:s5+s10], $0x10, s15, s10, $0xb8;
	[tilespmem:$0x1FA20] =	vst v63  }
0x1b1: {  	s24 =	simm.s32 $0x1AE50;
	v5 =	vld [tilespmem:s17+$0x0]  }
0x1b2: {  	v6 =	vld [tilespmem:s24+$0x0];
	_ =	sdelay $0x4  }
0x1b3: {  	v7 =	vld [tilespmem:s17+$0xFFFFFEE0];
	v5 =	vadd.f32 v6, v5  }
0x1b4: {  	v8 =	vld [tilespmem:s24+$0xFFFFFFE0]  }
0x1b5: {  	v6 =	vmul.f32 $2.000000030e-01, v5  }
0x1b6: {  	vm0 =	vlt.f32 v5, $0.0e+00  }
0x1b7: {  	v5 =	vsel vm0, v6, v5  }
0x1b8: {  	v9 =	vld [tilespmem:s24+$0xFFFFFFD0];
	v5 =	vmul.f32 $1.442695020e+00, v5  }
0x1b9: {  	v7 =	vadd.f32 v8, v7;
	v8 =	vld [tilespmem:s17+$0xFFFFFE50]  }
0x1ba: {  	(erf) = vpow2.f32 v5  }
0x1bb: {  	v10 =	vld [tilespmem:s24+$0xFFFFFFF0];
	v11 =	vmul.f32 $2.000000030e-01, v7  }
0x1bc: {  	vm11 =	vlt.f32 v7, $0.0e+00;
	v6 =	vld [tilespmem:s17+$0xFFFFFF70]  }
0x1bd: {  	v5 =	vsel vm11, v11, v7  }
0x1be: {  	v7 =	vadd.f32 v9, v8;
	v5 =	vmul.f32 $1.442695020e+00, v5;
	_ =	sdelay $0x1  }
0x1bf: {  	(erf) = vpow2.f32 v5;
	v5 =	vmul.f32 $2.000000030e-01, v7  }
0x1c0: {  	v6 =	vadd.f32 v10, v6;
	vm12 =	vlt.f32 v7, $0.0e+00  }
0x1c1: {  	v5 =	vsel vm12, v5, v7  }
0x1c2: {  	s12 =	simm.s32 $0x1D850;
	v8 =	vmul.f32 $2.000000030e-01, v6;
	v5 =	vmul.f32 $1.442695020e+00, v5;
	v11 =	vpop (erf)  }
0x1c3: {  	vm1 =	vlt.f32 v6, $0.0e+00;
	[tilespmem:s12+$0x0] =	vst v11  }
0x1c4: {  	v6 =	vsel vm1, v8, v6;
	(erf) = vpow2.f32 v5;
	v5 =	vld [tilespmem:s17+$0xFFFFFF80]  }
0x1c5: {  	v6 =	vmul.f32 $1.442695020e+00, v6;
	_ =	sdelay $0x1  }
0x1c6: {  	(erf) = vpow2.f32 v6;
	v6 =	vperm.xlane v11, v1;
	_ =	sdelay $0x1  }
0x1c7: {  	v5 =	vmul.f32 v6, v5;
	_ =	sdelay $0x1  }
0x1c8: {  	[tilespmem:s12+$0xFFFFFF80] =	vst v5  }
0x1c9: {  	v12 =	vld [tilespmem:s17+$0xFFFFFF90];
	_ =	sdelay $0x3  }
0x1ca: {  	s25 =	simm.s32 $0x1AE90;
	v7 =	vpop (erf)  }
0x1cb: {  	v15 =	vld [tilespmem:s25+$0x0];
	[tilespmem:s12+$0xFFFFFEE0] =	vst v7;
	v6 =	vmul.f32 v6, v12  }
0x1cc: {  	s0 =	simm.s32 $0x18A90;
	v8 =	vld [tilespmem:s17+$0xFFFFFE60]  }
0x1cd: {  	v12 =	vld [tilespmem:s0+$0x0];
	[tilespmem:s12+$0xFFFFFF90] =	vst v6  }
0x1ce: {  	v6 =	vld [tilespmem:s17+$0xFFFFFFA0]  }
0x1cf: {  	v16 =	vld [tilespmem:s25+$0xFFFFFFD0]  }
0x1d0: {  	v17 =	vld [tilespmem:s0+$0xFFFFFEE0];
	v9 =	vperm.xlane v7, v1;
	v10 =	vpop (erf)  }
0x1d1: {  	v19 =	vld [tilespmem:s25+$0xFFFFFFE0];
	v18 =	vperm.xlane v11, v2;
	[tilespmem:s12+$0xFFFFFE50] =	vst v10;
	v5 =	vpop (erf)  }
0x1d2: {  	v8 =	vmul.f32 v9, v8;
	v13 =	vld [tilespmem:s17+$0xFFFFFDD0];
	[tilespmem:s12+$0xFFFFFF70] =	vst v5  }
0x1d3: {  	v14 =	vld [tilespmem:s17+$0xFFFFFEF0];
	v12 =	vadd.f32 v15, v12;
	v6 =	vmul.f32 v18, v6  }
0x1d4: {  	v20 =	vld [tilespmem:s0+$0xFFFFFF70];
	[tilespmem:s12+$0xFFFFFE60] =	vst v8  }
0x1d5: {  	v23 =	vld [tilespmem:s0+$0xFFFFFE50];
	v21 =	vperm.xlane v10, v1;
	[tilespmem:s12+$0xFFFFFFA0] =	vst v6;
	v6 =	vmul.f32 $2.000000030e-01, v12  }
0x1d6: {  	v8 =	vld [tilespmem:s17+$0xFFFFFE70];
	v15 =	vperm.xlane v5, v1;
	vm13 =	vlt.f32 v12, $0.0e+00  }
0x1d7: {  	v22 =	vld [tilespmem:s25+$0xFFFFFFF0];
	v13 =	vmul.f32 v21, v13;
	v6 =	vsel vm13, v6, v12  }
0x1d8: {  	v14 =	vmul.f32 v15, v14;
	v24 =	vld [tilespmem:s17+$0xFFFFFFB0];
	v6 =	vmul.f32 $1.442695020e+00, v6  }
0x1d9: {  	[tilespmem:s12+$0xFFFFFDD0] =	vst v13  }
0x1da: {  	v13 =	vadd.f32 v19, v17;
	[tilespmem:s12+$0xFFFFFEF0] =	vst v14;
	(erf) = vpow2.f32 v6  }
0x1db: {  	v16 =	vadd.f32 v16, v23;
	v8 =	vmul.f32 v9, v8;
	v9 =	vld [tilespmem:s17+$0xFFFFFF00]  }
0x1dc: {  	v17 =	vmul.f32 $2.000000030e-01, v13  }
0x1dd: {  	v14 =	vadd.f32 v22, v20;
	v6 =	vmul.f32 $2.000000030e-01, v16;
	v18 =	vmul.f32 v18, v24  }
0x1de: {  	vm2 =	vlt.f32 v16, $0.0e+00;
	vm14 =	vlt.f32 v13, $0.0e+00;
	[tilespmem:s12+$0xFFFFFE70] =	vst v8;
	v12 =	vld [tilespmem:s17+$0xFFFFFDE0]  }
0x1df: {  	v13 =	vsel vm14, v17, v13;
	v19 =	vmul.f32 $2.000000030e-01, v14;
	v6 =	vsel vm2, v6, v16;
	v16 =	vld [tilespmem:s17+$0xFFFFFE80];
	[tilespmem:s12+$0xFFFFFFB0] =	vst v18  }
0x1e0: {  	v13 =	vmul.f32 $1.442695020e+00, v13;
	vm15 =	vlt.f32 v14, $0.0e+00;
	v9 =	vmul.f32 v15, v9;
	v15 =	vld [tilespmem:s17+$0xFFFFFFC0]  }
0x1e1: {  	s18 =	simm.s32 $0x1AED0;
	v17 =	vperm.xlane v7, v2;
	v8 =	vsel vm15, v19, v14;
	v6 =	vmul.f32 $1.442695020e+00, v6  }
0x1e2: {  	s23 =	simm.s32 $0x18CD0;
	v26 =	vld [tilespmem:s18+$0xFFFFFFD0];
	v8 =	vmul.f32 $1.442695020e+00, v8;
	(erf) = vpow2.f32 v13  }
0x1e3: {  	s22 =	simm.s32 $0x1DA90;
	v28 =	vld [tilespmem:s23+$0xFFFFFEE0];
	v13 =	vperm.xlane v11, v3;
	(erf) = vpow2.f32 v6;
	v14 =	vpop (erf)  }
0x1e4: {  	v31 =	vld [tilespmem:s18+$0xFFFFFFE0];
	v12 =	vmul.f32 v21, v12;
	(erf) = vpow2.f32 v8;
	[tilespmem:s22+$0x0] =	vst v14  }
0x1e5: {  	[tilespmem:s12+$0xFFFFFF00] =	vst v9;
	v9 =	vmul.f32 v17, v16;
	v8 =	vmul.f32 v13, v15;
	v16 =	vld [tilespmem:s0+$0xFFFFFF80]  }
0x1e6: {  	[tilespmem:s12+$0xFFFFFDE0] =	vst v12;
	v6 =	vld [tilespmem:s17+$0xFFFFFF10]  }
0x1e7: {  	v12 =	vld [tilespmem:s17+$0xFFFFFDF0];
	[tilespmem:s12+$0xFFFFFFC0] =	vst v8  }
0x1e8: {  	v21 =	vperm.xlane v14, v1;
	v19 =	vld [tilespmem:s17+$0xFFFFFFD0]  }
0x1e9: {  	v44 =	vld [tilespmem:s23+$0xFFFFFF70];
	v15 =	vperm.xlane v5, v2  }
0x1ea: {  	s20 =	simm.s32 $0x1AF10;
	v45 =	vld [tilespmem:s18+$0xFFFFFFF0];
	v18 =	vperm.xlane v10, v2;
	v16 =	vmul.f32 v21, v16  }
0x1eb: {  	v58 =	vld [tilespmem:s20+$0xFFFFFFF0];
	[tilespmem:s12+$0xFFFFFE80] =	vst v9;
	v8 =	vmul.f32 v15, v6  }
0x1ec: {  	v12 =	vmul.f32 v18, v12;
	v20 =	vld [tilespmem:s17+$0xFFFFFE90];
	[tilespmem:s22+$0xFFFFFF80] =	vst v16  }
0x1ed: {  	[tilespmem:s12+$0xFFFFFF10] =	vst v8;
	v13 =	vmul.f32 v13, v19;
	v19 =	vld [tilespmem:s0+$0xFFFFFF90]  }
0x1ee: {  	v6 =	vpop (erf);
	[tilespmem:s12+$0xFFFFFDF0] =	vst v12;
	v22 =	vld [tilespmem:s17+$0xFFFFFF20]  }
0x1ef: {  	[tilespmem:s22+$0xFFFFFEE0] =	vst v6;
	v12 =	vld [tilespmem:s17+$0xFFFFFE00]  }
0x1f0: {  	s25 =	simm.s32 $0x18F10;
	v23 =	vld [tilespmem:s0+$0xFFFFFE60];
	v9 =	vpop (erf)  }
0x1f1: {  	v56 =	vld [tilespmem:s25+$0xFFFFFF70];
	[tilespmem:s22+$0xFFFFFE50] =	vst v9;
	v8 =	vpop (erf)  }
0x1f2: {  	v17 =	vmul.f32 v17, v20;
	v24 =	vld [tilespmem:s0+$0xFFFFFDD0];
	[tilespmem:s22+$0xFFFFFF70] =	vst v8;
	v19 =	vmul.f32 v21, v19  }
0x1f3: {  	v16 =	vperm.xlane v6, v1;
	[tilespmem:s12+$0xFFFFFFD0] =	vst v13;
	v13 =	vmul.f32 v15, v22;
	v22 =	vld [tilespmem:s18+$0x0]  }
0x1f4: {  	v12 =	vmul.f32 v18, v12;
	v21 =	vld [tilespmem:s23+$0x0];
	[tilespmem:s22+$0xFFFFFF90] =	vst v19  }
0x1f5: {  	[tilespmem:s12+$0xFFFFFE90] =	vst v17;
	v17 =	vmul.f32 v16, v23;
	v23 =	vld [tilespmem:s0+$0xFFFFFFA0]  }
0x1f6: {  	v20 =	vld [tilespmem:s0+$0xFFFFFEF0];
	[tilespmem:s12+$0xFFFFFE00] =	vst v12  }
0x1f7: {  	v42 =	vperm.xlane v9, v1;
	v12 =	vld [tilespmem:s17+$0xFFFFFEA0];
	[tilespmem:s22+$0xFFFFFE60] =	vst v17  }
0x1f8: {  	v30 =	vperm.xlane v14, v2;
	v17 =	vld [tilespmem:s0+$0xFFFFFE70]  }
0x1f9: {  	v27 =	vperm.xlane v7, v3;
	v18 =	vld [tilespmem:s17+$0xFFFFFE10];
	v21 =	vadd.f32 v22, v21;
	v22 =	vmul.f32 v42, v24  }
0x1fa: {  	v28 =	vadd.f32 v31, v28;
	v43 =	vperm.xlane v8, v1;
	v15 =	vld [tilespmem:s17+$0xFFFFFFE0];
	[tilespmem:s12+$0xFFFFFF20] =	vst v13;
	v23 =	vmul.f32 v30, v23  }
0x1fb: {  	v61 =	vadd.f32 v58, v56;
	v25 =	vperm.xlane v10, v3;
	v11 =	vperm.xlane v11, v4;
	v24 =	vld [tilespmem:s23+$0xFFFFFE50];
	[tilespmem:s22+$0xFFFFFDD0] =	vst v22  }
0x1fc: {  	vm5 =	vlt.f32 v28, $0.0e+00;
	v13 =	vld [tilespmem:s17+$0xFFFFFF30];
	v20 =	vmul.f32 v43, v20;
	[tilespmem:s22+$0xFFFFFFA0] =	vst v23;
	v23 =	vmul.f32 $2.000000030e-01, v21  }
0x1fd: {  	v29 =	vperm.xlane v6, v2;
	v16 =	vmul.f32 v16, v17;
	vm4 =	vlt.f32 v21, $0.0e+00;
	v17 =	vld [tilespmem:s0+$0xFFFFFDE0]  }
0x1fe: {  	[tilespmem:s22+$0xFFFFFEF0] =	vst v20;
	v22 =	vmul.f32 v27, v12;
	v12 =	vmul.f32 v25, v18;
	v18 =	vld [tilespmem:s0+$0xFFFFFFB0];
	v21 =	vsel vm4, v23, v21  }
0x1ff: {  	v20 =	vadd.f32 v45, v44;
	v15 =	vmul.f32 v11, v15;
	[tilespmem:s22+$0xFFFFFE70] =	vst v16;
	v16 =	vld [tilespmem:s0+$0xFFFFFF00];
	v21 =	vmul.f32 $1.442695020e+00, v21  }
0x200: {  	v54 =	vld [tilespmem:s20+$0xFFFFFFE0];
	v19 =	vperm.xlane v5, v3;
	v24 =	vadd.f32 v26, v24;
	v23 =	vmul.f32 $2.000000030e-01, v28  }
0x201: {  	vm6 =	vlt.f32 v20, $0.0e+00;
	[tilespmem:s12+$0xFFFFFE10] =	vst v12;
	v12 =	vmul.f32 $2.000000030e-01, v20;
	v26 =	vld [tilespmem:s0+$0xFFFFFE80];
	(erf) = vpow2.f32 v21  }
0x202: {  	[tilespmem:s12+$0xFFFFFFE0] =	vst v15;
	v31 =	vmul.f32 $2.000000030e-01, v24;
	v17 =	vmul.f32 v42, v17;
	v15 =	vsel vm5, v23, v28;
	v21 =	vld [tilespmem:s17+$0xFFFFFE20]  }
0x203: {  	s28 =	simm.s32 $0x1AF50;
	v51 =	vld [tilespmem:s25+$0xFFFFFEE0];
	vm7 =	vlt.f32 v24, $0.0e+00;
	v15 =	vmul.f32 $1.442695020e+00, v15;
	v18 =	vmul.f32 v30, v18  }
0x204: {  	v56 =	vld [tilespmem:s28+$0x0];
	v13 =	vmul.f32 v19, v13;
	v16 =	vmul.f32 v43, v16;
	v23 =	vsel vm7, v31, v24;
	[tilespmem:s22+$0xFFFFFDE0] =	vst v17  }
0x205: {  	v20 =	vsel vm6, v12, v20;
	(erf) = vpow2.f32 v15;
	v15 =	vld [tilespmem:s0+$0xFFFFFDF0];
	[tilespmem:s22+$0xFFFFFFB0] =	vst v18;
	v18 =	vmul.f32 $1.442695020e+00, v23  }
0x206: {  	[tilespmem:s12+$0xFFFFFEA0] =	vst v22;
	v20 =	vmul.f32 $1.442695020e+00, v20;
	v22 =	vmul.f32 v29, v26;
	v17 =	vld [tilespmem:s0+$0xFFFFFFC0]  }
0x207: {  	[tilespmem:s22+$0xFFFFFF00] =	vst v16;
	v23 =	vld [tilespmem:s17+$0xFFFFFEB0];
	(erf) = vpow2.f32 v18;
	v16 =	vmul.f32 v25, v21  }
0x208: {  	[tilespmem:s12+$0xFFFFFF30] =	vst v13;
	v18 =	vld [tilespmem:s0+$0xFFFFFF10];
	v21 =	vperm.xlane v9, v2;
	(erf) = vpow2.f32 v20  }
0x209: {  	v58 =	vld [tilespmem:s28+$0xFFFFFFD0];
	[tilespmem:s22+$0xFFFFFE80] =	vst v22;
	v20 =	vperm.xlane v14, v3  }
0x20a: {  	s24 =	simm.s32 $0x1DCD0;
	v12 =	vld [tilespmem:s17+$0xFFFFFFF0];
	[tilespmem:s12+$0xFFFFFE20] =	vst v16;
	v15 =	vmul.f32 v21, v15;
	v13 =	vpop (erf)  }
0x20b: {  	v24 =	vld [tilespmem:s17+$0xFFFFFF40];
	v25 =	vperm.xlane v8, v2;
	v16 =	vmul.f32 v20, v17;
	[tilespmem:s24+$0x0] =	vst v13  }
0x20c: {  	v17 =	vmul.f32 v27, v23;
	[tilespmem:s22+$0xFFFFFDF0] =	vst v15;
	v23 =	vld [tilespmem:s23+$0xFFFFFF80]  }
0x20d: {  	v27 =	vld [tilespmem:s0+$0xFFFFFE00];
	[tilespmem:s22+$0xFFFFFFC0] =	vst v16;
	v16 =	vmul.f32 v25, v18  }
0x20e: {  	[tilespmem:s12+$0xFFFFFEB0] =	vst v17;
	v18 =	vld [tilespmem:s0+$0xFFFFFFD0]  }
0x20f: {  	v22 =	vld [tilespmem:s0+$0xFFFFFE90];
	v28 =	vperm.xlane v13, v1;
	v15 =	vpop (erf);
	[tilespmem:s22+$0xFFFFFF10] =	vst v16  }
0x210: {  	[tilespmem:s24+$0xFFFFFEE0] =	vst v15;
	v17 =	vpop (erf);
	v31 =	vld [tilespmem:s0+$0xFFFFFF20]  }
0x211: {  	v46 =	vld [tilespmem:s23+$0xFFFFFE60];
	v16 =	vpop (erf);
	v23 =	vmul.f32 v28, v23  }
0x212: {  	v19 =	vmul.f32 v19, v24;
	v24 =	vld [tilespmem:s20+$0xFFFFFFD0];
	v21 =	vmul.f32 v21, v27;
	[tilespmem:s24+$0xFFFFFF70] =	vst v16  }
0x213: {  	v30 =	vld [tilespmem:s17+$0xFFFFFEC0];
	v18 =	vmul.f32 v20, v18;
	[tilespmem:s24+$0xFFFFFF80] =	vst v23  }
0x214: {  	v20 =	vmul.f32 v29, v22;
	[tilespmem:s22+$0xFFFFFE00] =	vst v21;
	v23 =	vperm.xlane v15, v1;
	v22 =	vld [tilespmem:s23+$0xFFFFFF90]  }
0x215: {  	v29 =	vld [tilespmem:s23+$0xFFFFFEF0];
	[tilespmem:s22+$0xFFFFFFD0] =	vst v18;
	v18 =	vmul.f32 v25, v31  }
0x216: {  	v27 =	vld [tilespmem:s0+$0xFFFFFE10];
	[tilespmem:s22+$0xFFFFFE90] =	vst v20;
	v25 =	vmul.f32 v23, v46  }
0x217: {  	v20 =	vld [tilespmem:s0+$0xFFFFFFE0];
	[tilespmem:s22+$0xFFFFFF20] =	vst v18  }
0x218: {  	v18 =	vperm.xlane v10, v4;
	v10 =	vperm.xlane v7, v4;
	v7 =	vld [tilespmem:s20+$0x0];
	[tilespmem:s24+$0xFFFFFE60] =	vst v25  }
0x219: {  	v31 =	vld [tilespmem:s23+$0xFFFFFE70];
	v22 =	vmul.f32 v28, v22  }
0x21a: {  	[tilespmem:s24+$0xFFFFFE50] =	vst v17;
	v55 =	vperm.xlane v16, v1;
	v28 =	vld [tilespmem:s25+$0x0]  }
0x21b: {  	v14 =	vperm.xlane v14, v4;
	v47 =	vld [tilespmem:s23+$0xFFFFFDD0];
	[tilespmem:s24+$0xFFFFFF90] =	vst v22  }
0x21c: {  	v48 =	vperm.xlane v9, v3;
	v29 =	vmul.f32 v55, v29;
	v50 =	vld [tilespmem:s23+$0xFFFFFFA0]  }
0x21d: {  	v49 =	vperm.xlane v6, v3;
	v21 =	vld [tilespmem:s0+$0xFFFFFEA0];
	v20 =	vmul.f32 v14, v20  }
0x21e: {  	v52 =	vperm.xlane v17, v1;
	v25 =	vld [tilespmem:s0+$0xFFFFFF30];
	v27 =	vmul.f32 v48, v27;
	[tilespmem:s24+$0xFFFFFEF0] =	vst v29  }
0x21f: {  	v53 =	vperm.xlane v13, v2;
	[tilespmem:s22+$0xFFFFFFE0] =	vst v20;
	v20 =	vld [tilespmem:s25+$0xFFFFFE50];
	v23 =	vmul.f32 v23, v31;
	v7 =	vadd.f32 v7, v28  }
0x220: {  	v26 =	vld [tilespmem:s17+$0xFFFFFE30];
	[tilespmem:s22+$0xFFFFFE10] =	vst v27;
	v22 =	vperm.xlane v8, v3;
	v28 =	vmul.f32 v52, v47  }
0x221: {  	v59 =	vld [tilespmem:s0+$0xFFFFFFF0];
	v31 =	vadd.f32 v54, v51;
	[tilespmem:s24+$0xFFFFFE70] =	vst v23;
	v60 =	vmul.f32 $2.000000030e-01, v7;
	v35 =	vmul.f32 v53, v50  }
0x222: {  	v21 =	vmul.f32 v49, v21;
	v23 =	vld [tilespmem:s23+$0xFFFFFF00];
	[tilespmem:s24+$0xFFFFFDD0] =	vst v28;
	vm8 =	vlt.f32 v7, $0.0e+00  }
0x223: {  	v25 =	vmul.f32 v22, v25;
	v27 =	vmul.f32 $2.000000030e-01, v31;
	v29 =	vld [tilespmem:s23+$0xFFFFFDE0];
	v7 =	vsel vm8, v60, v7;
	[tilespmem:s24+$0xFFFFFFA0] =	vst v35  }
0x224: {  	[tilespmem:s12+$0xFFFFFF40] =	vst v19;
	v28 =	vmul.f32 v10, v30;
	v20 =	vadd.f32 v24, v20;
	v7 =	vmul.f32 $1.442695020e+00, v7;
	v30 =	vld [tilespmem:s23+$0xFFFFFFB0]  }
0x225: {  	v57 =	vperm.xlane v15, v2;
	v26 =	vmul.f32 v18, v26;
	[tilespmem:s22+$0xFFFFFEA0] =	vst v21;
	vm9 =	vlt.f32 v31, $0.0e+00;
	v62 =	vld [tilespmem:s23+$0xFFFFFE80]  }
0x226: {  	v21 =	vld [tilespmem:s0+$0xFFFFFE20];
	[tilespmem:s22+$0xFFFFFF30] =	vst v25;
	v19 =	vsel vm9, v27, v31;
	v25 =	vmul.f32 $2.000000030e-01, v20;
	(erf) = vpow2.f32 v7  }
0x227: {  	v63 =	vld [tilespmem:s0+$0xFFFFFF40];
	v19 =	vmul.f32 $1.442695020e+00, v19;
	v14 =	vmul.f32 v14, v59;
	vm11 =	vlt.f32 v20, $0.0e+00  }
0x228: {  	[tilespmem:s12+$0xFFFFFEC0] =	vst v28;
	v60 =	vld [tilespmem:s28+$0xFFFFFFF0];
	v23 =	vmul.f32 v55, v23;
	v20 =	vsel vm11, v25, v20;
	v27 =	vmul.f32 v52, v29  }
0x229: {  	s18 =	simm.s32 $0x19150;
	[tilespmem:s12+$0xFFFFFE30] =	vst v26;
	v31 =	vld [tilespmem:s17+$0xFFFFFED0];
	v20 =	vmul.f32 $1.442695020e+00, v20;
	v30 =	vmul.f32 v53, v30  }
0x22a: {  	v55 =	vld [tilespmem:s18+$0x0];
	v26 =	vmul.f32 v57, v62;
	(erf) = vpow2.f32 v19;
	[tilespmem:s24+$0xFFFFFDE0] =	vst v27  }
0x22b: {  	(erf) = vpow2.f32 v20;
	v20 =	vmul.f32 v48, v21;
	v19 =	vld [tilespmem:s23+$0xFFFFFDF0];
	[tilespmem:s24+$0xFFFFFFB0] =	vst v30  }
0x22c: {  	[tilespmem:s22+$0xFFFFFFF0] =	vst v14;
	v25 =	vld [tilespmem:s23+$0xFFFFFFC0]  }
0x22d: {  	v7 =	vld [tilespmem:s0+$0xFFFFFEB0];
	[tilespmem:s24+$0xFFFFFE80] =	vst v26  }
0x22e: {  	v24 =	vmul.f32 $2.000000030e-01, v61;
	[tilespmem:s24+$0xFFFFFF00] =	vst v23;
	v26 =	vld [tilespmem:s23+$0xFFFFFE90];
	v30 =	vperm.xlane v17, v2  }
0x22f: {  	s14 =	simm.s32 $0x1DF10;
	vm10 =	vlt.f32 v61, $0.0e+00;
	v28 =	vperm.xlane v13, v3;
	v21 =	vld [tilespmem:s23+$0xFFFFFF10];
	[tilespmem:s22+$0xFFFFFE20] =	vst v20;
	v20 =	vpop (erf)  }
0x230: {  	v11 =	vmul.f32 v11, v12;
	v24 =	vsel vm10, v24, v61;
	v14 =	vld [tilespmem:s18+$0xFFFFFEE0];
	v19 =	vmul.f32 v30, v19;
	[tilespmem:s14+$0x0] =	vst v20  }
0x231: {  	v24 =	vmul.f32 $1.442695020e+00, v24;
	v23 =	vmul.f32 v28, v25;
	v25 =	vld [tilespmem:s25+$0xFFFFFF80]  }
0x232: {  	v44 =	vperm.xlane v16, v2;
	v29 =	vld [tilespmem:s17+$0xFFFFFF50];
	v7 =	vmul.f32 v49, v7;
	[tilespmem:s24+$0xFFFFFDF0] =	vst v19  }
0x233: {  	(erf) = vpow2.f32 v24;
	v12 =	vmul.f32 v57, v26;
	v47 =	vld [tilespmem:s23+$0xFFFFFE00];
	[tilespmem:s24+$0xFFFFFFC0] =	vst v23  }
0x234: {  	[tilespmem:s22+$0xFFFFFEB0] =	vst v7;
	v48 =	vperm.xlane v20, v1;
	v19 =	vmul.f32 v44, v21;
	v46 =	vld [tilespmem:s23+$0xFFFFFFD0]  }
0x235: {  	v27 =	vld [tilespmem:s17+$0xFFFFFE40];
	[tilespmem:s24+$0xFFFFFE90] =	vst v12;
	v23 =	vpop (erf)  }
0x236: {  	v32 =	vperm.xlane v15, v3;
	v45 =	vld [tilespmem:s0+$0xFFFFFE30];
	[tilespmem:s24+$0xFFFFFF10] =	vst v19;
	v24 =	vpop (erf);
	v50 =	vmul.f32 v48, v25  }
0x237: {  	v40 =	vperm.xlane v16, v3;
	v19 =	vperm.xlane v9, v4;
	v9 =	vld [tilespmem:s23+$0xFFFFFF20];
	[tilespmem:s14+$0xFFFFFE50] =	vst v24  }
0x238: {  	v7 =	vperm.xlane v5, v4;
	v30 =	vmul.f32 v30, v47;
	v51 =	vld [tilespmem:s25+$0xFFFFFDD0];
	[tilespmem:s14+$0xFFFFFF80] =	vst v50  }
0x239: {  	v5 =	vperm.xlane v8, v4;
	[tilespmem:s14+$0xFFFFFEE0] =	vst v23;
	v8 =	vmul.f32 v28, v46;
	v52 =	vld [tilespmem:s25+$0xFFFFFF90]  }
0x23a: {  	v13 =	vperm.xlane v13, v4;
	v21 =	vperm.xlane v6, v4;
	v6 =	vld [tilespmem:s25+$0xFFFFFE60];
	[tilespmem:s24+$0xFFFFFE00] =	vst v30  }
0x23b: {  	v18 =	vmul.f32 v18, v27;
	v27 =	vperm.xlane v24, v1;
	v30 =	vld [tilespmem:s23+$0xFFFFFEA0];
	[tilespmem:s24+$0xFFFFFFD0] =	vst v8  }
0x23c: {  	[tilespmem:s12+$0xFFFFFFF0] =	vst v11;
	v53 =	vperm.xlane v17, v3;
	v25 =	vpop (erf);
	v8 =	vmul.f32 v44, v9;
	v12 =	vld [tilespmem:s23+$0xFFFFFFE0]  }
0x23d: {  	v49 =	vld [tilespmem:s0+$0xFFFFFEC0];
	[tilespmem:s14+$0xFFFFFF70] =	vst v25;
	v28 =	vperm.xlane v23, v1;
	v11 =	vmul.f32 v27, v51  }
0x23e: {  	v26 =	vld [tilespmem:s25+$0xFFFFFEF0];
	[tilespmem:s24+$0xFFFFFF20] =	vst v8;
	v8 =	vperm.xlane v15, v4;
	v15 =	vmul.f32 v48, v52  }
0x23f: {  	v9 =	vperm.xlane v17, v4;
	v17 =	vld [tilespmem:s23+$0xFFFFFE10];
	v6 =	vmul.f32 v28, v6;
	[tilespmem:s14+$0xFFFFFDD0] =	vst v11  }
0x240: {  	v31 =	vmul.f32 v10, v31;
	v11 =	vmul.f32 v32, v30;
	v30 =	vld [tilespmem:s28+$0xFFFFFFE0];
	[tilespmem:s14+$0xFFFFFF90] =	vst v15  }
0x241: {  	v10 =	vperm.xlane v25, v1;
	[tilespmem:s14+$0xFFFFFE60] =	vst v6;
	v12 =	vmul.f32 v13, v12;
	v15 =	vld [tilespmem:s25+$0xFFFFFFA0]  }
0x242: {  	v22 =	vmul.f32 v22, v63;
	v62 =	vld [tilespmem:s18+$0xFFFFFE50];
	v29 =	vmul.f32 v7, v29;
	[tilespmem:s24+$0xFFFFFEA0] =	vst v11  }
0x243: {  	v6 =	vperm.xlane v16, v4;
	v16 =	vld [tilespmem:s25+$0xFFFFFE70];
	[tilespmem:s24+$0xFFFFFFE0] =	vst v12;
	v12 =	vmul.f32 v10, v26  }
0x244: {  	v36 =	vperm.xlane v20, v4;
	v50 =	vld [tilespmem:s23+$0xFFFFFEB0];
	v26 =	vperm.xlane v20, v2  }
0x245: {  	v63 =	vmul.f32 v21, v49;
	v57 =	vld [tilespmem:s23+$0xFFFFFFF0];
	v14 =	vadd.f32 v30, v14;
	[tilespmem:s14+$0xFFFFFEF0] =	vst v12;
	v12 =	vmul.f32 v53, v17  }
0x246: {  	[tilespmem:s22+$0xFFFFFF40] =	vst v22;
	v33 =	vadd.f32 v56, v55;
	v35 =	vmul.f32 v19, v45;
	v17 =	vld [tilespmem:s18+$0xFFFFFF70];
	v11 =	vmul.f32 v26, v15  }
0x247: {  	v59 =	vperm.xlane v23, v2;
	v46 =	vld [tilespmem:s25+$0xFFFFFF00];
	v47 =	vmul.f32 $2.000000030e-01, v14;
	[tilespmem:s24+$0xFFFFFE10] =	vst v12  }
0x248: {  	vm12 =	vlt.f32 v33, $0.0e+00;
	v12 =	vmul.f32 v28, v16;
	v16 =	vmul.f32 $2.000000030e-01, v33;
	[tilespmem:s14+$0xFFFFFFA0] =	vst v11  }
0x249: {  	[tilespmem:s12+$0xFFFFFED0] =	vst v31;
	v43 =	vperm.xlane v24, v2;
	v48 =	vadd.f32 v58, v62;
	vm13 =	vlt.f32 v14, $0.0e+00;
	v30 =	vld [tilespmem:s25+$0xFFFFFFB0]  }
0x24a: {  	[tilespmem:s12+$0xFFFFFE40] =	vst v18;
	v28 =	vld [tilespmem:s25+$0xFFFFFDE0];
	v32 =	vmul.f32 v32, v50;
	v14 =	vsel vm13, v47, v14;
	v16 =	vsel vm12, v16, v33  }
0x24b: {  	[tilespmem:s22+$0xFFFFFEC0] =	vst v63;
	v54 =	vld [tilespmem:s23+$0xFFFFFF30];
	v13 =	vmul.f32 v13, v57;
	v17 =	vadd.f32 v60, v17;
	v16 =	vmul.f32 $1.442695020e+00, v16  }
0x24c: {  	v51 =	vld [tilespmem:s0+$0xFFFFFED0];
	[tilespmem:s14+$0xFFFFFE70] =	vst v12;
	v14 =	vmul.f32 $1.442695020e+00, v14;
	v10 =	vmul.f32 v10, v46  }
0x24d: {  	vm15 =	vlt.f32 v48, $0.0e+00;
	v49 =	vld [tilespmem:s23+$0xFFFFFE20];
	[tilespmem:s24+$0xFFFFFFF0] =	vst v13;
	v13 =	vmul.f32 $2.000000030e-01, v17;
	(erf) = vpow2.f32 v16  }
0x24e: {  	[tilespmem:s24+$0xFFFFFEB0] =	vst v32;
	v22 =	vld [tilespmem:s25+$0xFFFFFE80];
	vm14 =	vlt.f32 v17, $0.0e+00;
	v16 =	vmul.f32 $2.000000030e-01, v48;
	v26 =	vmul.f32 v26, v30  }
0x24f: {  	v34 =	vld [tilespmem:s23+$0xFFFFFEC0];
	(erf) = vpow2.f32 v14;
	[tilespmem:s14+$0xFFFFFF00] =	vst v10;
	v13 =	vsel vm14, v13, v17;
	v17 =	vmul.f32 v27, v28  }
0x250: {  	v44 =	vperm.xlane v25, v2;
	v61 =	vmul.f32 v40, v54;
	v27 =	vld [tilespmem:s0+$0xFFFFFF50];
	v16 =	vsel vm15, v16, v48;
	[tilespmem:s14+$0xFFFFFFB0] =	vst v26  }
0x251: {  	v15 =	vperm.xlane v24, v3;
	v16 =	vmul.f32 $1.442695020e+00, v16;
	[tilespmem:s14+$0xFFFFFDE0] =	vst v17;
	v17 =	vld [tilespmem:s25+$0xFFFFFFC0]  }
0x252: {  	[tilespmem:s12+$0xFFFFFF50] =	vst v29;
	v10 =	vmul.f32 v53, v49;
	v52 =	vld [tilespmem:s25+$0xFFFFFF10];
	v13 =	vmul.f32 $1.442695020e+00, v13  }
0x253: {  	[tilespmem:s22+$0xFFFFFE30] =	vst v35;
	v53 =	vperm.xlane v20, v3;
	v18 =	vld [tilespmem:s25+$0xFFFFFDF0];
	(erf) = vpow2.f32 v16  }
0x254: {  	[tilespmem:s24+$0xFFFFFF30] =	vst v61;
	v14 =	vmul.f32 v59, v22;
	v26 =	vld [tilespmem:s0+$0xFFFFFE40];
	(erf) = vpow2.f32 v13  }
0x255: {  	v11 =	vperm.xlane v23, v3;
	v12 =	vperm.xlane v25, v3;
	v30 =	vld [tilespmem:s23+$0xFFFFFF40];
	[tilespmem:s24+$0xFFFFFE20] =	vst v10  }
0x256: {  	s20 =	simm.s32 $0x1E150;
	v31 =	vld [tilespmem:s23+$0xFFFFFE30];
	[tilespmem:s14+$0xFFFFFE80] =	vst v14;
	v14 =	vperm.xlane v24, v4;
	v16 =	vpop (erf);
	v17 =	vmul.f32 v53, v17  }
0x257: {  	v13 =	vperm.xlane v23, v4;
	v24 =	vld [tilespmem:s25+$0xFFFFFE90];
	v23 =	vmul.f32 v5, v27;
	[tilespmem:s20+$0x0] =	vst v16  }
0x258: {  	v18 =	vmul.f32 v43, v18;
	v46 =	vpop (erf);
	v27 =	vld [tilespmem:s18+$0xFFFFFF80];
	[tilespmem:s14+$0xFFFFFFC0] =	vst v17;
	v17 =	vmul.f32 v44, v52  }
0x259: {  	v10 =	vperm.xlane v25, v4;
	v22 =	vmul.f32 v19, v26;
	[tilespmem:s20+$0xFFFFFEE0] =	vst v46;
	v19 =	vld [tilespmem:s25+$0xFFFFFFD0]  }
0x25a: {  	v25 =	vmul.f32 v21, v51;
	v29 =	vmul.f32 v40, v30;
	[tilespmem:s14+$0xFFFFFDF0] =	vst v18;
	v58 =	vld [tilespmem:s18+$0xFFFFFE60]  }
0x25b: {  	v31 =	vmul.f32 v9, v31;
	v56 =	vperm.xlane v16, v1;
	v54 =	vld [tilespmem:s25+$0xFFFFFE00];
	[tilespmem:s14+$0xFFFFFF10] =	vst v17  }
0x25c: {  	v55 =	vmul.f32 v59, v24;
	v35 =	vperm.xlane v46, v1;
	v57 =	vld [tilespmem:s25+$0xFFFFFF20];
	v17 =	vpop (erf)  }
0x25d: {  	v28 =	vld [tilespmem:s17+$0xFFFFFF60];
	v20 =	vperm.xlane v46, v4;
	v24 =	vmul.f32 v56, v27;
	[tilespmem:s20+$0xFFFFFE50] =	vst v17;
	v30 =	vpop (erf)  }
0x25e: {  	v18 =	vperm.xlane v46, v2;
	v59 =	vld [tilespmem:s18+$0xFFFFFDD0];
	[tilespmem:s20+$0xFFFFFF70] =	vst v30;
	v27 =	vmul.f32 v53, v19  }
0x25f: {  	v33 =	vperm.xlane v17, v1;
	v21 =	vperm.xlane v17, v2;
	[tilespmem:s20+$0xFFFFFF80] =	vst v24;
	v60 =	vld [tilespmem:s18+$0xFFFFFEF0]  }
0x260: {  	v26 =	vperm.xlane v17, v3;
	v61 =	vmul.f32 v43, v54;
	v47 =	vld [tilespmem:s18+$0xFFFFFF90];
	[tilespmem:s14+$0xFFFFFFD0] =	vst v27  }
0x261: {  	[tilespmem:s14+$0xFFFFFE90] =	vst v55;
	v63 =	vmul.f32 v35, v58;
	v62 =	vmul.f32 v44, v57;
	v37 =	vld [tilespmem:s25+$0xFFFFFFE0]  }
0x262: {  	v39 =	vld [tilespmem:s25+$0xFFFFFEA0];
	v17 =	vperm.xlane v17, v4;
	v32 =	vperm.xlane v30, v1;
	[tilespmem:s14+$0xFFFFFE00] =	vst v61  }
0x263: {  	v19 =	vperm.xlane v30, v2;
	v40 =	vld [tilespmem:s25+$0xFFFFFE10];
	[tilespmem:s14+$0xFFFFFF20] =	vst v62;
	v41 =	vmul.f32 v33, v59  }
0x264: {  	v24 =	vperm.xlane v46, v3;
	[tilespmem:s20+$0xFFFFFE60] =	vst v63;
	v38 =	vld [tilespmem:s25+$0xFFFFFF30];
	v42 =	vmul.f32 v32, v60  }
0x265: {  	s31 =	simm.s32 $0x19390;
	s17 =	simm.s32 $0x10;
	v27 =	vperm.xlane v30, v3;
	v43 =	vmul.f32 v56, v47;
	[tilespmem:s20+$0xFFFFFDD0] =	vst v41;
	v41 =	vld [tilespmem:s18+$0xFFFFFE70]  }
.LBB2_7:
0x266: {  	v44 =	vld [tilespmem:s31+$0x0];
	[tilespmem:s20+$0xFFFFFEF0] =	vst v42;
	v30 =	vperm.xlane v30, v4;
	s28 =	sadd.s32 $0x40, s28;
	v37 =	vmul.f32 v36, v37  }
0x267: {  	v34 =	vmul.f32 v8, v34;
	v42 =	vld [tilespmem:s28+$0x0];
	[tilespmem:s20+$0xFFFFFF90] =	vst v43;
	v39 =	vmul.f32 v11, v39  }
0x268: {  	v28 =	vmul.f32 v7, v28;
	v7 =	vmovc v5;
	v5 =	vmov v6;
	v43 =	vld [tilespmem:s18+$0xFFFFFFA0];
	v40 =	vmul.f32 v15, v40;
	[tilespmem:s14+$0xFFFFFFE0] =	vst v37  }
0x269: {  	v6 =	vmov v10;
	v10 =	vmov v30;
	[tilespmem:s14+$0xFFFFFEA0] =	vst v39;
	v37 =	vmul.f32 v12, v38;
	v38 =	vld [tilespmem:s25+$0xFFFFFFF0]  }
0x26a: {  	s17 =	sadd.s32 $0x4, s17;
	v30 =	vld [tilespmem:s28+$0xFFFFFFD0];
	v35 =	vmul.f32 v35, v41;
	[tilespmem:s14+$0xFFFFFE10] =	vst v40  }
0x26b: {  	p0 =	slt.u32 s17, $0x3C;
	v40 =	vperm.xlane v16, v2;
	v39 =	vld [tilespmem:s31+$0xFFFFFEE0];
	[tilespmem:s14+$0xFFFFFF30] =	vst v37  }
0x26c: {  	v37 =	vld [tilespmem:s28+$0xFFFFFFE0];
	[tilespmem:s20+$0xFFFFFE70] =	vst v35  }
0x26d: {  	v35 =	vld [tilespmem:s31+$0xFFFFFF70];
	v41 =	vmul.f32 v40, v43;
	[tilespmem:s24+$0xFFFFFF40] =	vst v29  }
0x26e: {  	v42 =	vadd.f32 v42, v44;
	v29 =	vld [tilespmem:s28+$0xFFFFFFF0];
	v36 =	vmul.f32 v36, v38;
	[tilespmem:s24+$0xFFFFFE30] =	vst v31  }
0x26f: {  	v31 =	vld [tilespmem:s31+$0xFFFFFE50];
	[tilespmem:s20+$0xFFFFFFA0] =	vst v41  }
0x270: {  	v38 =	vmul.f32 $2.000000030e-01, v42;
	v41 =	vld [tilespmem:s18+$0xFFFFFDE0];
	[tilespmem:s14+$0xFFFFFFF0] =	vst v36  }
0x271: {  	vm0 =	vlt.f32 v42, $0.0e+00;
	v36 =	vadd.f32 v37, v39;
	v37 =	vld [tilespmem:s18+$0xFFFFFFB0];
	[tilespmem:s24+$0xFFFFFEC0] =	vst v34  }
0x272: {  	v34 =	vsel vm0, v38, v42;
	v38 =	vld [tilespmem:s18+$0xFFFFFF00];
	[tilespmem:s22+$0xFFFFFF50] =	vst v23  }
0x273: {  	v34 =	vmul.f32 $1.442695020e+00, v34;
	v23 =	vmul.f32 $2.000000030e-01, v36;
	v29 =	vadd.f32 v29, v35;
	v35 =	vld [tilespmem:s18+$0xFFFFFE80];
	[tilespmem:s22+$0xFFFFFE40] =	vst v22  }
0x274: {  	vm0 =	vlt.f32 v36, $0.0e+00;
	v22 =	vadd.f32 v30, v31;
	v30 =	vld [tilespmem:s25+$0xFFFFFE20];
	[tilespmem:s22+$0xFFFFFED0] =	vst v25  }
0x275: {  	vm1 =	vlt.f32 v29, $0.0e+00;
	v25 =	vmul.f32 $2.000000030e-01, v29;
	(erf) = vpow2.f32 v34;
	v31 =	vld [tilespmem:s25+$0xFFFFFEB0];
	[tilespmem:s12+$0xFFFFFF60] =	vst v28;
	s12 =	smov.u32 s22;
	s22 =	smov.u32 s24;
	s24 =	smov.u32 s14  }
0x276: {  	s14 =	smov.u32 s20;
	vm2 =	vlt.f32 v22, $0.0e+00;
	v28 =	vmul.f32 $2.000000030e-01, v22;
	v34 =	vmul.f32 v40, v37;
	v37 =	vld [tilespmem:s25+$0xFFFFFF40]  }
0x277: {  	v23 =	vsel vm0, v23, v36;
	v25 =	vsel vm1, v25, v29;
	v29 =	vmul.f32 v33, v41;
	v33 =	vld [tilespmem:s23+$0xFFFFFF50]  }
0x278: {  	v23 =	vmul.f32 $1.442695020e+00, v23;
	v22 =	vsel vm2, v28, v22;
	v25 =	vmul.f32 $1.442695020e+00, v25;
	[tilespmem:s20+$0xFFFFFFB0] =	vst v34;
	v28 =	vld [tilespmem:s23+$0xFFFFFE40]  }
0x279: {  	v22 =	vmul.f32 $1.442695020e+00, v22;
	[tilespmem:s20+$0xFFFFFDE0] =	vst v29;
	v29 =	vmul.f32 v32, v38;
	v32 =	vld [tilespmem:s18+$0xFFFFFFC0]  }
0x27a: {  	(erf) = vpow2.f32 v23;
	v34 =	vld [tilespmem:s18+$0xFFFFFDF0];
	v23 =	vmul.f32 v18, v35  }
0x27b: {  	(erf) = vpow2.f32 v22;
	[tilespmem:s20+$0xFFFFFF00] =	vst v29;
	v22 =	vmul.f32 v15, v30;
	v30 =	vld [tilespmem:s23+$0xFFFFFED0];
	v15 =	vmov v26  }
0x27c: {  	v36 =	vperm.xlane v16, v3;
	(erf) = vpow2.f32 v25;
	[tilespmem:s20+$0xFFFFFE80] =	vst v23;
	v26 =	vld [tilespmem:s18+$0xFFFFFF10]  }
0x27d: {  	v31 =	vmul.f32 v11, v31;
	v11 =	vmovc v24;
	v29 =	vmul.f32 v12, v37;
	v12 =	vmov v27;
	v35 =	vld [tilespmem:s18+$0xFFFFFE90];
	[tilespmem:s24+$0xFFFFFE20] =	vst v22  }
0x27e: {  	s20 =	sadd.s32 $0x240, s20;
	v23 =	vmul.f32 v5, v33;
	v41 =	vpop (erf);
	v24 =	vmul.f32 v36, v32;
	v27 =	vld [tilespmem:s25+$0xFFFFFE30]  }
0x27f: {  	v22 =	vmul.f32 v9, v28;
	v9 =	vmovc v14;
	v14 =	vmov v17;
	[tilespmem:s20+$0x0] =	vst v41;
	v32 =	vmul.f32 v21, v34;
	v28 =	vld [tilespmem:s0+$0xFFFFFF60];
	s0 =	smov.u32 s23;
	s23 =	smov.u32 s25;
	s25 =	smov.u32 s18  }
0x280: {  	s18 =	smov.u32 s31;
	v17 =	vld [tilespmem:s31+$0xFFFFFF80];
	[tilespmem:s14+$0xFFFFFFC0] =	vst v24;
	v25 =	vmul.f32 v8, v30;
	v8 =	vmov v13;
	v13 =	vmov v20  }
0x281: {  	[tilespmem:s14+$0xFFFFFDF0] =	vst v32;
	v26 =	vmul.f32 v19, v26;
	v24 =	vld [tilespmem:s25+$0xFFFFFFD0]  }
0x282: {  	v37 =	vld [tilespmem:s25+$0xFFFFFE00];
	v38 =	vmul.f32 v18, v35;
	[tilespmem:s24+$0xFFFFFEB0] =	vst v31  }
0x283: {  	v43 =	vperm.xlane v41, v1;
	v44 =	vpop (erf);
	[tilespmem:s14+$0xFFFFFF10] =	vst v26;
	v31 =	vmul.f32 v9, v27;
	v34 =	vld [tilespmem:s23+$0xFFFFFEC0]  }
0x284: {  	[tilespmem:s20+$0xFFFFFEE0] =	vst v44;
	v35 =	vperm.xlane v44, v1;
	v18 =	vperm.xlane v44, v2;
	v20 =	vpop (erf);
	v27 =	vld [tilespmem:s25+$0xFFFFFF20]  }
0x285: {  	[tilespmem:s20+$0xFFFFFE50] =	vst v20;
	v33 =	vperm.xlane v20, v1;
	v39 =	vld [tilespmem:s31+$0xFFFFFE60];
	v17 =	vmul.f32 v43, v17;
	v30 =	vpop (erf)  }
0x286: {  	v40 =	vld [tilespmem:s31+$0xFFFFFDD0];
	[tilespmem:s20+$0xFFFFFF70] =	vst v30;
	v32 =	vperm.xlane v30, v1;
	v24 =	vmul.f32 v36, v24  }
0x287: {  	v36 =	vperm.xlane v20, v2;
	v45 =	vperm.xlane v30, v2;
	v42 =	vld [tilespmem:s31+$0xFFFFFEF0];
	[tilespmem:s20+$0xFFFFFF80] =	vst v17  }
0x288: {  	v26 =	vperm.xlane v20, v3;
	v17 =	vmul.f32 v21, v37;
	v46 =	vld [tilespmem:s31+$0xFFFFFF90];
	[tilespmem:s14+$0xFFFFFFD0] =	vst v24  }
.Ltmp2:
0x289: {  	v24 =	vperm.xlane v44, v3;
	v21 =	vmovc v36;
	[tilespmem:s14+$0xFFFFFE90] =	vst v38;
	v38 =	vmul.f32 v19, v27;
	v37 =	vld [tilespmem:s25+$0xFFFFFFE0];
	v19 =	vmov v45;
	(pc) =	sbr.rel @p0 .LBB2_7-.Ltmp2, $4  }
0x28a: {  	v27 =	vperm.xlane v30, v3;
	v36 =	vmul.f32 v35, v39;
	[tilespmem:s14+$0xFFFFFE00] =	vst v17;
	v39 =	vld [tilespmem:s25+$0xFFFFFEA0]  }
0x28b: {  	v17 =	vperm.xlane v20, v4;
	v45 =	vmul.f32 v33, v40;
	v40 =	vld [tilespmem:s25+$0xFFFFFE10];
	[tilespmem:s14+$0xFFFFFF20] =	vst v38  }
0x28c: {  	[tilespmem:s20+$0xFFFFFE60] =	vst v36;
	v42 =	vmul.f32 v32, v42;
	v38 =	vld [tilespmem:s25+$0xFFFFFF30];
	v36 =	vperm.xlane v16, v4;
	v16 =	vmov v41  }
0x28d: {  	s31 =	sadd.s32 $0x240, s31;
	v20 =	vperm.xlane v44, v4;
	[tilespmem:s20+$0xFFFFFDD0] =	vst v45;
	v41 =	vld [tilespmem:s18+$0xFFFFFE70];
	v43 =	vmul.f32 v43, v46  }
0x28e: {  	_ = 	snop  }
0x28f: {  	[tilespmem:s20+$0xFFFFFF90] =	vst v43  }
0x290: {  	v43 =	vld [tilespmem:s18+$0xFFFFFFA0];
	_ =	sdelay $0x2  }
0x291: {  	v44 =	vperm.xlane v16, v2;
	_ =	sdelay $0x1  }
0x292: {  	v45 =	vld [tilespmem:s18+$0xFFFFFDE0];
	[tilespmem:s20+$0xFFFFFEF0] =	vst v42;
	v43 =	vmul.f32 v44, v43  }
0x293: {  	v55 =	vld [tilespmem:s18+$0xFFFFFF00]  }
0x294: {  	[tilespmem:s20+$0xFFFFFFA0] =	vst v43  }
0x295: {  	v54 =	vld [tilespmem:s18+$0xFFFFFFB0]  }
0x296: {  	v35 =	vmul.f32 v35, v41  }
0x297: {  	v33 =	vmul.f32 v33, v45  }
0x298: {  	[tilespmem:s20+$0xFFFFFE70] =	vst v35;
	v32 =	vmul.f32 v32, v55  }
0x299: {  	[tilespmem:s20+$0xFFFFFDE0] =	vst v33;
	v58 =	vld [tilespmem:s18+$0xFFFFFE80]  }
0x29a: {  	v33 =	vld [tilespmem:s18+$0xFFFFFDF0];
	[tilespmem:s20+$0xFFFFFF00] =	vst v32;
	v56 =	vmul.f32 v44, v54  }
0x29b: {  	[tilespmem:s24+$0xFFFFFF40] =	vst v29;
	v60 =	vld [tilespmem:s18+$0xFFFFFF10]  }
0x29c: {  	[tilespmem:s20+$0xFFFFFFB0] =	vst v56  }
0x29d: {  	v57 =	vmul.f32 v36, v37;
	[tilespmem:s24+$0xFFFFFE30] =	vst v31;
	v41 =	vld [tilespmem:s18+$0xFFFFFFC0]  }
0x29e: {  	[tilespmem:s22+$0xFFFFFF50] =	vst v23;
	v37 =	vmul.f32 v18, v58  }
0x29f: {  	v61 =	vperm.xlane v16, v3;
	[tilespmem:s14+$0xFFFFFFE0] =	vst v57;
	v33 =	vmul.f32 v21, v33  }
0x2a0: {  	v59 =	vmul.f32 v15, v40;
	v62 =	vld [tilespmem:s25+$0xFFFFFFF0];
	[tilespmem:s20+$0xFFFFFE80] =	vst v37;
	v40 =	vmul.f32 v19, v60  }
0x2a1: {  	[tilespmem:s20+$0xFFFFFDF0] =	vst v33;
	v37 =	vld [tilespmem:s18+$0xFFFFFE90]  }
0x2a2: {  	[tilespmem:s20+$0xFFFFFF10] =	vst v40;
	v63 =	vmul.f32 v61, v41;
	v41 =	vld [tilespmem:s18+$0xFFFFFE00]  }
0x2a3: {  	[tilespmem:s22+$0xFFFFFE40] =	vst v22;
	v38 =	vmul.f32 v12, v38;
	v33 =	vld [tilespmem:s18+$0xFFFFFF20]  }
0x2a4: {  	[tilespmem:s20+$0xFFFFFFC0] =	vst v63  }
0x2a5: {  	[tilespmem:s14+$0xFFFFFF30] =	vst v38;
	v29 =	vmul.f32 v36, v62;
	v38 =	vld [tilespmem:s18+$0xFFFFFFD0]  }
0x2a6: {  	[tilespmem:s14+$0xFFFFFE10] =	vst v59;
	v18 =	vmul.f32 v18, v37  }
0x2a7: {  	[tilespmem:s14+$0xFFFFFFF0] =	vst v29;
	v29 =	vld [tilespmem:s25+$0xFFFFFE20];
	v21 =	vmul.f32 v21, v41  }
0x2a8: {  	[tilespmem:s20+$0xFFFFFE90] =	vst v18;
	v18 =	vmul.f32 v19, v33  }
0x2a9: {  	v39 =	vmul.f32 v11, v39;
	[tilespmem:s20+$0xFFFFFE00] =	vst v21;
	v21 =	vld [tilespmem:s18+$0xFFFFFEA0]  }
0x2aa: {  	[tilespmem:s20+$0xFFFFFF20] =	vst v18;
	v31 =	vmul.f32 v61, v38;
	v19 =	vld [tilespmem:s18+$0xFFFFFE10]  }
0x2ab: {  	[tilespmem:s14+$0xFFFFFEA0] =	vst v39;
	v18 =	vld [tilespmem:s18+$0xFFFFFF30]  }
0x2ac: {  	v22 =	vld [tilespmem:s25+$0xFFFFFEB0];
	v15 =	vmul.f32 v15, v29;
	[tilespmem:s20+$0xFFFFFFD0] =	vst v31  }
0x2ad: {  	[tilespmem:s22+$0xFFFFFED0] =	vst v25;
	v7 =	vmul.f32 v7, v28;
	v31 =	vld [tilespmem:s18+$0xFFFFFFE0]  }
0x2ae: {  	[tilespmem:s14+$0xFFFFFE20] =	vst v15;
	v15 =	vmul.f32 v24, v21  }
0x2af: {  	[tilespmem:s12+$0xFFFFFF60] =	vst v7;
	v21 =	vld [tilespmem:s25+$0xFFFFFE30];
	v19 =	vmul.f32 v26, v19  }
0x2b0: {  	v16 =	vperm.xlane v16, v4;
	v23 =	vld [tilespmem:s25+$0xFFFFFF40];
	[tilespmem:s20+$0xFFFFFEA0] =	vst v15;
	v15 =	vmul.f32 v27, v18  }
0x2b1: {  	v11 =	vmul.f32 v11, v22;
	[tilespmem:s20+$0xFFFFFE10] =	vst v19;
	v19 =	vld [tilespmem:s18+$0xFFFFFEB0]  }
0x2b2: {  	v25 =	vmul.f32 v16, v31;
	v18 =	vld [tilespmem:s18+$0xFFFFFE20];
	[tilespmem:s20+$0xFFFFFF30] =	vst v15  }
0x2b3: {  	v34 =	vmul.f32 v8, v34;
	[tilespmem:s14+$0xFFFFFEB0] =	vst v11;
	v11 =	vld [tilespmem:s18+$0xFFFFFF40]  }
0x2b4: {  	v15 =	vld [tilespmem:s25+$0xFFFFFEC0];
	v7 =	vmul.f32 v14, v21;
	[tilespmem:s20+$0xFFFFFFE0] =	vst v25  }
0x2b5: {  	[tilespmem:s24+$0xFFFFFEC0] =	vst v34;
	v12 =	vmul.f32 v12, v23;
	v22 =	vld [tilespmem:s18+$0xFFFFFFF0]  }
0x2b6: {  	[tilespmem:s14+$0xFFFFFE30] =	vst v7;
	v7 =	vmul.f32 v24, v19;
	v19 =	vld [tilespmem:s23+$0xFFFFFED0]  }
0x2b7: {  	[tilespmem:s14+$0xFFFFFF40] =	vst v12;
	v21 =	vld [tilespmem:s23+$0xFFFFFF50];
	v12 =	vmul.f32 v26, v18  }
0x2b8: {  	v18 =	vld [tilespmem:s23+$0xFFFFFE40];
	v11 =	vmul.f32 v27, v11;
	[tilespmem:s20+$0xFFFFFEB0] =	vst v7  }
0x2b9: {  	v7 =	vmul.f32 v13, v15;
	[tilespmem:s20+$0xFFFFFE20] =	vst v12;
	v15 =	vld [tilespmem:s18+$0xFFFFFEC0]  }
0x2ba: {  	v16 =	vmul.f32 v16, v22;
	v12 =	vld [tilespmem:s18+$0xFFFFFE30];
	[tilespmem:s20+$0xFFFFFF40] =	vst v11  }
0x2bb: {  	[tilespmem:s14+$0xFFFFFEC0] =	vst v7;
	v11 =	vld [tilespmem:s0+$0xFFFFFF60];
	v8 =	vmul.f32 v8, v19  }
0x2bc: {  	[tilespmem:s20+$0xFFFFFFF0] =	vst v16;
	v16 =	vmul.f32 v6, v21;
	v21 =	vld [tilespmem:s25+$0xFFFFFF50]  }
0x2bd: {  	v7 =	vld [tilespmem:s18+$0xFFFFFF50];
	v9 =	vmul.f32 v9, v18;
	[tilespmem:s24+$0xFFFFFED0] =	vst v8  }
0x2be: {  	v8 =	vld [tilespmem:s25+$0xFFFFFED0];
	[tilespmem:s24+$0xFFFFFF50] =	vst v16;
	v15 =	vmul.f32 v20, v15  }
0x2bf: {  	[tilespmem:s24+$0xFFFFFE40] =	vst v9;
	v9 =	vld [tilespmem:s25+$0xFFFFFE40];
	v12 =	vmul.f32 v17, v12  }
0x2c0: {  	v16 =	vperm.xlane v30, v4;
	v19 =	vld [tilespmem:s23+$0xFFFFFF60];
	v5 =	vmul.f32 v5, v11;
	[tilespmem:s20+$0xFFFFFEC0] =	vst v15  }
0x2c1: {  	v18 =	vmul.f32 v10, v21;
	[tilespmem:s20+$0xFFFFFE30] =	vst v12  }
0x2c2: {  	v7 =	vmul.f32 v16, v7;
	v11 =	vld [tilespmem:s18+$0xFFFFFED0];
	[tilespmem:s22+$0xFFFFFF60] =	vst v5  }
0x2c3: {  	v12 =	vld [tilespmem:s18+$0xFFFFFE40];
	[tilespmem:s14+$0xFFFFFF50] =	vst v18  }
0x2c4: {  	[tilespmem:s20+$0xFFFFFF50] =	vst v7;
	v5 =	vmul.f32 v13, v8;
	v9 =	vmul.f32 v14, v9;
	v14 =	vld [tilespmem:s25+$0xFFFFFF60]  }
0x2c5: {  	v7 =	vld [tilespmem:s18+$0xFFFFFF60];
	v6 =	vmul.f32 v6, v19  }
0x2c6: {  	[tilespmem:s14+$0xFFFFFED0] =	vst v5  }
0x2c7: {  	[tilespmem:s24+$0xFFFFFF60] =	vst v6;
	v6 =	vmul.f32 v20, v11  }
0x2c8: {  	[tilespmem:s14+$0xFFFFFE40] =	vst v9;
	v5 =	vmul.f32 v17, v12  }
0x2c9: {  	[tilespmem:s20+$0xFFFFFED0] =	vst v6;
	v8 =	vmul.f32 v10, v14  }
0x2ca: {  	[tilespmem:s20+$0xFFFFFE40] =	vst v5;
	v5 =	vmul.f32 v16, v7  }
0x2cb: {  	[tilespmem:s14+$0xFFFFFF60] =	vst v8  }
0x2cc: {  	s17 =	simm.s32 $0x16160;
	s18 =	simm.s32 $0x1D620;
	[tilespmem:s20+$0xFFFFFF60] =	vst v5  }
0x2cd: {  	[spmem:s2] =	stream.indirect.scatter.add.f32 [tilespmem:s18], [sflag:$0x8], $0x90, s17, s10, $0xb8;
	[tilespmem:$0x1FA20] =	vst v63  }
0x2ce: {  	_ =	swait.ge [sflag:s13], $0x2400  }
0x2cf: {  	[sflag:s13] =	ssyncset.done $0x0  }
0x2d0: {  	[sflag:s13] =	ssyncadd.s32 $0xFFFFDC00  }
0x2d1: {  	_ =	swait.ge [sflag:s13], $0x400  }
0x2d2: {  	[sflag:s13] =	ssyncset.done $0x0  }
0x2d3: {  	[sflag:s13] =	ssyncadd.s32 $0xFFFFFC00  }
0x2d4: {  	_ =	swait.ge [sflag:s8], $0x2400  }
0x2d5: {  	p0 =	seq.s32 s1, $0x28;
	s0 =	rddreg [dreg:$0x13]  }
0x2d6: {  	s0 =	sadd.s32 @!p0 s11, s0  }
0x2d7: {  	s0 =	sshll.u32 @!p0 s0, $0x3  }
0x2d8: {  	s14 =	simm.s32 @!p0 $0x0;
	[sflag:s8] =	ssyncset.done $0x0;
	s0 =	sand.u32 @!p0 $0x1FFFFFE0, s0  }
0x2d9: {  	s17 =	simm.s32 @!p0 $0x16020;
	[sflag:s8] =	ssyncadd.s32 $0xFFFFDC00;
	s12 =	sadd.s32 @!p0 s6, s0  }
0x2da: {  	[tilespmem:s17], [sflag:$0x1] =	stream.linear.gather @!p0 [hbm4b:s12+s14], $0x40, $0x38;
	[tilespmem:$0x1FA20] =	vst v63  }
0x2db: {  	s0 =	sadd.s32 @!p0 s7, s0;
	s12 =	simm.s32 @!p0 $0x16120  }
0x2dc: {  	[tilespmem:s12], [sflag:$0x1] =	stream.linear.gather @!p0 [hbm4b:s0+s14], $0x40, $0x38;
	[tilespmem:$0x1FA20] =	vst v63  }
0x2dd: {  	_ =	swait.ge [sflag:s9], $0x40  }
0x2de: {  	[sflag:s9] =	ssyncset.done $0x0  }
0x2df: {  	[sflag:s9] =	ssyncadd.s32 $0xFFFFFFC0  }
0x2e0: {  	_ =	swait.ge [sflag:s9], $0x40  }
0x2e1: {  	[sflag:s9] =	ssyncset.done $0x0  }
0x2e2: {  	s22 =	simm.s32 $0x160E0;
	s20 =	simm.s32 $0x18620;
	[sflag:s9] =	ssyncadd.s32 $0xFFFFFFC0  }
0x2e3: {  	[tilespmem:s20], [sflag:$0x6] =	stream.indirect.gather [hbm4b:s4+s10], $0x90, s22, s10, $0xb8;
	[tilespmem:$0x1FA20] =	vst v63  }
0x2e4: {  	s23 =	simm.s32 $0x1AE20;
	s17 =	simm.s32 $0x16340  }
0x2e5: {  	[tilespmem:s23], [sflag:$0x6] =	stream.indirect.gather [hbm4b:s5+s10], $0x10, s21, s10, $0xb8;
	[tilespmem:$0x1FA20] =	vst v63  }
0x2e6: {  	s24 =	simm.s32 $0x1AA40;
	v5 =	vld [tilespmem:s17+$0x110]  }
0x2e7: {  	v6 =	vld [tilespmem:s24+$0x10];
	_ =	sdelay $0x4  }
0x2e8: {  	v7 =	vld [tilespmem:s17+$0xFFFFFFF0];
	v5 =	vadd.f32 v6, v5  }
0x2e9: {  	v8 =	vld [tilespmem:s24+$0xFFFFFFF0]  }
0x2ea: {  	v6 =	vmul.f32 $2.000000030e-01, v5  }
0x2eb: {  	vm0 =	vlt.f32 v5, $0.0e+00  }
0x2ec: {  	v5 =	vsel vm0, v6, v5  }
0x2ed: {  	v9 =	vld [tilespmem:s24+$0xFFFFFFE0];
	v5 =	vmul.f32 $1.442695020e+00, v5  }
0x2ee: {  	v7 =	vadd.f32 v8, v7;
	v8 =	vld [tilespmem:s17+$0xFFFFFF60]  }
0x2ef: {  	(erf) = vpow2.f32 v5  }
0x2f0: {  	v10 =	vld [tilespmem:s24+$0x0];
	v11 =	vmul.f32 $2.000000030e-01, v7  }
0x2f1: {  	vm11 =	vlt.f32 v7, $0.0e+00;
	v6 =	vld [tilespmem:s17+$0x80]  }
0x2f2: {  	v5 =	vsel vm11, v11, v7  }
0x2f3: {  	v7 =	vadd.f32 v9, v8;
	v5 =	vmul.f32 $1.442695020e+00, v5;
	_ =	sdelay $0x1  }
0x2f4: {  	(erf) = vpow2.f32 v5;
	v5 =	vmul.f32 $2.000000030e-01, v7  }
0x2f5: {  	v6 =	vadd.f32 v10, v6;
	vm12 =	vlt.f32 v7, $0.0e+00  }
0x2f6: {  	v5 =	vsel vm12, v5, v7  }
0x2f7: {  	s12 =	simm.s32 $0x1B340;
	v8 =	vmul.f32 $2.000000030e-01, v6;
	v5 =	vmul.f32 $1.442695020e+00, v5;
	v11 =	vpop (erf)  }
0x2f8: {  	vm1 =	vlt.f32 v6, $0.0e+00;
	[tilespmem:s12+$0x110] =	vst v11  }
0x2f9: {  	v6 =	vsel vm1, v8, v6;
	(erf) = vpow2.f32 v5;
	v5 =	vld [tilespmem:s17+$0x90]  }
0x2fa: {  	v6 =	vmul.f32 $1.442695020e+00, v6;
	_ =	sdelay $0x1  }
0x2fb: {  	(erf) = vpow2.f32 v6;
	v6 =	vperm.xlane v11, v1;
	_ =	sdelay $0x1  }
0x2fc: {  	v5 =	vmul.f32 v6, v5;
	_ =	sdelay $0x1  }
0x2fd: {  	[tilespmem:s12+$0x90] =	vst v5  }
0x2fe: {  	v12 =	vld [tilespmem:s17+$0xA0];
	_ =	sdelay $0x3  }
0x2ff: {  	s25 =	simm.s32 $0x1AA80;
	v7 =	vpop (erf)  }
0x300: {  	v15 =	vld [tilespmem:s25+$0x10];
	[tilespmem:s12+$0xFFFFFFF0] =	vst v7;
	v6 =	vmul.f32 v6, v12  }
0x301: {  	s0 =	simm.s32 $0x16580;
	v8 =	vld [tilespmem:s17+$0xFFFFFF70]  }
0x302: {  	v12 =	vld [tilespmem:s0+$0x110];
	[tilespmem:s12+$0xA0] =	vst v6  }
0x303: {  	v6 =	vld [tilespmem:s17+$0xB0]  }
0x304: {  	v16 =	vld [tilespmem:s25+$0xFFFFFFE0]  }
0x305: {  	v17 =	vld [tilespmem:s0+$0xFFFFFFF0];
	v9 =	vperm.xlane v7, v1;
	v10 =	vpop (erf)  }
0x306: {  	v19 =	vld [tilespmem:s25+$0xFFFFFFF0];
	v18 =	vperm.xlane v11, v2;
	[tilespmem:s12+$0xFFFFFF60] =	vst v10;
	v5 =	vpop (erf)  }
0x307: {  	v8 =	vmul.f32 v9, v8;
	v13 =	vld [tilespmem:s17+$0xFFFFFEE0];
	[tilespmem:s12+$0x80] =	vst v5  }
0x308: {  	v14 =	vld [tilespmem:s17+$0x0];
	v12 =	vadd.f32 v15, v12;
	v6 =	vmul.f32 v18, v6  }
0x309: {  	v20 =	vld [tilespmem:s0+$0x80];
	[tilespmem:s12+$0xFFFFFF70] =	vst v8  }
0x30a: {  	v23 =	vld [tilespmem:s0+$0xFFFFFF60];
	v21 =	vperm.xlane v10, v1;
	[tilespmem:s12+$0xB0] =	vst v6;
	v6 =	vmul.f32 $2.000000030e-01, v12  }
0x30b: {  	v8 =	vld [tilespmem:s17+$0xFFFFFF80];
	v15 =	vperm.xlane v5, v1;
	vm13 =	vlt.f32 v12, $0.0e+00  }
0x30c: {  	v22 =	vld [tilespmem:s25+$0x0];
	v13 =	vmul.f32 v21, v13;
	v6 =	vsel vm13, v6, v12  }
0x30d: {  	v14 =	vmul.f32 v15, v14;
	v24 =	vld [tilespmem:s17+$0xC0];
	v6 =	vmul.f32 $1.442695020e+00, v6  }
0x30e: {  	[tilespmem:s12+$0xFFFFFEE0] =	vst v13  }
0x30f: {  	v13 =	vadd.f32 v19, v17;
	[tilespmem:s12+$0x0] =	vst v14;
	(erf) = vpow2.f32 v6  }
0x310: {  	v16 =	vadd.f32 v16, v23;
	v8 =	vmul.f32 v9, v8;
	v9 =	vld [tilespmem:s17+$0x10]  }
0x311: {  	v17 =	vmul.f32 $2.000000030e-01, v13  }
0x312: {  	v14 =	vadd.f32 v22, v20;
	v6 =	vmul.f32 $2.000000030e-01, v16;
	v18 =	vmul.f32 v18, v24  }
0x313: {  	vm2 =	vlt.f32 v16, $0.0e+00;
	vm14 =	vlt.f32 v13, $0.0e+00;
	[tilespmem:s12+$0xFFFFFF80] =	vst v8;
	v12 =	vld [tilespmem:s17+$0xFFFFFEF0]  }
0x314: {  	v13 =	vsel vm14, v17, v13;
	v19 =	vmul.f32 $2.000000030e-01, v14;
	v6 =	vsel vm2, v6, v16;
	v16 =	vld [tilespmem:s17+$0xFFFFFF90];
	[tilespmem:s12+$0xC0] =	vst v18  }
0x315: {  	v13 =	vmul.f32 $1.442695020e+00, v13;
	vm15 =	vlt.f32 v14, $0.0e+00;
	v9 =	vmul.f32 v15, v9;
	v15 =	vld [tilespmem:s17+$0xD0]  }
0x316: {  	s18 =	simm.s32 $0x1AAC0;
	v17 =	vperm.xlane v7, v2;
	v8 =	vsel vm15, v19, v14;
	v6 =	vmul.f32 $1.442695020e+00, v6  }
0x317: {  	s23 =	simm.s32 $0x167C0;
	v26 =	vld [tilespmem:s18+$0xFFFFFFE0];
	v8 =	vmul.f32 $1.442695020e+00, v8;
	(erf) = vpow2.f32 v13  }
0x318: {  	s22 =	simm.s32 $0x1B580;
	v28 =	vld [tilespmem:s23+$0xFFFFFFF0];
	v13 =	vperm.xlane v11, v3;
	(erf) = vpow2.f32 v6;
	v14 =	vpop (erf)  }
0x319: {  	v31 =	vld [tilespmem:s18+$0xFFFFFFF0];
	v12 =	vmul.f32 v21, v12;
	(erf) = vpow2.f32 v8;
	[tilespmem:s22+$0x110] =	vst v14  }
0x31a: {  	[tilespmem:s12+$0x10] =	vst v9;
	v9 =	vmul.f32 v17, v16;
	v8 =	vmul.f32 v13, v15;
	v16 =	vld [tilespmem:s0+$0x90]  }
0x31b: {  	[tilespmem:s12+$0xFFFFFEF0] =	vst v12;
	v6 =	vld [tilespmem:s17+$0x20]  }
0x31c: {  	v12 =	vld [tilespmem:s17+$0xFFFFFF00];
	[tilespmem:s12+$0xD0] =	vst v8  }
0x31d: {  	v21 =	vperm.xlane v14, v1;
	v19 =	vld [tilespmem:s17+$0xE0]  }
0x31e: {  	v44 =	vld [tilespmem:s23+$0x80];
	v15 =	vperm.xlane v5, v2  }
0x31f: {  	s20 =	simm.s32 $0x1AB00;
	v45 =	vld [tilespmem:s18+$0x0];
	v18 =	vperm.xlane v10, v2;
	v16 =	vmul.f32 v21, v16  }
0x320: {  	v58 =	vld [tilespmem:s20+$0x0];
	[tilespmem:s12+$0xFFFFFF90] =	vst v9;
	v8 =	vmul.f32 v15, v6  }
0x321: {  	v12 =	vmul.f32 v18, v12;
	v20 =	vld [tilespmem:s17+$0xFFFFFFA0];
	[tilespmem:s22+$0x90] =	vst v16  }
0x322: {  	[tilespmem:s12+$0x20] =	vst v8;
	v13 =	vmul.f32 v13, v19;
	v19 =	vld [tilespmem:s0+$0xA0]  }
0x323: {  	v6 =	vpop (erf);
	[tilespmem:s12+$0xFFFFFF00] =	vst v12;
	v22 =	vld [tilespmem:s17+$0x30]  }
0x324: {  	[tilespmem:s22+$0xFFFFFFF0] =	vst v6;
	v12 =	vld [tilespmem:s17+$0xFFFFFF10]  }
0x325: {  	s25 =	simm.s32 $0x16A00;
	v23 =	vld [tilespmem:s0+$0xFFFFFF70];
	v9 =	vpop (erf)  }
0x326: {  	v56 =	vld [tilespmem:s25+$0x80];
	[tilespmem:s22+$0xFFFFFF60] =	vst v9;
	v8 =	vpop (erf)  }
0x327: {  	v17 =	vmul.f32 v17, v20;
	v24 =	vld [tilespmem:s0+$0xFFFFFEE0];
	[tilespmem:s22+$0x80] =	vst v8;
	v19 =	vmul.f32 v21, v19  }
0x328: {  	v16 =	vperm.xlane v6, v1;
	[tilespmem:s12+$0xE0] =	vst v13;
	v13 =	vmul.f32 v15, v22;
	v22 =	vld [tilespmem:s18+$0x10]  }
0x329: {  	v12 =	vmul.f32 v18, v12;
	v21 =	vld [tilespmem:s23+$0x110];
	[tilespmem:s22+$0xA0] =	vst v19  }
0x32a: {  	[tilespmem:s12+$0xFFFFFFA0] =	vst v17;
	v17 =	vmul.f32 v16, v23;
	v23 =	vld [tilespmem:s0+$0xB0]  }
0x32b: {  	v20 =	vld [tilespmem:s0+$0x0];
	[tilespmem:s12+$0xFFFFFF10] =	vst v12  }
0x32c: {  	v42 =	vperm.xlane v9, v1;
	v12 =	vld [tilespmem:s17+$0xFFFFFFB0];
	[tilespmem:s22+$0xFFFFFF70] =	vst v17  }
0x32d: {  	v30 =	vperm.xlane v14, v2;
	v17 =	vld [tilespmem:s0+$0xFFFFFF80]  }
0x32e: {  	v27 =	vperm.xlane v7, v3;
	v18 =	vld [tilespmem:s17+$0xFFFFFF20];
	v21 =	vadd.f32 v22, v21;
	v22 =	vmul.f32 v42, v24  }
0x32f: {  	v28 =	vadd.f32 v31, v28;
	v43 =	vperm.xlane v8, v1;
	v15 =	vld [tilespmem:s17+$0xF0];
	[tilespmem:s12+$0x30] =	vst v13;
	v23 =	vmul.f32 v30, v23  }
0x330: {  	v61 =	vadd.f32 v58, v56;
	v25 =	vperm.xlane v10, v3;
	v11 =	vperm.xlane v11, v4;
	v24 =	vld [tilespmem:s23+$0xFFFFFF60];
	[tilespmem:s22+$0xFFFFFEE0] =	vst v22  }
0x331: {  	vm5 =	vlt.f32 v28, $0.0e+00;
	v13 =	vld [tilespmem:s17+$0x40];
	v20 =	vmul.f32 v43, v20;
	[tilespmem:s22+$0xB0] =	vst v23;
	v23 =	vmul.f32 $2.000000030e-01, v21  }
0x332: {  	v29 =	vperm.xlane v6, v2;
	v16 =	vmul.f32 v16, v17;
	vm4 =	vlt.f32 v21, $0.0e+00;
	v17 =	vld [tilespmem:s0+$0xFFFFFEF0]  }
0x333: {  	[tilespmem:s22+$0x0] =	vst v20;
	v22 =	vmul.f32 v27, v12;
	v12 =	vmul.f32 v25, v18;
	v18 =	vld [tilespmem:s0+$0xC0];
	v21 =	vsel vm4, v23, v21  }
0x334: {  	v20 =	vadd.f32 v45, v44;
	v15 =	vmul.f32 v11, v15;
	[tilespmem:s22+$0xFFFFFF80] =	vst v16;
	v16 =	vld [tilespmem:s0+$0x10];
	v21 =	vmul.f32 $1.442695020e+00, v21  }
0x335: {  	v54 =	vld [tilespmem:s20+$0xFFFFFFF0];
	v19 =	vperm.xlane v5, v3;
	v24 =	vadd.f32 v26, v24;
	v23 =	vmul.f32 $2.000000030e-01, v28  }
0x336: {  	vm6 =	vlt.f32 v20, $0.0e+00;
	[tilespmem:s12+$0xFFFFFF20] =	vst v12;
	v12 =	vmul.f32 $2.000000030e-01, v20;
	v26 =	vld [tilespmem:s0+$0xFFFFFF90];
	(erf) = vpow2.f32 v21  }
0x337: {  	[tilespmem:s12+$0xF0] =	vst v15;
	v31 =	vmul.f32 $2.000000030e-01, v24;
	v17 =	vmul.f32 v42, v17;
	v15 =	vsel vm5, v23, v28;
	v21 =	vld [tilespmem:s17+$0xFFFFFF30]  }
0x338: {  	s28 =	simm.s32 $0x1AB40;
	v51 =	vld [tilespmem:s25+$0xFFFFFFF0];
	vm7 =	vlt.f32 v24, $0.0e+00;
	v15 =	vmul.f32 $1.442695020e+00, v15;
	v18 =	vmul.f32 v30, v18  }
0x339: {  	v56 =	vld [tilespmem:s28+$0x10];
	v13 =	vmul.f32 v19, v13;
	v16 =	vmul.f32 v43, v16;
	v23 =	vsel vm7, v31, v24;
	[tilespmem:s22+$0xFFFFFEF0] =	vst v17  }
0x33a: {  	v20 =	vsel vm6, v12, v20;
	(erf) = vpow2.f32 v15;
	v15 =	vld [tilespmem:s0+$0xFFFFFF00];
	[tilespmem:s22+$0xC0] =	vst v18;
	v18 =	vmul.f32 $1.442695020e+00, v23  }
0x33b: {  	[tilespmem:s12+$0xFFFFFFB0] =	vst v22;
	v20 =	vmul.f32 $1.442695020e+00, v20;
	v22 =	vmul.f32 v29, v26;
	v17 =	vld [tilespmem:s0+$0xD0]  }
0x33c: {  	[tilespmem:s22+$0x10] =	vst v16;
	v23 =	vld [tilespmem:s17+$0xFFFFFFC0];
	(erf) = vpow2.f32 v18;
	v16 =	vmul.f32 v25, v21  }
0x33d: {  	[tilespmem:s12+$0x40] =	vst v13;
	v18 =	vld [tilespmem:s0+$0x20];
	v21 =	vperm.xlane v9, v2;
	(erf) = vpow2.f32 v20  }
0x33e: {  	v58 =	vld [tilespmem:s28+$0xFFFFFFE0];
	[tilespmem:s22+$0xFFFFFF90] =	vst v22;
	v20 =	vperm.xlane v14, v3  }
0x33f: {  	s24 =	simm.s32 $0x1B7C0;
	v12 =	vld [tilespmem:s17+$0x100];
	[tilespmem:s12+$0xFFFFFF30] =	vst v16;
	v15 =	vmul.f32 v21, v15;
	v13 =	vpop (erf)  }
0x340: {  	v24 =	vld [tilespmem:s17+$0x50];
	v25 =	vperm.xlane v8, v2;
	v16 =	vmul.f32 v20, v17;
	[tilespmem:s24+$0x110] =	vst v13  }
0x341: {  	v17 =	vmul.f32 v27, v23;
	[tilespmem:s22+$0xFFFFFF00] =	vst v15;
	v23 =	vld [tilespmem:s23+$0x90]  }
0x342: {  	v27 =	vld [tilespmem:s0+$0xFFFFFF10];
	[tilespmem:s22+$0xD0] =	vst v16;
	v16 =	vmul.f32 v25, v18  }
0x343: {  	[tilespmem:s12+$0xFFFFFFC0] =	vst v17;
	v18 =	vld [tilespmem:s0+$0xE0]  }
0x344: {  	v22 =	vld [tilespmem:s0+$0xFFFFFFA0];
	v28 =	vperm.xlane v13, v1;
	v15 =	vpop (erf);
	[tilespmem:s22+$0x20] =	vst v16  }
0x345: {  	[tilespmem:s24+$0xFFFFFFF0] =	vst v15;
	v17 =	vpop (erf);
	v31 =	vld [tilespmem:s0+$0x30]  }
0x346: {  	v46 =	vld [tilespmem:s23+$0xFFFFFF70];
	v16 =	vpop (erf);
	v23 =	vmul.f32 v28, v23  }
0x347: {  	v19 =	vmul.f32 v19, v24;
	v24 =	vld [tilespmem:s20+$0xFFFFFFE0];
	v21 =	vmul.f32 v21, v27;
	[tilespmem:s24+$0x80] =	vst v16  }
0x348: {  	v30 =	vld [tilespmem:s17+$0xFFFFFFD0];
	v18 =	vmul.f32 v20, v18;
	[tilespmem:s24+$0x90] =	vst v23  }
0x349: {  	v20 =	vmul.f32 v29, v22;
	[tilespmem:s22+$0xFFFFFF10] =	vst v21;
	v23 =	vperm.xlane v15, v1;
	v22 =	vld [tilespmem:s23+$0xA0]  }
0x34a: {  	v29 =	vld [tilespmem:s23+$0x0];
	[tilespmem:s22+$0xE0] =	vst v18;
	v18 =	vmul.f32 v25, v31  }
0x34b: {  	v27 =	vld [tilespmem:s0+$0xFFFFFF20];
	[tilespmem:s22+$0xFFFFFFA0] =	vst v20;
	v25 =	vmul.f32 v23, v46  }
0x34c: {  	v20 =	vld [tilespmem:s0+$0xF0];
	[tilespmem:s22+$0x30] =	vst v18  }
0x34d: {  	v18 =	vperm.xlane v10, v4;
	v10 =	vperm.xlane v7, v4;
	v7 =	vld [tilespmem:s20+$0x10];
	[tilespmem:s24+$0xFFFFFF70] =	vst v25  }
0x34e: {  	v31 =	vld [tilespmem:s23+$0xFFFFFF80];
	v22 =	vmul.f32 v28, v22  }
0x34f: {  	[tilespmem:s24+$0xFFFFFF60] =	vst v17;
	v55 =	vperm.xlane v16, v1;
	v28 =	vld [tilespmem:s25+$0x110]  }
0x350: {  	v14 =	vperm.xlane v14, v4;
	v47 =	vld [tilespmem:s23+$0xFFFFFEE0];
	[tilespmem:s24+$0xA0] =	vst v22  }
0x351: {  	v48 =	vperm.xlane v9, v3;
	v29 =	vmul.f32 v55, v29;
	v50 =	vld [tilespmem:s23+$0xB0]  }
0x352: {  	v49 =	vperm.xlane v6, v3;
	v21 =	vld [tilespmem:s0+$0xFFFFFFB0];
	v20 =	vmul.f32 v14, v20  }
0x353: {  	v52 =	vperm.xlane v17, v1;
	v25 =	vld [tilespmem:s0+$0x40];
	v27 =	vmul.f32 v48, v27;
	[tilespmem:s24+$0x0] =	vst v29  }
0x354: {  	v53 =	vperm.xlane v13, v2;
	[tilespmem:s22+$0xF0] =	vst v20;
	v20 =	vld [tilespmem:s25+$0xFFFFFF60];
	v23 =	vmul.f32 v23, v31;
	v7 =	vadd.f32 v7, v28  }
0x355: {  	v26 =	vld [tilespmem:s17+$0xFFFFFF40];
	[tilespmem:s22+$0xFFFFFF20] =	vst v27;
	v22 =	vperm.xlane v8, v3;
	v28 =	vmul.f32 v52, v47  }
0x356: {  	v59 =	vld [tilespmem:s0+$0x100];
	v31 =	vadd.f32 v54, v51;
	[tilespmem:s24+$0xFFFFFF80] =	vst v23;
	v60 =	vmul.f32 $2.000000030e-01, v7;
	v35 =	vmul.f32 v53, v50  }
0x357: {  	v21 =	vmul.f32 v49, v21;
	v23 =	vld [tilespmem:s23+$0x10];
	[tilespmem:s24+$0xFFFFFEE0] =	vst v28;
	vm8 =	vlt.f32 v7, $0.0e+00  }
0x358: {  	v25 =	vmul.f32 v22, v25;
	v27 =	vmul.f32 $2.000000030e-01, v31;
	v29 =	vld [tilespmem:s23+$0xFFFFFEF0];
	v7 =	vsel vm8, v60, v7;
	[tilespmem:s24+$0xB0] =	vst v35  }
0x359: {  	[tilespmem:s12+$0x50] =	vst v19;
	v28 =	vmul.f32 v10, v30;
	v20 =	vadd.f32 v24, v20;
	v7 =	vmul.f32 $1.442695020e+00, v7;
	v30 =	vld [tilespmem:s23+$0xC0]  }
0x35a: {  	v57 =	vperm.xlane v15, v2;
	v26 =	vmul.f32 v18, v26;
	[tilespmem:s22+$0xFFFFFFB0] =	vst v21;
	vm9 =	vlt.f32 v31, $0.0e+00;
	v62 =	vld [tilespmem:s23+$0xFFFFFF90]  }
0x35b: {  	v21 =	vld [tilespmem:s0+$0xFFFFFF30];
	[tilespmem:s22+$0x40] =	vst v25;
	v19 =	vsel vm9, v27, v31;
	v25 =	vmul.f32 $2.000000030e-01, v20;
	(erf) = vpow2.f32 v7  }
0x35c: {  	v63 =	vld [tilespmem:s0+$0x50];
	v19 =	vmul.f32 $1.442695020e+00, v19;
	v14 =	vmul.f32 v14, v59;
	vm11 =	vlt.f32 v20, $0.0e+00  }
0x35d: {  	[tilespmem:s12+$0xFFFFFFD0] =	vst v28;
	v60 =	vld [tilespmem:s28+$0x0];
	v23 =	vmul.f32 v55, v23;
	v20 =	vsel vm11, v25, v20;
	v27 =	vmul.f32 v52, v29  }
0x35e: {  	s18 =	simm.s32 $0x16C40;
	[tilespmem:s12+$0xFFFFFF40] =	vst v26;
	v31 =	vld [tilespmem:s17+$0xFFFFFFE0];
	v20 =	vmul.f32 $1.442695020e+00, v20;
	v30 =	vmul.f32 v53, v30  }
0x35f: {  	v55 =	vld [tilespmem:s18+$0x110];
	v26 =	vmul.f32 v57, v62;
	(erf) = vpow2.f32 v19;
	[tilespmem:s24+$0xFFFFFEF0] =	vst v27  }
0x360: {  	(erf) = vpow2.f32 v20;
	v20 =	vmul.f32 v48, v21;
	v19 =	vld [tilespmem:s23+$0xFFFFFF00];
	[tilespmem:s24+$0xC0] =	vst v30  }
0x361: {  	[tilespmem:s22+$0x100] =	vst v14;
	v25 =	vld [tilespmem:s23+$0xD0]  }
0x362: {  	v7 =	vld [tilespmem:s0+$0xFFFFFFC0];
	[tilespmem:s24+$0xFFFFFF90] =	vst v26  }
0x363: {  	v24 =	vmul.f32 $2.000000030e-01, v61;
	[tilespmem:s24+$0x10] =	vst v23;
	v26 =	vld [tilespmem:s23+$0xFFFFFFA0];
	v30 =	vperm.xlane v17, v2  }
0x364: {  	s14 =	simm.s32 $0x1BA00;
	vm10 =	vlt.f32 v61, $0.0e+00;
	v28 =	vperm.xlane v13, v3;
	v21 =	vld [tilespmem:s23+$0x20];
	[tilespmem:s22+$0xFFFFFF30] =	vst v20;
	v20 =	vpop (erf)  }
0x365: {  	v11 =	vmul.f32 v11, v12;
	v24 =	vsel vm10, v24, v61;
	v14 =	vld [tilespmem:s18+$0xFFFFFFF0];
	v19 =	vmul.f32 v30, v19;
	[tilespmem:s14+$0x110] =	vst v20  }
0x366: {  	v24 =	vmul.f32 $1.442695020e+00, v24;
	v23 =	vmul.f32 v28, v25;
	v25 =	vld [tilespmem:s25+$0x90]  }
0x367: {  	v44 =	vperm.xlane v16, v2;
	v29 =	vld [tilespmem:s17+$0x60];
	v7 =	vmul.f32 v49, v7;
	[tilespmem:s24+$0xFFFFFF00] =	vst v19  }
0x368: {  	(erf) = vpow2.f32 v24;
	v12 =	vmul.f32 v57, v26;
	v47 =	vld [tilespmem:s23+$0xFFFFFF10];
	[tilespmem:s24+$0xD0] =	vst v23  }
0x369: {  	[tilespmem:s22+$0xFFFFFFC0] =	vst v7;
	v48 =	vperm.xlane v20, v1;
	v19 =	vmul.f32 v44, v21;
	v46 =	vld [tilespmem:s23+$0xE0]  }
0x36a: {  	v27 =	vld [tilespmem:s17+$0xFFFFFF50];
	[tilespmem:s24+$0xFFFFFFA0] =	vst v12;
	v23 =	vpop (erf)  }
0x36b: {  	v32 =	vperm.xlane v15, v3;
	v45 =	vld [tilespmem:s0+$0xFFFFFF40];
	[tilespmem:s24+$0x20] =	vst v19;
	v24 =	vpop (erf);
	v50 =	vmul.f32 v48, v25  }
0x36c: {  	v40 =	vperm.xlane v16, v3;
	v19 =	vperm.xlane v9, v4;
	v9 =	vld [tilespmem:s23+$0x30];
	[tilespmem:s14+$0xFFFFFF60] =	vst v24  }
0x36d: {  	v7 =	vperm.xlane v5, v4;
	v30 =	vmul.f32 v30, v47;
	v51 =	vld [tilespmem:s25+$0xFFFFFEE0];
	[tilespmem:s14+$0x90] =	vst v50  }
0x36e: {  	v5 =	vperm.xlane v8, v4;
	[tilespmem:s14+$0xFFFFFFF0] =	vst v23;
	v8 =	vmul.f32 v28, v46;
	v52 =	vld [tilespmem:s25+$0xA0]  }
0x36f: {  	v13 =	vperm.xlane v13, v4;
	v21 =	vperm.xlane v6, v4;
	v6 =	vld [tilespmem:s25+$0xFFFFFF70];
	[tilespmem:s24+$0xFFFFFF10] =	vst v30  }
0x370: {  	v18 =	vmul.f32 v18, v27;
	v27 =	vperm.xlane v24, v1;
	v30 =	vld [tilespmem:s23+$0xFFFFFFB0];
	[tilespmem:s24+$0xE0] =	vst v8  }
0x371: {  	[tilespmem:s12+$0x100] =	vst v11;
	v53 =	vperm.xlane v17, v3;
	v25 =	vpop (erf);
	v8 =	vmul.f32 v44, v9;
	v12 =	vld [tilespmem:s23+$0xF0]  }
0x372: {  	v49 =	vld [tilespmem:s0+$0xFFFFFFD0];
	[tilespmem:s14+$0x80] =	vst v25;
	v28 =	vperm.xlane v23, v1;
	v11 =	vmul.f32 v27, v51  }
0x373: {  	v26 =	vld [tilespmem:s25+$0x0];
	[tilespmem:s24+$0x30] =	vst v8;
	v8 =	vperm.xlane v15, v4;
	v15 =	vmul.f32 v48, v52  }
0x374: {  	v9 =	vperm.xlane v17, v4;
	v17 =	vld [tilespmem:s23+$0xFFFFFF20];
	v6 =	vmul.f32 v28, v6;
	[tilespmem:s14+$0xFFFFFEE0] =	vst v11  }
0x375: {  	v31 =	vmul.f32 v10, v31;
	v11 =	vmul.f32 v32, v30;
	v30 =	vld [tilespmem:s28+$0xFFFFFFF0];
	[tilespmem:s14+$0xA0] =	vst v15  }
0x376: {  	v10 =	vperm.xlane v25, v1;
	[tilespmem:s14+$0xFFFFFF70] =	vst v6;
	v12 =	vmul.f32 v13, v12;
	v15 =	vld [tilespmem:s25+$0xB0]  }
0x377: {  	v22 =	vmul.f32 v22, v63;
	v62 =	vld [tilespmem:s18+$0xFFFFFF60];
	v29 =	vmul.f32 v7, v29;
	[tilespmem:s24+$0xFFFFFFB0] =	vst v11  }
0x378: {  	v6 =	vperm.xlane v16, v4;
	v16 =	vld [tilespmem:s25+$0xFFFFFF80];
	[tilespmem:s24+$0xF0] =	vst v12;
	v12 =	vmul.f32 v10, v26  }
0x379: {  	v36 =	vperm.xlane v20, v4;
	v50 =	vld [tilespmem:s23+$0xFFFFFFC0];
	v26 =	vperm.xlane v20, v2  }
0x37a: {  	v63 =	vmul.f32 v21, v49;
	v57 =	vld [tilespmem:s23+$0x100];
	v14 =	vadd.f32 v30, v14;
	[tilespmem:s14+$0x0] =	vst v12;
	v12 =	vmul.f32 v53, v17  }
0x37b: {  	[tilespmem:s22+$0x50] =	vst v22;
	v33 =	vadd.f32 v56, v55;
	v35 =	vmul.f32 v19, v45;
	v17 =	vld [tilespmem:s18+$0x80];
	v11 =	vmul.f32 v26, v15  }
0x37c: {  	v59 =	vperm.xlane v23, v2;
	v46 =	vld [tilespmem:s25+$0x10];
	v47 =	vmul.f32 $2.000000030e-01, v14;
	[tilespmem:s24+$0xFFFFFF20] =	vst v12  }
0x37d: {  	vm12 =	vlt.f32 v33, $0.0e+00;
	v12 =	vmul.f32 v28, v16;
	v16 =	vmul.f32 $2.000000030e-01, v33;
	[tilespmem:s14+$0xB0] =	vst v11  }
0x37e: {  	[tilespmem:s12+$0xFFFFFFE0] =	vst v31;
	v43 =	vperm.xlane v24, v2;
	v48 =	vadd.f32 v58, v62;
	vm13 =	vlt.f32 v14, $0.0e+00;
	v30 =	vld [tilespmem:s25+$0xC0]  }
0x37f: {  	[tilespmem:s12+$0xFFFFFF50] =	vst v18;
	v28 =	vld [tilespmem:s25+$0xFFFFFEF0];
	v32 =	vmul.f32 v32, v50;
	v14 =	vsel vm13, v47, v14;
	v16 =	vsel vm12, v16, v33  }
0x380: {  	[tilespmem:s22+$0xFFFFFFD0] =	vst v63;
	v54 =	vld [tilespmem:s23+$0x40];
	v13 =	vmul.f32 v13, v57;
	v17 =	vadd.f32 v60, v17;
	v16 =	vmul.f32 $1.442695020e+00, v16  }
0x381: {  	v51 =	vld [tilespmem:s0+$0xFFFFFFE0];
	[tilespmem:s14+$0xFFFFFF80] =	vst v12;
	v14 =	vmul.f32 $1.442695020e+00, v14;
	v10 =	vmul.f32 v10, v46  }
0x382: {  	vm15 =	vlt.f32 v48, $0.0e+00;
	v49 =	vld [tilespmem:s23+$0xFFFFFF30];
	[tilespmem:s24+$0x100] =	vst v13;
	v13 =	vmul.f32 $2.000000030e-01, v17;
	(erf) = vpow2.f32 v16  }
0x383: {  	[tilespmem:s24+$0xFFFFFFC0] =	vst v32;
	v22 =	vld [tilespmem:s25+$0xFFFFFF90];
	vm14 =	vlt.f32 v17, $0.0e+00;
	v16 =	vmul.f32 $2.000000030e-01, v48;
	v26 =	vmul.f32 v26, v30  }
0x384: {  	v34 =	vld [tilespmem:s23+$0xFFFFFFD0];
	(erf) = vpow2.f32 v14;
	[tilespmem:s14+$0x10] =	vst v10;
	v13 =	vsel vm14, v13, v17;
	v17 =	vmul.f32 v27, v28  }
0x385: {  	v44 =	vperm.xlane v25, v2;
	v61 =	vmul.f32 v40, v54;
	v27 =	vld [tilespmem:s0+$0x60];
	v16 =	vsel vm15, v16, v48;
	[tilespmem:s14+$0xC0] =	vst v26  }
0x386: {  	v15 =	vperm.xlane v24, v3;
	v16 =	vmul.f32 $1.442695020e+00, v16;
	[tilespmem:s14+$0xFFFFFEF0] =	vst v17;
	v17 =	vld [tilespmem:s25+$0xD0]  }
0x387: {  	[tilespmem:s12+$0x60] =	vst v29;
	v10 =	vmul.f32 v53, v49;
	v52 =	vld [tilespmem:s25+$0x20];
	v13 =	vmul.f32 $1.442695020e+00, v13  }
0x388: {  	[tilespmem:s22+$0xFFFFFF40] =	vst v35;
	v53 =	vperm.xlane v20, v3;
	v18 =	vld [tilespmem:s25+$0xFFFFFF00];
	(erf) = vpow2.f32 v16  }
0x389: {  	[tilespmem:s24+$0x40] =	vst v61;
	v14 =	vmul.f32 v59, v22;
	v26 =	vld [tilespmem:s0+$0xFFFFFF50];
	(erf) = vpow2.f32 v13  }
0x38a: {  	v11 =	vperm.xlane v23, v3;
	v12 =	vperm.xlane v25, v3;
	v30 =	vld [tilespmem:s23+$0x50];
	[tilespmem:s24+$0xFFFFFF30] =	vst v10  }
0x38b: {  	s20 =	simm.s32 $0x1BC40;
	v31 =	vld [tilespmem:s23+$0xFFFFFF40];
	[tilespmem:s14+$0xFFFFFF90] =	vst v14;
	v14 =	vperm.xlane v24, v4;
	v16 =	vpop (erf);
	v17 =	vmul.f32 v53, v17  }
0x38c: {  	v13 =	vperm.xlane v23, v4;
	v24 =	vld [tilespmem:s25+$0xFFFFFFA0];
	v23 =	vmul.f32 v5, v27;
	[tilespmem:s20+$0x110] =	vst v16  }
0x38d: {  	v18 =	vmul.f32 v43, v18;
	v46 =	vpop (erf);
	v27 =	vld [tilespmem:s18+$0x90];
	[tilespmem:s14+$0xD0] =	vst v17;
	v17 =	vmul.f32 v44, v52  }
0x38e: {  	v10 =	vperm.xlane v25, v4;
	v22 =	vmul.f32 v19, v26;
	[tilespmem:s20+$0xFFFFFFF0] =	vst v46;
	v19 =	vld [tilespmem:s25+$0xE0]  }
0x38f: {  	v25 =	vmul.f32 v21, v51;
	v29 =	vmul.f32 v40, v30;
	[tilespmem:s14+$0xFFFFFF00] =	vst v18;
	v58 =	vld [tilespmem:s18+$0xFFFFFF70]  }
0x390: {  	v31 =	vmul.f32 v9, v31;
	v56 =	vperm.xlane v16, v1;
	v54 =	vld [tilespmem:s25+$0xFFFFFF10];
	[tilespmem:s14+$0x20] =	vst v17  }
0x391: {  	v55 =	vmul.f32 v59, v24;
	v35 =	vperm.xlane v46, v1;
	v57 =	vld [tilespmem:s25+$0x30];
	v17 =	vpop (erf)  }
0x392: {  	v28 =	vld [tilespmem:s17+$0x70];
	v20 =	vperm.xlane v46, v4;
	v24 =	vmul.f32 v56, v27;
	[tilespmem:s20+$0xFFFFFF60] =	vst v17;
	v30 =	vpop (erf)  }
0x393: {  	v18 =	vperm.xlane v46, v2;
	v59 =	vld [tilespmem:s18+$0xFFFFFEE0];
	[tilespmem:s20+$0x80] =	vst v30;
	v27 =	vmul.f32 v53, v19  }
0x394: {  	v33 =	vperm.xlane v17, v1;
	v21 =	vperm.xlane v17, v2;
	[tilespmem:s20+$0x90] =	vst v24;
	v60 =	vld [tilespmem:s18+$0x0]  }
0x395: {  	v26 =	vperm.xlane v17, v3;
	v61 =	vmul.f32 v43, v54;
	v47 =	vld [tilespmem:s18+$0xA0];
	[tilespmem:s14+$0xE0] =	vst v27  }
0x396: {  	[tilespmem:s14+$0xFFFFFFA0] =	vst v55;
	v63 =	vmul.f32 v35, v58;
	v62 =	vmul.f32 v44, v57;
	v37 =	vld [tilespmem:s25+$0xF0]  }
0x397: {  	v39 =	vld [tilespmem:s25+$0xFFFFFFB0];
	v17 =	vperm.xlane v17, v4;
	v32 =	vperm.xlane v30, v1;
	[tilespmem:s14+$0xFFFFFF10] =	vst v61  }
0x398: {  	v19 =	vperm.xlane v30, v2;
	v40 =	vld [tilespmem:s25+$0xFFFFFF20];
	[tilespmem:s14+$0x30] =	vst v62;
	v41 =	vmul.f32 v33, v59  }
0x399: {  	v24 =	vperm.xlane v46, v3;
	[tilespmem:s20+$0xFFFFFF70] =	vst v63;
	v38 =	vld [tilespmem:s25+$0x40];
	v42 =	vmul.f32 v32, v60  }
0x39a: {  	s31 =	simm.s32 $0x16E80;
	s17 =	simm.s32 $0x10;
	v27 =	vperm.xlane v30, v3;
	v43 =	vmul.f32 v56, v47;
	[tilespmem:s20+$0xFFFFFEE0] =	vst v41;
	v41 =	vld [tilespmem:s18+$0xFFFFFF80]  }
.LBB2_9:
0x39b: {  	v44 =	vld [tilespmem:s31+$0x110];
	[tilespmem:s20+$0x0] =	vst v42;
	v30 =	vperm.xlane v30, v4;
	s28 =	sadd.s32 $0x40, s28;
	v37 =	vmul.f32 v36, v37  }
0x39c: {  	v34 =	vmul.f32 v8, v34;
	v42 =	vld [tilespmem:s28+$0x10];
	[tilespmem:s20+$0xA0] =	vst v43;
	v39 =	vmul.f32 v11, v39  }
0x39d: {  	v28 =	vmul.f32 v7, v28;
	v7 =	vmovc v5;
	v5 =	vmov v6;
	v43 =	vld [tilespmem:s18+$0xB0];
	v40 =	vmul.f32 v15, v40;
	[tilespmem:s14+$0xF0] =	vst v37  }
0x39e: {  	v6 =	vmov v10;
	v10 =	vmov v30;
	[tilespmem:s14+$0xFFFFFFB0] =	vst v39;
	v37 =	vmul.f32 v12, v38;
	v38 =	vld [tilespmem:s25+$0x100]  }
0x39f: {  	s17 =	sadd.s32 $0x4, s17;
	v30 =	vld [tilespmem:s28+$0xFFFFFFE0];
	v35 =	vmul.f32 v35, v41;
	[tilespmem:s14+$0xFFFFFF20] =	vst v40  }
0x3a0: {  	p1 =	slt.u32 s17, $0x3C;
	v40 =	vperm.xlane v16, v2;
	v39 =	vld [tilespmem:s31+$0xFFFFFFF0];
	[tilespmem:s14+$0x40] =	vst v37  }
0x3a1: {  	v37 =	vld [tilespmem:s28+$0xFFFFFFF0];
	[tilespmem:s20+$0xFFFFFF80] =	vst v35  }
0x3a2: {  	v35 =	vld [tilespmem:s31+$0x80];
	v41 =	vmul.f32 v40, v43;
	[tilespmem:s24+$0x50] =	vst v29  }
0x3a3: {  	v42 =	vadd.f32 v42, v44;
	v29 =	vld [tilespmem:s28+$0x0];
	v36 =	vmul.f32 v36, v38;
	[tilespmem:s24+$0xFFFFFF40] =	vst v31  }
0x3a4: {  	v31 =	vld [tilespmem:s31+$0xFFFFFF60];
	[tilespmem:s20+$0xB0] =	vst v41  }
0x3a5: {  	v38 =	vmul.f32 $2.000000030e-01, v42;
	v41 =	vld [tilespmem:s18+$0xFFFFFEF0];
	[tilespmem:s14+$0x100] =	vst v36  }
0x3a6: {  	vm0 =	vlt.f32 v42, $0.0e+00;
	v36 =	vadd.f32 v37, v39;
	v37 =	vld [tilespmem:s18+$0xC0];
	[tilespmem:s24+$0xFFFFFFD0] =	vst v34  }
0x3a7: {  	v34 =	vsel vm0, v38, v42;
	v38 =	vld [tilespmem:s18+$0x10];
	[tilespmem:s22+$0x60] =	vst v23  }
0x3a8: {  	v34 =	vmul.f32 $1.442695020e+00, v34;
	v23 =	vmul.f32 $2.000000030e-01, v36;
	v29 =	vadd.f32 v29, v35;
	v35 =	vld [tilespmem:s18+$0xFFFFFF90];
	[tilespmem:s22+$0xFFFFFF50] =	vst v22  }
0x3a9: {  	vm0 =	vlt.f32 v36, $0.0e+00;
	v22 =	vadd.f32 v30, v31;
	v30 =	vld [tilespmem:s25+$0xFFFFFF30];
	[tilespmem:s22+$0xFFFFFFE0] =	vst v25  }
0x3aa: {  	vm1 =	vlt.f32 v29, $0.0e+00;
	v25 =	vmul.f32 $2.000000030e-01, v29;
	(erf) = vpow2.f32 v34;
	v31 =	vld [tilespmem:s25+$0xFFFFFFC0];
	[tilespmem:s12+$0x70] =	vst v28;
	s12 =	smov.u32 s22;
	s22 =	smov.u32 s24;
	s24 =	smov.u32 s14  }
0x3ab: {  	s14 =	smov.u32 s20;
	vm2 =	vlt.f32 v22, $0.0e+00;
	v28 =	vmul.f32 $2.000000030e-01, v22;
	v34 =	vmul.f32 v40, v37;
	v37 =	vld [tilespmem:s25+$0x50]  }
0x3ac: {  	v23 =	vsel vm0, v23, v36;
	v25 =	vsel vm1, v25, v29;
	v29 =	vmul.f32 v33, v41;
	v33 =	vld [tilespmem:s23+$0x60]  }
0x3ad: {  	v23 =	vmul.f32 $1.442695020e+00, v23;
	v22 =	vsel vm2, v28, v22;
	v25 =	vmul.f32 $1.442695020e+00, v25;
	[tilespmem:s20+$0xC0] =	vst v34;
	v28 =	vld [tilespmem:s23+$0xFFFFFF50]  }
0x3ae: {  	v22 =	vmul.f32 $1.442695020e+00, v22;
	[tilespmem:s20+$0xFFFFFEF0] =	vst v29;
	v29 =	vmul.f32 v32, v38;
	v32 =	vld [tilespmem:s18+$0xD0]  }
0x3af: {  	(erf) = vpow2.f32 v23;
	v34 =	vld [tilespmem:s18+$0xFFFFFF00];
	v23 =	vmul.f32 v18, v35  }
0x3b0: {  	(erf) = vpow2.f32 v22;
	[tilespmem:s20+$0x10] =	vst v29;
	v22 =	vmul.f32 v15, v30;
	v30 =	vld [tilespmem:s23+$0xFFFFFFE0];
	v15 =	vmov v26  }
0x3b1: {  	v36 =	vperm.xlane v16, v3;
	(erf) = vpow2.f32 v25;
	[tilespmem:s20+$0xFFFFFF90] =	vst v23;
	v26 =	vld [tilespmem:s18+$0x20]  }
0x3b2: {  	v31 =	vmul.f32 v11, v31;
	v11 =	vmovc v24;
	v29 =	vmul.f32 v12, v37;
	v12 =	vmov v27;
	v35 =	vld [tilespmem:s18+$0xFFFFFFA0];
	[tilespmem:s24+$0xFFFFFF30] =	vst v22  }
0x3b3: {  	s20 =	sadd.s32 $0x240, s20;
	v23 =	vmul.f32 v5, v33;
	v41 =	vpop (erf);
	v24 =	vmul.f32 v36, v32;
	v27 =	vld [tilespmem:s25+$0xFFFFFF40]  }
0x3b4: {  	v22 =	vmul.f32 v9, v28;
	v9 =	vmovc v14;
	v14 =	vmov v17;
	[tilespmem:s20+$0x110] =	vst v41;
	v32 =	vmul.f32 v21, v34;
	v28 =	vld [tilespmem:s0+$0x70];
	s0 =	smov.u32 s23;
	s23 =	smov.u32 s25;
	s25 =	smov.u32 s18  }
0x3b5: {  	s18 =	smov.u32 s31;
	v17 =	vld [tilespmem:s31+$0x90];
	[tilespmem:s14+$0xD0] =	vst v24;
	v25 =	vmul.f32 v8, v30;
	v8 =	vmov v13;
	v13 =	vmov v20  }
0x3b6: {  	[tilespmem:s14+$0xFFFFFF00] =	vst v32;
	v26 =	vmul.f32 v19, v26;
	v24 =	vld [tilespmem:s25+$0xE0]  }
0x3b7: {  	v37 =	vld [tilespmem:s25+$0xFFFFFF10];
	v38 =	vmul.f32 v18, v35;
	[tilespmem:s24+$0xFFFFFFC0] =	vst v31  }
0x3b8: {  	v43 =	vperm.xlane v41, v1;
	v44 =	vpop (erf);
	[tilespmem:s14+$0x20] =	vst v26;
	v31 =	vmul.f32 v9, v27;
	v34 =	vld [tilespmem:s23+$0xFFFFFFD0]  }
0x3b9: {  	[tilespmem:s20+$0xFFFFFFF0] =	vst v44;
	v35 =	vperm.xlane v44, v1;
	v18 =	vperm.xlane v44, v2;
	v20 =	vpop (erf);
	v27 =	vld [tilespmem:s25+$0x30]  }
0x3ba: {  	[tilespmem:s20+$0xFFFFFF60] =	vst v20;
	v33 =	vperm.xlane v20, v1;
	v39 =	vld [tilespmem:s31+$0xFFFFFF70];
	v17 =	vmul.f32 v43, v17;
	v30 =	vpop (erf)  }
0x3bb: {  	v40 =	vld [tilespmem:s31+$0xFFFFFEE0];
	[tilespmem:s20+$0x80] =	vst v30;
	v32 =	vperm.xlane v30, v1;
	v24 =	vmul.f32 v36, v24  }
0x3bc: {  	v36 =	vperm.xlane v20, v2;
	v45 =	vperm.xlane v30, v2;
	v42 =	vld [tilespmem:s31+$0x0];
	[tilespmem:s20+$0x90] =	vst v17  }
0x3bd: {  	v26 =	vperm.xlane v20, v3;
	v17 =	vmul.f32 v21, v37;
	v46 =	vld [tilespmem:s31+$0xA0];
	[tilespmem:s14+$0xE0] =	vst v24  }
.Ltmp3:
0x3be: {  	v24 =	vperm.xlane v44, v3;
	v21 =	vmovc v36;
	[tilespmem:s14+$0xFFFFFFA0] =	vst v38;
	v38 =	vmul.f32 v19, v27;
	v37 =	vld [tilespmem:s25+$0xF0];
	v19 =	vmov v45;
	(pc) =	sbr.rel @p1 .LBB2_9-.Ltmp3, $4  }
0x3bf: {  	v27 =	vperm.xlane v30, v3;
	v36 =	vmul.f32 v35, v39;
	[tilespmem:s14+$0xFFFFFF10] =	vst v17;
	v39 =	vld [tilespmem:s25+$0xFFFFFFB0]  }
0x3c0: {  	v17 =	vperm.xlane v20, v4;
	v45 =	vmul.f32 v33, v40;
	v40 =	vld [tilespmem:s25+$0xFFFFFF20];
	[tilespmem:s14+$0x30] =	vst v38  }
0x3c1: {  	[tilespmem:s20+$0xFFFFFF70] =	vst v36;
	v42 =	vmul.f32 v32, v42;
	v38 =	vld [tilespmem:s25+$0x40];
	v36 =	vperm.xlane v16, v4;
	v16 =	vmov v41  }
0x3c2: {  	s31 =	sadd.s32 $0x240, s31;
	v20 =	vperm.xlane v44, v4;
	[tilespmem:s20+$0xFFFFFEE0] =	vst v45;
	v41 =	vld [tilespmem:s18+$0xFFFFFF80];
	v43 =	vmul.f32 v43, v46  }
0x3c3: {  	_ = 	snop  }
0x3c4: {  	[tilespmem:s20+$0xA0] =	vst v43  }
0x3c5: {  	v43 =	vld [tilespmem:s18+$0xB0];
	_ =	sdelay $0x2  }
0x3c6: {  	v44 =	vperm.xlane v16, v2;
	_ =	sdelay $0x1  }
0x3c7: {  	v45 =	vld [tilespmem:s18+$0xFFFFFEF0];
	[tilespmem:s20+$0x0] =	vst v42;
	v43 =	vmul.f32 v44, v43  }
0x3c8: {  	v55 =	vld [tilespmem:s18+$0x10]  }
0x3c9: {  	[tilespmem:s20+$0xB0] =	vst v43  }
0x3ca: {  	v54 =	vld [tilespmem:s18+$0xC0]  }
0x3cb: {  	v35 =	vmul.f32 v35, v41  }
0x3cc: {  	v33 =	vmul.f32 v33, v45  }
0x3cd: {  	[tilespmem:s20+$0xFFFFFF80] =	vst v35;
	v32 =	vmul.f32 v32, v55  }
0x3ce: {  	[tilespmem:s20+$0xFFFFFEF0] =	vst v33;
	v58 =	vld [tilespmem:s18+$0xFFFFFF90]  }
0x3cf: {  	v33 =	vld [tilespmem:s18+$0xFFFFFF00];
	[tilespmem:s20+$0x10] =	vst v32;
	v56 =	vmul.f32 v44, v54  }
0x3d0: {  	[tilespmem:s24+$0x50] =	vst v29;
	v60 =	vld [tilespmem:s18+$0x20]  }
0x3d1: {  	[tilespmem:s20+$0xC0] =	vst v56  }
0x3d2: {  	v57 =	vmul.f32 v36, v37;
	[tilespmem:s24+$0xFFFFFF40] =	vst v31;
	v41 =	vld [tilespmem:s18+$0xD0]  }
0x3d3: {  	[tilespmem:s22+$0x60] =	vst v23;
	v37 =	vmul.f32 v18, v58  }
0x3d4: {  	v61 =	vperm.xlane v16, v3;
	[tilespmem:s14+$0xF0] =	vst v57;
	v33 =	vmul.f32 v21, v33  }
0x3d5: {  	v59 =	vmul.f32 v15, v40;
	v62 =	vld [tilespmem:s25+$0x100];
	[tilespmem:s20+$0xFFFFFF90] =	vst v37;
	v40 =	vmul.f32 v19, v60  }
0x3d6: {  	[tilespmem:s20+$0xFFFFFF00] =	vst v33;
	v37 =	vld [tilespmem:s18+$0xFFFFFFA0]  }
0x3d7: {  	[tilespmem:s20+$0x20] =	vst v40;
	v63 =	vmul.f32 v61, v41;
	v41 =	vld [tilespmem:s18+$0xFFFFFF10]  }
0x3d8: {  	[tilespmem:s22+$0xFFFFFF50] =	vst v22;
	v38 =	vmul.f32 v12, v38;
	v33 =	vld [tilespmem:s18+$0x30]  }
0x3d9: {  	[tilespmem:s20+$0xD0] =	vst v63  }
0x3da: {  	[tilespmem:s14+$0x40] =	vst v38;
	v29 =	vmul.f32 v36, v62;
	v38 =	vld [tilespmem:s18+$0xE0]  }
0x3db: {  	[tilespmem:s14+$0xFFFFFF20] =	vst v59;
	v18 =	vmul.f32 v18, v37  }
0x3dc: {  	[tilespmem:s14+$0x100] =	vst v29;
	v29 =	vld [tilespmem:s25+$0xFFFFFF30];
	v21 =	vmul.f32 v21, v41  }
0x3dd: {  	[tilespmem:s20+$0xFFFFFFA0] =	vst v18;
	v18 =	vmul.f32 v19, v33  }
0x3de: {  	v39 =	vmul.f32 v11, v39;
	[tilespmem:s20+$0xFFFFFF10] =	vst v21;
	v21 =	vld [tilespmem:s18+$0xFFFFFFB0]  }
0x3df: {  	[tilespmem:s20+$0x30] =	vst v18;
	v31 =	vmul.f32 v61, v38;
	v19 =	vld [tilespmem:s18+$0xFFFFFF20]  }
0x3e0: {  	[tilespmem:s14+$0xFFFFFFB0] =	vst v39;
	v18 =	vld [tilespmem:s18+$0x40]  }
0x3e1: {  	v22 =	vld [tilespmem:s25+$0xFFFFFFC0];
	v15 =	vmul.f32 v15, v29;
	[tilespmem:s20+$0xE0] =	vst v31  }
0x3e2: {  	[tilespmem:s22+$0xFFFFFFE0] =	vst v25;
	v7 =	vmul.f32 v7, v28;
	v31 =	vld [tilespmem:s18+$0xF0]  }
0x3e3: {  	[tilespmem:s14+$0xFFFFFF30] =	vst v15;
	v15 =	vmul.f32 v24, v21  }
0x3e4: {  	[tilespmem:s12+$0x70] =	vst v7;
	v21 =	vld [tilespmem:s25+$0xFFFFFF40];
	v19 =	vmul.f32 v26, v19  }
0x3e5: {  	v16 =	vperm.xlane v16, v4;
	v23 =	vld [tilespmem:s25+$0x50];
	[tilespmem:s20+$0xFFFFFFB0] =	vst v15;
	v15 =	vmul.f32 v27, v18  }
0x3e6: {  	v11 =	vmul.f32 v11, v22;
	[tilespmem:s20+$0xFFFFFF20] =	vst v19;
	v19 =	vld [tilespmem:s18+$0xFFFFFFC0]  }
0x3e7: {  	v25 =	vmul.f32 v16, v31;
	v18 =	vld [tilespmem:s18+$0xFFFFFF30];
	[tilespmem:s20+$0x40] =	vst v15  }
0x3e8: {  	v34 =	vmul.f32 v8, v34;
	[tilespmem:s14+$0xFFFFFFC0] =	vst v11;
	v11 =	vld [tilespmem:s18+$0x50]  }
0x3e9: {  	v15 =	vld [tilespmem:s25+$0xFFFFFFD0];
	v7 =	vmul.f32 v14, v21;
	[tilespmem:s20+$0xF0] =	vst v25  }
0x3ea: {  	[tilespmem:s24+$0xFFFFFFD0] =	vst v34;
	v12 =	vmul.f32 v12, v23;
	v22 =	vld [tilespmem:s18+$0x100]  }
0x3eb: {  	[tilespmem:s14+$0xFFFFFF40] =	vst v7;
	v7 =	vmul.f32 v24, v19;
	v19 =	vld [tilespmem:s23+$0xFFFFFFE0]  }
0x3ec: {  	[tilespmem:s14+$0x50] =	vst v12;
	v21 =	vld [tilespmem:s23+$0x60];
	v12 =	vmul.f32 v26, v18  }
0x3ed: {  	v18 =	vld [tilespmem:s23+$0xFFFFFF50];
	v11 =	vmul.f32 v27, v11;
	[tilespmem:s20+$0xFFFFFFC0] =	vst v7  }
0x3ee: {  	v7 =	vmul.f32 v13, v15;
	[tilespmem:s20+$0xFFFFFF30] =	vst v12;
	v15 =	vld [tilespmem:s18+$0xFFFFFFD0]  }
0x3ef: {  	v16 =	vmul.f32 v16, v22;
	v12 =	vld [tilespmem:s18+$0xFFFFFF40];
	[tilespmem:s20+$0x50] =	vst v11  }
0x3f0: {  	[tilespmem:s14+$0xFFFFFFD0] =	vst v7;
	v11 =	vld [tilespmem:s0+$0x70];
	v8 =	vmul.f32 v8, v19  }
0x3f1: {  	[tilespmem:s20+$0x100] =	vst v16;
	v16 =	vmul.f32 v6, v21;
	v21 =	vld [tilespmem:s25+$0x60]  }
0x3f2: {  	v7 =	vld [tilespmem:s18+$0x60];
	v9 =	vmul.f32 v9, v18;
	[tilespmem:s24+$0xFFFFFFE0] =	vst v8  }
0x3f3: {  	v8 =	vld [tilespmem:s25+$0xFFFFFFE0];
	[tilespmem:s24+$0x60] =	vst v16;
	v15 =	vmul.f32 v20, v15  }
0x3f4: {  	[tilespmem:s24+$0xFFFFFF50] =	vst v9;
	v9 =	vld [tilespmem:s25+$0xFFFFFF50];
	v12 =	vmul.f32 v17, v12  }
0x3f5: {  	v16 =	vperm.xlane v30, v4;
	v19 =	vld [tilespmem:s23+$0x70];
	v5 =	vmul.f32 v5, v11;
	[tilespmem:s20+$0xFFFFFFD0] =	vst v15  }
0x3f6: {  	v18 =	vmul.f32 v10, v21;
	[tilespmem:s20+$0xFFFFFF40] =	vst v12  }
0x3f7: {  	v7 =	vmul.f32 v16, v7;
	v11 =	vld [tilespmem:s18+$0xFFFFFFE0];
	[tilespmem:s22+$0x70] =	vst v5  }
0x3f8: {  	v12 =	vld [tilespmem:s18+$0xFFFFFF50];
	[tilespmem:s14+$0x60] =	vst v18  }
0x3f9: {  	[tilespmem:s20+$0x60] =	vst v7;
	v5 =	vmul.f32 v13, v8;
	v9 =	vmul.f32 v14, v9;
	v14 =	vld [tilespmem:s25+$0x70]  }
0x3fa: {  	v7 =	vld [tilespmem:s18+$0x70];
	v6 =	vmul.f32 v6, v19  }
0x3fb: {  	[tilespmem:s14+$0xFFFFFFE0] =	vst v5  }
0x3fc: {  	[tilespmem:s24+$0x70] =	vst v6;
	v6 =	vmul.f32 v20, v11  }
0x3fd: {  	[tilespmem:s14+$0xFFFFFF50] =	vst v9;
	v5 =	vmul.f32 v17, v12  }
0x3fe: {  	[tilespmem:s20+$0xFFFFFFE0] =	vst v6;
	v8 =	vmul.f32 v10, v14  }
0x3ff: {  	[tilespmem:s20+$0xFFFFFF50] =	vst v5;
	v5 =	vmul.f32 v16, v7  }
0x400: {  	[tilespmem:s14+$0x70] =	vst v8  }
0x401: {  	[tilespmem:s20+$0x70] =	vst v5  }
0x402: {  	[spmem:s2] =	stream.indirect.scatter.add.f32 [tilespmem:s29], [sflag:$0x7], $0x90, s15, s10, $0xb8;
	[tilespmem:$0x1FA20] =	vst v63  }
0x403: {  	_ =	swait.ge [sflag:s19], $0x2400  }
0x404: {  	[sflag:s19] =	ssyncset.done $0x0  }
0x405: {  	[sflag:s19] =	ssyncadd.s32 $0xFFFFDC00  }
0x406: {  	_ =	swait.ge [sflag:s19], $0x400  }
0x407: {  	[sflag:s19] =	ssyncset.done $0x0  }
0x408: {  	[sflag:s19] =	ssyncadd.s32 $0xFFFFFC00  }
0x409: {  	_ =	swait.ge [sflag:s30], $0x2400  }
0x40a: {  	s0 =	rddreg [dreg:$0x14]  }
0x40b: {  	s0 =	sadd.s32 @!p0 s11, s0  }
0x40c: {  	s0 =	sshll.u32 @!p0 s0, $0x3  }
0x40d: {  	s12 =	simm.s32 @!p0 $0x0;
	[sflag:s30] =	ssyncset.done $0x0;
	s0 =	sand.u32 @!p0 $0x1FFFFFE8, s0  }
0x40e: {  	s14 =	simm.s32 @!p0 $0x16060;
	[sflag:s30] =	ssyncadd.s32 $0xFFFFDC00;
	s11 =	sadd.s32 @!p0 s6, s0  }
0x40f: {  	[tilespmem:s14], [sflag:$0x2] =	stream.linear.gather @!p0 [hbm4b:s11+s12], $0x40, $0x38;
	[tilespmem:$0x1FA20] =	vst v63  }
0x410: {  	s0 =	sadd.s32 @!p0 s7, s0;
	s11 =	simm.s32 @!p0 $0x16160  }
0x411: {  	[tilespmem:s11], [sflag:$0x2] =	stream.linear.gather @!p0 [hbm4b:s0+s12], $0x40, $0x38;
	[tilespmem:$0x1FA20] =	vst v63  }
0x412: {  	s0 =	simm.s32 @!p0 $0x1  }
0x413: {  	_ =	swait.ge @!p0 [sflag:s0], $0x40  }
0x414: {  	[sflag:s0] =	ssyncset.done @!p0 $0x0  }
0x415: {  	[sflag:s0] =	ssyncadd.s32 @!p0 $0xFFFFFFC0  }
0x416: {  	_ =	swait.ge @!p0 [sflag:s0], $0x40  }
0x417: {  	s11 =	simm.s32 @!p0 $0x16020;
	[sflag:s0] =	ssyncset.done @!p0 $0x0  }
0x418: {  	s12 =	simm.s32 @!p0 $0x16220;
	[sflag:s0] =	ssyncadd.s32 @!p0 $0xFFFFFFC0;
	s0 =	simm.s32 @!p0 $0x40  }
0x419: {  	[tilespmem:s12], [sflag:$0x5] =	stream.indirect.gather @!p0 [hbm4b:s4+s0], $0x90, s11, s0, $0xb8;
	[tilespmem:$0x1FA20] =	vst v63  }
0x41a: {  	s17 =	simm.s32 $0x18850;
	s11 =	simm.s32 @!p0 $0x16120;
	s12 =	simm.s32 @!p0 $0x1AA20  }
0x41b: {  	[tilespmem:s12], [sflag:$0x5] =	stream.indirect.gather @!p0 [hbm4b:s5+s0], $0x10, s11, s0, $0xb8;
	[tilespmem:$0x1FA20] =	vst v63  }
0x41c: {  	s23 =	simm.s32 $0x1AE50;
	v5 =	vld [tilespmem:s17+$0x0]  }
0x41d: {  	v6 =	vld [tilespmem:s23+$0x0];
	_ =	sdelay $0x4  }
0x41e: {  	v7 =	vld [tilespmem:s17+$0xFFFFFEE0];
	v5 =	vadd.f32 v6, v5  }
0x41f: {  	v8 =	vld [tilespmem:s23+$0xFFFFFFE0]  }
0x420: {  	v6 =	vmul.f32 $2.000000030e-01, v5  }
0x421: {  	vm0 =	vlt.f32 v5, $0.0e+00  }
0x422: {  	v5 =	vsel vm0, v6, v5  }
0x423: {  	v9 =	vld [tilespmem:s23+$0xFFFFFFD0];
	v5 =	vmul.f32 $1.442695020e+00, v5  }
0x424: {  	v7 =	vadd.f32 v8, v7;
	v8 =	vld [tilespmem:s17+$0xFFFFFE50]  }
0x425: {  	(erf) = vpow2.f32 v5  }
0x426: {  	v10 =	vld [tilespmem:s23+$0xFFFFFFF0];
	v11 =	vmul.f32 $2.000000030e-01, v7  }
0x427: {  	vm11 =	vlt.f32 v7, $0.0e+00;
	v6 =	vld [tilespmem:s17+$0xFFFFFF70]  }
0x428: {  	v5 =	vsel vm11, v11, v7  }
0x429: {  	v7 =	vadd.f32 v9, v8;
	v5 =	vmul.f32 $1.442695020e+00, v5;
	_ =	sdelay $0x1  }
0x42a: {  	(erf) = vpow2.f32 v5;
	v5 =	vmul.f32 $2.000000030e-01, v7  }
0x42b: {  	v6 =	vadd.f32 v10, v6;
	vm12 =	vlt.f32 v7, $0.0e+00  }
0x42c: {  	v5 =	vsel vm12, v5, v7  }
0x42d: {  	s11 =	simm.s32 $0x1D850;
	v8 =	vmul.f32 $2.000000030e-01, v6;
	v5 =	vmul.f32 $1.442695020e+00, v5;
	v11 =	vpop (erf)  }
0x42e: {  	vm1 =	vlt.f32 v6, $0.0e+00;
	[tilespmem:s11+$0x0] =	vst v11  }
0x42f: {  	v6 =	vsel vm1, v8, v6;
	(erf) = vpow2.f32 v5;
	v5 =	vld [tilespmem:s17+$0xFFFFFF80]  }
0x430: {  	v6 =	vmul.f32 $1.442695020e+00, v6;
	_ =	sdelay $0x1  }
0x431: {  	(erf) = vpow2.f32 v6;
	v6 =	vperm.xlane v11, v1;
	_ =	sdelay $0x1  }
0x432: {  	v5 =	vmul.f32 v6, v5;
	_ =	sdelay $0x1  }
0x433: {  	[tilespmem:s11+$0xFFFFFF80] =	vst v5  }
0x434: {  	v12 =	vld [tilespmem:s17+$0xFFFFFF90];
	_ =	sdelay $0x3  }
0x435: {  	s24 =	simm.s32 $0x1AE90;
	v7 =	vpop (erf)  }
0x436: {  	v15 =	vld [tilespmem:s24+$0x0];
	[tilespmem:s11+$0xFFFFFEE0] =	vst v7;
	v6 =	vmul.f32 v6, v12  }
0x437: {  	s0 =	simm.s32 $0x18A90;
	v8 =	vld [tilespmem:s17+$0xFFFFFE60]  }
0x438: {  	v12 =	vld [tilespmem:s0+$0x0];
	[tilespmem:s11+$0xFFFFFF90] =	vst v6  }
0x439: {  	v6 =	vld [tilespmem:s17+$0xFFFFFFA0]  }
0x43a: {  	v16 =	vld [tilespmem:s24+$0xFFFFFFD0]  }
0x43b: {  	v17 =	vld [tilespmem:s0+$0xFFFFFEE0];
	v9 =	vperm.xlane v7, v1;
	v10 =	vpop (erf)  }
0x43c: {  	v19 =	vld [tilespmem:s24+$0xFFFFFFE0];
	v18 =	vperm.xlane v11, v2;
	[tilespmem:s11+$0xFFFFFE50] =	vst v10;
	v5 =	vpop (erf)  }
0x43d: {  	v8 =	vmul.f32 v9, v8;
	v13 =	vld [tilespmem:s17+$0xFFFFFDD0];
	[tilespmem:s11+$0xFFFFFF70] =	vst v5  }
0x43e: {  	v14 =	vld [tilespmem:s17+$0xFFFFFEF0];
	v12 =	vadd.f32 v15, v12;
	v6 =	vmul.f32 v18, v6  }
0x43f: {  	v20 =	vld [tilespmem:s0+$0xFFFFFF70];
	[tilespmem:s11+$0xFFFFFE60] =	vst v8  }
0x440: {  	v23 =	vld [tilespmem:s0+$0xFFFFFE50];
	v21 =	vperm.xlane v10, v1;
	[tilespmem:s11+$0xFFFFFFA0] =	vst v6;
	v6 =	vmul.f32 $2.000000030e-01, v12  }
0x441: {  	v8 =	vld [tilespmem:s17+$0xFFFFFE70];
	v15 =	vperm.xlane v5, v1;
	vm13 =	vlt.f32 v12, $0.0e+00  }
0x442: {  	v22 =	vld [tilespmem:s24+$0xFFFFFFF0];
	v13 =	vmul.f32 v21, v13;
	v6 =	vsel vm13, v6, v12  }
0x443: {  	v14 =	vmul.f32 v15, v14;
	v24 =	vld [tilespmem:s17+$0xFFFFFFB0];
	v6 =	vmul.f32 $1.442695020e+00, v6  }
0x444: {  	[tilespmem:s11+$0xFFFFFDD0] =	vst v13  }
0x445: {  	v13 =	vadd.f32 v19, v17;
	[tilespmem:s11+$0xFFFFFEF0] =	vst v14;
	(erf) = vpow2.f32 v6  }
0x446: {  	v16 =	vadd.f32 v16, v23;
	v8 =	vmul.f32 v9, v8;
	v9 =	vld [tilespmem:s17+$0xFFFFFF00]  }
0x447: {  	v17 =	vmul.f32 $2.000000030e-01, v13  }
0x448: {  	v14 =	vadd.f32 v22, v20;
	v6 =	vmul.f32 $2.000000030e-01, v16;
	v18 =	vmul.f32 v18, v24  }
0x449: {  	vm2 =	vlt.f32 v16, $0.0e+00;
	vm14 =	vlt.f32 v13, $0.0e+00;
	[tilespmem:s11+$0xFFFFFE70] =	vst v8;
	v12 =	vld [tilespmem:s17+$0xFFFFFDE0]  }
0x44a: {  	v13 =	vsel vm14, v17, v13;
	v19 =	vmul.f32 $2.000000030e-01, v14;
	v6 =	vsel vm2, v6, v16;
	v16 =	vld [tilespmem:s17+$0xFFFFFE80];
	[tilespmem:s11+$0xFFFFFFB0] =	vst v18  }
0x44b: {  	v13 =	vmul.f32 $1.442695020e+00, v13;
	vm15 =	vlt.f32 v14, $0.0e+00;
	v9 =	vmul.f32 v15, v9;
	v15 =	vld [tilespmem:s17+$0xFFFFFFC0]  }
0x44c: {  	s25 =	simm.s32 $0x1AED0;
	v17 =	vperm.xlane v7, v2;
	v8 =	vsel vm15, v19, v14;
	v6 =	vmul.f32 $1.442695020e+00, v6  }
0x44d: {  	s22 =	simm.s32 $0x18CD0;
	v26 =	vld [tilespmem:s25+$0xFFFFFFD0];
	v8 =	vmul.f32 $1.442695020e+00, v8;
	(erf) = vpow2.f32 v13  }
0x44e: {  	s12 =	simm.s32 $0x1DA90;
	v28 =	vld [tilespmem:s22+$0xFFFFFEE0];
	v13 =	vperm.xlane v11, v3;
	(erf) = vpow2.f32 v6;
	v14 =	vpop (erf)  }
0x44f: {  	v31 =	vld [tilespmem:s25+$0xFFFFFFE0];
	v12 =	vmul.f32 v21, v12;
	(erf) = vpow2.f32 v8;
	[tilespmem:s12+$0x0] =	vst v14  }
0x450: {  	[tilespmem:s11+$0xFFFFFF00] =	vst v9;
	v9 =	vmul.f32 v17, v16;
	v8 =	vmul.f32 v13, v15;
	v16 =	vld [tilespmem:s0+$0xFFFFFF80]  }
0x451: {  	[tilespmem:s11+$0xFFFFFDE0] =	vst v12;
	v6 =	vld [tilespmem:s17+$0xFFFFFF10]  }
0x452: {  	v12 =	vld [tilespmem:s17+$0xFFFFFDF0];
	[tilespmem:s11+$0xFFFFFFC0] =	vst v8  }
0x453: {  	v21 =	vperm.xlane v14, v1;
	v19 =	vld [tilespmem:s17+$0xFFFFFFD0]  }
0x454: {  	v44 =	vld [tilespmem:s22+$0xFFFFFF70];
	v15 =	vperm.xlane v5, v2  }
0x455: {  	s31 =	simm.s32 $0x1AF10;
	v45 =	vld [tilespmem:s25+$0xFFFFFFF0];
	v18 =	vperm.xlane v10, v2;
	v16 =	vmul.f32 v21, v16  }
0x456: {  	v58 =	vld [tilespmem:s31+$0xFFFFFFF0];
	[tilespmem:s11+$0xFFFFFE80] =	vst v9;
	v8 =	vmul.f32 v15, v6  }
0x457: {  	v12 =	vmul.f32 v18, v12;
	v20 =	vld [tilespmem:s17+$0xFFFFFE90];
	[tilespmem:s12+$0xFFFFFF80] =	vst v16  }
0x458: {  	[tilespmem:s11+$0xFFFFFF10] =	vst v8;
	v13 =	vmul.f32 v13, v19;
	v19 =	vld [tilespmem:s0+$0xFFFFFF90]  }
0x459: {  	v6 =	vpop (erf);
	[tilespmem:s11+$0xFFFFFDF0] =	vst v12;
	v22 =	vld [tilespmem:s17+$0xFFFFFF20]  }
0x45a: {  	[tilespmem:s12+$0xFFFFFEE0] =	vst v6;
	v12 =	vld [tilespmem:s17+$0xFFFFFE00]  }
0x45b: {  	s24 =	simm.s32 $0x18F10;
	v23 =	vld [tilespmem:s0+$0xFFFFFE60];
	v9 =	vpop (erf)  }
0x45c: {  	v56 =	vld [tilespmem:s24+$0xFFFFFF70];
	[tilespmem:s12+$0xFFFFFE50] =	vst v9;
	v8 =	vpop (erf)  }
0x45d: {  	v17 =	vmul.f32 v17, v20;
	v24 =	vld [tilespmem:s0+$0xFFFFFDD0];
	[tilespmem:s12+$0xFFFFFF70] =	vst v8;
	v19 =	vmul.f32 v21, v19  }
0x45e: {  	v16 =	vperm.xlane v6, v1;
	[tilespmem:s11+$0xFFFFFFD0] =	vst v13;
	v13 =	vmul.f32 v15, v22;
	v22 =	vld [tilespmem:s25+$0x0]  }
0x45f: {  	v12 =	vmul.f32 v18, v12;
	v21 =	vld [tilespmem:s22+$0x0];
	[tilespmem:s12+$0xFFFFFF90] =	vst v19  }
0x460: {  	[tilespmem:s11+$0xFFFFFE90] =	vst v17;
	v17 =	vmul.f32 v16, v23;
	v23 =	vld [tilespmem:s0+$0xFFFFFFA0]  }
0x461: {  	v20 =	vld [tilespmem:s0+$0xFFFFFEF0];
	[tilespmem:s11+$0xFFFFFE00] =	vst v12  }
0x462: {  	v42 =	vperm.xlane v9, v1;
	v12 =	vld [tilespmem:s17+$0xFFFFFEA0];
	[tilespmem:s12+$0xFFFFFE60] =	vst v17  }
0x463: {  	v30 =	vperm.xlane v14, v2;
	v17 =	vld [tilespmem:s0+$0xFFFFFE70]  }
0x464: {  	v27 =	vperm.xlane v7, v3;
	v18 =	vld [tilespmem:s17+$0xFFFFFE10];
	v21 =	vadd.f32 v22, v21;
	v22 =	vmul.f32 v42, v24  }
0x465: {  	v28 =	vadd.f32 v31, v28;
	v43 =	vperm.xlane v8, v1;
	v15 =	vld [tilespmem:s17+$0xFFFFFFE0];
	[tilespmem:s11+$0xFFFFFF20] =	vst v13;
	v23 =	vmul.f32 v30, v23  }
0x466: {  	v61 =	vadd.f32 v58, v56;
	v25 =	vperm.xlane v10, v3;
	v11 =	vperm.xlane v11, v4;
	v24 =	vld [tilespmem:s22+$0xFFFFFE50];
	[tilespmem:s12+$0xFFFFFDD0] =	vst v22  }
0x467: {  	vm5 =	vlt.f32 v28, $0.0e+00;
	v13 =	vld [tilespmem:s17+$0xFFFFFF30];
	v20 =	vmul.f32 v43, v20;
	[tilespmem:s12+$0xFFFFFFA0] =	vst v23;
	v23 =	vmul.f32 $2.000000030e-01, v21  }
0x468: {  	v29 =	vperm.xlane v6, v2;
	v16 =	vmul.f32 v16, v17;
	vm4 =	vlt.f32 v21, $0.0e+00;
	v17 =	vld [tilespmem:s0+$0xFFFFFDE0]  }
0x469: {  	[tilespmem:s12+$0xFFFFFEF0] =	vst v20;
	v22 =	vmul.f32 v27, v12;
	v12 =	vmul.f32 v25, v18;
	v18 =	vld [tilespmem:s0+$0xFFFFFFB0];
	v21 =	vsel vm4, v23, v21  }
0x46a: {  	v20 =	vadd.f32 v45, v44;
	v15 =	vmul.f32 v11, v15;
	[tilespmem:s12+$0xFFFFFE70] =	vst v16;
	v16 =	vld [tilespmem:s0+$0xFFFFFF00];
	v21 =	vmul.f32 $1.442695020e+00, v21  }
0x46b: {  	v54 =	vld [tilespmem:s31+$0xFFFFFFE0];
	v19 =	vperm.xlane v5, v3;
	v24 =	vadd.f32 v26, v24;
	v23 =	vmul.f32 $2.000000030e-01, v28  }
0x46c: {  	vm6 =	vlt.f32 v20, $0.0e+00;
	[tilespmem:s11+$0xFFFFFE10] =	vst v12;
	v12 =	vmul.f32 $2.000000030e-01, v20;
	v26 =	vld [tilespmem:s0+$0xFFFFFE80];
	(erf) = vpow2.f32 v21  }
0x46d: {  	[tilespmem:s11+$0xFFFFFFE0] =	vst v15;
	v31 =	vmul.f32 $2.000000030e-01, v24;
	v17 =	vmul.f32 v42, v17;
	v15 =	vsel vm5, v23, v28;
	v21 =	vld [tilespmem:s17+$0xFFFFFE20]  }
0x46e: {  	v51 =	vld [tilespmem:s24+$0xFFFFFEE0];
	s25 =	simm.s32 $0x1AF50;
	vm7 =	vlt.f32 v24, $0.0e+00;
	v15 =	vmul.f32 $1.442695020e+00, v15;
	v18 =	vmul.f32 v30, v18  }
0x46f: {  	v56 =	vld [tilespmem:s25+$0x0];
	v13 =	vmul.f32 v19, v13;
	v16 =	vmul.f32 v43, v16;
	v23 =	vsel vm7, v31, v24;
	[tilespmem:s12+$0xFFFFFDE0] =	vst v17  }
0x470: {  	v20 =	vsel vm6, v12, v20;
	(erf) = vpow2.f32 v15;
	v15 =	vld [tilespmem:s0+$0xFFFFFDF0];
	[tilespmem:s12+$0xFFFFFFB0] =	vst v18;
	v18 =	vmul.f32 $1.442695020e+00, v23  }
0x471: {  	[tilespmem:s11+$0xFFFFFEA0] =	vst v22;
	v20 =	vmul.f32 $1.442695020e+00, v20;
	v22 =	vmul.f32 v29, v26;
	v17 =	vld [tilespmem:s0+$0xFFFFFFC0]  }
0x472: {  	[tilespmem:s12+$0xFFFFFF00] =	vst v16;
	v23 =	vld [tilespmem:s17+$0xFFFFFEB0];
	(erf) = vpow2.f32 v18;
	v16 =	vmul.f32 v25, v21  }
0x473: {  	[tilespmem:s11+$0xFFFFFF30] =	vst v13;
	v18 =	vld [tilespmem:s0+$0xFFFFFF10];
	v21 =	vperm.xlane v9, v2;
	(erf) = vpow2.f32 v20  }
0x474: {  	v58 =	vld [tilespmem:s25+$0xFFFFFFD0];
	[tilespmem:s12+$0xFFFFFE80] =	vst v22;
	v20 =	vperm.xlane v14, v3  }
0x475: {  	s23 =	simm.s32 $0x1DCD0;
	v12 =	vld [tilespmem:s17+$0xFFFFFFF0];
	[tilespmem:s11+$0xFFFFFE20] =	vst v16;
	v15 =	vmul.f32 v21, v15;
	v13 =	vpop (erf)  }
0x476: {  	v24 =	vld [tilespmem:s17+$0xFFFFFF40];
	v25 =	vperm.xlane v8, v2;
	v16 =	vmul.f32 v20, v17;
	[tilespmem:s23+$0x0] =	vst v13  }
0x477: {  	v17 =	vmul.f32 v27, v23;
	[tilespmem:s12+$0xFFFFFDF0] =	vst v15;
	v23 =	vld [tilespmem:s22+$0xFFFFFF80]  }
0x478: {  	v27 =	vld [tilespmem:s0+$0xFFFFFE00];
	[tilespmem:s12+$0xFFFFFFC0] =	vst v16;
	v16 =	vmul.f32 v25, v18  }
0x479: {  	[tilespmem:s11+$0xFFFFFEB0] =	vst v17;
	v18 =	vld [tilespmem:s0+$0xFFFFFFD0]  }
0x47a: {  	v22 =	vld [tilespmem:s0+$0xFFFFFE90];
	v28 =	vperm.xlane v13, v1;
	v15 =	vpop (erf);
	[tilespmem:s12+$0xFFFFFF10] =	vst v16  }
0x47b: {  	[tilespmem:s23+$0xFFFFFEE0] =	vst v15;
	v17 =	vpop (erf);
	v31 =	vld [tilespmem:s0+$0xFFFFFF20]  }
0x47c: {  	v46 =	vld [tilespmem:s22+$0xFFFFFE60];
	v16 =	vpop (erf);
	v23 =	vmul.f32 v28, v23  }
0x47d: {  	v19 =	vmul.f32 v19, v24;
	v24 =	vld [tilespmem:s31+$0xFFFFFFD0];
	v21 =	vmul.f32 v21, v27;
	[tilespmem:s23+$0xFFFFFF70] =	vst v16  }
0x47e: {  	v30 =	vld [tilespmem:s17+$0xFFFFFEC0];
	v18 =	vmul.f32 v20, v18;
	[tilespmem:s23+$0xFFFFFF80] =	vst v23  }
0x47f: {  	v20 =	vmul.f32 v29, v22;
	[tilespmem:s12+$0xFFFFFE00] =	vst v21;
	v23 =	vperm.xlane v15, v1;
	v22 =	vld [tilespmem:s22+$0xFFFFFF90]  }
0x480: {  	v29 =	vld [tilespmem:s22+$0xFFFFFEF0];
	[tilespmem:s12+$0xFFFFFFD0] =	vst v18;
	v18 =	vmul.f32 v25, v31  }
0x481: {  	v27 =	vld [tilespmem:s0+$0xFFFFFE10];
	[tilespmem:s12+$0xFFFFFE90] =	vst v20;
	v25 =	vmul.f32 v23, v46  }
0x482: {  	v20 =	vld [tilespmem:s0+$0xFFFFFFE0];
	[tilespmem:s12+$0xFFFFFF20] =	vst v18  }
0x483: {  	v18 =	vperm.xlane v10, v4;
	v10 =	vperm.xlane v7, v4;
	v7 =	vld [tilespmem:s31+$0x0];
	[tilespmem:s23+$0xFFFFFE60] =	vst v25  }
0x484: {  	v31 =	vld [tilespmem:s22+$0xFFFFFE70];
	v22 =	vmul.f32 v28, v22  }
0x485: {  	[tilespmem:s23+$0xFFFFFE50] =	vst v17;
	v55 =	vperm.xlane v16, v1;
	v28 =	vld [tilespmem:s24+$0x0]  }
0x486: {  	v14 =	vperm.xlane v14, v4;
	v47 =	vld [tilespmem:s22+$0xFFFFFDD0];
	[tilespmem:s23+$0xFFFFFF90] =	vst v22  }
0x487: {  	v48 =	vperm.xlane v9, v3;
	v29 =	vmul.f32 v55, v29;
	v50 =	vld [tilespmem:s22+$0xFFFFFFA0]  }
0x488: {  	v49 =	vperm.xlane v6, v3;
	v21 =	vld [tilespmem:s0+$0xFFFFFEA0];
	v20 =	vmul.f32 v14, v20  }
0x489: {  	v52 =	vperm.xlane v17, v1;
	v25 =	vld [tilespmem:s0+$0xFFFFFF30];
	v27 =	vmul.f32 v48, v27;
	[tilespmem:s23+$0xFFFFFEF0] =	vst v29  }
0x48a: {  	v53 =	vperm.xlane v13, v2;
	[tilespmem:s12+$0xFFFFFFE0] =	vst v20;
	v20 =	vld [tilespmem:s24+$0xFFFFFE50];
	v23 =	vmul.f32 v23, v31;
	v7 =	vadd.f32 v7, v28  }
0x48b: {  	v26 =	vld [tilespmem:s17+$0xFFFFFE30];
	[tilespmem:s12+$0xFFFFFE10] =	vst v27;
	v22 =	vperm.xlane v8, v3;
	v28 =	vmul.f32 v52, v47  }
0x48c: {  	v59 =	vld [tilespmem:s0+$0xFFFFFFF0];
	v31 =	vadd.f32 v54, v51;
	[tilespmem:s23+$0xFFFFFE70] =	vst v23;
	v60 =	vmul.f32 $2.000000030e-01, v7;
	v35 =	vmul.f32 v53, v50  }
0x48d: {  	v21 =	vmul.f32 v49, v21;
	v23 =	vld [tilespmem:s22+$0xFFFFFF00];
	[tilespmem:s23+$0xFFFFFDD0] =	vst v28;
	vm8 =	vlt.f32 v7, $0.0e+00  }
0x48e: {  	v25 =	vmul.f32 v22, v25;
	v27 =	vmul.f32 $2.000000030e-01, v31;
	v29 =	vld [tilespmem:s22+$0xFFFFFDE0];
	v7 =	vsel vm8, v60, v7;
	[tilespmem:s23+$0xFFFFFFA0] =	vst v35  }
0x48f: {  	[tilespmem:s11+$0xFFFFFF40] =	vst v19;
	v28 =	vmul.f32 v10, v30;
	v20 =	vadd.f32 v24, v20;
	v7 =	vmul.f32 $1.442695020e+00, v7;
	v30 =	vld [tilespmem:s22+$0xFFFFFFB0]  }
0x490: {  	v57 =	vperm.xlane v15, v2;
	v26 =	vmul.f32 v18, v26;
	[tilespmem:s12+$0xFFFFFEA0] =	vst v21;
	vm9 =	vlt.f32 v31, $0.0e+00;
	v62 =	vld [tilespmem:s22+$0xFFFFFE80]  }
0x491: {  	v21 =	vld [tilespmem:s0+$0xFFFFFE20];
	[tilespmem:s12+$0xFFFFFF30] =	vst v25;
	v19 =	vsel vm9, v27, v31;
	v25 =	vmul.f32 $2.000000030e-01, v20;
	(erf) = vpow2.f32 v7  }
0x492: {  	v63 =	vld [tilespmem:s0+$0xFFFFFF40];
	v19 =	vmul.f32 $1.442695020e+00, v19;
	v14 =	vmul.f32 v14, v59;
	vm11 =	vlt.f32 v20, $0.0e+00  }
0x493: {  	[tilespmem:s11+$0xFFFFFEC0] =	vst v28;
	v60 =	vld [tilespmem:s25+$0xFFFFFFF0];
	v23 =	vmul.f32 v55, v23;
	v20 =	vsel vm11, v25, v20;
	v27 =	vmul.f32 v52, v29  }
0x494: {  	s18 =	simm.s32 $0x19150;
	[tilespmem:s11+$0xFFFFFE30] =	vst v26;
	v31 =	vld [tilespmem:s17+$0xFFFFFED0];
	v20 =	vmul.f32 $1.442695020e+00, v20;
	v30 =	vmul.f32 v53, v30  }
0x495: {  	v55 =	vld [tilespmem:s18+$0x0];
	v26 =	vmul.f32 v57, v62;
	(erf) = vpow2.f32 v19;
	[tilespmem:s23+$0xFFFFFDE0] =	vst v27  }
0x496: {  	(erf) = vpow2.f32 v20;
	v20 =	vmul.f32 v48, v21;
	v19 =	vld [tilespmem:s22+$0xFFFFFDF0];
	[tilespmem:s23+$0xFFFFFFB0] =	vst v30  }
0x497: {  	[tilespmem:s12+$0xFFFFFFF0] =	vst v14;
	v25 =	vld [tilespmem:s22+$0xFFFFFFC0]  }
0x498: {  	v7 =	vld [tilespmem:s0+$0xFFFFFEB0];
	[tilespmem:s23+$0xFFFFFE80] =	vst v26  }
0x499: {  	v24 =	vmul.f32 $2.000000030e-01, v61;
	[tilespmem:s23+$0xFFFFFF00] =	vst v23;
	v26 =	vld [tilespmem:s22+$0xFFFFFE90];
	v30 =	vperm.xlane v17, v2  }
0x49a: {  	s14 =	simm.s32 $0x1DF10;
	vm10 =	vlt.f32 v61, $0.0e+00;
	v28 =	vperm.xlane v13, v3;
	v21 =	vld [tilespmem:s22+$0xFFFFFF10];
	[tilespmem:s12+$0xFFFFFE20] =	vst v20;
	v20 =	vpop (erf)  }
0x49b: {  	v11 =	vmul.f32 v11, v12;
	v24 =	vsel vm10, v24, v61;
	v14 =	vld [tilespmem:s18+$0xFFFFFEE0];
	v19 =	vmul.f32 v30, v19;
	[tilespmem:s14+$0x0] =	vst v20  }
0x49c: {  	v24 =	vmul.f32 $1.442695020e+00, v24;
	v23 =	vmul.f32 v28, v25;
	v25 =	vld [tilespmem:s24+$0xFFFFFF80]  }
0x49d: {  	v44 =	vperm.xlane v16, v2;
	v29 =	vld [tilespmem:s17+$0xFFFFFF50];
	v7 =	vmul.f32 v49, v7;
	[tilespmem:s23+$0xFFFFFDF0] =	vst v19  }
0x49e: {  	(erf) = vpow2.f32 v24;
	v12 =	vmul.f32 v57, v26;
	v47 =	vld [tilespmem:s22+$0xFFFFFE00];
	[tilespmem:s23+$0xFFFFFFC0] =	vst v23  }
0x49f: {  	[tilespmem:s12+$0xFFFFFEB0] =	vst v7;
	v48 =	vperm.xlane v20, v1;
	v19 =	vmul.f32 v44, v21;
	v46 =	vld [tilespmem:s22+$0xFFFFFFD0]  }
0x4a0: {  	v27 =	vld [tilespmem:s17+$0xFFFFFE40];
	[tilespmem:s23+$0xFFFFFE90] =	vst v12;
	v23 =	vpop (erf)  }
0x4a1: {  	v32 =	vperm.xlane v15, v3;
	v45 =	vld [tilespmem:s0+$0xFFFFFE30];
	[tilespmem:s23+$0xFFFFFF10] =	vst v19;
	v24 =	vpop (erf);
	v50 =	vmul.f32 v48, v25  }
0x4a2: {  	v40 =	vperm.xlane v16, v3;
	v19 =	vperm.xlane v9, v4;
	v9 =	vld [tilespmem:s22+$0xFFFFFF20];
	[tilespmem:s14+$0xFFFFFE50] =	vst v24  }
0x4a3: {  	v7 =	vperm.xlane v5, v4;
	v30 =	vmul.f32 v30, v47;
	v51 =	vld [tilespmem:s24+$0xFFFFFDD0];
	[tilespmem:s14+$0xFFFFFF80] =	vst v50  }
0x4a4: {  	v5 =	vperm.xlane v8, v4;
	[tilespmem:s14+$0xFFFFFEE0] =	vst v23;
	v8 =	vmul.f32 v28, v46;
	v52 =	vld [tilespmem:s24+$0xFFFFFF90]  }
0x4a5: {  	v13 =	vperm.xlane v13, v4;
	v21 =	vperm.xlane v6, v4;
	v6 =	vld [tilespmem:s24+$0xFFFFFE60];
	[tilespmem:s23+$0xFFFFFE00] =	vst v30  }
0x4a6: {  	v18 =	vmul.f32 v18, v27;
	v27 =	vperm.xlane v24, v1;
	v30 =	vld [tilespmem:s22+$0xFFFFFEA0];
	[tilespmem:s23+$0xFFFFFFD0] =	vst v8  }
0x4a7: {  	[tilespmem:s11+$0xFFFFFFF0] =	vst v11;
	v53 =	vperm.xlane v17, v3;
	v25 =	vpop (erf);
	v8 =	vmul.f32 v44, v9;
	v12 =	vld [tilespmem:s22+$0xFFFFFFE0]  }
0x4a8: {  	v49 =	vld [tilespmem:s0+$0xFFFFFEC0];
	[tilespmem:s14+$0xFFFFFF70] =	vst v25;
	v28 =	vperm.xlane v23, v1;
	v11 =	vmul.f32 v27, v51  }
0x4a9: {  	v26 =	vld [tilespmem:s24+$0xFFFFFEF0];
	[tilespmem:s23+$0xFFFFFF20] =	vst v8;
	v8 =	vperm.xlane v15, v4;
	v15 =	vmul.f32 v48, v52  }
0x4aa: {  	v9 =	vperm.xlane v17, v4;
	v17 =	vld [tilespmem:s22+$0xFFFFFE10];
	v6 =	vmul.f32 v28, v6;
	[tilespmem:s14+$0xFFFFFDD0] =	vst v11  }
0x4ab: {  	v31 =	vmul.f32 v10, v31;
	v11 =	vmul.f32 v32, v30;
	v30 =	vld [tilespmem:s25+$0xFFFFFFE0];
	[tilespmem:s14+$0xFFFFFF90] =	vst v15  }
0x4ac: {  	v10 =	vperm.xlane v25, v1;
	[tilespmem:s14+$0xFFFFFE60] =	vst v6;
	v12 =	vmul.f32 v13, v12;
	v15 =	vld [tilespmem:s24+$0xFFFFFFA0]  }
0x4ad: {  	v22 =	vmul.f32 v22, v63;
	v62 =	vld [tilespmem:s18+$0xFFFFFE50];
	v29 =	vmul.f32 v7, v29;
	[tilespmem:s23+$0xFFFFFEA0] =	vst v11  }
0x4ae: {  	v6 =	vperm.xlane v16, v4;
	v16 =	vld [tilespmem:s24+$0xFFFFFE70];
	[tilespmem:s23+$0xFFFFFFE0] =	vst v12;
	v12 =	vmul.f32 v10, v26  }
0x4af: {  	v36 =	vperm.xlane v20, v4;
	v50 =	vld [tilespmem:s22+$0xFFFFFEB0];
	v26 =	vperm.xlane v20, v2  }
0x4b0: {  	v63 =	vmul.f32 v21, v49;
	v57 =	vld [tilespmem:s22+$0xFFFFFFF0];
	v14 =	vadd.f32 v30, v14;
	[tilespmem:s14+$0xFFFFFEF0] =	vst v12;
	v12 =	vmul.f32 v53, v17  }
0x4b1: {  	[tilespmem:s12+$0xFFFFFF40] =	vst v22;
	v33 =	vadd.f32 v56, v55;
	v35 =	vmul.f32 v19, v45;
	v17 =	vld [tilespmem:s18+$0xFFFFFF70];
	v11 =	vmul.f32 v26, v15  }
0x4b2: {  	v59 =	vperm.xlane v23, v2;
	v46 =	vld [tilespmem:s24+$0xFFFFFF00];
	v47 =	vmul.f32 $2.000000030e-01, v14;
	[tilespmem:s23+$0xFFFFFE10] =	vst v12  }
0x4b3: {  	vm12 =	vlt.f32 v33, $0.0e+00;
	v12 =	vmul.f32 v28, v16;
	v16 =	vmul.f32 $2.000000030e-01, v33;
	[tilespmem:s14+$0xFFFFFFA0] =	vst v11  }
0x4b4: {  	[tilespmem:s11+$0xFFFFFED0] =	vst v31;
	v43 =	vperm.xlane v24, v2;
	v48 =	vadd.f32 v58, v62;
	vm13 =	vlt.f32 v14, $0.0e+00;
	v30 =	vld [tilespmem:s24+$0xFFFFFFB0]  }
0x4b5: {  	[tilespmem:s11+$0xFFFFFE40] =	vst v18;
	v28 =	vld [tilespmem:s24+$0xFFFFFDE0];
	v32 =	vmul.f32 v32, v50;
	v14 =	vsel vm13, v47, v14;
	v16 =	vsel vm12, v16, v33  }
0x4b6: {  	[tilespmem:s12+$0xFFFFFEC0] =	vst v63;
	v54 =	vld [tilespmem:s22+$0xFFFFFF30];
	v13 =	vmul.f32 v13, v57;
	v17 =	vadd.f32 v60, v17;
	v16 =	vmul.f32 $1.442695020e+00, v16  }
0x4b7: {  	v51 =	vld [tilespmem:s0+$0xFFFFFED0];
	[tilespmem:s14+$0xFFFFFE70] =	vst v12;
	v14 =	vmul.f32 $1.442695020e+00, v14;
	v10 =	vmul.f32 v10, v46  }
0x4b8: {  	vm15 =	vlt.f32 v48, $0.0e+00;
	v49 =	vld [tilespmem:s22+$0xFFFFFE20];
	[tilespmem:s23+$0xFFFFFFF0] =	vst v13;
	v13 =	vmul.f32 $2.000000030e-01, v17;
	(erf) = vpow2.f32 v16  }
0x4b9: {  	[tilespmem:s23+$0xFFFFFEB0] =	vst v32;
	v22 =	vld [tilespmem:s24+$0xFFFFFE80];
	vm14 =	vlt.f32 v17, $0.0e+00;
	v16 =	vmul.f32 $2.000000030e-01, v48;
	v26 =	vmul.f32 v26, v30  }
0x4ba: {  	v34 =	vld [tilespmem:s22+$0xFFFFFEC0];
	(erf) = vpow2.f32 v14;
	[tilespmem:s14+$0xFFFFFF00] =	vst v10;
	v13 =	vsel vm14, v13, v17;
	v17 =	vmul.f32 v27, v28  }
0x4bb: {  	v44 =	vperm.xlane v25, v2;
	v61 =	vmul.f32 v40, v54;
	v27 =	vld [tilespmem:s0+$0xFFFFFF50];
	v16 =	vsel vm15, v16, v48;
	[tilespmem:s14+$0xFFFFFFB0] =	vst v26  }
0x4bc: {  	v15 =	vperm.xlane v24, v3;
	v16 =	vmul.f32 $1.442695020e+00, v16;
	[tilespmem:s14+$0xFFFFFDE0] =	vst v17;
	v17 =	vld [tilespmem:s24+$0xFFFFFFC0]  }
0x4bd: {  	[tilespmem:s11+$0xFFFFFF50] =	vst v29;
	v10 =	vmul.f32 v53, v49;
	v52 =	vld [tilespmem:s24+$0xFFFFFF10];
	v13 =	vmul.f32 $1.442695020e+00, v13  }
0x4be: {  	[tilespmem:s12+$0xFFFFFE30] =	vst v35;
	v53 =	vperm.xlane v20, v3;
	v18 =	vld [tilespmem:s24+$0xFFFFFDF0];
	(erf) = vpow2.f32 v16  }
0x4bf: {  	[tilespmem:s23+$0xFFFFFF30] =	vst v61;
	v14 =	vmul.f32 v59, v22;
	v26 =	vld [tilespmem:s0+$0xFFFFFE40];
	(erf) = vpow2.f32 v13  }
0x4c0: {  	v11 =	vperm.xlane v23, v3;
	v12 =	vperm.xlane v25, v3;
	v30 =	vld [tilespmem:s22+$0xFFFFFF40];
	[tilespmem:s23+$0xFFFFFE20] =	vst v10  }
0x4c1: {  	s20 =	simm.s32 $0x1E150;
	v31 =	vld [tilespmem:s22+$0xFFFFFE30];
	[tilespmem:s14+$0xFFFFFE80] =	vst v14;
	v14 =	vperm.xlane v24, v4;
	v16 =	vpop (erf);
	v17 =	vmul.f32 v53, v17  }
0x4c2: {  	v13 =	vperm.xlane v23, v4;
	v24 =	vld [tilespmem:s24+$0xFFFFFE90];
	v23 =	vmul.f32 v5, v27;
	[tilespmem:s20+$0x0] =	vst v16  }
0x4c3: {  	v18 =	vmul.f32 v43, v18;
	v46 =	vpop (erf);
	v27 =	vld [tilespmem:s18+$0xFFFFFF80];
	[tilespmem:s14+$0xFFFFFFC0] =	vst v17;
	v17 =	vmul.f32 v44, v52  }
0x4c4: {  	v10 =	vperm.xlane v25, v4;
	v22 =	vmul.f32 v19, v26;
	[tilespmem:s20+$0xFFFFFEE0] =	vst v46;
	v19 =	vld [tilespmem:s24+$0xFFFFFFD0]  }
0x4c5: {  	v25 =	vmul.f32 v21, v51;
	v29 =	vmul.f32 v40, v30;
	[tilespmem:s14+$0xFFFFFDF0] =	vst v18;
	v58 =	vld [tilespmem:s18+$0xFFFFFE60]  }
0x4c6: {  	v31 =	vmul.f32 v9, v31;
	v56 =	vperm.xlane v16, v1;
	v54 =	vld [tilespmem:s24+$0xFFFFFE00];
	[tilespmem:s14+$0xFFFFFF10] =	vst v17  }
0x4c7: {  	v55 =	vmul.f32 v59, v24;
	v35 =	vperm.xlane v46, v1;
	v57 =	vld [tilespmem:s24+$0xFFFFFF20];
	v17 =	vpop (erf)  }
0x4c8: {  	v28 =	vld [tilespmem:s17+$0xFFFFFF60];
	v20 =	vperm.xlane v46, v4;
	v24 =	vmul.f32 v56, v27;
	[tilespmem:s20+$0xFFFFFE50] =	vst v17;
	v30 =	vpop (erf)  }
0x4c9: {  	v18 =	vperm.xlane v46, v2;
	v59 =	vld [tilespmem:s18+$0xFFFFFDD0];
	[tilespmem:s20+$0xFFFFFF70] =	vst v30;
	v27 =	vmul.f32 v53, v19  }
0x4ca: {  	v33 =	vperm.xlane v17, v1;
	v21 =	vperm.xlane v17, v2;
	[tilespmem:s20+$0xFFFFFF80] =	vst v24;
	v60 =	vld [tilespmem:s18+$0xFFFFFEF0]  }
0x4cb: {  	v26 =	vperm.xlane v17, v3;
	v61 =	vmul.f32 v43, v54;
	v47 =	vld [tilespmem:s18+$0xFFFFFF90];
	[tilespmem:s14+$0xFFFFFFD0] =	vst v27  }
0x4cc: {  	[tilespmem:s14+$0xFFFFFE90] =	vst v55;
	v63 =	vmul.f32 v35, v58;
	v62 =	vmul.f32 v44, v57;
	v37 =	vld [tilespmem:s24+$0xFFFFFFE0]  }
0x4cd: {  	v39 =	vld [tilespmem:s24+$0xFFFFFEA0];
	v17 =	vperm.xlane v17, v4;
	v32 =	vperm.xlane v30, v1;
	[tilespmem:s14+$0xFFFFFE00] =	vst v61  }
0x4ce: {  	v19 =	vperm.xlane v30, v2;
	v40 =	vld [tilespmem:s24+$0xFFFFFE10];
	[tilespmem:s14+$0xFFFFFF20] =	vst v62;
	v41 =	vmul.f32 v33, v59  }
0x4cf: {  	v24 =	vperm.xlane v46, v3;
	[tilespmem:s20+$0xFFFFFE60] =	vst v63;
	v38 =	vld [tilespmem:s24+$0xFFFFFF30];
	v42 =	vmul.f32 v32, v60  }
0x4d0: {  	s28 =	simm.s32 $0x19390;
	s17 =	simm.s32 $0x10;
	v27 =	vperm.xlane v30, v3;
	v43 =	vmul.f32 v56, v47;
	[tilespmem:s20+$0xFFFFFDD0] =	vst v41;
	v41 =	vld [tilespmem:s18+$0xFFFFFE70]  }
.LBB2_11:
0x4d1: {  	v44 =	vld [tilespmem:s28+$0x0];
	[tilespmem:s20+$0xFFFFFEF0] =	vst v42;
	v30 =	vperm.xlane v30, v4;
	s25 =	sadd.s32 $0x40, s25;
	v37 =	vmul.f32 v36, v37  }
0x4d2: {  	v34 =	vmul.f32 v8, v34;
	v42 =	vld [tilespmem:s25+$0x0];
	[tilespmem:s20+$0xFFFFFF90] =	vst v43;
	v39 =	vmul.f32 v11, v39  }
0x4d3: {  	v28 =	vmul.f32 v7, v28;
	v7 =	vmovc v5;
	v5 =	vmov v6;
	v43 =	vld [tilespmem:s18+$0xFFFFFFA0];
	v40 =	vmul.f32 v15, v40;
	[tilespmem:s14+$0xFFFFFFE0] =	vst v37  }
0x4d4: {  	v6 =	vmov v10;
	v10 =	vmov v30;
	[tilespmem:s14+$0xFFFFFEA0] =	vst v39;
	v37 =	vmul.f32 v12, v38;
	v38 =	vld [tilespmem:s24+$0xFFFFFFF0]  }
0x4d5: {  	s17 =	sadd.s32 $0x4, s17;
	v30 =	vld [tilespmem:s25+$0xFFFFFFD0];
	v35 =	vmul.f32 v35, v41;
	[tilespmem:s14+$0xFFFFFE10] =	vst v40  }
0x4d6: {  	p0 =	slt.u32 s17, $0x3C;
	v40 =	vperm.xlane v16, v2;
	v39 =	vld [tilespmem:s28+$0xFFFFFEE0];
	[tilespmem:s14+$0xFFFFFF30] =	vst v37  }
0x4d7: {  	v37 =	vld [tilespmem:s25+$0xFFFFFFE0];
	[tilespmem:s20+$0xFFFFFE70] =	vst v35  }
0x4d8: {  	v35 =	vld [tilespmem:s28+$0xFFFFFF70];
	v41 =	vmul.f32 v40, v43;
	[tilespmem:s23+$0xFFFFFF40] =	vst v29  }
0x4d9: {  	v42 =	vadd.f32 v42, v44;
	v29 =	vld [tilespmem:s25+$0xFFFFFFF0];
	v36 =	vmul.f32 v36, v38;
	[tilespmem:s23+$0xFFFFFE30] =	vst v31  }
0x4da: {  	v31 =	vld [tilespmem:s28+$0xFFFFFE50];
	[tilespmem:s20+$0xFFFFFFA0] =	vst v41  }
0x4db: {  	v38 =	vmul.f32 $2.000000030e-01, v42;
	v41 =	vld [tilespmem:s18+$0xFFFFFDE0];
	[tilespmem:s14+$0xFFFFFFF0] =	vst v36  }
0x4dc: {  	vm0 =	vlt.f32 v42, $0.0e+00;
	v36 =	vadd.f32 v37, v39;
	v37 =	vld [tilespmem:s18+$0xFFFFFFB0];
	[tilespmem:s23+$0xFFFFFEC0] =	vst v34  }
0x4dd: {  	v34 =	vsel vm0, v38, v42;
	v38 =	vld [tilespmem:s18+$0xFFFFFF00];
	[tilespmem:s12+$0xFFFFFF50] =	vst v23  }
0x4de: {  	v34 =	vmul.f32 $1.442695020e+00, v34;
	v23 =	vmul.f32 $2.000000030e-01, v36;
	v29 =	vadd.f32 v29, v35;
	v35 =	vld [tilespmem:s18+$0xFFFFFE80];
	[tilespmem:s12+$0xFFFFFE40] =	vst v22  }
0x4df: {  	vm0 =	vlt.f32 v36, $0.0e+00;
	v22 =	vadd.f32 v30, v31;
	v30 =	vld [tilespmem:s24+$0xFFFFFE20];
	[tilespmem:s12+$0xFFFFFED0] =	vst v25  }
0x4e0: {  	vm1 =	vlt.f32 v29, $0.0e+00;
	v25 =	vmul.f32 $2.000000030e-01, v29;
	(erf) = vpow2.f32 v34;
	v31 =	vld [tilespmem:s24+$0xFFFFFEB0];
	[tilespmem:s11+$0xFFFFFF60] =	vst v28;
	s11 =	smov.u32 s12;
	s12 =	smov.u32 s23;
	s23 =	smov.u32 s14  }
0x4e1: {  	s14 =	smov.u32 s20;
	vm2 =	vlt.f32 v22, $0.0e+00;
	v28 =	vmul.f32 $2.000000030e-01, v22;
	v34 =	vmul.f32 v40, v37;
	v37 =	vld [tilespmem:s24+$0xFFFFFF40]  }
0x4e2: {  	v23 =	vsel vm0, v23, v36;
	v25 =	vsel vm1, v25, v29;
	v29 =	vmul.f32 v33, v41;
	v33 =	vld [tilespmem:s22+$0xFFFFFF50]  }
0x4e3: {  	v23 =	vmul.f32 $1.442695020e+00, v23;
	v22 =	vsel vm2, v28, v22;
	v25 =	vmul.f32 $1.442695020e+00, v25;
	[tilespmem:s20+$0xFFFFFFB0] =	vst v34;
	v28 =	vld [tilespmem:s22+$0xFFFFFE40]  }
0x4e4: {  	v22 =	vmul.f32 $1.442695020e+00, v22;
	[tilespmem:s20+$0xFFFFFDE0] =	vst v29;
	v29 =	vmul.f32 v32, v38;
	v32 =	vld [tilespmem:s18+$0xFFFFFFC0]  }
0x4e5: {  	(erf) = vpow2.f32 v23;
	v34 =	vld [tilespmem:s18+$0xFFFFFDF0];
	v23 =	vmul.f32 v18, v35  }
0x4e6: {  	(erf) = vpow2.f32 v22;
	[tilespmem:s20+$0xFFFFFF00] =	vst v29;
	v22 =	vmul.f32 v15, v30;
	v30 =	vld [tilespmem:s22+$0xFFFFFED0];
	v15 =	vmov v26  }
0x4e7: {  	v36 =	vperm.xlane v16, v3;
	(erf) = vpow2.f32 v25;
	[tilespmem:s20+$0xFFFFFE80] =	vst v23;
	v26 =	vld [tilespmem:s18+$0xFFFFFF10]  }
0x4e8: {  	v31 =	vmul.f32 v11, v31;
	v11 =	vmovc v24;
	v29 =	vmul.f32 v12, v37;
	v12 =	vmov v27;
	v35 =	vld [tilespmem:s18+$0xFFFFFE90];
	[tilespmem:s23+$0xFFFFFE20] =	vst v22  }
0x4e9: {  	s20 =	sadd.s32 $0x240, s20;
	v23 =	vmul.f32 v5, v33;
	v41 =	vpop (erf);
	v24 =	vmul.f32 v36, v32;
	v27 =	vld [tilespmem:s24+$0xFFFFFE30]  }
0x4ea: {  	v22 =	vmul.f32 v9, v28;
	v9 =	vmovc v14;
	v14 =	vmov v17;
	[tilespmem:s20+$0x0] =	vst v41;
	v32 =	vmul.f32 v21, v34;
	v28 =	vld [tilespmem:s0+$0xFFFFFF60];
	s0 =	smov.u32 s22;
	s22 =	smov.u32 s24;
	s24 =	smov.u32 s18  }
0x4eb: {  	s18 =	smov.u32 s28;
	v17 =	vld [tilespmem:s28+$0xFFFFFF80];
	[tilespmem:s14+$0xFFFFFFC0] =	vst v24;
	v25 =	vmul.f32 v8, v30;
	v8 =	vmov v13;
	v13 =	vmov v20  }
0x4ec: {  	[tilespmem:s14+$0xFFFFFDF0] =	vst v32;
	v26 =	vmul.f32 v19, v26;
	v24 =	vld [tilespmem:s24+$0xFFFFFFD0]  }
0x4ed: {  	v37 =	vld [tilespmem:s24+$0xFFFFFE00];
	v38 =	vmul.f32 v18, v35;
	[tilespmem:s23+$0xFFFFFEB0] =	vst v31  }
0x4ee: {  	v43 =	vperm.xlane v41, v1;
	v44 =	vpop (erf);
	[tilespmem:s14+$0xFFFFFF10] =	vst v26;
	v31 =	vmul.f32 v9, v27;
	v34 =	vld [tilespmem:s22+$0xFFFFFEC0]  }
0x4ef: {  	[tilespmem:s20+$0xFFFFFEE0] =	vst v44;
	v35 =	vperm.xlane v44, v1;
	v18 =	vperm.xlane v44, v2;
	v20 =	vpop (erf);
	v27 =	vld [tilespmem:s24+$0xFFFFFF20]  }
0x4f0: {  	[tilespmem:s20+$0xFFFFFE50] =	vst v20;
	v33 =	vperm.xlane v20, v1;
	v39 =	vld [tilespmem:s28+$0xFFFFFE60];
	v17 =	vmul.f32 v43, v17;
	v30 =	vpop (erf)  }
0x4f1: {  	v40 =	vld [tilespmem:s28+$0xFFFFFDD0];
	[tilespmem:s20+$0xFFFFFF70] =	vst v30;
	v32 =	vperm.xlane v30, v1;
	v24 =	vmul.f32 v36, v24  }
0x4f2: {  	v36 =	vperm.xlane v20, v2;
	v45 =	vperm.xlane v30, v2;
	v42 =	vld [tilespmem:s28+$0xFFFFFEF0];
	[tilespmem:s20+$0xFFFFFF80] =	vst v17  }
0x4f3: {  	v26 =	vperm.xlane v20, v3;
	v17 =	vmul.f32 v21, v37;
	v46 =	vld [tilespmem:s28+$0xFFFFFF90];
	[tilespmem:s14+$0xFFFFFFD0] =	vst v24  }
.Ltmp4:
0x4f4: {  	v24 =	vperm.xlane v44, v3;
	v21 =	vmovc v36;
	[tilespmem:s14+$0xFFFFFE90] =	vst v38;
	v38 =	vmul.f32 v19, v27;
	v37 =	vld [tilespmem:s24+$0xFFFFFFE0];
	v19 =	vmov v45;
	(pc) =	sbr.rel @p0 .LBB2_11-.Ltmp4, $4  }
0x4f5: {  	v27 =	vperm.xlane v30, v3;
	v36 =	vmul.f32 v35, v39;
	[tilespmem:s14+$0xFFFFFE00] =	vst v17;
	v39 =	vld [tilespmem:s24+$0xFFFFFEA0]  }
0x4f6: {  	v17 =	vperm.xlane v20, v4;
	v45 =	vmul.f32 v33, v40;
	v40 =	vld [tilespmem:s24+$0xFFFFFE10];
	[tilespmem:s14+$0xFFFFFF20] =	vst v38  }
0x4f7: {  	[tilespmem:s20+$0xFFFFFE60] =	vst v36;
	v42 =	vmul.f32 v32, v42;
	v38 =	vld [tilespmem:s24+$0xFFFFFF30];
	v36 =	vperm.xlane v16, v4;
	v16 =	vmov v41  }
0x4f8: {  	s28 =	sadd.s32 $0x240, s28;
	v20 =	vperm.xlane v44, v4;
	[tilespmem:s20+$0xFFFFFDD0] =	vst v45;
	v41 =	vld [tilespmem:s18+$0xFFFFFE70];
	v43 =	vmul.f32 v43, v46  }
0x4f9: {  	v45 =	vld [tilespmem:s18+$0xFFFFFDE0]  }
0x4fa: {  	[tilespmem:s20+$0xFFFFFEF0] =	vst v42  }
0x4fb: {  	v63 =	vld [tilespmem:s18+$0xFFFFFF00];
	_ =	sdelay $0x1  }
0x4fc: {  	[tilespmem:s23+$0xFFFFFF40] =	vst v29  }
0x4fd: {  	[tilespmem:s23+$0xFFFFFE30] =	vst v31;
	v33 =	vmul.f32 v33, v45  }
0x4fe: {  	[tilespmem:s20+$0xFFFFFF90] =	vst v43;
	v35 =	vmul.f32 v35, v41  }
0x4ff: {  	v43 =	vld [tilespmem:s18+$0xFFFFFFA0];
	v32 =	vmul.f32 v32, v63;
	[tilespmem:s20+$0xFFFFFDE0] =	vst v33  }
0x500: {  	[tilespmem:s20+$0xFFFFFE70] =	vst v35;
	v33 =	vld [tilespmem:s18+$0xFFFFFDF0]  }
0x501: {  	v48 =	vld [tilespmem:s18+$0xFFFFFE80];
	[tilespmem:s20+$0xFFFFFF00] =	vst v32  }
0x502: {  	v44 =	vperm.xlane v16, v2;
	[tilespmem:s12+$0xFFFFFF50] =	vst v23;
	v50 =	vld [tilespmem:s18+$0xFFFFFF10]  }
0x503: {  	v47 =	vmul.f32 v36, v37;
	[tilespmem:s12+$0xFFFFFE40] =	vst v22  }
0x504: {  	[tilespmem:s12+$0xFFFFFED0] =	vst v25;
	v43 =	vmul.f32 v44, v43  }
0x505: {  	[tilespmem:s14+$0xFFFFFFE0] =	vst v47;
	v33 =	vmul.f32 v21, v33  }
0x506: {  	[tilespmem:s20+$0xFFFFFFA0] =	vst v43;
	v37 =	vmul.f32 v18, v48  }
0x507: {  	v62 =	vld [tilespmem:s18+$0xFFFFFFB0];
	v54 =	vmul.f32 v19, v50;
	[tilespmem:s20+$0xFFFFFDF0] =	vst v33  }
0x508: {  	v34 =	vmul.f32 v8, v34;
	[tilespmem:s20+$0xFFFFFE80] =	vst v37;
	v55 =	vld [tilespmem:s18+$0xFFFFFE00]  }
0x509: {  	v7 =	vmul.f32 v7, v28;
	v37 =	vld [tilespmem:s18+$0xFFFFFE90];
	[tilespmem:s20+$0xFFFFFF10] =	vst v54  }
0x50a: {  	v39 =	vmul.f32 v11, v39;
	[tilespmem:s23+$0xFFFFFEC0] =	vst v34;
	v33 =	vld [tilespmem:s18+$0xFFFFFF20]  }
0x50b: {  	v49 =	vmul.f32 v15, v40;
	[tilespmem:s11+$0xFFFFFF60] =	vst v7  }
0x50c: {  	[tilespmem:s14+$0xFFFFFEA0] =	vst v39;
	v52 =	vld [tilespmem:s24+$0xFFFFFFF0];
	v46 =	vmul.f32 v44, v62  }
0x50d: {  	v47 =	vld [tilespmem:s22+$0xFFFFFF50];
	[tilespmem:s14+$0xFFFFFE10] =	vst v49;
	v57 =	vmul.f32 v21, v55  }
0x50e: {  	v59 =	vld [tilespmem:s24+$0xFFFFFE20];
	[tilespmem:s20+$0xFFFFFFB0] =	vst v46;
	v58 =	vmul.f32 v18, v37  }
0x50f: {  	v41 =	vld [tilespmem:s18+$0xFFFFFFC0];
	v61 =	vmul.f32 v19, v33;
	[tilespmem:s20+$0xFFFFFE00] =	vst v57  }
0x510: {  	v38 =	vmul.f32 v12, v38;
	[tilespmem:s20+$0xFFFFFE90] =	vst v58;
	v62 =	vld [tilespmem:s18+$0xFFFFFE10]  }
0x511: {  	v56 =	vmul.f32 v36, v52;
	v63 =	vld [tilespmem:s18+$0xFFFFFEA0];
	[tilespmem:s20+$0xFFFFFF20] =	vst v61  }
0x512: {  	v51 =	vperm.xlane v16, v3;
	[tilespmem:s14+$0xFFFFFF30] =	vst v38;
	v52 =	vmul.f32 v6, v47;
	v18 =	vld [tilespmem:s18+$0xFFFFFF30]  }
0x513: {  	v32 =	vld [tilespmem:s24+$0xFFFFFEB0];
	[tilespmem:s14+$0xFFFFFFF0] =	vst v56;
	v33 =	vmul.f32 v15, v59  }
0x514: {  	v49 =	vld [tilespmem:s22+$0xFFFFFE40];
	[tilespmem:s23+$0xFFFFFF50] =	vst v52;
	v53 =	vmul.f32 v51, v41  }
0x515: {  	v35 =	vld [tilespmem:s24+$0xFFFFFF40];
	[tilespmem:s14+$0xFFFFFE20] =	vst v33;
	v19 =	vmul.f32 v26, v62  }
0x516: {  	[tilespmem:s20+$0xFFFFFFC0] =	vst v53;
	v37 =	vld [tilespmem:s24+$0xFFFFFE30];
	v36 =	vmul.f32 v24, v63  }
0x517: {  	v38 =	vld [tilespmem:s18+$0xFFFFFFD0];
	v39 =	vmul.f32 v27, v18;
	[tilespmem:s20+$0xFFFFFE10] =	vst v19  }
0x518: {  	v41 =	vmul.f32 v11, v32;
	[tilespmem:s20+$0xFFFFFEA0] =	vst v36;
	v40 =	vld [tilespmem:s18+$0xFFFFFE20]  }
0x519: {  	v9 =	vmul.f32 v9, v49;
	v42 =	vld [tilespmem:s18+$0xFFFFFEB0];
	[tilespmem:s20+$0xFFFFFF30] =	vst v39  }
0x51a: {  	v44 =	vmul.f32 v12, v35;
	[tilespmem:s14+$0xFFFFFEB0] =	vst v41;
	v45 =	vld [tilespmem:s18+$0xFFFFFF40]  }
0x51b: {  	[tilespmem:s23+$0xFFFFFE40] =	vst v9;
	v46 =	vld [tilespmem:s24+$0xFFFFFEC0];
	v7 =	vmul.f32 v14, v37  }
0x51c: {  	v50 =	vld [tilespmem:s22+$0xFFFFFED0];
	[tilespmem:s14+$0xFFFFFF40] =	vst v44;
	v60 =	vmul.f32 v51, v38  }
0x51d: {  	v53 =	vld [tilespmem:s24+$0xFFFFFF50];
	[tilespmem:s14+$0xFFFFFE30] =	vst v7;
	v48 =	vmul.f32 v26, v40  }
0x51e: {  	v54 =	vld [tilespmem:s0+$0xFFFFFF60];
	[tilespmem:s20+$0xFFFFFFD0] =	vst v60;
	v7 =	vmul.f32 v24, v42  }
0x51f: {  	v31 =	vld [tilespmem:s18+$0xFFFFFFE0];
	v11 =	vmul.f32 v27, v45;
	[tilespmem:s20+$0xFFFFFE20] =	vst v48  }
0x520: {  	[tilespmem:s20+$0xFFFFFEB0] =	vst v7;
	v7 =	vmul.f32 v13, v46;
	v12 =	vld [tilespmem:s18+$0xFFFFFE30]  }
0x521: {  	v55 =	vmul.f32 v8, v50;
	v51 =	vld [tilespmem:s18+$0xFFFFFEC0];
	[tilespmem:s20+$0xFFFFFF40] =	vst v11  }
0x522: {  	v34 =	vperm.xlane v16, v4;
	v59 =	vmul.f32 v10, v53;
	[tilespmem:s14+$0xFFFFFEC0] =	vst v7;
	v7 =	vld [tilespmem:s18+$0xFFFFFF50]  }
0x523: {  	v5 =	vmul.f32 v5, v54;
	[tilespmem:s23+$0xFFFFFED0] =	vst v55;
	v56 =	vld [tilespmem:s24+$0xFFFFFE40]  }
0x524: {  	[tilespmem:s14+$0xFFFFFF50] =	vst v59;
	v60 =	vld [tilespmem:s22+$0xFFFFFF60];
	v38 =	vmul.f32 v34, v31  }
0x525: {  	v57 =	vperm.xlane v30, v4;
	[tilespmem:s12+$0xFFFFFF60] =	vst v5;
	v62 =	vld [tilespmem:s24+$0xFFFFFF60];
	v12 =	vmul.f32 v17, v12  }
0x526: {  	[tilespmem:s20+$0xFFFFFFE0] =	vst v38;
	v58 =	vld [tilespmem:s24+$0xFFFFFED0];
	v15 =	vmul.f32 v20, v51  }
0x527: {  	v43 =	vld [tilespmem:s18+$0xFFFFFFF0];
	v7 =	vmul.f32 v57, v7;
	[tilespmem:s20+$0xFFFFFE30] =	vst v12  }
0x528: {  	v9 =	vmul.f32 v14, v56;
	[tilespmem:s20+$0xFFFFFEC0] =	vst v15;
	v12 =	vld [tilespmem:s18+$0xFFFFFE40]  }
0x529: {  	v6 =	vmul.f32 v6, v60;
	v61 =	vld [tilespmem:s18+$0xFFFFFED0];
	[tilespmem:s20+$0xFFFFFF50] =	vst v7  }
0x52a: {  	v63 =	vmul.f32 v10, v62;
	[tilespmem:s14+$0xFFFFFE40] =	vst v9;
	v7 =	vld [tilespmem:s18+$0xFFFFFF60]  }
0x52b: {  	[tilespmem:s23+$0xFFFFFF60] =	vst v6;
	v5 =	vmul.f32 v13, v58  }
0x52c: {  	s1 =	sadd.s32 $0x1, s1;
	[tilespmem:s14+$0xFFFFFF60] =	vst v63;
	v16 =	vmul.f32 v34, v43  }
0x52d: {  	p0 =	sne.s32 s1, $0x29;
	[tilespmem:s14+$0xFFFFFED0] =	vst v5;
	v5 =	vmul.f32 v17, v12  }
.Ltmp5:
0x52e: {  	[tilespmem:s20+$0xFFFFFFF0] =	vst v16;
	v6 =	vmul.f32 v20, v61;
	(pc) =	sbr.rel @p0 .LBB2_4-.Ltmp5, $4  }
0x52f: {  	[tilespmem:s20+$0xFFFFFE40] =	vst v5;
	v5 =	vmul.f32 v57, v7  }
0x530: {  	[tilespmem:s20+$0xFFFFFED0] =	vst v6  }
0x531: {  	s31 =	simm.s32 $0x1D620;
	[tilespmem:s20+$0xFFFFFF60] =	vst v5  }
0x532: {  	[spmem:s2] =	stream.indirect.scatter.add.f32 [tilespmem:s31], [sflag:$0x8], $0x90, s21, s10, $0xb8;
	[tilespmem:$0x1FA20] =	vst v63  }
0x533: {  	_ =	swait.ge [sflag:s8], $0x2400  }
0x534: {  	[sflag:s8] =	ssyncset.done $0x0  }
0x535: {  	[sflag:s8] =	ssyncadd.s32 $0xFFFFDC00  }
0x536: {  	_ =	swait.ge [sflag:s30], $0x2400  }
0x537: {  	[sflag:s30] =	ssyncset.done $0x0  }
0x538: {  	[sflag:s30] =	ssyncadd.s32 $0xFFFFDC00  }
0x539: {  	s0 =	stileid.u32;
	[bflag:$0x0] =	sbarrier.arrive $0xFFFF  }
0x53a: {  	s0 =	sshll.u32 s0, $0x6;
	s11 =	rddreg [dreg:$0x3]  }
0x53b: {  	s0 =	sor.u32 $0x1C09, s0;
	s12 =	rddreg [dreg:$0x15];
	s1 =	sshrl.u32 s11, $0x3  }
0x53c: {  	[hbm:s12], [sflag:s0] =	dma.local [spmem:s1], $0x2C04  }
0x53d: {  	s12 =	simm.s32 $0x9  }
0x53e: {  	_ =	swait.ge [sflag:s12], $0x2C04  }
0x53f: {  	s28 =	rddreg [dreg:$0x17]  }
0x540: {  	s31 =	rddreg [dreg:$0x16];
	s1 =	sadd.s32 $0x1, s28  }
0x541: {  	p0 =	sne.s32 s1, s31  }
.Ltmp6:
0x542: {  	_ = 	snop;
	(pc) =	sbr.rel @p0 .LBB2_1-.Ltmp6, $3  }
0x543: {  	_ =	sdelay $0x1  }
0x544: {  	[sflag:s12] =	ssyncset.done $0x0  }
0x545: {  	[sflag:s12] =	ssyncadd.s32 $0xFFFFD3FC  }
0x546: {  	_ =	sfence.sel $0x180000  }
0x547: {  	[bflag:$0x0] =	sbarrier.arrive $0xFFFF  }
0x548: {  	_ =	strace $0x90000047  }
0x549: {  	s0 =	stileid.u32;
	[bflag:$0x2] =	sbarrier.arrive $0xFFFF  }
0x54a: {  	p0 =	sne.s32 s0, $0x0;
	s0 =	rddreg [dreg:$0x2]  }
0x54b: {  	s0 =	sadd.s32 @!p0 $0x100000, s0  }
0x54c: {  	[sflag:s0] =	ssyncadd.tile.s32 @!p0 $0x1;
	_ =	shalt  }
.Lfunc_end2:
_tile_overlayer_lowered:
.L_overlay_start_2:
0x54d: {  	(tag) =	ssettag $0x2  }
0x54e: {  	s0 =	rddreg [dreg:$0x0];
	s2 =	stileid.u32  }
0x54f: {  	s1 =	rddreg [dreg:$0x1];
	p0 =	sne.s32 s2, $0x0  }
0x550: {  	s3 =	rddreg [dreg:$0x2];
	[bflag:$0x3] =	sbarrier.arrive $0xFFFF;
	s2 =	simm.s32 @!p0 $0x1C09  }
0x551: {  	[timem:s3], [sflag:s2] =	dma.local @!p0 [hbm:s0], s1  }
0x552: {  	s0 =	simm.s32 @!p0 $0x9  }
0x553: {  	_ =	swait.ge @!p0 [sflag:s0], s1  }
0x554: {  	s1 =	ssub.s32 @!p0 $0x0, s1;
	[sflag:s0] =	ssyncset.done @!p0 $0x0  }
0x555: {  	[sflag:s0] =	ssyncadd.s32 @!p0 s1  }
0x556: {  	[bflag:$0x3] =	sbarrier.arrive $0xFFFF  }
0x557: {  	_ =	shalt  }

</sc_bundles>
